<compile_context>
chip_gen: v7x
topology: tpu7x:2x2x1
jax: 0.10.2.dev20260603
libtpu: 0.0.44.dev20260713+nightly
codegen_flags: <defaults>
</compile_context>

<pallas_src>
import functools

import jax
import jax.numpy as jnp
from jax import lax
from jax.experimental import pallas as pl
from jax.experimental.pallas import tpu as pltpu
from jax.experimental.pallas import tpu_sc as plsc

_N = 10000
_E = 320000
_DH = 128
_DP = 16

_NC = 2
_NS = 16
_NW = _NC * _NS
_EW = _E // _NW
_W = 128
_NWIN = 79
_TAIL = _EW - 78 * _W
_NPAD = 10240
_RPT = _NPAD // _NS

_ROWB = 400


def _mesh():
    return plsc.VectorSubcoreMesh(core_axis_name="c", subcore_axis_name="s")



_NEV = 4
_NRB = 2
_LOOPW = 72
_UNROLL = 18


def _idx_start(eix, base, k, ev, si):
    pltpu.async_copy(eix.at[pl.ds(base + k * _W, _W)], ev.at[0], si)
    pltpu.async_copy(eix.at[pl.ds(_E + base + k * _W, _W)], ev.at[1], si)


def _idx_wait(eix, base, k, ev, si):
    pltpu.make_async_copy(eix.at[pl.ds(base + k * _W, _W)], ev.at[0], si).wait()
    pltpu.make_async_copy(eix.at[pl.ds(_E + base + k * _W, _W)], ev.at[1], si).wait()



_DEV = 4
_DPAIRS = 19


def _didx_start(eix, base, k, ev, si):
    pltpu.async_copy(eix.at[pl.ds(_E + base + k * _W, _W)], ev, si)


def _didx_wait(eix, base, k, ev, si):
    pltpu.make_async_copy(eix.at[pl.ds(_E + base + k * _W, _W)], ev, si).wait()


def _deg_body(eix_hbm, zeros_hbm, out_hbm, evs, evt, onesv, acc, sis, sit, sst, sss):
    c = lax.axis_index("c")
    s = lax.axis_index("s")
    w = s * _NC + c
    base = w * _EW
    for j in range(_W // 16):
        onesv[pl.ds(j * 16, 16)] = jnp.ones((16,), jnp.float32)
    _didx_start(eix_hbm, base, 0, evs[0], sis[0])
    _didx_start(eix_hbm, base, 1, evs[1], sis[1])
    pltpu.sync_copy(zeros_hbm.at[pl.ds(s * _RPT, _RPT)],
                    acc.at[pl.ds(s * _RPT, _RPT)])
    plsc.subcore_barrier()

    def _scat_start(be, bs):
        pltpu.async_copy(onesv, acc.at[evs[be]], sss[bs], add=True)

    def _scat_wait(be, bs):
        pltpu.make_async_copy(onesv, acc.at[evs[be]], sss[bs]).wait()

    def _dwindow(k, b, prev_pred, do_prefetch=True):
        _didx_wait(eix_hbm, base, k, evs[b], sis[b])
        if prev_pred is None:
            _scat_wait(b, b % 2)
        else:
            @pl.when(prev_pred)
            def _():
                _scat_wait(b, b % 2)
        _scat_start(b, b % 2)
        if do_prefetch:
            _didx_start(eix_hbm, base, k + 2, evs[(b + 2) % _DEV],
                        sis[(b + 2) % _DEV])

    def body(kk, carry):
        for b in range(_DEV):
            k = kk * _DEV + b
            _dwindow(k, b, (kk > 0) if b < 2 else None)
        return carry

    lax.fori_loop(0, _DPAIRS, body, 0)
    _dwindow(76, 0, None, do_prefetch=False)
    _dwindow(77, 1, None, do_prefetch=False)
    tbase = base + 78 * _W
    pltpu.async_copy(eix_hbm.at[pl.ds(_E + tbase, _TAIL)], evt, sit)
    pltpu.make_async_copy(eix_hbm.at[pl.ds(_E + tbase, _TAIL)], evt, sit).wait()
    _scat_wait(2, 0)
    pltpu.async_copy(onesv.at[pl.ds(0, _TAIL)], acc.at[evt], sst, add=True)
    _scat_wait(3, 1)
    pltpu.make_async_copy(onesv.at[pl.ds(0, _TAIL)], acc.at[evt], sst).wait()
    plsc.subcore_barrier()
    pltpu.sync_copy(acc.at[pl.ds(s * _RPT, _RPT)],
                    out_hbm.at[c, pl.ds(s * _RPT, _RPT)])


_deg_call = pl.kernel(
    _deg_body,
    out_type=jax.ShapeDtypeStruct((_NC, _NPAD), jnp.float32),
    mesh=_mesh(),
    scratch_types=[
        [pltpu.VMEM((_W,), jnp.int32) for _ in range(_DEV)],
        pltpu.VMEM((_TAIL,), jnp.int32),
        pltpu.VMEM((_W,), jnp.float32),
        pltpu.VMEM_SHARED((_NPAD,), jnp.float32),
        [pltpu.SemaphoreType.DMA for _ in range(_DEV)],
        pltpu.SemaphoreType.DMA,
        pltpu.SemaphoreType.DMA,
        [pltpu.SemaphoreType.DMA for _ in range(2)],
    ],
)



def _scat_body(d, g_hbm, eix_hbm, zeros_hbm, out_hbm,
               evs, evt, rows, rowst, acc, sis, sit, sgt, sst, sgs, sss):
    c = lax.axis_index("c")
    s = lax.axis_index("s")
    w = s * _NC + c
    base = w * _EW

    def _g_start(be, br):
        pltpu.async_copy(g_hbm.at[evs[be].at[0]], rows[br], sgs[br])

    def _g_wait(be, br):
        pltpu.make_async_copy(g_hbm.at[evs[be].at[0]], rows[br], sgs[br]).wait()

    def _s_start(be, br):
        pltpu.async_copy(rows[br], acc.at[evs[be].at[1]], sss[br], add=True)

    def _s_wait(be, br):
        pltpu.make_async_copy(rows[br], acc.at[evs[be].at[1]], sss[br]).wait()

    def _window(k, b, prev_pred, do_next=True, do_prefetch=True):
        br = b % _NRB
        _g_wait(b, br)
        _s_start(b, br)
        if prev_pred is None:
            _s_wait((b - 1) % _NEV, (b + 1) % _NRB)
        else:
            @pl.when(prev_pred)
            def _():
                _s_wait((b - 1) % _NEV, (b + 1) % _NRB)
        if do_next:
            _idx_wait(eix_hbm, base, k + 1, evs[(b + 1) % _NEV],
                      sis[(b + 1) % _NEV])
            _g_start((b + 1) % _NEV, (b + 1) % _NRB)
        if do_prefetch:
            _idx_start(eix_hbm, base, k + 2, evs[(b + 2) % _NEV],
                       sis[(b + 2) % _NEV])

    _idx_start(eix_hbm, base, 0, evs[0], sis[0])
    _idx_start(eix_hbm, base, 1, evs[1], sis[1])
    pltpu.sync_copy(zeros_hbm.at[pl.ds(s * _RPT, _RPT)],
                    acc.at[pl.ds(s * _RPT, _RPT)])
    plsc.subcore_barrier()
    _idx_wait(eix_hbm, base, 0, evs[0], sis[0])
    _g_start(0, 0)

    def body(kk, carry):
        for b in range(_NEV):
            k = kk * _NEV + b
            _window(k, b, (kk > 0) if b == 0 else None)
        return carry

    lax.fori_loop(0, _UNROLL, body, 0)
    for k in range(_LOOPW, 76):
        _window(k, k % _NEV, None)
    _window(76, 76 % _NEV, None, do_next=True, do_prefetch=False)
    _window(77, 77 % _NEV, None, do_next=False, do_prefetch=False)
    tbase = base + 78 * _W
    pltpu.async_copy(eix_hbm.at[pl.ds(tbase, _TAIL)], evt.at[0], sit)
    pltpu.async_copy(eix_hbm.at[pl.ds(_E + tbase, _TAIL)], evt.at[1], sit)
    pltpu.make_async_copy(eix_hbm.at[pl.ds(tbase, _TAIL)], evt.at[0], sit).wait()
    pltpu.make_async_copy(eix_hbm.at[pl.ds(_E + tbase, _TAIL)], evt.at[1], sit).wait()
    pltpu.async_copy(g_hbm.at[evt.at[0]], rowst, sgt)
    pltpu.make_async_copy(g_hbm.at[evt.at[0]], rowst, sgt).wait()
    pltpu.async_copy(rowst, acc.at[evt.at[1]], sst, add=True)
    _s_wait(77 % _NEV, 77 % _NRB)
    pltpu.make_async_copy(rowst, acc.at[evt.at[1]], sst).wait()
    plsc.subcore_barrier()
    pltpu.sync_copy(acc.at[pl.ds(s * _RPT, _RPT)],
                    out_hbm.at[c, pl.ds(s * _RPT, _RPT)])


def _make_scatter(d, tc_tiling=True):
    return pl.kernel(
        functools.partial(_scat_body, d),
        out_type=jax.ShapeDtypeStruct((_NC, _NPAD, d), jnp.float32),
        mesh=_mesh(),
        compiler_params=pltpu.CompilerParams(use_tc_tiling_on_sc=tc_tiling),
        scratch_types=[
            [pltpu.VMEM((2, _W), jnp.int32) for _ in range(_NEV)],
            pltpu.VMEM((2, _TAIL), jnp.int32),
            [pltpu.VMEM((_W, d), jnp.float32) for _ in range(_NRB)],
            pltpu.VMEM((_TAIL, d), jnp.float32),
            pltpu.VMEM_SHARED((_NPAD, d), jnp.float32),
            [pltpu.SemaphoreType.DMA for _ in range(_NEV)],
            pltpu.SemaphoreType.DMA,
            pltpu.SemaphoreType.DMA,
            pltpu.SemaphoreType.DMA,
            [pltpu.SemaphoreType.DMA for _ in range(_NRB)],
            [pltpu.SemaphoreType.DMA for _ in range(_NRB)],
        ],
    )


_scat128 = _make_scatter(_DH)
_scat16 = _make_scatter(_DP, tc_tiling=False)



def _tc1_body(x_ref, w_ref, deg_ref, g_ref, dinv_ref):
    dinv = lax.rsqrt(deg_ref[...])
    h = jnp.dot(x_ref[...], w_ref[...], preferred_element_type=jnp.float32)
    g_ref[...] = h * dinv
    dinv_ref[...] = dinv


def _tc1(x, w1, deg_col):
    return pl.pallas_call(
        _tc1_body,
        out_shape=[
            jax.ShapeDtypeStruct((_N, _DH), jnp.float32),
            jax.ShapeDtypeStruct((_N, 1), jnp.float32),
        ],
    )(x, w1, deg_col)


def _tc2_body(acc_ref, g_ref, dinv_ref, b_ref, w_ref, g2_ref):
    acc = acc_ref[0] + acc_ref[1] + g_ref[...]
    o = jnp.maximum(acc * dinv_ref[...] + b_ref[...], 0.0)
    h2 = jnp.dot(o, w_ref[...], preferred_element_type=jnp.float32)
    g2_ref[...] = h2 * dinv_ref[...]


def _tc2(accp, g1, dinv, b1row, w2p):
    return pl.pallas_call(
        _tc2_body,
        grid=(1,),
        in_specs=[
            pl.BlockSpec((_NC, _N, _DH), lambda i: (0, 0, 0)),
            pl.BlockSpec((_N, _DH), lambda i: (0, 0)),
            pl.BlockSpec((_N, 1), lambda i: (0, 0)),
            pl.BlockSpec((1, _DH), lambda i: (0, 0)),
            pl.BlockSpec((_DH, _DP), lambda i: (0, 0)),
        ],
        out_specs=pl.BlockSpec((_N, _DP), lambda i: (0, 0)),
        out_shape=jax.ShapeDtypeStruct((_N, _DP), jnp.float32),
    )(accp, g1, dinv, b1row, w2p)


def _tc3_body(acc_ref, g_ref, dinv_ref, b_ref, o_ref):
    acc = acc_ref[0] + acc_ref[1] + g_ref[...]
    o = acc * dinv_ref[...] + b_ref[...]
    o_ref[...] = o[:, :2]


def _tc3(acc2p, g2, dinv, b2row):
    return pl.pallas_call(
        _tc3_body,
        grid=(1,),
        in_specs=[
            pl.BlockSpec((_NC, _N, _DP), lambda i: (0, 0, 0)),
            pl.BlockSpec((_N, _DP), lambda i: (0, 0)),
            pl.BlockSpec((_N, 1), lambda i: (0, 0)),
            pl.BlockSpec((1, _DP), lambda i: (0, 0)),
        ],
        out_specs=pl.BlockSpec((_N, 2), lambda i: (0, 0)),
        out_shape=jax.ShapeDtypeStruct((_N, 2), jnp.float32),
    )(acc2p, g2, dinv, b2row)



def kernel(x, edge_index, W1, b1, W2, b2):
    eflat = edge_index.reshape(2 * _E)
    zerosd = jnp.zeros((_NPAD,), jnp.float32)
    zeros1 = jnp.zeros((_NPAD, _DH), jnp.float32)
    zeros2 = jnp.zeros((_NPAD, _DP), jnp.float32)
    w2p = jnp.concatenate([W2, jnp.zeros((_DH, _DP - W2.shape[1]), jnp.float32)], axis=1)
    b2p = jnp.concatenate([b2, jnp.zeros((_DP - b2.shape[0],), jnp.float32)]).reshape(1, _DP)
    b1row = b1.reshape(1, _DH)

    dp = _deg_call(eflat, zerosd)
    deg_col = (dp[0, :_N] + dp[1, :_N] + 1.0).reshape(_N, 1)

    g1, dinv = _tc1(x, W1, deg_col)
    accp = _scat128(g1, eflat, zeros1)
    g2 = _tc2(accp, g1, dinv, b1row, w2p)
    acc2p = _scat16(g2, eflat, zeros2)
    return _tc3(acc2p, g2, dinv, b2p)

# --- scband reference (transcript-rebuilt; emitter-appended) ---
"""Pipeline reference for scband-gnnfraud-detector-25237227831894 (READ-ONLY COPY).

The authoritative reference and input builder live on the scoring server;
editing this copy changes nothing except your own understanding.
"""

import jax, jax.numpy as jnp
import numpy as np

N = 10000
E = 320000
D_IN = 128
D_HID = 128
D_OUT = 2


def setup_inputs(seed: int = 0) -> dict:
    key = jax.random.key(seed)
    k1, k2, k3, k4, k5, k6 = jax.random.split(key, 6)
    x = jax.random.normal(k1, (N, D_IN), dtype=jnp.float32)
    edge_index = jax.random.randint(k2, (2, E), 0, N).astype(jnp.int32)
    W1 = jax.random.normal(k3, (D_IN, D_HID), dtype=jnp.float32) * (1.0 / np.sqrt(D_IN))
    b1 = jnp.zeros((D_HID,), dtype=jnp.float32)
    W2 = jax.random.normal(k4, (D_HID, D_OUT), dtype=jnp.float32) * (1.0 / np.sqrt(D_HID))
    b2 = jnp.zeros((D_OUT,), dtype=jnp.float32)
    return {"x": x, "edge_index": edge_index, "W1": W1, "b1": b1, "W2": W2, "b2": b2}


def _gcn_conv(x, edge_index, W, b, num_nodes):
    # GCNConv: linear transform, add self-loops, symmetric deg normalization, scatter-add
    src = edge_index[0]
    dst = edge_index[1]
    loop = jnp.arange(num_nodes, dtype=src.dtype)
    src = jnp.concatenate([src, loop], axis=0)
    dst = jnp.concatenate([dst, loop], axis=0)
    h = x @ W
    deg = jnp.zeros((num_nodes,), dtype=h.dtype).at[dst].add(jnp.ones_like(dst, dtype=h.dtype))
    dinv = jnp.where(deg > 0, jax.lax.rsqrt(jnp.maximum(deg, 1e-12)), 0.0)
    norm = dinv[src] * dinv[dst]
    msg = h[src] * norm[:, None]
    out = jnp.zeros((num_nodes, h.shape[1]), dtype=h.dtype).at[dst].add(msg)
    return out + b


def reference(x, edge_index, W1, b1, W2, b2):
    h = _gcn_conv(x, edge_index, W1, b1, N)
    h = jax.nn.relu(h)
    out = _gcn_conv(h, edge_index, W2, b2, N)
    return out

if __name__ == "__main__":
    import jax
    _d = setup_inputs()
    print(jax.jit(kernel)(*tuple(_d.values())))

</pallas_src>

<mosaic_0001>
#map = affine_map<(d0, d1) -> (0)>
#map1 = affine_map<(d0, d1) -> (0, 0)>
module attributes {stable_mosaic.version = 14 : i64} {
  func.func @_deg_body(%arg0: i32, %arg1: i32, %arg2: memref<640000xi32, #tpu.memory_space<hbm>>, %arg3: memref<10240xf32, #tpu.memory_space<hbm>>, %arg4: memref<2x10240xf32, #tpu.memory_space<hbm>>, %arg5: memref<128xi32, #tpu.memory_space<vmem>>, %arg6: memref<128xi32, #tpu.memory_space<vmem>>, %arg7: memref<128xi32, #tpu.memory_space<vmem>>, %arg8: memref<128xi32, #tpu.memory_space<vmem>>, %arg9: memref<16xi32, #tpu.memory_space<vmem>>, %arg10: memref<128xf32, #tpu.memory_space<vmem>>, %arg11: memref<10240xf32, #tpu.memory_space<vmem_shared>>, %arg12: memref<!tpu.dma_semaphore, #tpu.memory_space<semaphore_mem>>, %arg13: memref<!tpu.dma_semaphore, #tpu.memory_space<semaphore_mem>>, %arg14: memref<!tpu.dma_semaphore, #tpu.memory_space<semaphore_mem>>, %arg15: memref<!tpu.dma_semaphore, #tpu.memory_space<semaphore_mem>>, %arg16: memref<!tpu.dma_semaphore, #tpu.memory_space<semaphore_mem>>, %arg17: memref<!tpu.dma_semaphore, #tpu.memory_space<semaphore_mem>>, %arg18: memref<!tpu.dma_semaphore, #tpu.memory_space<semaphore_mem>>, %arg19: memref<!tpu.dma_semaphore, #tpu.memory_space<semaphore_mem>>) attributes {dimension_semantics = [#tpu.dimension_semantics<core_parallel>, #tpu.dimension_semantics<subcore_parallel>], iteration_bounds = array<i64: 2, 16>, scalar_prefetch = 0 : i64, scratch_operands = 15 : i64, tpu.core_type = #tpu.core_type<sc_vector_subcore>, window_params = [{transform_indices = #map}, {transform_indices = #map}, {transform_indices = #map1}]} {
    %mul3A = arith.constant 2 : i32
    %mul3A_0 = arith.muli %arg1, %mul3A : i32
    %add3A = arith.addi %mul3A_0, %arg0 : i32
    %mul3A_1 = arith.constant 10000 : i32
    %mul3A_2 = arith.muli %add3A, %mul3A_1 : i32
    %broadcast_in_dim3A = arith.constant 1.000000e+00 : f32
    %broadcast_in_dim3A_3 = vector.broadcast %broadcast_in_dim3A : f32 to vector<16xf32>
    %swap3A = arith.constant 0 : index
    %swap3A_4 = tpu.vector_load %arg10[%swap3A] {strides = array<i32>} : memref<128xf32, #tpu.memory_space<vmem>>, vector<16xf32>,
    %swap3A_5 = vector.shape_cast %swap3A_4 : vector<16xf32> to vector<16xf32>
    %swap3A_6 = vector.shape_cast %broadcast_in_dim3A_3 : vector<16xf32> to vector<16xf32>
    tpu.vector_store %arg10[%swap3A], %swap3A_6 {strides = array<i32>} : memref<128xf32, #tpu.memory_space<vmem>>, vector<16xf32>,
    %broadcast_in_dim3A_7 = arith.constant 1.000000e+00 : f32
    %broadcast_in_dim3A_8 = vector.broadcast %broadcast_in_dim3A_7 : f32 to vector<16xf32>
    %swap3A_9 = arith.constant 16 : index
    %swap3A_10 = tpu.vector_load %arg10[%swap3A_9] {strides = array<i32>} : memref<128xf32, #tpu.memory_space<vmem>>, vector<16xf32>,
    %swap3A_11 = vector.shape_cast %swap3A_10 : vector<16xf32> to vector<16xf32>
    %swap3A_12 = vector.shape_cast %broadcast_in_dim3A_8 : vector<16xf32> to vector<16xf32>
    tpu.vector_store %arg10[%swap3A_9], %swap3A_12 {strides = array<i32>} : memref<128xf32, #tpu.memory_space<vmem>>, vector<16xf32>,
    %broadcast_in_dim3A_13 = arith.constant 1.000000e+00 : f32
    %broadcast_in_dim3A_14 = vector.broadcast %broadcast_in_dim3A_13 : f32 to vector<16xf32>
    %swap3A_15 = arith.constant 32 : index
    %swap3A_16 = tpu.vector_load %arg10[%swap3A_15] {strides = array<i32>} : memref<128xf32, #tpu.memory_space<vmem>>, vector<16xf32>,
    %swap3A_17 = vector.shape_cast %swap3A_16 : vector<16xf32> to vector<16xf32>
    %swap3A_18 = vector.shape_cast %broadcast_in_dim3A_14 : vector<16xf32> to vector<16xf32>
    tpu.vector_store %arg10[%swap3A_15], %swap3A_18 {strides = array<i32>} : memref<128xf32, #tpu.memory_space<vmem>>, vector<16xf32>,
    %broadcast_in_dim3A_19 = arith.constant 1.000000e+00 : f32
    %broadcast_in_dim3A_20 = vector.broadcast %broadcast_in_dim3A_19 : f32 to vector<16xf32>
    %swap3A_21 = arith.constant 48 : index
    %swap3A_22 = tpu.vector_load %arg10[%swap3A_21] {strides = array<i32>} : memref<128xf32, #tpu.memory_space<vmem>>, vector<16xf32>,
    %swap3A_23 = vector.shape_cast %swap3A_22 : vector<16xf32> to vector<16xf32>
    %swap3A_24 = vector.shape_cast %broadcast_in_dim3A_20 : vector<16xf32> to vector<16xf32>
    tpu.vector_store %arg10[%swap3A_21], %swap3A_24 {strides = array<i32>} : memref<128xf32, #tpu.memory_space<vmem>>, vector<16xf32>,
    %broadcast_in_dim3A_25 = arith.constant 1.000000e+00 : f32
    %broadcast_in_dim3A_26 = vector.broadcast %broadcast_in_dim3A_25 : f32 to vector<16xf32>
    %swap3A_27 = arith.constant 64 : index
    %swap3A_28 = tpu.vector_load %arg10[%swap3A_27] {strides = array<i32>} : memref<128xf32, #tpu.memory_space<vmem>>, vector<16xf32>,
    %swap3A_29 = vector.shape_cast %swap3A_28 : vector<16xf32> to vector<16xf32>
    %swap3A_30 = vector.shape_cast %broadcast_in_dim3A_26 : vector<16xf32> to vector<16xf32>
    tpu.vector_store %arg10[%swap3A_27], %swap3A_30 {strides = array<i32>} : memref<128xf32, #tpu.memory_space<vmem>>, vector<16xf32>,
    %broadcast_in_dim3A_31 = arith.constant 1.000000e+00 : f32
    %broadcast_in_dim3A_32 = vector.broadcast %broadcast_in_dim3A_31 : f32 to vector<16xf32>
    %swap3A_33 = arith.constant 80 : index
    %swap3A_34 = tpu.vector_load %arg10[%swap3A_33] {strides = array<i32>} : memref<128xf32, #tpu.memory_space<vmem>>, vector<16xf32>,
    %swap3A_35 = vector.shape_cast %swap3A_34 : vector<16xf32> to vector<16xf32>
    %swap3A_36 = vector.shape_cast %broadcast_in_dim3A_32 : vector<16xf32> to vector<16xf32>
    tpu.vector_store %arg10[%swap3A_33], %swap3A_36 {strides = array<i32>} : memref<128xf32, #tpu.memory_space<vmem>>, vector<16xf32>,
    %broadcast_in_dim3A_37 = arith.constant 1.000000e+00 : f32
    %broadcast_in_dim3A_38 = vector.broadcast %broadcast_in_dim3A_37 : f32 to vector<16xf32>
    %swap3A_39 = arith.constant 96 : index
    %swap3A_40 = tpu.vector_load %arg10[%swap3A_39] {strides = array<i32>} : memref<128xf32, #tpu.memory_space<vmem>>, vector<16xf32>,
    %swap3A_41 = vector.shape_cast %swap3A_40 : vector<16xf32> to vector<16xf32>
    %swap3A_42 = vector.shape_cast %broadcast_in_dim3A_38 : vector<16xf32> to vector<16xf32>
    tpu.vector_store %arg10[%swap3A_39], %swap3A_42 {strides = array<i32>} : memref<128xf32, #tpu.memory_space<vmem>>, vector<16xf32>,
    %broadcast_in_dim3A_43 = arith.constant 1.000000e+00 : f32
    %broadcast_in_dim3A_44 = vector.broadcast %broadcast_in_dim3A_43 : f32 to vector<16xf32>
    %swap3A_45 = arith.constant 112 : index
    %swap3A_46 = tpu.vector_load %arg10[%swap3A_45] {strides = array<i32>} : memref<128xf32, #tpu.memory_space<vmem>>, vector<16xf32>,
    %swap3A_47 = vector.shape_cast %swap3A_46 : vector<16xf32> to vector<16xf32>
    %swap3A_48 = vector.shape_cast %broadcast_in_dim3A_44 : vector<16xf32> to vector<16xf32>
    tpu.vector_store %arg10[%swap3A_45], %swap3A_48 {strides = array<i32>} : memref<128xf32, #tpu.memory_space<vmem>>, vector<16xf32>,
    %add3A_49 = arith.constant 320000 : i32
    %add3A_50 = arith.addi %add3A_49, %mul3A_2 : i32
    %add3A_51 = arith.constant 0 : i32
    %add3A_52 = arith.addi %add3A_50, %add3A_51 : i32
    %dma_start3A = tpu.memref_slice %arg2[%add3A_52] : memref<640000xi32, #tpu.memory_space<hbm>> -> memref<128xi32, #tpu.memory_space<hbm>>
    %dma_start3A_53 = tpu.memref_slice %arg2[%add3A_52] : memref<640000xi32, #tpu.memory_space<hbm>> -> memref<128xi32, #tpu.memory_space<hbm>>
    tpu.enqueue_dma source(%dma_start3A_53 : memref<128xi32, #tpu.memory_space<hbm>>) target(%arg5 : memref<128xi32, #tpu.memory_space<vmem>>) target_semaphore(%arg12 : memref<!tpu.dma_semaphore, #tpu.memory_space<semaphore_mem>>)
    %add3A_54 = arith.constant 320000 : i32
    %add3A_55 = arith.addi %add3A_54, %mul3A_2 : i32
    %add3A_56 = arith.constant 128 : i32
    %add3A_57 = arith.addi %add3A_55, %add3A_56 : i32
    %dma_start3A_58 = tpu.memref_slice %arg2[%add3A_57] : memref<640000xi32, #tpu.memory_space<hbm>> -> memref<128xi32, #tpu.memory_space<hbm>>
    %dma_start3A_59 = tpu.memref_slice %arg2[%add3A_57] : memref<640000xi32, #tpu.memory_space<hbm>> -> memref<128xi32, #tpu.memory_space<hbm>>
    tpu.enqueue_dma source(%dma_start3A_59 : memref<128xi32, #tpu.memory_space<hbm>>) target(%arg6 : memref<128xi32, #tpu.memory_space<vmem>>) target_semaphore(%arg13 : memref<!tpu.dma_semaphore, #tpu.memory_space<semaphore_mem>>)
    %mul3A_60 = arith.constant 640 : i32
    %mul3A_61 = arith.muli %arg1, %mul3A_60 : i32
    %mul3A_62 = arith.constant 640 : i32
    %mul3A_63 = arith.muli %arg1, %mul3A_62 : i32
    "tpu.region"() ({
      %run_scoped3A = tpu.sem_alloc : memref<!tpu.dma_semaphore, #tpu.memory_space<semaphore_mem>>
      %dma_start3A_115 = tpu.memref_slice %arg11[%mul3A_63] : memref<10240xf32, #tpu.memory_space<vmem_shared>> -> memref<640xf32, #tpu.memory_space<vmem_shared>>
      %dma_start3A_116 = tpu.memref_slice %arg3[%mul3A_61] : memref<10240xf32, #tpu.memory_space<hbm>> -> memref<640xf32, #tpu.memory_space<hbm>>
      tpu.enqueue_dma source(%dma_start3A_116 : memref<640xf32, #tpu.memory_space<hbm>>) target(%dma_start3A_115 : memref<640xf32, #tpu.memory_space<vmem_shared>>) target_semaphore(%run_scoped3A : memref<!tpu.dma_semaphore, #tpu.memory_space<semaphore_mem>>)
      %dma_wait3A_117 = tpu.memref_slice %arg11[%mul3A_63] : memref<10240xf32, #tpu.memory_space<vmem_shared>> -> memref<640xf32, #tpu.memory_space<vmem_shared>>
      %dma_wait3A_118 = tpu.memref_slice %arg3[%mul3A_61] : memref<10240xf32, #tpu.memory_space<hbm>> -> memref<640xf32, #tpu.memory_space<hbm>>
      tpu.wait_dma2 semaphore(%run_scoped3A : memref<!tpu.dma_semaphore, #tpu.memory_space<semaphore_mem>>) src(%dma_wait3A_118 : memref<640xf32, #tpu.memory_space<hbm>>) dst(%dma_wait3A_117 : memref<640xf32, #tpu.memory_space<vmem_shared>>)
      tpu.yield
    }) : () -> ()
    %barrier3A = arith.constant 0 : index
    tpu.barrier barrier_id(%barrier3A)
    %scan3A = arith.constant 0 : i32
    %scan3A_64 = arith.constant 0 : i32
    %scan3A_65 = arith.constant 19 : i32
    %scan3A_66 = arith.addi %scan3A_64, %scan3A_65 : i32
    %scan3A_67 = arith.constant 1 : i32
    scf.for %scan3A_115 = %scan3A_64 to %scan3A_66 step %scan3A_67  : i32 {
      %mul3A_116 = arith.constant 4 : i32
      %mul3A_117 = arith.muli %scan3A_115, %mul3A_116 : i32
      %add3A_118 = arith.constant 0 : i32
      %add3A_119 = arith.addi %mul3A_117, %add3A_118 : i32
      %gt3A = arith.constant 0 : i32
      %gt3A_120 = arith.cmpi sgt, %scan3A_115, %gt3A : i32
      %add3A_121 = arith.constant 320000 : i32
      %add3A_122 = arith.addi %add3A_121, %mul3A_2 : i32
      %mul3A_123 = arith.constant 128 : i32
      %mul3A_124 = arith.muli %add3A_119, %mul3A_123 : i32
      %add3A_125 = arith.addi %add3A_122, %mul3A_124 : i32
      %dma_wait3A_126 = tpu.memref_slice %arg2[%add3A_125] : memref<640000xi32, #tpu.memory_space<hbm>> -> memref<128xi32, #tpu.memory_space<hbm>>
      %dma_wait3A_127 = tpu.memref_slice %arg2[%add3A_125] : memref<640000xi32, #tpu.memory_space<hbm>> -> memref<128xi32, #tpu.memory_space<hbm>>
      tpu.wait_dma2 semaphore(%arg12 : memref<!tpu.dma_semaphore, #tpu.memory_space<semaphore_mem>>) src(%dma_wait3A_127 : memref<128xi32, #tpu.memory_space<hbm>>) dst(%arg5 : memref<128xi32, #tpu.memory_space<vmem>>)
      %convert_element_type3A = arith.extui %gt3A_120 : i1 to i32
      %cond3A = arith.constant 0 : i32
      %cond3A_128 = arith.cmpi ne, %convert_element_type3A, %cond3A : i32
      scf.if %cond3A_128 {
        %dma_wait3A_215 = arith.constant 0 : i32
        %dma_wait3A_216 = tpu.memref_slice %arg11[%dma_wait3A_215] : memref<10240xf32, #tpu.memory_space<vmem_shared>> -> memref<10240xf32, #tpu.memory_space<vmem_shared>>
        tpu.wait_indirect_dma semaphore(%arg18 : memref<!tpu.dma_semaphore, #tpu.memory_space<semaphore_mem>>) src(%arg10 : memref<128xf32, #tpu.memory_space<vmem>>) dst(%dma_wait3A_216 : memref<10240xf32, #tpu.memory_space<vmem_shared>>)
      } else {
      }
      %dma_start3A_129 = arith.constant 0 : i32
      %dma_start3A_130 = tpu.memref_slice %arg11[%dma_start3A_129] : memref<10240xf32, #tpu.memory_space<vmem_shared>> -> memref<10240xf32, #tpu.memory_space<vmem_shared>>
      tpu.enqueue_indirect_dma source(%arg10 : memref<128xf32, #tpu.memory_space<vmem>>) target(%dma_start3A_130 : memref<10240xf32, #tpu.memory_space<vmem_shared>>) offsets(%arg5 : memref<128xi32, #tpu.memory_space<vmem>>) semaphore(%arg18 : memref<!tpu.dma_semaphore, #tpu.memory_space<semaphore_mem>>) {add = true}
      %add3A_131 = arith.constant 2 : i32
      %add3A_132 = arith.addi %add3A_119, %add3A_131 : i32
      %add3A_133 = arith.constant 320000 : i32
      %add3A_134 = arith.addi %add3A_133, %mul3A_2 : i32
      %mul3A_135 = arith.constant 128 : i32
      %mul3A_136 = arith.muli %add3A_132, %mul3A_135 : i32
      %add3A_137 = arith.addi %add3A_134, %mul3A_136 : i32
      %dma_start3A_138 = tpu.memref_slice %arg2[%add3A_137] : memref<640000xi32, #tpu.memory_space<hbm>> -> memref<128xi32, #tpu.memory_space<hbm>>
      %dma_start3A_139 = tpu.memref_slice %arg2[%add3A_137] : memref<640000xi32, #tpu.memory_space<hbm>> -> memref<128xi32, #tpu.memory_space<hbm>>
      tpu.enqueue_dma source(%dma_start3A_139 : memref<128xi32, #tpu.memory_space<hbm>>) target(%arg7 : memref<128xi32, #tpu.memory_space<vmem>>) target_semaphore(%arg14 : memref<!tpu.dma_semaphore, #tpu.memory_space<semaphore_mem>>)
      %mul3A_140 = arith.constant 4 : i32
      %mul3A_141 = arith.muli %scan3A_115, %mul3A_140 : i32
      %add3A_142 = arith.constant 1 : i32
      %add3A_143 = arith.addi %mul3A_141, %add3A_142 : i32
      %gt3A_144 = arith.constant 0 : i32
      %gt3A_145 = arith.cmpi sgt, %scan3A_115, %gt3A_144 : i32
      %add3A_146 = arith.constant 320000 : i32
      %add3A_147 = arith.addi %add3A_146, %mul3A_2 : i32
      %mul3A_148 = arith.constant 128 : i32
      %mul3A_149 = arith.muli %add3A_143, %mul3A_148 : i32
      %add3A_150 = arith.addi %add3A_147, %mul3A_149 : i32
      %dma_wait3A_151 = tpu.memref_slice %arg2[%add3A_150] : memref<640000xi32, #tpu.memory_space<hbm>> -> memref<128xi32, #tpu.memory_space<hbm>>
      %dma_wait3A_152 = tpu.memref_slice %arg2[%add3A_150] : memref<640000xi32, #tpu.memory_space<hbm>> -> memref<128xi32, #tpu.memory_space<hbm>>
      tpu.wait_dma2 semaphore(%arg13 : memref<!tpu.dma_semaphore, #tpu.memory_space<semaphore_mem>>) src(%dma_wait3A_152 : memref<128xi32, #tpu.memory_space<hbm>>) dst(%arg6 : memref<128xi32, #tpu.memory_space<vmem>>)
      %convert_element_type3A_153 = arith.extui %gt3A_145 : i1 to i32
      %cond3A_154 = arith.constant 0 : i32
      %cond3A_155 = arith.cmpi ne, %convert_element_type3A_153, %cond3A_154 : i32
      scf.if %cond3A_155 {
        %dma_wait3A_215 = arith.constant 0 : i32
        %dma_wait3A_216 = tpu.memref_slice %arg11[%dma_wait3A_215] : memref<10240xf32, #tpu.memory_space<vmem_shared>> -> memref<10240xf32, #tpu.memory_space<vmem_shared>>
        tpu.wait_indirect_dma semaphore(%arg19 : memref<!tpu.dma_semaphore, #tpu.memory_space<semaphore_mem>>) src(%arg10 : memref<128xf32, #tpu.memory_space<vmem>>) dst(%dma_wait3A_216 : memref<10240xf32, #tpu.memory_space<vmem_shared>>)
      } else {
      }
      %dma_start3A_156 = arith.constant 0 : i32
      %dma_start3A_157 = tpu.memref_slice %arg11[%dma_start3A_156] : memref<10240xf32, #tpu.memory_space<vmem_shared>> -> memref<10240xf32, #tpu.memory_space<vmem_shared>>
      tpu.enqueue_indirect_dma source(%arg10 : memref<128xf32, #tpu.memory_space<vmem>>) target(%dma_start3A_157 : memref<10240xf32, #tpu.memory_space<vmem_shared>>) offsets(%arg6 : memref<128xi32, #tpu.memory_space<vmem>>) semaphore(%arg19 : memref<!tpu.dma_semaphore, #tpu.memory_space<semaphore_mem>>) {add = true}
      %add3A_158 = arith.constant 2 : i32
      %add3A_159 = arith.addi %add3A_143, %add3A_158 : i32
      %add3A_160 = arith.constant 320000 : i32
      %add3A_161 = arith.addi %add3A_160, %mul3A_2 : i32
      %mul3A_162 = arith.constant 128 : i32
      %mul3A_163 = arith.muli %add3A_159, %mul3A_162 : i32
      %add3A_164 = arith.addi %add3A_161, %mul3A_163 : i32
      %dma_start3A_165 = tpu.memref_slice %arg2[%add3A_164] : memref<640000xi32, #tpu.memory_space<hbm>> -> memref<128xi32, #tpu.memory_space<hbm>>
      %dma_start3A_166 = tpu.memref_slice %arg2[%add3A_164] : memref<640000xi32, #tpu.memory_space<hbm>> -> memref<128xi32, #tpu.memory_space<hbm>>
      tpu.enqueue_dma source(%dma_start3A_166 : memref<128xi32, #tpu.memory_space<hbm>>) target(%arg8 : memref<128xi32, #tpu.memory_space<vmem>>) target_semaphore(%arg15 : memref<!tpu.dma_semaphore, #tpu.memory_space<semaphore_mem>>)
      %mul3A_167 = arith.constant 4 : i32
      %mul3A_168 = arith.muli %scan3A_115, %mul3A_167 : i32
      %add3A_169 = arith.constant 2 : i32
      %add3A_170 = arith.addi %mul3A_168, %add3A_169 : i32
      %add3A_171 = arith.constant 320000 : i32
      %add3A_172 = arith.addi %add3A_171, %mul3A_2 : i32
      %mul3A_173 = arith.constant 128 : i32
      %mul3A_174 = arith.muli %add3A_170, %mul3A_173 : i32
      %add3A_175 = arith.addi %add3A_172, %mul3A_174 : i32
      %dma_wait3A_176 = tpu.memref_slice %arg2[%add3A_175] : memref<640000xi32, #tpu.memory_space<hbm>> -> memref<128xi32, #tpu.memory_space<hbm>>
      %dma_wait3A_177 = tpu.memref_slice %arg2[%add3A_175] : memref<640000xi32, #tpu.memory_space<hbm>> -> memref<128xi32, #tpu.memory_space<hbm>>
      tpu.wait_dma2 semaphore(%arg14 : memref<!tpu.dma_semaphore, #tpu.memory_space<semaphore_mem>>) src(%dma_wait3A_177 : memref<128xi32, #tpu.memory_space<hbm>>) dst(%arg7 : memref<128xi32, #tpu.memory_space<vmem>>)
      %dma_wait3A_178 = arith.constant 0 : i32
      %dma_wait3A_179 = tpu.memref_slice %arg11[%dma_wait3A_178] : memref<10240xf32, #tpu.memory_space<vmem_shared>> -> memref<10240xf32, #tpu.memory_space<vmem_shared>>
      tpu.wait_indirect_dma semaphore(%arg18 : memref<!tpu.dma_semaphore, #tpu.memory_space<semaphore_mem>>) src(%arg10 : memref<128xf32, #tpu.memory_space<vmem>>) dst(%dma_wait3A_179 : memref<10240xf32, #tpu.memory_space<vmem_shared>>)
      %dma_start3A_180 = arith.constant 0 : i32
      %dma_start3A_181 = tpu.memref_slice %arg11[%dma_start3A_180] : memref<10240xf32, #tpu.memory_space<vmem_shared>> -> memref<10240xf32, #tpu.memory_space<vmem_shared>>
      tpu.enqueue_indirect_dma source(%arg10 : memref<128xf32, #tpu.memory_space<vmem>>) target(%dma_start3A_181 : memref<10240xf32, #tpu.memory_space<vmem_shared>>) offsets(%arg7 : memref<128xi32, #tpu.memory_space<vmem>>) semaphore(%arg18 : memref<!tpu.dma_semaphore, #tpu.memory_space<semaphore_mem>>) {add = true}
      %add3A_182 = arith.constant 2 : i32
      %add3A_183 = arith.addi %add3A_170, %add3A_182 : i32
      %add3A_184 = arith.constant 320000 : i32
      %add3A_185 = arith.addi %add3A_184, %mul3A_2 : i32
      %mul3A_186 = arith.constant 128 : i32
      %mul3A_187 = arith.muli %add3A_183, %mul3A_186 : i32
      %add3A_188 = arith.addi %add3A_185, %mul3A_187 : i32
      %dma_start3A_189 = tpu.memref_slice %arg2[%add3A_188] : memref<640000xi32, #tpu.memory_space<hbm>> -> memref<128xi32, #tpu.memory_space<hbm>>
      %dma_start3A_190 = tpu.memref_slice %arg2[%add3A_188] : memref<640000xi32, #tpu.memory_space<hbm>> -> memref<128xi32, #tpu.memory_space<hbm>>
      tpu.enqueue_dma source(%dma_start3A_190 : memref<128xi32, #tpu.memory_space<hbm>>) target(%arg5 : memref<128xi32, #tpu.memory_space<vmem>>) target_semaphore(%arg12 : memref<!tpu.dma_semaphore, #tpu.memory_space<semaphore_mem>>)
      %mul3A_191 = arith.constant 4 : i32
      %mul3A_192 = arith.muli %scan3A_115, %mul3A_191 : i32
      %add3A_193 = arith.constant 3 : i32
      %add3A_194 = arith.addi %mul3A_192, %add3A_193 : i32
      %add3A_195 = arith.constant 320000 : i32
      %add3A_196 = arith.addi %add3A_195, %mul3A_2 : i32
      %mul3A_197 = arith.constant 128 : i32
      %mul3A_198 = arith.muli %add3A_194, %mul3A_197 : i32
      %add3A_199 = arith.addi %add3A_196, %mul3A_198 : i32
      %dma_wait3A_200 = tpu.memref_slice %arg2[%add3A_199] : memref<640000xi32, #tpu.memory_space<hbm>> -> memref<128xi32, #tpu.memory_space<hbm>>
      %dma_wait3A_201 = tpu.memref_slice %arg2[%add3A_199] : memref<640000xi32, #tpu.memory_space<hbm>> -> memref<128xi32, #tpu.memory_space<hbm>>
      tpu.wait_dma2 semaphore(%arg15 : memref<!tpu.dma_semaphore, #tpu.memory_space<semaphore_mem>>) src(%dma_wait3A_201 : memref<128xi32, #tpu.memory_space<hbm>>) dst(%arg8 : memref<128xi32, #tpu.memory_space<vmem>>)
      %dma_wait3A_202 = arith.constant 0 : i32
      %dma_wait3A_203 = tpu.memref_slice %arg11[%dma_wait3A_202] : memref<10240xf32, #tpu.memory_space<vmem_shared>> -> memref<10240xf32, #tpu.memory_space<vmem_shared>>
      tpu.wait_indirect_dma semaphore(%arg19 : memref<!tpu.dma_semaphore, #tpu.memory_space<semaphore_mem>>) src(%arg10 : memref<128xf32, #tpu.memory_space<vmem>>) dst(%dma_wait3A_203 : memref<10240xf32, #tpu.memory_space<vmem_shared>>)
      %dma_start3A_204 = arith.constant 0 : i32
      %dma_start3A_205 = tpu.memref_slice %arg11[%dma_start3A_204] : memref<10240xf32, #tpu.memory_space<vmem_shared>> -> memref<10240xf32, #tpu.memory_space<vmem_shared>>
      tpu.enqueue_indirect_dma source(%arg10 : memref<128xf32, #tpu.memory_space<vmem>>) target(%dma_start3A_205 : memref<10240xf32, #tpu.memory_space<vmem_shared>>) offsets(%arg8 : memref<128xi32, #tpu.memory_space<vmem>>) semaphore(%arg19 : memref<!tpu.dma_semaphore, #tpu.memory_space<semaphore_mem>>) {add = true}
      %add3A_206 = arith.constant 2 : i32
      %add3A_207 = arith.addi %add3A_194, %add3A_206 : i32
      %add3A_208 = arith.constant 320000 : i32
      %add3A_209 = arith.addi %add3A_208, %mul3A_2 : i32
      %mul3A_210 = arith.constant 128 : i32
      %mul3A_211 = arith.muli %add3A_207, %mul3A_210 : i32
      %add3A_212 = arith.addi %add3A_209, %mul3A_211 : i32
      %dma_start3A_213 = tpu.memref_slice %arg2[%add3A_212] : memref<640000xi32, #tpu.memory_space<hbm>> -> memref<128xi32, #tpu.memory_space<hbm>>
      %dma_start3A_214 = tpu.memref_slice %arg2[%add3A_212] : memref<640000xi32, #tpu.memory_space<hbm>> -> memref<128xi32, #tpu.memory_space<hbm>>
      tpu.enqueue_dma source(%dma_start3A_214 : memref<128xi32, #tpu.memory_space<hbm>>) target(%arg6 : memref<128xi32, #tpu.memory_space<vmem>>) target_semaphore(%arg13 : memref<!tpu.dma_semaphore, #tpu.memory_space<semaphore_mem>>)
    }
    %scan3A_68 = arith.constant 19 : i32
    %add3A_69 = arith.constant 320000 : i32
    %add3A_70 = arith.addi %add3A_69, %mul3A_2 : i32
    %add3A_71 = arith.constant 9728 : i32
    %add3A_72 = arith.addi %add3A_70, %add3A_71 : i32
    %dma_wait3A = tpu.memref_slice %arg2[%add3A_72] : memref<640000xi32, #tpu.memory_space<hbm>> -> memref<128xi32, #tpu.memory_space<hbm>>
    %dma_wait3A_73 = tpu.memref_slice %arg2[%add3A_72] : memref<640000xi32, #tpu.memory_space<hbm>> -> memref<128xi32, #tpu.memory_space<hbm>>
    tpu.wait_dma2 semaphore(%arg12 : memref<!tpu.dma_semaphore, #tpu.memory_space<semaphore_mem>>) src(%dma_wait3A_73 : memref<128xi32, #tpu.memory_space<hbm>>) dst(%arg5 : memref<128xi32, #tpu.memory_space<vmem>>)
    %dma_wait3A_74 = arith.constant 0 : i32
    %dma_wait3A_75 = tpu.memref_slice %arg11[%dma_wait3A_74] : memref<10240xf32, #tpu.memory_space<vmem_shared>> -> memref<10240xf32, #tpu.memory_space<vmem_shared>>
    tpu.wait_indirect_dma semaphore(%arg18 : memref<!tpu.dma_semaphore, #tpu.memory_space<semaphore_mem>>) src(%arg10 : memref<128xf32, #tpu.memory_space<vmem>>) dst(%dma_wait3A_75 : memref<10240xf32, #tpu.memory_space<vmem_shared>>)
    %dma_start3A_76 = arith.constant 0 : i32
    %dma_start3A_77 = tpu.memref_slice %arg11[%dma_start3A_76] : memref<10240xf32, #tpu.memory_space<vmem_shared>> -> memref<10240xf32, #tpu.memory_space<vmem_shared>>
    tpu.enqueue_indirect_dma source(%arg10 : memref<128xf32, #tpu.memory_space<vmem>>) target(%dma_start3A_77 : memref<10240xf32, #tpu.memory_space<vmem_shared>>) offsets(%arg5 : memref<128xi32, #tpu.memory_space<vmem>>) semaphore(%arg18 : memref<!tpu.dma_semaphore, #tpu.memory_space<semaphore_mem>>) {add = true}
    %add3A_78 = arith.constant 320000 : i32
    %add3A_79 = arith.addi %add3A_78, %mul3A_2 : i32
    %add3A_80 = arith.constant 9856 : i32
    %add3A_81 = arith.addi %add3A_79, %add3A_80 : i32
    %dma_wait3A_82 = tpu.memref_slice %arg2[%add3A_81] : memref<640000xi32, #tpu.memory_space<hbm>> -> memref<128xi32, #tpu.memory_space<hbm>>
    %dma_wait3A_83 = tpu.memref_slice %arg2[%add3A_81] : memref<640000xi32, #tpu.memory_space<hbm>> -> memref<128xi32, #tpu.memory_space<hbm>>
    tpu.wait_dma2 semaphore(%arg13 : memref<!tpu.dma_semaphore, #tpu.memory_space<semaphore_mem>>) src(%dma_wait3A_83 : memref<128xi32, #tpu.memory_space<hbm>>) dst(%arg6 : memref<128xi32, #tpu.memory_space<vmem>>)
    %dma_wait3A_84 = arith.constant 0 : i32
    %dma_wait3A_85 = tpu.memref_slice %arg11[%dma_wait3A_84] : memref<10240xf32, #tpu.memory_space<vmem_shared>> -> memref<10240xf32, #tpu.memory_space<vmem_shared>>
    tpu.wait_indirect_dma semaphore(%arg19 : memref<!tpu.dma_semaphore, #tpu.memory_space<semaphore_mem>>) src(%arg10 : memref<128xf32, #tpu.memory_space<vmem>>) dst(%dma_wait3A_85 : memref<10240xf32, #tpu.memory_space<vmem_shared>>)
    %dma_start3A_86 = arith.constant 0 : i32
    %dma_start3A_87 = tpu.memref_slice %arg11[%dma_start3A_86] : memref<10240xf32, #tpu.memory_space<vmem_shared>> -> memref<10240xf32, #tpu.memory_space<vmem_shared>>
    tpu.enqueue_indirect_dma source(%arg10 : memref<128xf32, #tpu.memory_space<vmem>>) target(%dma_start3A_87 : memref<10240xf32, #tpu.memory_space<vmem_shared>>) offsets(%arg6 : memref<128xi32, #tpu.memory_space<vmem>>) semaphore(%arg19 : memref<!tpu.dma_semaphore, #tpu.memory_space<semaphore_mem>>) {add = true}
    %add3A_88 = arith.constant 9984 : i32
    %add3A_89 = arith.addi %mul3A_2, %add3A_88 : i32
    %add3A_90 = arith.constant 320000 : i32
    %add3A_91 = arith.addi %add3A_90, %add3A_89 : i32
    %dma_start3A_92 = tpu.memref_slice %arg2[%add3A_91] : memref<640000xi32, #tpu.memory_space<hbm>> -> memref<16xi32, #tpu.memory_space<hbm>>
    %dma_start3A_93 = tpu.memref_slice %arg2[%add3A_91] : memref<640000xi32, #tpu.memory_space<hbm>> -> memref<16xi32, #tpu.memory_space<hbm>>
    tpu.enqueue_dma source(%dma_start3A_93 : memref<16xi32, #tpu.memory_space<hbm>>) target(%arg9 : memref<16xi32, #tpu.memory_space<vmem>>) target_semaphore(%arg16 : memref<!tpu.dma_semaphore, #tpu.memory_space<semaphore_mem>>)
    %add3A_94 = arith.constant 320000 : i32
    %add3A_95 = arith.addi %add3A_94, %add3A_89 : i32
    %dma_wait3A_96 = tpu.memref_slice %arg2[%add3A_95] : memref<640000xi32, #tpu.memory_space<hbm>> -> memref<16xi32, #tpu.memory_space<hbm>>
    %dma_wait3A_97 = tpu.memref_slice %arg2[%add3A_95] : memref<640000xi32, #tpu.memory_space<hbm>> -> memref<16xi32, #tpu.memory_space<hbm>>
    tpu.wait_dma2 semaphore(%arg16 : memref<!tpu.dma_semaphore, #tpu.memory_space<semaphore_mem>>) src(%dma_wait3A_97 : memref<16xi32, #tpu.memory_space<hbm>>) dst(%arg9 : memref<16xi32, #tpu.memory_space<vmem>>)
    %dma_wait3A_98 = arith.constant 0 : i32
    %dma_wait3A_99 = tpu.memref_slice %arg11[%dma_wait3A_98] : memref<10240xf32, #tpu.memory_space<vmem_shared>> -> memref<10240xf32, #tpu.memory_space<vmem_shared>>
    tpu.wait_indirect_dma semaphore(%arg18 : memref<!tpu.dma_semaphore, #tpu.memory_space<semaphore_mem>>) src(%arg10 : memref<128xf32, #tpu.memory_space<vmem>>) dst(%dma_wait3A_99 : memref<10240xf32, #tpu.memory_space<vmem_shared>>)
    %dma_start3A_100 = arith.constant 0 : i32
    %dma_start3A_101 = tpu.memref_slice %arg10[%dma_start3A_100] : memref<128xf32, #tpu.memory_space<vmem>> -> memref<16xf32, #tpu.memory_space<vmem>>
    %dma_start3A_102 = arith.constant 0 : i32
    %dma_start3A_103 = tpu.memref_slice %arg11[%dma_start3A_102] : memref<10240xf32, #tpu.memory_space<vmem_shared>> -> memref<10240xf32, #tpu.memory_space<vmem_shared>>
    tpu.enqueue_indirect_dma source(%dma_start3A_101 : memref<16xf32, #tpu.memory_space<vmem>>) target(%dma_start3A_103 : memref<10240xf32, #tpu.memory_space<vmem_shared>>) offsets(%arg9 : memref<16xi32, #tpu.memory_space<vmem>>) semaphore(%arg17 : memref<!tpu.dma_semaphore, #tpu.memory_space<semaphore_mem>>) {add = true}
    %dma_wait3A_104 = arith.constant 0 : i32
    %dma_wait3A_105 = tpu.memref_slice %arg11[%dma_wait3A_104] : memref<10240xf32, #tpu.memory_space<vmem_shared>> -> memref<10240xf32, #tpu.memory_space<vmem_shared>>
    tpu.wait_indirect_dma semaphore(%arg19 : memref<!tpu.dma_semaphore, #tpu.memory_space<semaphore_mem>>) src(%arg10 : memref<128xf32, #tpu.memory_space<vmem>>) dst(%dma_wait3A_105 : memref<10240xf32, #tpu.memory_space<vmem_shared>>)
    %dma_wait3A_106 = arith.constant 0 : i32
    %dma_wait3A_107 = tpu.memref_slice %arg10[%dma_wait3A_106] : memref<128xf32, #tpu.memory_space<vmem>> -> memref<16xf32, #tpu.memory_space<vmem>>
    %dma_wait3A_108 = arith.constant 0 : i32
    %dma_wait3A_109 = tpu.memref_slice %arg11[%dma_wait3A_108] : memref<10240xf32, #tpu.memory_space<vmem_shared>> -> memref<10240xf32, #tpu.memory_space<vmem_shared>>
    tpu.wait_indirect_dma semaphore(%arg17 : memref<!tpu.dma_semaphore, #tpu.memory_space<semaphore_mem>>) src(%dma_wait3A_107 : memref<16xf32, #tpu.memory_space<vmem>>) dst(%dma_wait3A_109 : memref<10240xf32, #tpu.memory_space<vmem_shared>>)
    %barrier3A_110 = arith.constant 0 : index
    tpu.barrier barrier_id(%barrier3A_110)
    %mul3A_111 = arith.constant 640 : i32
    %mul3A_112 = arith.muli %arg1, %mul3A_111 : i32
    %mul3A_113 = arith.constant 640 : i32
    %mul3A_114 = arith.muli %arg1, %mul3A_113 : i32
    "tpu.region"() ({
      %run_scoped3A = tpu.sem_alloc : memref<!tpu.dma_semaphore, #tpu.memory_space<semaphore_mem>>
      %dma_start3A_115 = tpu.memref_slice %arg4[%arg0, %mul3A_114] : memref<2x10240xf32, #tpu.memory_space<hbm>> -> memref<1x640xf32, #tpu.memory_space<hbm>>
      %dma_start3A_116 = tpu.memref_squeeze %dma_start3A_115 : memref<1x640xf32, #tpu.memory_space<hbm>> -> memref<640xf32, #tpu.memory_space<hbm>>
      %dma_start3A_117 = tpu.memref_slice %arg11[%mul3A_112] : memref<10240xf32, #tpu.memory_space<vmem_shared>> -> memref<640xf32, #tpu.memory_space<vmem_shared>>
      tpu.enqueue_dma source(%dma_start3A_117 : memref<640xf32, #tpu.memory_space<vmem_shared>>) target(%dma_start3A_116 : memref<640xf32, #tpu.memory_space<hbm>>) target_semaphore(%run_scoped3A : memref<!tpu.dma_semaphore, #tpu.memory_space<semaphore_mem>>)
      %dma_wait3A_118 = tpu.memref_slice %arg4[%arg0, %mul3A_114] : memref<2x10240xf32, #tpu.memory_space<hbm>> -> memref<1x640xf32, #tpu.memory_space<hbm>>
      %dma_wait3A_119 = tpu.memref_squeeze %dma_wait3A_118 : memref<1x640xf32, #tpu.memory_space<hbm>> -> memref<640xf32, #tpu.memory_space<hbm>>
      %dma_wait3A_120 = tpu.memref_slice %arg11[%mul3A_112] : memref<10240xf32, #tpu.memory_space<vmem_shared>> -> memref<640xf32, #tpu.memory_space<vmem_shared>>
      tpu.wait_dma2 semaphore(%run_scoped3A : memref<!tpu.dma_semaphore, #tpu.memory_space<semaphore_mem>>) src(%dma_wait3A_120 : memref<640xf32, #tpu.memory_space<vmem_shared>>) dst(%dma_wait3A_119 : memref<640xf32, #tpu.memory_space<hbm>>)
      tpu.yield
    }) : () -> ()
    return
  }
}

#map = affine_map<(d0, d1) -> (0, 0)>
#map1 = affine_map<(d0, d1) -> (0)>
#map2 = affine_map<(d0, d1) -> (0, 0, 0)>
module attributes {stable_mosaic.version = 14 : i64} {
  func.func @_scat_body(%arg0: i32, %arg1: i32, %arg2: memref<10000x16xf32, #tpu.memory_space<hbm>>, %arg3: memref<640000xi32, #tpu.memory_space<hbm>>, %arg4: memref<10240x16xf32, #tpu.memory_space<hbm>>, %arg5: memref<2x10240x16xf32, #tpu.memory_space<hbm>>, %arg6: memref<2x128xi32, #tpu.memory_space<vmem>>, %arg7: memref<2x128xi32, #tpu.memory_space<vmem>>, %arg8: memref<2x128xi32, #tpu.memory_space<vmem>>, %arg9: memref<2x128xi32, #tpu.memory_space<vmem>>, %arg10: memref<2x16xi32, #tpu.memory_space<vmem>>, %arg11: memref<128x16xf32, #tpu.memory_space<vmem>>, %arg12: memref<128x16xf32, #tpu.memory_space<vmem>>, %arg13: memref<16x16xf32, #tpu.memory_space<vmem>>, %arg14: memref<10240x16xf32, #tpu.memory_space<vmem_shared>>, %arg15: memref<!tpu.dma_semaphore, #tpu.memory_space<semaphore_mem>>, %arg16: memref<!tpu.dma_semaphore, #tpu.memory_space<semaphore_mem>>, %arg17: memref<!tpu.dma_semaphore, #tpu.memory_space<semaphore_mem>>, %arg18: memref<!tpu.dma_semaphore, #tpu.memory_space<semaphore_mem>>, %arg19: memref<!tpu.dma_semaphore, #tpu.memory_space<semaphore_mem>>, %arg20: memref<!tpu.dma_semaphore, #tpu.memory_space<semaphore_mem>>, %arg21: memref<!tpu.dma_semaphore, #tpu.memory_space<semaphore_mem>>, %arg22: memref<!tpu.dma_semaphore, #tpu.memory_space<semaphore_mem>>, %arg23: memref<!tpu.dma_semaphore, #tpu.memory_space<semaphore_mem>>, %arg24: memref<!tpu.dma_semaphore, #tpu.memory_space<semaphore_mem>>, %arg25: memref<!tpu.dma_semaphore, #tpu.memory_space<semaphore_mem>>) attributes {dimension_semantics = [#tpu.dimension_semantics<core_parallel>, #tpu.dimension_semantics<subcore_parallel>], iteration_bounds = array<i64: 2, 16>, scalar_prefetch = 0 : i64, scratch_operands = 20 : i64, tpu.core_type = #tpu.core_type<sc_vector_subcore>, window_params = [{transform_indices = #map}, {transform_indices = #map1}, {transform_indices = #map}, {transform_indices = #map2}]} {
    %mul3A = arith.constant 2 : i32
    %mul3A_0 = arith.muli %arg1, %mul3A : i32
    %add3A = arith.addi %mul3A_0, %arg0 : i32
    %mul3A_1 = arith.constant 10000 : i32
    %mul3A_2 = arith.muli %add3A, %mul3A_1 : i32
    %add3A_3 = arith.constant 0 : i32
    %add3A_4 = arith.addi %mul3A_2, %add3A_3 : i32
    %dma_start3A = arith.constant 0 : i32
    %dma_start3A_5 = arith.constant 0 : i32
    %dma_start3A_6 = tpu.memref_slice %arg6[%dma_start3A, %dma_start3A_5] : memref<2x128xi32, #tpu.memory_space<vmem>> -> memref<1x128xi32, #tpu.memory_space<vmem>>
    %dma_start3A_7 = tpu.memref_squeeze %dma_start3A_6 : memref<1x128xi32, #tpu.memory_space<vmem>> -> memref<128xi32, #tpu.memory_space<vmem>>
    %dma_start3A_8 = tpu.memref_slice %arg3[%add3A_4] : memref<640000xi32, #tpu.memory_space<hbm>> -> memref<128xi32, #tpu.memory_space<hbm>>
    %dma_start3A_9 = arith.constant 0 : i32
    %dma_start3A_10 = tpu.memref_slice %arg6[%dma_start3A, %dma_start3A_9] : memref<2x128xi32, #tpu.memory_space<vmem>> -> memref<1x128xi32, #tpu.memory_space<vmem>>
    %dma_start3A_11 = tpu.memref_squeeze %dma_start3A_10 : memref<1x128xi32, #tpu.memory_space<vmem>> -> memref<128xi32, #tpu.memory_space<vmem>>
    %dma_start3A_12 = tpu.memref_slice %arg3[%add3A_4] : memref<640000xi32, #tpu.memory_space<hbm>> -> memref<128xi32, #tpu.memory_space<hbm>>
    tpu.enqueue_dma source(%dma_start3A_12 : memref<128xi32, #tpu.memory_space<hbm>>) target(%dma_start3A_11 : memref<128xi32, #tpu.memory_space<vmem>>) target_semaphore(%arg15 : memref<!tpu.dma_semaphore, #tpu.memory_space<semaphore_mem>>)
    %add3A_13 = arith.constant 320000 : i32
    %add3A_14 = arith.addi %add3A_13, %mul3A_2 : i32
    %add3A_15 = arith.constant 0 : i32
    %add3A_16 = arith.addi %add3A_14, %add3A_15 : i32
    %dma_start3A_17 = arith.constant 1 : i32
    %dma_start3A_18 = arith.constant 0 : i32
    %dma_start3A_19 = tpu.memref_slice %arg6[%dma_start3A_17, %dma_start3A_18] : memref<2x128xi32, #tpu.memory_space<vmem>> -> memref<1x128xi32, #tpu.memory_space<vmem>>
    %dma_start3A_20 = tpu.memref_squeeze %dma_start3A_19 : memref<1x128xi32, #tpu.memory_space<vmem>> -> memref<128xi32, #tpu.memory_space<vmem>>
    %dma_start3A_21 = tpu.memref_slice %arg3[%add3A_16] : memref<640000xi32, #tpu.memory_space<hbm>> -> memref<128xi32, #tpu.memory_space<hbm>>
    %dma_start3A_22 = arith.constant 0 : i32
    %dma_start3A_23 = tpu.memref_slice %arg6[%dma_start3A_17, %dma_start3A_22] : memref<2x128xi32, #tpu.memory_space<vmem>> -> memref<1x128xi32, #tpu.memory_space<vmem>>
    %dma_start3A_24 = tpu.memref_squeeze %dma_start3A_23 : memref<1x128xi32, #tpu.memory_space<vmem>> -> memref<128xi32, #tpu.memory_space<vmem>>
    %dma_start3A_25 = tpu.memref_slice %arg3[%add3A_16] : memref<640000xi32, #tpu.memory_space<hbm>> -> memref<128xi32, #tpu.memory_space<hbm>>
    tpu.enqueue_dma source(%dma_start3A_25 : memref<128xi32, #tpu.memory_space<hbm>>) target(%dma_start3A_24 : memref<128xi32, #tpu.memory_space<vmem>>) target_semaphore(%arg15 : memref<!tpu.dma_semaphore, #tpu.memory_space<semaphore_mem>>)
    %add3A_26 = arith.constant 128 : i32
    %add3A_27 = arith.addi %mul3A_2, %add3A_26 : i32
    %dma_start3A_28 = arith.constant 0 : i32
    %dma_start3A_29 = arith.constant 0 : i32
    %dma_start3A_30 = tpu.memref_slice %arg7[%dma_start3A_28, %dma_start3A_29] : memref<2x128xi32, #tpu.memory_space<vmem>> -> memref<1x128xi32, #tpu.memory_space<vmem>>
    %dma_start3A_31 = tpu.memref_squeeze %dma_start3A_30 : memref<1x128xi32, #tpu.memory_space<vmem>> -> memref<128xi32, #tpu.memory_space<vmem>>
    %dma_start3A_32 = tpu.memref_slice %arg3[%add3A_27] : memref<640000xi32, #tpu.memory_space<hbm>> -> memref<128xi32, #tpu.memory_space<hbm>>
    %dma_start3A_33 = arith.constant 0 : i32
    %dma_start3A_34 = tpu.memref_slice %arg7[%dma_start3A_28, %dma_start3A_33] : memref<2x128xi32, #tpu.memory_space<vmem>> -> memref<1x128xi32, #tpu.memory_space<vmem>>
    %dma_start3A_35 = tpu.memref_squeeze %dma_start3A_34 : memref<1x128xi32, #tpu.memory_space<vmem>> -> memref<128xi32, #tpu.memory_space<vmem>>
    %dma_start3A_36 = tpu.memref_slice %arg3[%add3A_27] : memref<640000xi32, #tpu.memory_space<hbm>> -> memref<128xi32, #tpu.memory_space<hbm>>
    tpu.enqueue_dma source(%dma_start3A_36 : memref<128xi32, #tpu.memory_space<hbm>>) target(%dma_start3A_35 : memref<128xi32, #tpu.memory_space<vmem>>) target_semaphore(%arg16 : memref<!tpu.dma_semaphore, #tpu.memory_space<semaphore_mem>>)
    %add3A_37 = arith.constant 320000 : i32
    %add3A_38 = arith.addi %add3A_37, %mul3A_2 : i32
    %add3A_39 = arith.constant 128 : i32
    %add3A_40 = arith.addi %add3A_38, %add3A_39 : i32
    %dma_start3A_41 = arith.constant 1 : i32
    %dma_start3A_42 = arith.constant 0 : i32
    %dma_start3A_43 = tpu.memref_slice %arg7[%dma_start3A_41, %dma_start3A_42] : memref<2x128xi32, #tpu.memory_space<vmem>> -> memref<1x128xi32, #tpu.memory_space<vmem>>
    %dma_start3A_44 = tpu.memref_squeeze %dma_start3A_43 : memref<1x128xi32, #tpu.memory_space<vmem>> -> memref<128xi32, #tpu.memory_space<vmem>>
    %dma_start3A_45 = tpu.memref_slice %arg3[%add3A_40] : memref<640000xi32, #tpu.memory_space<hbm>> -> memref<128xi32, #tpu.memory_space<hbm>>
    %dma_start3A_46 = arith.constant 0 : i32
    %dma_start3A_47 = tpu.memref_slice %arg7[%dma_start3A_41, %dma_start3A_46] : memref<2x128xi32, #tpu.memory_space<vmem>> -> memref<1x128xi32, #tpu.memory_space<vmem>>
    %dma_start3A_48 = tpu.memref_squeeze %dma_start3A_47 : memref<1x128xi32, #tpu.memory_space<vmem>> -> memref<128xi32, #tpu.memory_space<vmem>>
    %dma_start3A_49 = tpu.memref_slice %arg3[%add3A_40] : memref<640000xi32, #tpu.memory_space<hbm>> -> memref<128xi32, #tpu.memory_space<hbm>>
    tpu.enqueue_dma source(%dma_start3A_49 : memref<128xi32, #tpu.memory_space<hbm>>) target(%dma_start3A_48 : memref<128xi32, #tpu.memory_space<vmem>>) target_semaphore(%arg16 : memref<!tpu.dma_semaphore, #tpu.memory_space<semaphore_mem>>)
    %mul3A_50 = arith.constant 640 : i32
    %mul3A_51 = arith.muli %arg1, %mul3A_50 : i32
    %mul3A_52 = arith.constant 640 : i32
    %mul3A_53 = arith.muli %arg1, %mul3A_52 : i32
    "tpu.region"() ({
      %run_scoped3A = tpu.sem_alloc : memref<!tpu.dma_semaphore, #tpu.memory_space<semaphore_mem>>
      %dma_start3A_548 = arith.constant 0 : i32
      %dma_start3A_549 = tpu.memref_slice %arg14[%mul3A_53, %dma_start3A_548] : memref<10240x16xf32, #tpu.memory_space<vmem_shared>> -> memref<640x16xf32, #tpu.memory_space<vmem_shared>>
      %dma_start3A_550 = arith.constant 0 : i32
      %dma_start3A_551 = tpu.memref_slice %arg4[%mul3A_51, %dma_start3A_550] : memref<10240x16xf32, #tpu.memory_space<hbm>> -> memref<640x16xf32, #tpu.memory_space<hbm>>
      tpu.enqueue_dma source(%dma_start3A_551 : memref<640x16xf32, #tpu.memory_space<hbm>>) target(%dma_start3A_549 : memref<640x16xf32, #tpu.memory_space<vmem_shared>>) target_semaphore(%run_scoped3A : memref<!tpu.dma_semaphore, #tpu.memory_space<semaphore_mem>>)
      %dma_wait3A_552 = arith.constant 0 : i32
      %dma_wait3A_553 = tpu.memref_slice %arg14[%mul3A_53, %dma_wait3A_552] : memref<10240x16xf32, #tpu.memory_space<vmem_shared>> -> memref<640x16xf32, #tpu.memory_space<vmem_shared>>
      %dma_wait3A_554 = arith.constant 0 : i32
      %dma_wait3A_555 = tpu.memref_slice %arg4[%mul3A_51, %dma_wait3A_554] : memref<10240x16xf32, #tpu.memory_space<hbm>> -> memref<640x16xf32, #tpu.memory_space<hbm>>
      tpu.wait_dma2 semaphore(%run_scoped3A : memref<!tpu.dma_semaphore, #tpu.memory_space<semaphore_mem>>) src(%dma_wait3A_555 : memref<640x16xf32, #tpu.memory_space<hbm>>) dst(%dma_wait3A_553 : memref<640x16xf32, #tpu.memory_space<vmem_shared>>)
      tpu.yield
    }) : () -> ()
    %barrier3A = arith.constant 0 : index
    tpu.barrier barrier_id(%barrier3A)
    %add3A_54 = arith.constant 0 : i32
    %add3A_55 = arith.addi %mul3A_2, %add3A_54 : i32
    %dma_wait3A = arith.constant 0 : i32
    %dma_wait3A_56 = arith.constant 0 : i32
    %dma_wait3A_57 = tpu.memref_slice %arg6[%dma_wait3A, %dma_wait3A_56] : memref<2x128xi32, #tpu.memory_space<vmem>> -> memref<1x128xi32, #tpu.memory_space<vmem>>
    %dma_wait3A_58 = tpu.memref_squeeze %dma_wait3A_57 : memref<1x128xi32, #tpu.memory_space<vmem>> -> memref<128xi32, #tpu.memory_space<vmem>>
    %dma_wait3A_59 = tpu.memref_slice %arg3[%add3A_55] : memref<640000xi32, #tpu.memory_space<hbm>> -> memref<128xi32, #tpu.memory_space<hbm>>
    %dma_wait3A_60 = arith.constant 0 : i32
    %dma_wait3A_61 = tpu.memref_slice %arg6[%dma_wait3A, %dma_wait3A_60] : memref<2x128xi32, #tpu.memory_space<vmem>> -> memref<1x128xi32, #tpu.memory_space<vmem>>
    %dma_wait3A_62 = tpu.memref_squeeze %dma_wait3A_61 : memref<1x128xi32, #tpu.memory_space<vmem>> -> memref<128xi32, #tpu.memory_space<vmem>>
    %dma_wait3A_63 = tpu.memref_slice %arg3[%add3A_55] : memref<640000xi32, #tpu.memory_space<hbm>> -> memref<128xi32, #tpu.memory_space<hbm>>
    tpu.wait_dma2 semaphore(%arg15 : memref<!tpu.dma_semaphore, #tpu.memory_space<semaphore_mem>>) src(%dma_wait3A_63 : memref<128xi32, #tpu.memory_space<hbm>>) dst(%dma_wait3A_62 : memref<128xi32, #tpu.memory_space<vmem>>)
    %add3A_64 = arith.constant 320000 : i32
    %add3A_65 = arith.addi %add3A_64, %mul3A_2 : i32
    %add3A_66 = arith.constant 0 : i32
    %add3A_67 = arith.addi %add3A_65, %add3A_66 : i32
    %dma_wait3A_68 = arith.constant 1 : i32
    %dma_wait3A_69 = arith.constant 0 : i32
    %dma_wait3A_70 = tpu.memref_slice %arg6[%dma_wait3A_68, %dma_wait3A_69] : memref<2x128xi32, #tpu.memory_space<vmem>> -> memref<1x128xi32, #tpu.memory_space<vmem>>
    %dma_wait3A_71 = tpu.memref_squeeze %dma_wait3A_70 : memref<1x128xi32, #tpu.memory_space<vmem>> -> memref<128xi32, #tpu.memory_space<vmem>>
    %dma_wait3A_72 = tpu.memref_slice %arg3[%add3A_67] : memref<640000xi32, #tpu.memory_space<hbm>> -> memref<128xi32, #tpu.memory_space<hbm>>
    %dma_wait3A_73 = arith.constant 0 : i32
    %dma_wait3A_74 = tpu.memref_slice %arg6[%dma_wait3A_68, %dma_wait3A_73] : memref<2x128xi32, #tpu.memory_space<vmem>> -> memref<1x128xi32, #tpu.memory_space<vmem>>
    %dma_wait3A_75 = tpu.memref_squeeze %dma_wait3A_74 : memref<1x128xi32, #tpu.memory_space<vmem>> -> memref<128xi32, #tpu.memory_space<vmem>>
    %dma_wait3A_76 = tpu.memref_slice %arg3[%add3A_67] : memref<640000xi32, #tpu.memory_space<hbm>> -> memref<128xi32, #tpu.memory_space<hbm>>
    tpu.wait_dma2 semaphore(%arg15 : memref<!tpu.dma_semaphore, #tpu.memory_space<semaphore_mem>>) src(%dma_wait3A_76 : memref<128xi32, #tpu.memory_space<hbm>>) dst(%dma_wait3A_75 : memref<128xi32, #tpu.memory_space<vmem>>)
    %dma_start3A_77 = arith.constant 0 : i32
    %dma_start3A_78 = arith.constant 0 : i32
    %dma_start3A_79 = tpu.memref_slice %arg6[%dma_start3A_77, %dma_start3A_78] : memref<2x128xi32, #tpu.memory_space<vmem>> -> memref<1x128xi32, #tpu.memory_space<vmem>>
    %dma_start3A_80 = tpu.memref_squeeze %dma_start3A_79 : memref<1x128xi32, #tpu.memory_space<vmem>> -> memref<128xi32, #tpu.memory_space<vmem>>
    %dma_start3A_81 = arith.constant 0 : i32
    %dma_start3A_82 = arith.constant 0 : i32
    %dma_start3A_83 = tpu.memref_slice %arg2[%dma_start3A_81, %dma_start3A_82] : memref<10000x16xf32, #tpu.memory_space<hbm>> -> memref<10000x16xf32, #tpu.memory_space<hbm>>
    tpu.enqueue_indirect_dma source(%dma_start3A_83 : memref<10000x16xf32, #tpu.memory_space<hbm>>) target(%arg11 : memref<128x16xf32, #tpu.memory_space<vmem>>) offsets(%dma_start3A_80 : memref<128xi32, #tpu.memory_space<vmem>>) semaphore(%arg22 : memref<!tpu.dma_semaphore, #tpu.memory_space<semaphore_mem>>)
    %scan3A = arith.constant 0 : i32
    %scan3A_84 = arith.constant 0 : i32
    %scan3A_85 = arith.constant 18 : i32
    %scan3A_86 = arith.addi %scan3A_84, %scan3A_85 : i32
    %scan3A_87 = arith.constant 1 : i32
    scf.for %scan3A_548 = %scan3A_84 to %scan3A_86 step %scan3A_87  : i32 {
      %mul3A_549 = arith.constant 4 : i32
      %mul3A_550 = arith.muli %scan3A_548, %mul3A_549 : i32
      %add3A_551 = arith.constant 0 : i32
      %add3A_552 = arith.addi %mul3A_550, %add3A_551 : i32
      %gt3A = arith.constant 0 : i32
      %gt3A_553 = arith.cmpi sgt, %scan3A_548, %gt3A : i32
      %dma_wait3A_554 = arith.constant 0 : i32
      %dma_wait3A_555 = arith.constant 0 : i32
      %dma_wait3A_556 = tpu.memref_slice %arg6[%dma_wait3A_554, %dma_wait3A_555] : memref<2x128xi32, #tpu.memory_space<vmem>> -> memref<1x128xi32, #tpu.memory_space<vmem>>
      %dma_wait3A_557 = tpu.memref_squeeze %dma_wait3A_556 : memref<1x128xi32, #tpu.memory_space<vmem>> -> memref<128xi32, #tpu.memory_space<vmem>>
      %dma_wait3A_558 = arith.constant 0 : i32
      %dma_wait3A_559 = arith.constant 0 : i32
      %dma_wait3A_560 = tpu.memref_slice %arg2[%dma_wait3A_558, %dma_wait3A_559] : memref<10000x16xf32, #tpu.memory_space<hbm>> -> memref<10000x16xf32, #tpu.memory_space<hbm>>
      tpu.wait_indirect_dma semaphore(%arg22 : memref<!tpu.dma_semaphore, #tpu.memory_space<semaphore_mem>>) src(%dma_wait3A_560 : memref<10000x16xf32, #tpu.memory_space<hbm>>) dst(%arg11 : memref<128x16xf32, #tpu.memory_space<vmem>>)
      %dma_start3A_561 = arith.constant 1 : i32
      %dma_start3A_562 = arith.constant 0 : i32
      %dma_start3A_563 = tpu.memref_slice %arg6[%dma_start3A_561, %dma_start3A_562] : memref<2x128xi32, #tpu.memory_space<vmem>> -> memref<1x128xi32, #tpu.memory_space<vmem>>
      %dma_start3A_564 = tpu.memref_squeeze %dma_start3A_563 : memref<1x128xi32, #tpu.memory_space<vmem>> -> memref<128xi32, #tpu.memory_space<vmem>>
      %dma_start3A_565 = arith.constant 0 : i32
      %dma_start3A_566 = arith.constant 0 : i32
      %dma_start3A_567 = tpu.memref_slice %arg14[%dma_start3A_565, %dma_start3A_566] : memref<10240x16xf32, #tpu.memory_space<vmem_shared>> -> memref<10240x16xf32, #tpu.memory_space<vmem_shared>>
      tpu.enqueue_indirect_dma source(%arg11 : memref<128x16xf32, #tpu.memory_space<vmem>>) target(%dma_start3A_567 : memref<10240x16xf32, #tpu.memory_space<vmem_shared>>) offsets(%dma_start3A_564 : memref<128xi32, #tpu.memory_space<vmem>>) semaphore(%arg24 : memref<!tpu.dma_semaphore, #tpu.memory_space<semaphore_mem>>) {add = true}
      %convert_element_type3A = arith.extui %gt3A_553 : i1 to i32
      %cond3A = arith.constant 0 : i32
      %cond3A_568 = arith.cmpi ne, %convert_element_type3A, %cond3A : i32
      scf.if %cond3A_568 {
        %dma_wait3A_896 = arith.constant 1 : i32
        %dma_wait3A_897 = arith.constant 0 : i32
        %dma_wait3A_898 = tpu.memref_slice %arg9[%dma_wait3A_896, %dma_wait3A_897] : memref<2x128xi32, #tpu.memory_space<vmem>> -> memref<1x128xi32, #tpu.memory_space<vmem>>
        %dma_wait3A_899 = tpu.memref_squeeze %dma_wait3A_898 : memref<1x128xi32, #tpu.memory_space<vmem>> -> memref<128xi32, #tpu.memory_space<vmem>>
        %dma_wait3A_900 = arith.constant 0 : i32
        %dma_wait3A_901 = arith.constant 0 : i32
        %dma_wait3A_902 = tpu.memref_slice %arg14[%dma_wait3A_900, %dma_wait3A_901] : memref<10240x16xf32, #tpu.memory_space<vmem_shared>> -> memref<10240x16xf32, #tpu.memory_space<vmem_shared>>
        tpu.wait_indirect_dma semaphore(%arg25 : memref<!tpu.dma_semaphore, #tpu.memory_space<semaphore_mem>>) src(%arg12 : memref<128x16xf32, #tpu.memory_space<vmem>>) dst(%dma_wait3A_902 : memref<10240x16xf32, #tpu.memory_space<vmem_shared>>)
      } else {
      }
      %add3A_569 = arith.constant 1 : i32
      %add3A_570 = arith.addi %add3A_552, %add3A_569 : i32
      %mul3A_571 = arith.constant 128 : i32
      %mul3A_572 = arith.muli %add3A_570, %mul3A_571 : i32
      %add3A_573 = arith.addi %mul3A_2, %mul3A_572 : i32
      %dma_wait3A_574 = arith.constant 0 : i32
      %dma_wait3A_575 = arith.constant 0 : i32
      %dma_wait3A_576 = tpu.memref_slice %arg7[%dma_wait3A_574, %dma_wait3A_575] : memref<2x128xi32, #tpu.memory_space<vmem>> -> memref<1x128xi32, #tpu.memory_space<vmem>>
      %dma_wait3A_577 = tpu.memref_squeeze %dma_wait3A_576 : memref<1x128xi32, #tpu.memory_space<vmem>> -> memref<128xi32, #tpu.memory_space<vmem>>
      %dma_wait3A_578 = tpu.memref_slice %arg3[%add3A_573] : memref<640000xi32, #tpu.memory_space<hbm>> -> memref<128xi32, #tpu.memory_space<hbm>>
      %dma_wait3A_579 = arith.constant 0 : i32
      %dma_wait3A_580 = tpu.memref_slice %arg7[%dma_wait3A_574, %dma_wait3A_579] : memref<2x128xi32, #tpu.memory_space<vmem>> -> memref<1x128xi32, #tpu.memory_space<vmem>>
      %dma_wait3A_581 = tpu.memref_squeeze %dma_wait3A_580 : memref<1x128xi32, #tpu.memory_space<vmem>> -> memref<128xi32, #tpu.memory_space<vmem>>
      %dma_wait3A_582 = tpu.memref_slice %arg3[%add3A_573] : memref<640000xi32, #tpu.memory_space<hbm>> -> memref<128xi32, #tpu.memory_space<hbm>>
      tpu.wait_dma2 semaphore(%arg16 : memref<!tpu.dma_semaphore, #tpu.memory_space<semaphore_mem>>) src(%dma_wait3A_582 : memref<128xi32, #tpu.memory_space<hbm>>) dst(%dma_wait3A_581 : memref<128xi32, #tpu.memory_space<vmem>>)
      %add3A_583 = arith.constant 320000 : i32
      %add3A_584 = arith.addi %add3A_583, %mul3A_2 : i32
      %mul3A_585 = arith.constant 128 : i32
      %mul3A_586 = arith.muli %add3A_570, %mul3A_585 : i32
      %add3A_587 = arith.addi %add3A_584, %mul3A_586 : i32
      %dma_wait3A_588 = arith.constant 1 : i32
      %dma_wait3A_589 = arith.constant 0 : i32
      %dma_wait3A_590 = tpu.memref_slice %arg7[%dma_wait3A_588, %dma_wait3A_589] : memref<2x128xi32, #tpu.memory_space<vmem>> -> memref<1x128xi32, #tpu.memory_space<vmem>>
      %dma_wait3A_591 = tpu.memref_squeeze %dma_wait3A_590 : memref<1x128xi32, #tpu.memory_space<vmem>> -> memref<128xi32, #tpu.memory_space<vmem>>
      %dma_wait3A_592 = tpu.memref_slice %arg3[%add3A_587] : memref<640000xi32, #tpu.memory_space<hbm>> -> memref<128xi32, #tpu.memory_space<hbm>>
      %dma_wait3A_593 = arith.constant 0 : i32
      %dma_wait3A_594 = tpu.memref_slice %arg7[%dma_wait3A_588, %dma_wait3A_593] : memref<2x128xi32, #tpu.memory_space<vmem>> -> memref<1x128xi32, #tpu.memory_space<vmem>>
      %dma_wait3A_595 = tpu.memref_squeeze %dma_wait3A_594 : memref<1x128xi32, #tpu.memory_space<vmem>> -> memref<128xi32, #tpu.memory_space<vmem>>
      %dma_wait3A_596 = tpu.memref_slice %arg3[%add3A_587] : memref<640000xi32, #tpu.memory_space<hbm>> -> memref<128xi32, #tpu.memory_space<hbm>>
      tpu.wait_dma2 semaphore(%arg16 : memref<!tpu.dma_semaphore, #tpu.memory_space<semaphore_mem>>) src(%dma_wait3A_596 : memref<128xi32, #tpu.memory_space<hbm>>) dst(%dma_wait3A_595 : memref<128xi32, #tpu.memory_space<vmem>>)
      %dma_start3A_597 = arith.constant 0 : i32
      %dma_start3A_598 = arith.constant 0 : i32
      %dma_start3A_599 = tpu.memref_slice %arg7[%dma_start3A_597, %dma_start3A_598] : memref<2x128xi32, #tpu.memory_space<vmem>> -> memref<1x128xi32, #tpu.memory_space<vmem>>
      %dma_start3A_600 = tpu.memref_squeeze %dma_start3A_599 : memref<1x128xi32, #tpu.memory_space<vmem>> -> memref<128xi32, #tpu.memory_space<vmem>>
      %dma_start3A_601 = arith.constant 0 : i32
      %dma_start3A_602 = arith.constant 0 : i32
      %dma_start3A_603 = tpu.memref_slice %arg2[%dma_start3A_601, %dma_start3A_602] : memref<10000x16xf32, #tpu.memory_space<hbm>> -> memref<10000x16xf32, #tpu.memory_space<hbm>>
      tpu.enqueue_indirect_dma source(%dma_start3A_603 : memref<10000x16xf32, #tpu.memory_space<hbm>>) target(%arg12 : memref<128x16xf32, #tpu.memory_space<vmem>>) offsets(%dma_start3A_600 : memref<128xi32, #tpu.memory_space<vmem>>) semaphore(%arg23 : memref<!tpu.dma_semaphore, #tpu.memory_space<semaphore_mem>>)
      %add3A_604 = arith.constant 2 : i32
      %add3A_605 = arith.addi %add3A_552, %add3A_604 : i32
      %mul3A_606 = arith.constant 128 : i32
      %mul3A_607 = arith.muli %add3A_605, %mul3A_606 : i32
      %add3A_608 = arith.addi %mul3A_2, %mul3A_607 : i32
      %dma_start3A_609 = arith.constant 0 : i32
      %dma_start3A_610 = arith.constant 0 : i32
      %dma_start3A_611 = tpu.memref_slice %arg8[%dma_start3A_609, %dma_start3A_610] : memref<2x128xi32, #tpu.memory_space<vmem>> -> memref<1x128xi32, #tpu.memory_space<vmem>>
      %dma_start3A_612 = tpu.memref_squeeze %dma_start3A_611 : memref<1x128xi32, #tpu.memory_space<vmem>> -> memref<128xi32, #tpu.memory_space<vmem>>
      %dma_start3A_613 = tpu.memref_slice %arg3[%add3A_608] : memref<640000xi32, #tpu.memory_space<hbm>> -> memref<128xi32, #tpu.memory_space<hbm>>
      %dma_start3A_614 = arith.constant 0 : i32
      %dma_start3A_615 = tpu.memref_slice %arg8[%dma_start3A_609, %dma_start3A_614] : memref<2x128xi32, #tpu.memory_space<vmem>> -> memref<1x128xi32, #tpu.memory_space<vmem>>
      %dma_start3A_616 = tpu.memref_squeeze %dma_start3A_615 : memref<1x128xi32, #tpu.memory_space<vmem>> -> memref<128xi32, #tpu.memory_space<vmem>>
      %dma_start3A_617 = tpu.memref_slice %arg3[%add3A_608] : memref<640000xi32, #tpu.memory_space<hbm>> -> memref<128xi32, #tpu.memory_space<hbm>>
      tpu.enqueue_dma source(%dma_start3A_617 : memref<128xi32, #tpu.memory_space<hbm>>) target(%dma_start3A_616 : memref<128xi32, #tpu.memory_space<vmem>>) target_semaphore(%arg17 : memref<!tpu.dma_semaphore, #tpu.memory_space<semaphore_mem>>)
      %add3A_618 = arith.constant 320000 : i32
      %add3A_619 = arith.addi %add3A_618, %mul3A_2 : i32
      %mul3A_620 = arith.constant 128 : i32
      %mul3A_621 = arith.muli %add3A_605, %mul3A_620 : i32
      %add3A_622 = arith.addi %add3A_619, %mul3A_621 : i32
      %dma_start3A_623 = arith.constant 1 : i32
      %dma_start3A_624 = arith.constant 0 : i32
      %dma_start3A_625 = tpu.memref_slice %arg8[%dma_start3A_623, %dma_start3A_624] : memref<2x128xi32, #tpu.memory_space<vmem>> -> memref<1x128xi32, #tpu.memory_space<vmem>>
      %dma_start3A_626 = tpu.memref_squeeze %dma_start3A_625 : memref<1x128xi32, #tpu.memory_space<vmem>> -> memref<128xi32, #tpu.memory_space<vmem>>
      %dma_start3A_627 = tpu.memref_slice %arg3[%add3A_622] : memref<640000xi32, #tpu.memory_space<hbm>> -> memref<128xi32, #tpu.memory_space<hbm>>
      %dma_start3A_628 = arith.constant 0 : i32
      %dma_start3A_629 = tpu.memref_slice %arg8[%dma_start3A_623, %dma_start3A_628] : memref<2x128xi32, #tpu.memory_space<vmem>> -> memref<1x128xi32, #tpu.memory_space<vmem>>
      %dma_start3A_630 = tpu.memref_squeeze %dma_start3A_629 : memref<1x128xi32, #tpu.memory_space<vmem>> -> memref<128xi32, #tpu.memory_space<vmem>>
      %dma_start3A_631 = tpu.memref_slice %arg3[%add3A_622] : memref<640000xi32, #tpu.memory_space<hbm>> -> memref<128xi32, #tpu.memory_space<hbm>>
      tpu.enqueue_dma source(%dma_start3A_631 : memref<128xi32, #tpu.memory_space<hbm>>) target(%dma_start3A_630 : memref<128xi32, #tpu.memory_space<vmem>>) target_semaphore(%arg17 : memref<!tpu.dma_semaphore, #tpu.memory_space<semaphore_mem>>)
      %mul3A_632 = arith.constant 4 : i32
      %mul3A_633 = arith.muli %scan3A_548, %mul3A_632 : i32
      %add3A_634 = arith.constant 1 : i32
      %add3A_635 = arith.addi %mul3A_633, %add3A_634 : i32
      %dma_wait3A_636 = arith.constant 0 : i32
      %dma_wait3A_637 = arith.constant 0 : i32
      %dma_wait3A_638 = tpu.memref_slice %arg7[%dma_wait3A_636, %dma_wait3A_637] : memref<2x128xi32, #tpu.memory_space<vmem>> -> memref<1x128xi32, #tpu.memory_space<vmem>>
      %dma_wait3A_639 = tpu.memref_squeeze %dma_wait3A_638 : memref<1x128xi32, #tpu.memory_space<vmem>> -> memref<128xi32, #tpu.memory_space<vmem>>
      %dma_wait3A_640 = arith.constant 0 : i32
      %dma_wait3A_641 = arith.constant 0 : i32
      %dma_wait3A_642 = tpu.memref_slice %arg2[%dma_wait3A_640, %dma_wait3A_641] : memref<10000x16xf32, #tpu.memory_space<hbm>> -> memref<10000x16xf32, #tpu.memory_space<hbm>>
      tpu.wait_indirect_dma semaphore(%arg23 : memref<!tpu.dma_semaphore, #tpu.memory_space<semaphore_mem>>) src(%dma_wait3A_642 : memref<10000x16xf32, #tpu.memory_space<hbm>>) dst(%arg12 : memref<128x16xf32, #tpu.memory_space<vmem>>)
      %dma_start3A_643 = arith.constant 1 : i32
      %dma_start3A_644 = arith.constant 0 : i32
      %dma_start3A_645 = tpu.memref_slice %arg7[%dma_start3A_643, %dma_start3A_644] : memref<2x128xi32, #tpu.memory_space<vmem>> -> memref<1x128xi32, #tpu.memory_space<vmem>>
      %dma_start3A_646 = tpu.memref_squeeze %dma_start3A_645 : memref<1x128xi32, #tpu.memory_space<vmem>> -> memref<128xi32, #tpu.memory_space<vmem>>
      %dma_start3A_647 = arith.constant 0 : i32
      %dma_start3A_648 = arith.constant 0 : i32
      %dma_start3A_649 = tpu.memref_slice %arg14[%dma_start3A_647, %dma_start3A_648] : memref<10240x16xf32, #tpu.memory_space<vmem_shared>> -> memref<10240x16xf32, #tpu.memory_space<vmem_shared>>
      tpu.enqueue_indirect_dma source(%arg12 : memref<128x16xf32, #tpu.memory_space<vmem>>) target(%dma_start3A_649 : memref<10240x16xf32, #tpu.memory_space<vmem_shared>>) offsets(%dma_start3A_646 : memref<128xi32, #tpu.memory_space<vmem>>) semaphore(%arg25 : memref<!tpu.dma_semaphore, #tpu.memory_space<semaphore_mem>>) {add = true}
      %dma_wait3A_650 = arith.constant 1 : i32
      %dma_wait3A_651 = arith.constant 0 : i32
      %dma_wait3A_652 = tpu.memref_slice %arg6[%dma_wait3A_650, %dma_wait3A_651] : memref<2x128xi32, #tpu.memory_space<vmem>> -> memref<1x128xi32, #tpu.memory_space<vmem>>
      %dma_wait3A_653 = tpu.memref_squeeze %dma_wait3A_652 : memref<1x128xi32, #tpu.memory_space<vmem>> -> memref<128xi32, #tpu.memory_space<vmem>>
      %dma_wait3A_654 = arith.constant 0 : i32
      %dma_wait3A_655 = arith.constant 0 : i32
      %dma_wait3A_656 = tpu.memref_slice %arg14[%dma_wait3A_654, %dma_wait3A_655] : memref<10240x16xf32, #tpu.memory_space<vmem_shared>> -> memref<10240x16xf32, #tpu.memory_space<vmem_shared>>
      tpu.wait_indirect_dma semaphore(%arg24 : memref<!tpu.dma_semaphore, #tpu.memory_space<semaphore_mem>>) src(%arg11 : memref<128x16xf32, #tpu.memory_space<vmem>>) dst(%dma_wait3A_656 : memref<10240x16xf32, #tpu.memory_space<vmem_shared>>)
      %add3A_657 = arith.constant 1 : i32
      %add3A_658 = arith.addi %add3A_635, %add3A_657 : i32
      %mul3A_659 = arith.constant 128 : i32
      %mul3A_660 = arith.muli %add3A_658, %mul3A_659 : i32
      %add3A_661 = arith.addi %mul3A_2, %mul3A_660 : i32
      %dma_wait3A_662 = arith.constant 0 : i32
      %dma_wait3A_663 = arith.constant 0 : i32
      %dma_wait3A_664 = tpu.memref_slice %arg8[%dma_wait3A_662, %dma_wait3A_663] : memref<2x128xi32, #tpu.memory_space<vmem>> -> memref<1x128xi32, #tpu.memory_space<vmem>>
      %dma_wait3A_665 = tpu.memref_squeeze %dma_wait3A_664 : memref<1x128xi32, #tpu.memory_space<vmem>> -> memref<128xi32, #tpu.memory_space<vmem>>
      %dma_wait3A_666 = tpu.memref_slice %arg3[%add3A_661] : memref<640000xi32, #tpu.memory_space<hbm>> -> memref<128xi32, #tpu.memory_space<hbm>>
      %dma_wait3A_667 = arith.constant 0 : i32
      %dma_wait3A_668 = tpu.memref_slice %arg8[%dma_wait3A_662, %dma_wait3A_667] : memref<2x128xi32, #tpu.memory_space<vmem>> -> memref<1x128xi32, #tpu.memory_space<vmem>>
      %dma_wait3A_669 = tpu.memref_squeeze %dma_wait3A_668 : memref<1x128xi32, #tpu.memory_space<vmem>> -> memref<128xi32, #tpu.memory_space<vmem>>
      %dma_wait3A_670 = tpu.memref_slice %arg3[%add3A_661] : memref<640000xi32, #tpu.memory_space<hbm>> -> memref<128xi32, #tpu.memory_space<hbm>>
      tpu.wait_dma2 semaphore(%arg17 : memref<!tpu.dma_semaphore, #tpu.memory_space<semaphore_mem>>) src(%dma_wait3A_670 : memref<128xi32, #tpu.memory_space<hbm>>) dst(%dma_wait3A_669 : memref<128xi32, #tpu.memory_space<vmem>>)
      %add3A_671 = arith.constant 320000 : i32
      %add3A_672 = arith.addi %add3A_671, %mul3A_2 : i32
      %mul3A_673 = arith.constant 128 : i32
      %mul3A_674 = arith.muli %add3A_658, %mul3A_673 : i32
      %add3A_675 = arith.addi %add3A_672, %mul3A_674 : i32
      %dma_wait3A_676 = arith.constant 1 : i32
      %dma_wait3A_677 = arith.constant 0 : i32
      %dma_wait3A_678 = tpu.memref_slice %arg8[%dma_wait3A_676, %dma_wait3A_677] : memref<2x128xi32, #tpu.memory_space<vmem>> -> memref<1x128xi32, #tpu.memory_space<vmem>>
      %dma_wait3A_679 = tpu.memref_squeeze %dma_wait3A_678 : memref<1x128xi32, #tpu.memory_space<vmem>> -> memref<128xi32, #tpu.memory_space<vmem>>
      %dma_wait3A_680 = tpu.memref_slice %arg3[%add3A_675] : memref<640000xi32, #tpu.memory_space<hbm>> -> memref<128xi32, #tpu.memory_space<hbm>>
      %dma_wait3A_681 = arith.constant 0 : i32
      %dma_wait3A_682 = tpu.memref_slice %arg8[%dma_wait3A_676, %dma_wait3A_681] : memref<2x128xi32, #tpu.memory_space<vmem>> -> memref<1x128xi32, #tpu.memory_space<vmem>>
      %dma_wait3A_683 = tpu.memref_squeeze %dma_wait3A_682 : memref<1x128xi32, #tpu.memory_space<vmem>> -> memref<128xi32, #tpu.memory_space<vmem>>
      %dma_wait3A_684 = tpu.memref_slice %arg3[%add3A_675] : memref<640000xi32, #tpu.memory_space<hbm>> -> memref<128xi32, #tpu.memory_space<hbm>>
      tpu.wait_dma2 semaphore(%arg17 : memref<!tpu.dma_semaphore, #tpu.memory_space<semaphore_mem>>) src(%dma_wait3A_684 : memref<128xi32, #tpu.memory_space<hbm>>) dst(%dma_wait3A_683 : memref<128xi32, #tpu.memory_space<vmem>>)
      %dma_start3A_685 = arith.constant 0 : i32
      %dma_start3A_686 = arith.constant 0 : i32
      %dma_start3A_687 = tpu.memref_slice %arg8[%dma_start3A_685, %dma_start3A_686] : memref<2x128xi32, #tpu.memory_space<vmem>> -> memref<1x128xi32, #tpu.memory_space<vmem>>
      %dma_start3A_688 = tpu.memref_squeeze %dma_start3A_687 : memref<1x128xi32, #tpu.memory_space<vmem>> -> memref<128xi32, #tpu.memory_space<vmem>>
      %dma_start3A_689 = arith.constant 0 : i32
      %dma_start3A_690 = arith.constant 0 : i32
      %dma_start3A_691 = tpu.memref_slice %arg2[%dma_start3A_689, %dma_start3A_690] : memref<10000x16xf32, #tpu.memory_space<hbm>> -> memref<10000x16xf32, #tpu.memory_space<hbm>>
      tpu.enqueue_indirect_dma source(%dma_start3A_691 : memref<10000x16xf32, #tpu.memory_space<hbm>>) target(%arg11 : memref<128x16xf32, #tpu.memory_space<vmem>>) offsets(%dma_start3A_688 : memref<128xi32, #tpu.memory_space<vmem>>) semaphore(%arg22 : memref<!tpu.dma_semaphore, #tpu.memory_space<semaphore_mem>>)
      %add3A_692 = arith.constant 2 : i32
      %add3A_693 = arith.addi %add3A_635, %add3A_692 : i32
      %mul3A_694 = arith.constant 128 : i32
      %mul3A_695 = arith.muli %add3A_693, %mul3A_694 : i32
      %add3A_696 = arith.addi %mul3A_2, %mul3A_695 : i32
      %dma_start3A_697 = arith.constant 0 : i32
      %dma_start3A_698 = arith.constant 0 : i32
      %dma_start3A_699 = tpu.memref_slice %arg9[%dma_start3A_697, %dma_start3A_698] : memref<2x128xi32, #tpu.memory_space<vmem>> -> memref<1x128xi32, #tpu.memory_space<vmem>>
      %dma_start3A_700 = tpu.memref_squeeze %dma_start3A_699 : memref<1x128xi32, #tpu.memory_space<vmem>> -> memref<128xi32, #tpu.memory_space<vmem>>
      %dma_start3A_701 = tpu.memref_slice %arg3[%add3A_696] : memref<640000xi32, #tpu.memory_space<hbm>> -> memref<128xi32, #tpu.memory_space<hbm>>
      %dma_start3A_702 = arith.constant 0 : i32
      %dma_start3A_703 = tpu.memref_slice %arg9[%dma_start3A_697, %dma_start3A_702] : memref<2x128xi32, #tpu.memory_space<vmem>> -> memref<1x128xi32, #tpu.memory_space<vmem>>
      %dma_start3A_704 = tpu.memref_squeeze %dma_start3A_703 : memref<1x128xi32, #tpu.memory_space<vmem>> -> memref<128xi32, #tpu.memory_space<vmem>>
      %dma_start3A_705 = tpu.memref_slice %arg3[%add3A_696] : memref<640000xi32, #tpu.memory_space<hbm>> -> memref<128xi32, #tpu.memory_space<hbm>>
      tpu.enqueue_dma source(%dma_start3A_705 : memref<128xi32, #tpu.memory_space<hbm>>) target(%dma_start3A_704 : memref<128xi32, #tpu.memory_space<vmem>>) target_semaphore(%arg18 : memref<!tpu.dma_semaphore, #tpu.memory_space<semaphore_mem>>)
      %add3A_706 = arith.constant 320000 : i32
      %add3A_707 = arith.addi %add3A_706, %mul3A_2 : i32
      %mul3A_708 = arith.constant 128 : i32
      %mul3A_709 = arith.muli %add3A_693, %mul3A_708 : i32
      %add3A_710 = arith.addi %add3A_707, %mul3A_709 : i32
      %dma_start3A_711 = arith.constant 1 : i32
      %dma_start3A_712 = arith.constant 0 : i32
      %dma_start3A_713 = tpu.memref_slice %arg9[%dma_start3A_711, %dma_start3A_712] : memref<2x128xi32, #tpu.memory_space<vmem>> -> memref<1x128xi32, #tpu.memory_space<vmem>>
      %dma_start3A_714 = tpu.memref_squeeze %dma_start3A_713 : memref<1x128xi32, #tpu.memory_space<vmem>> -> memref<128xi32, #tpu.memory_space<vmem>>
      %dma_start3A_715 = tpu.memref_slice %arg3[%add3A_710] : memref<640000xi32, #tpu.memory_space<hbm>> -> memref<128xi32, #tpu.memory_space<hbm>>
      %dma_start3A_716 = arith.constant 0 : i32
      %dma_start3A_717 = tpu.memref_slice %arg9[%dma_start3A_711, %dma_start3A_716] : memref<2x128xi32, #tpu.memory_space<vmem>> -> memref<1x128xi32, #tpu.memory_space<vmem>>
      %dma_start3A_718 = tpu.memref_squeeze %dma_start3A_717 : memref<1x128xi32, #tpu.memory_space<vmem>> -> memref<128xi32, #tpu.memory_space<vmem>>
      %dma_start3A_719 = tpu.memref_slice %arg3[%add3A_710] : memref<640000xi32, #tpu.memory_space<hbm>> -> memref<128xi32, #tpu.memory_space<hbm>>
      tpu.enqueue_dma source(%dma_start3A_719 : memref<128xi32, #tpu.memory_space<hbm>>) target(%dma_start3A_718 : memref<128xi32, #tpu.memory_space<vmem>>) target_semaphore(%arg18 : memref<!tpu.dma_semaphore, #tpu.memory_space<semaphore_mem>>)
      %mul3A_720 = arith.constant 4 : i32
      %mul3A_721 = arith.muli %scan3A_548, %mul3A_720 : i32
      %add3A_722 = arith.constant 2 : i32
      %add3A_723 = arith.addi %mul3A_721, %add3A_722 : i32
      %dma_wait3A_724 = arith.constant 0 : i32
      %dma_wait3A_725 = arith.constant 0 : i32
      %dma_wait3A_726 = tpu.memref_slice %arg8[%dma_wait3A_724, %dma_wait3A_725] : memref<2x128xi32, #tpu.memory_space<vmem>> -> memref<1x128xi32, #tpu.memory_space<vmem>>
      %dma_wait3A_727 = tpu.memref_squeeze %dma_wait3A_726 : memref<1x128xi32, #tpu.memory_space<vmem>> -> memref<128xi32, #tpu.memory_space<vmem>>
      %dma_wait3A_728 = arith.constant 0 : i32
      %dma_wait3A_729 = arith.constant 0 : i32
      %dma_wait3A_730 = tpu.memref_slice %arg2[%dma_wait3A_728, %dma_wait3A_729] : memref<10000x16xf32, #tpu.memory_space<hbm>> -> memref<10000x16xf32, #tpu.memory_space<hbm>>
      tpu.wait_indirect_dma semaphore(%arg22 : memref<!tpu.dma_semaphore, #tpu.memory_space<semaphore_mem>>) src(%dma_wait3A_730 : memref<10000x16xf32, #tpu.memory_space<hbm>>) dst(%arg11 : memref<128x16xf32, #tpu.memory_space<vmem>>)
      %dma_start3A_731 = arith.constant 1 : i32
      %dma_start3A_732 = arith.constant 0 : i32
      %dma_start3A_733 = tpu.memref_slice %arg8[%dma_start3A_731, %dma_start3A_732] : memref<2x128xi32, #tpu.memory_space<vmem>> -> memref<1x128xi32, #tpu.memory_space<vmem>>
      %dma_start3A_734 = tpu.memref_squeeze %dma_start3A_733 : memref<1x128xi32, #tpu.memory_space<vmem>> -> memref<128xi32, #tpu.memory_space<vmem>>
      %dma_start3A_735 = arith.constant 0 : i32
      %dma_start3A_736 = arith.constant 0 : i32
      %dma_start3A_737 = tpu.memref_slice %arg14[%dma_start3A_735, %dma_start3A_736] : memref<10240x16xf32, #tpu.memory_space<vmem_shared>> -> memref<10240x16xf32, #tpu.memory_space<vmem_shared>>
      tpu.enqueue_indirect_dma source(%arg11 : memref<128x16xf32, #tpu.memory_space<vmem>>) target(%dma_start3A_737 : memref<10240x16xf32, #tpu.memory_space<vmem_shared>>) offsets(%dma_start3A_734 : memref<128xi32, #tpu.memory_space<vmem>>) semaphore(%arg24 : memref<!tpu.dma_semaphore, #tpu.memory_space<semaphore_mem>>) {add = true}
      %dma_wait3A_738 = arith.constant 1 : i32
      %dma_wait3A_739 = arith.constant 0 : i32
      %dma_wait3A_740 = tpu.memref_slice %arg7[%dma_wait3A_738, %dma_wait3A_739] : memref<2x128xi32, #tpu.memory_space<vmem>> -> memref<1x128xi32, #tpu.memory_space<vmem>>
      %dma_wait3A_741 = tpu.memref_squeeze %dma_wait3A_740 : memref<1x128xi32, #tpu.memory_space<vmem>> -> memref<128xi32, #tpu.memory_space<vmem>>
      %dma_wait3A_742 = arith.constant 0 : i32
      %dma_wait3A_743 = arith.constant 0 : i32
      %dma_wait3A_744 = tpu.memref_slice %arg14[%dma_wait3A_742, %dma_wait3A_743] : memref<10240x16xf32, #tpu.memory_space<vmem_shared>> -> memref<10240x16xf32, #tpu.memory_space<vmem_shared>>
      tpu.wait_indirect_dma semaphore(%arg25 : memref<!tpu.dma_semaphore, #tpu.memory_space<semaphore_mem>>) src(%arg12 : memref<128x16xf32, #tpu.memory_space<vmem>>) dst(%dma_wait3A_744 : memref<10240x16xf32, #tpu.memory_space<vmem_shared>>)
      %add3A_745 = arith.constant 1 : i32
      %add3A_746 = arith.addi %add3A_723, %add3A_745 : i32
      %mul3A_747 = arith.constant 128 : i32
      %mul3A_748 = arith.muli %add3A_746, %mul3A_747 : i32
      %add3A_749 = arith.addi %mul3A_2, %mul3A_748 : i32
      %dma_wait3A_750 = arith.constant 0 : i32
      %dma_wait3A_751 = arith.constant 0 : i32
      %dma_wait3A_752 = tpu.memref_slice %arg9[%dma_wait3A_750, %dma_wait3A_751] : memref<2x128xi32, #tpu.memory_space<vmem>> -> memref<1x128xi32, #tpu.memory_space<vmem>>
      %dma_wait3A_753 = tpu.memref_squeeze %dma_wait3A_752 : memref<1x128xi32, #tpu.memory_space<vmem>> -> memref<128xi32, #tpu.memory_space<vmem>>
      %dma_wait3A_754 = tpu.memref_slice %arg3[%add3A_749] : memref<640000xi32, #tpu.memory_space<hbm>> -> memref<128xi32, #tpu.memory_space<hbm>>
      %dma_wait3A_755 = arith.constant 0 : i32
      %dma_wait3A_756 = tpu.memref_slice %arg9[%dma_wait3A_750, %dma_wait3A_755] : memref<2x128xi32, #tpu.memory_space<vmem>> -> memref<1x128xi32, #tpu.memory_space<vmem>>
      %dma_wait3A_757 = tpu.memref_squeeze %dma_wait3A_756 : memref<1x128xi32, #tpu.memory_space<vmem>> -> memref<128xi32, #tpu.memory_space<vmem>>
      %dma_wait3A_758 = tpu.memref_slice %arg3[%add3A_749] : memref<640000xi32, #tpu.memory_space<hbm>> -> memref<128xi32, #tpu.memory_space<hbm>>
      tpu.wait_dma2 semaphore(%arg18 : memref<!tpu.dma_semaphore, #tpu.memory_space<semaphore_mem>>) src(%dma_wait3A_758 : memref<128xi32, #tpu.memory_space<hbm>>) dst(%dma_wait3A_757 : memref<128xi32, #tpu.memory_space<vmem>>)
      %add3A_759 = arith.constant 320000 : i32
      %add3A_760 = arith.addi %add3A_759, %mul3A_2 : i32
      %mul3A_761 = arith.constant 128 : i32
      %mul3A_762 = arith.muli %add3A_746, %mul3A_761 : i32
      %add3A_763 = arith.addi %add3A_760, %mul3A_762 : i32
      %dma_wait3A_764 = arith.constant 1 : i32
      %dma_wait3A_765 = arith.constant 0 : i32
      %dma_wait3A_766 = tpu.memref_slice %arg9[%dma_wait3A_764, %dma_wait3A_765] : memref<2x128xi32, #tpu.memory_space<vmem>> -> memref<1x128xi32, #tpu.memory_space<vmem>>
      %dma_wait3A_767 = tpu.memref_squeeze %dma_wait3A_766 : memref<1x128xi32, #tpu.memory_space<vmem>> -> memref<128xi32, #tpu.memory_space<vmem>>
      %dma_wait3A_768 = tpu.memref_slice %arg3[%add3A_763] : memref<640000xi32, #tpu.memory_space<hbm>> -> memref<128xi32, #tpu.memory_space<hbm>>
      %dma_wait3A_769 = arith.constant 0 : i32
      %dma_wait3A_770 = tpu.memref_slice %arg9[%dma_wait3A_764, %dma_wait3A_769] : memref<2x128xi32, #tpu.memory_space<vmem>> -> memref<1x128xi32, #tpu.memory_space<vmem>>
      %dma_wait3A_771 = tpu.memref_squeeze %dma_wait3A_770 : memref<1x128xi32, #tpu.memory_space<vmem>> -> memref<128xi32, #tpu.memory_space<vmem>>
      %dma_wait3A_772 = tpu.memref_slice %arg3[%add3A_763] : memref<640000xi32, #tpu.memory_space<hbm>> -> memref<128xi32, #tpu.memory_space<hbm>>
      tpu.wait_dma2 semaphore(%arg18 : memref<!tpu.dma_semaphore, #tpu.memory_space<semaphore_mem>>) src(%dma_wait3A_772 : memref<128xi32, #tpu.memory_space<hbm>>) dst(%dma_wait3A_771 : memref<128xi32, #tpu.memory_space<vmem>>)
      %dma_start3A_773 = arith.constant 0 : i32
      %dma_start3A_774 = arith.constant 0 : i32
      %dma_start3A_775 = tpu.memref_slice %arg9[%dma_start3A_773, %dma_start3A_774] : memref<2x128xi32, #tpu.memory_space<vmem>> -> memref<1x128xi32, #tpu.memory_space<vmem>>
      %dma_start3A_776 = tpu.memref_squeeze %dma_start3A_775 : memref<1x128xi32, #tpu.memory_space<vmem>> -> memref<128xi32, #tpu.memory_space<vmem>>
      %dma_start3A_777 = arith.constant 0 : i32
      %dma_start3A_778 = arith.constant 0 : i32
      %dma_start3A_779 = tpu.memref_slice %arg2[%dma_start3A_777, %dma_start3A_778] : memref<10000x16xf32, #tpu.memory_space<hbm>> -> memref<10000x16xf32, #tpu.memory_space<hbm>>
      tpu.enqueue_indirect_dma source(%dma_start3A_779 : memref<10000x16xf32, #tpu.memory_space<hbm>>) target(%arg12 : memref<128x16xf32, #tpu.memory_space<vmem>>) offsets(%dma_start3A_776 : memref<128xi32, #tpu.memory_space<vmem>>) semaphore(%arg23 : memref<!tpu.dma_semaphore, #tpu.memory_space<semaphore_mem>>)
      %add3A_780 = arith.constant 2 : i32
      %add3A_781 = arith.addi %add3A_723, %add3A_780 : i32
      %mul3A_782 = arith.constant 128 : i32
      %mul3A_783 = arith.muli %add3A_781, %mul3A_782 : i32
      %add3A_784 = arith.addi %mul3A_2, %mul3A_783 : i32
      %dma_start3A_785 = arith.constant 0 : i32
      %dma_start3A_786 = arith.constant 0 : i32
      %dma_start3A_787 = tpu.memref_slice %arg6[%dma_start3A_785, %dma_start3A_786] : memref<2x128xi32, #tpu.memory_space<vmem>> -> memref<1x128xi32, #tpu.memory_space<vmem>>
      %dma_start3A_788 = tpu.memref_squeeze %dma_start3A_787 : memref<1x128xi32, #tpu.memory_space<vmem>> -> memref<128xi32, #tpu.memory_space<vmem>>
      %dma_start3A_789 = tpu.memref_slice %arg3[%add3A_784] : memref<640000xi32, #tpu.memory_space<hbm>> -> memref<128xi32, #tpu.memory_space<hbm>>
      %dma_start3A_790 = arith.constant 0 : i32
      %dma_start3A_791 = tpu.memref_slice %arg6[%dma_start3A_785, %dma_start3A_790] : memref<2x128xi32, #tpu.memory_space<vmem>> -> memref<1x128xi32, #tpu.memory_space<vmem>>
      %dma_start3A_792 = tpu.memref_squeeze %dma_start3A_791 : memref<1x128xi32, #tpu.memory_space<vmem>> -> memref<128xi32, #tpu.memory_space<vmem>>
      %dma_start3A_793 = tpu.memref_slice %arg3[%add3A_784] : memref<640000xi32, #tpu.memory_space<hbm>> -> memref<128xi32, #tpu.memory_space<hbm>>
      tpu.enqueue_dma source(%dma_start3A_793 : memref<128xi32, #tpu.memory_space<hbm>>) target(%dma_start3A_792 : memref<128xi32, #tpu.memory_space<vmem>>) target_semaphore(%arg15 : memref<!tpu.dma_semaphore, #tpu.memory_space<semaphore_mem>>)
      %add3A_794 = arith.constant 320000 : i32
      %add3A_795 = arith.addi %add3A_794, %mul3A_2 : i32
      %mul3A_796 = arith.constant 128 : i32
      %mul3A_797 = arith.muli %add3A_781, %mul3A_796 : i32
      %add3A_798 = arith.addi %add3A_795, %mul3A_797 : i32
      %dma_start3A_799 = arith.constant 1 : i32
      %dma_start3A_800 = arith.constant 0 : i32
      %dma_start3A_801 = tpu.memref_slice %arg6[%dma_start3A_799, %dma_start3A_800] : memref<2x128xi32, #tpu.memory_space<vmem>> -> memref<1x128xi32, #tpu.memory_space<vmem>>
      %dma_start3A_802 = tpu.memref_squeeze %dma_start3A_801 : memref<1x128xi32, #tpu.memory_space<vmem>> -> memref<128xi32, #tpu.memory_space<vmem>>
      %dma_start3A_803 = tpu.memref_slice %arg3[%add3A_798] : memref<640000xi32, #tpu.memory_space<hbm>> -> memref<128xi32, #tpu.memory_space<hbm>>
      %dma_start3A_804 = arith.constant 0 : i32
      %dma_start3A_805 = tpu.memref_slice %arg6[%dma_start3A_799, %dma_start3A_804] : memref<2x128xi32, #tpu.memory_space<vmem>> -> memref<1x128xi32, #tpu.memory_space<vmem>>
      %dma_start3A_806 = tpu.memref_squeeze %dma_start3A_805 : memref<1x128xi32, #tpu.memory_space<vmem>> -> memref<128xi32, #tpu.memory_space<vmem>>
      %dma_start3A_807 = tpu.memref_slice %arg3[%add3A_798] : memref<640000xi32, #tpu.memory_space<hbm>> -> memref<128xi32, #tpu.memory_space<hbm>>
      tpu.enqueue_dma source(%dma_start3A_807 : memref<128xi32, #tpu.memory_space<hbm>>) target(%dma_start3A_806 : memref<128xi32, #tpu.memory_space<vmem>>) target_semaphore(%arg15 : memref<!tpu.dma_semaphore, #tpu.memory_space<semaphore_mem>>)
      %mul3A_808 = arith.constant 4 : i32
      %mul3A_809 = arith.muli %scan3A_548, %mul3A_808 : i32
      %add3A_810 = arith.constant 3 : i32
      %add3A_811 = arith.addi %mul3A_809, %add3A_810 : i32
      %dma_wait3A_812 = arith.constant 0 : i32
      %dma_wait3A_813 = arith.constant 0 : i32
      %dma_wait3A_814 = tpu.memref_slice %arg9[%dma_wait3A_812, %dma_wait3A_813] : memref<2x128xi32, #tpu.memory_space<vmem>> -> memref<1x128xi32, #tpu.memory_space<vmem>>
      %dma_wait3A_815 = tpu.memref_squeeze %dma_wait3A_814 : memref<1x128xi32, #tpu.memory_space<vmem>> -> memref<128xi32, #tpu.memory_space<vmem>>
      %dma_wait3A_816 = arith.constant 0 : i32
      %dma_wait3A_817 = arith.constant 0 : i32
      %dma_wait3A_818 = tpu.memref_slice %arg2[%dma_wait3A_816, %dma_wait3A_817] : memref<10000x16xf32, #tpu.memory_space<hbm>> -> memref<10000x16xf32, #tpu.memory_space<hbm>>
      tpu.wait_indirect_dma semaphore(%arg23 : memref<!tpu.dma_semaphore, #tpu.memory_space<semaphore_mem>>) src(%dma_wait3A_818 : memref<10000x16xf32, #tpu.memory_space<hbm>>) dst(%arg12 : memref<128x16xf32, #tpu.memory_space<vmem>>)
      %dma_start3A_819 = arith.constant 1 : i32
      %dma_start3A_820 = arith.constant 0 : i32
      %dma_start3A_821 = tpu.memref_slice %arg9[%dma_start3A_819, %dma_start3A_820] : memref<2x128xi32, #tpu.memory_space<vmem>> -> memref<1x128xi32, #tpu.memory_space<vmem>>
      %dma_start3A_822 = tpu.memref_squeeze %dma_start3A_821 : memref<1x128xi32, #tpu.memory_space<vmem>> -> memref<128xi32, #tpu.memory_space<vmem>>
      %dma_start3A_823 = arith.constant 0 : i32
      %dma_start3A_824 = arith.constant 0 : i32
      %dma_start3A_825 = tpu.memref_slice %arg14[%dma_start3A_823, %dma_start3A_824] : memref<10240x16xf32, #tpu.memory_space<vmem_shared>> -> memref<10240x16xf32, #tpu.memory_space<vmem_shared>>
      tpu.enqueue_indirect_dma source(%arg12 : memref<128x16xf32, #tpu.memory_space<vmem>>) target(%dma_start3A_825 : memref<10240x16xf32, #tpu.memory_space<vmem_shared>>) offsets(%dma_start3A_822 : memref<128xi32, #tpu.memory_space<vmem>>) semaphore(%arg25 : memref<!tpu.dma_semaphore, #tpu.memory_space<semaphore_mem>>) {add = true}
      %dma_wait3A_826 = arith.constant 1 : i32
      %dma_wait3A_827 = arith.constant 0 : i32
      %dma_wait3A_828 = tpu.memref_slice %arg8[%dma_wait3A_826, %dma_wait3A_827] : memref<2x128xi32, #tpu.memory_space<vmem>> -> memref<1x128xi32, #tpu.memory_space<vmem>>
      %dma_wait3A_829 = tpu.memref_squeeze %dma_wait3A_828 : memref<1x128xi32, #tpu.memory_space<vmem>> -> memref<128xi32, #tpu.memory_space<vmem>>
      %dma_wait3A_830 = arith.constant 0 : i32
      %dma_wait3A_831 = arith.constant 0 : i32
      %dma_wait3A_832 = tpu.memref_slice %arg14[%dma_wait3A_830, %dma_wait3A_831] : memref<10240x16xf32, #tpu.memory_space<vmem_shared>> -> memref<10240x16xf32, #tpu.memory_space<vmem_shared>>
      tpu.wait_indirect_dma semaphore(%arg24 : memref<!tpu.dma_semaphore, #tpu.memory_space<semaphore_mem>>) src(%arg11 : memref<128x16xf32, #tpu.memory_space<vmem>>) dst(%dma_wait3A_832 : memref<10240x16xf32, #tpu.memory_space<vmem_shared>>)
      %add3A_833 = arith.constant 1 : i32
      %add3A_834 = arith.addi %add3A_811, %add3A_833 : i32
      %mul3A_835 = arith.constant 128 : i32
      %mul3A_836 = arith.muli %add3A_834, %mul3A_835 : i32
      %add3A_837 = arith.addi %mul3A_2, %mul3A_836 : i32
      %dma_wait3A_838 = arith.constant 0 : i32
      %dma_wait3A_839 = arith.constant 0 : i32
      %dma_wait3A_840 = tpu.memref_slice %arg6[%dma_wait3A_838, %dma_wait3A_839] : memref<2x128xi32, #tpu.memory_space<vmem>> -> memref<1x128xi32, #tpu.memory_space<vmem>>
      %dma_wait3A_841 = tpu.memref_squeeze %dma_wait3A_840 : memref<1x128xi32, #tpu.memory_space<vmem>> -> memref<128xi32, #tpu.memory_space<vmem>>
      %dma_wait3A_842 = tpu.memref_slice %arg3[%add3A_837] : memref<640000xi32, #tpu.memory_space<hbm>> -> memref<128xi32, #tpu.memory_space<hbm>>
      %dma_wait3A_843 = arith.constant 0 : i32
      %dma_wait3A_844 = tpu.memref_slice %arg6[%dma_wait3A_838, %dma_wait3A_843] : memref<2x128xi32, #tpu.memory_space<vmem>> -> memref<1x128xi32, #tpu.memory_space<vmem>>
      %dma_wait3A_845 = tpu.memref_squeeze %dma_wait3A_844 : memref<1x128xi32, #tpu.memory_space<vmem>> -> memref<128xi32, #tpu.memory_space<vmem>>
      %dma_wait3A_846 = tpu.memref_slice %arg3[%add3A_837] : memref<640000xi32, #tpu.memory_space<hbm>> -> memref<128xi32, #tpu.memory_space<hbm>>
      tpu.wait_dma2 semaphore(%arg15 : memref<!tpu.dma_semaphore, #tpu.memory_space<semaphore_mem>>) src(%dma_wait3A_846 : memref<128xi32, #tpu.memory_space<hbm>>) dst(%dma_wait3A_845 : memref<128xi32, #tpu.memory_space<vmem>>)
      %add3A_847 = arith.constant 320000 : i32
      %add3A_848 = arith.addi %add3A_847, %mul3A_2 : i32
      %mul3A_849 = arith.constant 128 : i32
      %mul3A_850 = arith.muli %add3A_834, %mul3A_849 : i32
      %add3A_851 = arith.addi %add3A_848, %mul3A_850 : i32
      %dma_wait3A_852 = arith.constant 1 : i32
      %dma_wait3A_853 = arith.constant 0 : i32
      %dma_wait3A_854 = tpu.memref_slice %arg6[%dma_wait3A_852, %dma_wait3A_853] : memref<2x128xi32, #tpu.memory_space<vmem>> -> memref<1x128xi32, #tpu.memory_space<vmem>>
      %dma_wait3A_855 = tpu.memref_squeeze %dma_wait3A_854 : memref<1x128xi32, #tpu.memory_space<vmem>> -> memref<128xi32, #tpu.memory_space<vmem>>
      %dma_wait3A_856 = tpu.memref_slice %arg3[%add3A_851] : memref<640000xi32, #tpu.memory_space<hbm>> -> memref<128xi32, #tpu.memory_space<hbm>>
      %dma_wait3A_857 = arith.constant 0 : i32
      %dma_wait3A_858 = tpu.memref_slice %arg6[%dma_wait3A_852, %dma_wait3A_857] : memref<2x128xi32, #tpu.memory_space<vmem>> -> memref<1x128xi32, #tpu.memory_space<vmem>>
      %dma_wait3A_859 = tpu.memref_squeeze %dma_wait3A_858 : memref<1x128xi32, #tpu.memory_space<vmem>> -> memref<128xi32, #tpu.memory_space<vmem>>
      %dma_wait3A_860 = tpu.memref_slice %arg3[%add3A_851] : memref<640000xi32, #tpu.memory_space<hbm>> -> memref<128xi32, #tpu.memory_space<hbm>>
      tpu.wait_dma2 semaphore(%arg15 : memref<!tpu.dma_semaphore, #tpu.memory_space<semaphore_mem>>) src(%dma_wait3A_860 : memref<128xi32, #tpu.memory_space<hbm>>) dst(%dma_wait3A_859 : memref<128xi32, #tpu.memory_space<vmem>>)
      %dma_start3A_861 = arith.constant 0 : i32
      %dma_start3A_862 = arith.constant 0 : i32
      %dma_start3A_863 = tpu.memref_slice %arg6[%dma_start3A_861, %dma_start3A_862] : memref<2x128xi32, #tpu.memory_space<vmem>> -> memref<1x128xi32, #tpu.memory_space<vmem>>
      %dma_start3A_864 = tpu.memref_squeeze %dma_start3A_863 : memref<1x128xi32, #tpu.memory_space<vmem>> -> memref<128xi32, #tpu.memory_space<vmem>>
      %dma_start3A_865 = arith.constant 0 : i32
      %dma_start3A_866 = arith.constant 0 : i32
      %dma_start3A_867 = tpu.memref_slice %arg2[%dma_start3A_865, %dma_start3A_866] : memref<10000x16xf32, #tpu.memory_space<hbm>> -> memref<10000x16xf32, #tpu.memory_space<hbm>>
      tpu.enqueue_indirect_dma source(%dma_start3A_867 : memref<10000x16xf32, #tpu.memory_space<hbm>>) target(%arg11 : memref<128x16xf32, #tpu.memory_space<vmem>>) offsets(%dma_start3A_864 : memref<128xi32, #tpu.memory_space<vmem>>) semaphore(%arg22 : memref<!tpu.dma_semaphore, #tpu.memory_space<semaphore_mem>>)
      %add3A_868 = arith.constant 2 : i32
      %add3A_869 = arith.addi %add3A_811, %add3A_868 : i32
      %mul3A_870 = arith.constant 128 : i32
      %mul3A_871 = arith.muli %add3A_869, %mul3A_870 : i32
      %add3A_872 = arith.addi %mul3A_2, %mul3A_871 : i32
      %dma_start3A_873 = arith.constant 0 : i32
      %dma_start3A_874 = arith.constant 0 : i32
      %dma_start3A_875 = tpu.memref_slice %arg7[%dma_start3A_873, %dma_start3A_874] : memref<2x128xi32, #tpu.memory_space<vmem>> -> memref<1x128xi32, #tpu.memory_space<vmem>>
      %dma_start3A_876 = tpu.memref_squeeze %dma_start3A_875 : memref<1x128xi32, #tpu.memory_space<vmem>> -> memref<128xi32, #tpu.memory_space<vmem>>
      %dma_start3A_877 = tpu.memref_slice %arg3[%add3A_872] : memref<640000xi32, #tpu.memory_space<hbm>> -> memref<128xi32, #tpu.memory_space<hbm>>
      %dma_start3A_878 = arith.constant 0 : i32
      %dma_start3A_879 = tpu.memref_slice %arg7[%dma_start3A_873, %dma_start3A_878] : memref<2x128xi32, #tpu.memory_space<vmem>> -> memref<1x128xi32, #tpu.memory_space<vmem>>
      %dma_start3A_880 = tpu.memref_squeeze %dma_start3A_879 : memref<1x128xi32, #tpu.memory_space<vmem>> -> memref<128xi32, #tpu.memory_space<vmem>>
      %dma_start3A_881 = tpu.memref_slice %arg3[%add3A_872] : memref<640000xi32, #tpu.memory_space<hbm>> -> memref<128xi32, #tpu.memory_space<hbm>>
      tpu.enqueue_dma source(%dma_start3A_881 : memref<128xi32, #tpu.memory_space<hbm>>) target(%dma_start3A_880 : memref<128xi32, #tpu.memory_space<vmem>>) target_semaphore(%arg16 : memref<!tpu.dma_semaphore, #tpu.memory_space<semaphore_mem>>)
      %add3A_882 = arith.constant 320000 : i32
      %add3A_883 = arith.addi %add3A_882, %mul3A_2 : i32
      %mul3A_884 = arith.constant 128 : i32
      %mul3A_885 = arith.muli %add3A_869, %mul3A_884 : i32
      %add3A_886 = arith.addi %add3A_883, %mul3A_885 : i32
      %dma_start3A_887 = arith.constant 1 : i32
      %dma_start3A_888 = arith.constant 0 : i32
      %dma_start3A_889 = tpu.memref_slice %arg7[%dma_start3A_887, %dma_start3A_888] : memref<2x128xi32, #tpu.memory_space<vmem>> -> memref<1x128xi32, #tpu.memory_space<vmem>>
      %dma_start3A_890 = tpu.memref_squeeze %dma_start3A_889 : memref<1x128xi32, #tpu.memory_space<vmem>> -> memref<128xi32, #tpu.memory_space<vmem>>
      %dma_start3A_891 = tpu.memref_slice %arg3[%add3A_886] : memref<640000xi32, #tpu.memory_space<hbm>> -> memref<128xi32, #tpu.memory_space<hbm>>
      %dma_start3A_892 = arith.constant 0 : i32
      %dma_start3A_893 = tpu.memref_slice %arg7[%dma_start3A_887, %dma_start3A_892] : memref<2x128xi32, #tpu.memory_space<vmem>> -> memref<1x128xi32, #tpu.memory_space<vmem>>
      %dma_start3A_894 = tpu.memref_squeeze %dma_start3A_893 : memref<1x128xi32, #tpu.memory_space<vmem>> -> memref<128xi32, #tpu.memory_space<vmem>>
      %dma_start3A_895 = tpu.memref_slice %arg3[%add3A_886] : memref<640000xi32, #tpu.memory_space<hbm>> -> memref<128xi32, #tpu.memory_space<hbm>>
      tpu.enqueue_dma source(%dma_start3A_895 : memref<128xi32, #tpu.memory_space<hbm>>) target(%dma_start3A_894 : memref<128xi32, #tpu.memory_space<vmem>>) target_semaphore(%arg16 : memref<!tpu.dma_semaphore, #tpu.memory_space<semaphore_mem>>)
    }
    %scan3A_88 = arith.constant 18 : i32
    %dma_wait3A_89 = arith.constant 0 : i32
    %dma_wait3A_90 = arith.constant 0 : i32
    %dma_wait3A_91 = tpu.memref_slice %arg6[%dma_wait3A_89, %dma_wait3A_90] : memref<2x128xi32, #tpu.memory_space<vmem>> -> memref<1x128xi32, #tpu.memory_space<vmem>>
    %dma_wait3A_92 = tpu.memref_squeeze %dma_wait3A_91 : memref<1x128xi32, #tpu.memory_space<vmem>> -> memref<128xi32, #tpu.memory_space<vmem>>
    %dma_wait3A_93 = arith.constant 0 : i32
    %dma_wait3A_94 = arith.constant 0 : i32
    %dma_wait3A_95 = tpu.memref_slice %arg2[%dma_wait3A_93, %dma_wait3A_94] : memref<10000x16xf32, #tpu.memory_space<hbm>> -> memref<10000x16xf32, #tpu.memory_space<hbm>>
    tpu.wait_indirect_dma semaphore(%arg22 : memref<!tpu.dma_semaphore, #tpu.memory_space<semaphore_mem>>) src(%dma_wait3A_95 : memref<10000x16xf32, #tpu.memory_space<hbm>>) dst(%arg11 : memref<128x16xf32, #tpu.memory_space<vmem>>)
    %dma_start3A_96 = arith.constant 1 : i32
    %dma_start3A_97 = arith.constant 0 : i32
    %dma_start3A_98 = tpu.memref_slice %arg6[%dma_start3A_96, %dma_start3A_97] : memref<2x128xi32, #tpu.memory_space<vmem>> -> memref<1x128xi32, #tpu.memory_space<vmem>>
    %dma_start3A_99 = tpu.memref_squeeze %dma_start3A_98 : memref<1x128xi32, #tpu.memory_space<vmem>> -> memref<128xi32, #tpu.memory_space<vmem>>
    %dma_start3A_100 = arith.constant 0 : i32
    %dma_start3A_101 = arith.constant 0 : i32
    %dma_start3A_102 = tpu.memref_slice %arg14[%dma_start3A_100, %dma_start3A_101] : memref<10240x16xf32, #tpu.memory_space<vmem_shared>> -> memref<10240x16xf32, #tpu.memory_space<vmem_shared>>
    tpu.enqueue_indirect_dma source(%arg11 : memref<128x16xf32, #tpu.memory_space<vmem>>) target(%dma_start3A_102 : memref<10240x16xf32, #tpu.memory_space<vmem_shared>>) offsets(%dma_start3A_99 : memref<128xi32, #tpu.memory_space<vmem>>) semaphore(%arg24 : memref<!tpu.dma_semaphore, #tpu.memory_space<semaphore_mem>>) {add = true}
    %dma_wait3A_103 = arith.constant 1 : i32
    %dma_wait3A_104 = arith.constant 0 : i32
    %dma_wait3A_105 = tpu.memref_slice %arg9[%dma_wait3A_103, %dma_wait3A_104] : memref<2x128xi32, #tpu.memory_space<vmem>> -> memref<1x128xi32, #tpu.memory_space<vmem>>
    %dma_wait3A_106 = tpu.memref_squeeze %dma_wait3A_105 : memref<1x128xi32, #tpu.memory_space<vmem>> -> memref<128xi32, #tpu.memory_space<vmem>>
    %dma_wait3A_107 = arith.constant 0 : i32
    %dma_wait3A_108 = arith.constant 0 : i32
    %dma_wait3A_109 = tpu.memref_slice %arg14[%dma_wait3A_107, %dma_wait3A_108] : memref<10240x16xf32, #tpu.memory_space<vmem_shared>> -> memref<10240x16xf32, #tpu.memory_space<vmem_shared>>
    tpu.wait_indirect_dma semaphore(%arg25 : memref<!tpu.dma_semaphore, #tpu.memory_space<semaphore_mem>>) src(%arg12 : memref<128x16xf32, #tpu.memory_space<vmem>>) dst(%dma_wait3A_109 : memref<10240x16xf32, #tpu.memory_space<vmem_shared>>)
    %add3A_110 = arith.constant 9344 : i32
    %add3A_111 = arith.addi %mul3A_2, %add3A_110 : i32
    %dma_wait3A_112 = arith.constant 0 : i32
    %dma_wait3A_113 = arith.constant 0 : i32
    %dma_wait3A_114 = tpu.memref_slice %arg7[%dma_wait3A_112, %dma_wait3A_113] : memref<2x128xi32, #tpu.memory_space<vmem>> -> memref<1x128xi32, #tpu.memory_space<vmem>>
    %dma_wait3A_115 = tpu.memref_squeeze %dma_wait3A_114 : memref<1x128xi32, #tpu.memory_space<vmem>> -> memref<128xi32, #tpu.memory_space<vmem>>
    %dma_wait3A_116 = tpu.memref_slice %arg3[%add3A_111] : memref<640000xi32, #tpu.memory_space<hbm>> -> memref<128xi32, #tpu.memory_space<hbm>>
    %dma_wait3A_117 = arith.constant 0 : i32
    %dma_wait3A_118 = tpu.memref_slice %arg7[%dma_wait3A_112, %dma_wait3A_117] : memref<2x128xi32, #tpu.memory_space<vmem>> -> memref<1x128xi32, #tpu.memory_space<vmem>>
    %dma_wait3A_119 = tpu.memref_squeeze %dma_wait3A_118 : memref<1x128xi32, #tpu.memory_space<vmem>> -> memref<128xi32, #tpu.memory_space<vmem>>
    %dma_wait3A_120 = tpu.memref_slice %arg3[%add3A_111] : memref<640000xi32, #tpu.memory_space<hbm>> -> memref<128xi32, #tpu.memory_space<hbm>>
    tpu.wait_dma2 semaphore(%arg16 : memref<!tpu.dma_semaphore, #tpu.memory_space<semaphore_mem>>) src(%dma_wait3A_120 : memref<128xi32, #tpu.memory_space<hbm>>) dst(%dma_wait3A_119 : memref<128xi32, #tpu.memory_space<vmem>>)
    %add3A_121 = arith.constant 320000 : i32
    %add3A_122 = arith.addi %add3A_121, %mul3A_2 : i32
    %add3A_123 = arith.constant 9344 : i32
    %add3A_124 = arith.addi %add3A_122, %add3A_123 : i32
    %dma_wait3A_125 = arith.constant 1 : i32
    %dma_wait3A_126 = arith.constant 0 : i32
    %dma_wait3A_127 = tpu.memref_slice %arg7[%dma_wait3A_125, %dma_wait3A_126] : memref<2x128xi32, #tpu.memory_space<vmem>> -> memref<1x128xi32, #tpu.memory_space<vmem>>
    %dma_wait3A_128 = tpu.memref_squeeze %dma_wait3A_127 : memref<1x128xi32, #tpu.memory_space<vmem>> -> memref<128xi32, #tpu.memory_space<vmem>>
    %dma_wait3A_129 = tpu.memref_slice %arg3[%add3A_124] : memref<640000xi32, #tpu.memory_space<hbm>> -> memref<128xi32, #tpu.memory_space<hbm>>
    %dma_wait3A_130 = arith.constant 0 : i32
    %dma_wait3A_131 = tpu.memref_slice %arg7[%dma_wait3A_125, %dma_wait3A_130] : memref<2x128xi32, #tpu.memory_space<vmem>> -> memref<1x128xi32, #tpu.memory_space<vmem>>
    %dma_wait3A_132 = tpu.memref_squeeze %dma_wait3A_131 : memref<1x128xi32, #tpu.memory_space<vmem>> -> memref<128xi32, #tpu.memory_space<vmem>>
    %dma_wait3A_133 = tpu.memref_slice %arg3[%add3A_124] : memref<640000xi32, #tpu.memory_space<hbm>> -> memref<128xi32, #tpu.memory_space<hbm>>
    tpu.wait_dma2 semaphore(%arg16 : memref<!tpu.dma_semaphore, #tpu.memory_space<semaphore_mem>>) src(%dma_wait3A_133 : memref<128xi32, #tpu.memory_space<hbm>>) dst(%dma_wait3A_132 : memref<128xi32, #tpu.memory_space<vmem>>)
    %dma_start3A_134 = arith.constant 0 : i32
    %dma_start3A_135 = arith.constant 0 : i32
    %dma_start3A_136 = tpu.memref_slice %arg7[%dma_start3A_134, %dma_start3A_135] : memref<2x128xi32, #tpu.memory_space<vmem>> -> memref<1x128xi32, #tpu.memory_space<vmem>>
    %dma_start3A_137 = tpu.memref_squeeze %dma_start3A_136 : memref<1x128xi32, #tpu.memory_space<vmem>> -> memref<128xi32, #tpu.memory_space<vmem>>
    %dma_start3A_138 = arith.constant 0 : i32
    %dma_start3A_139 = arith.constant 0 : i32
    %dma_start3A_140 = tpu.memref_slice %arg2[%dma_start3A_138, %dma_start3A_139] : memref<10000x16xf32, #tpu.memory_space<hbm>> -> memref<10000x16xf32, #tpu.memory_space<hbm>>
    tpu.enqueue_indirect_dma source(%dma_start3A_140 : memref<10000x16xf32, #tpu.memory_space<hbm>>) target(%arg12 : memref<128x16xf32, #tpu.memory_space<vmem>>) offsets(%dma_start3A_137 : memref<128xi32, #tpu.memory_space<vmem>>) semaphore(%arg23 : memref<!tpu.dma_semaphore, #tpu.memory_space<semaphore_mem>>)
    %add3A_141 = arith.constant 9472 : i32
    %add3A_142 = arith.addi %mul3A_2, %add3A_141 : i32
    %dma_start3A_143 = arith.constant 0 : i32
    %dma_start3A_144 = arith.constant 0 : i32
    %dma_start3A_145 = tpu.memref_slice %arg8[%dma_start3A_143, %dma_start3A_144] : memref<2x128xi32, #tpu.memory_space<vmem>> -> memref<1x128xi32, #tpu.memory_space<vmem>>
    %dma_start3A_146 = tpu.memref_squeeze %dma_start3A_145 : memref<1x128xi32, #tpu.memory_space<vmem>> -> memref<128xi32, #tpu.memory_space<vmem>>
    %dma_start3A_147 = tpu.memref_slice %arg3[%add3A_142] : memref<640000xi32, #tpu.memory_space<hbm>> -> memref<128xi32, #tpu.memory_space<hbm>>
    %dma_start3A_148 = arith.constant 0 : i32
    %dma_start3A_149 = tpu.memref_slice %arg8[%dma_start3A_143, %dma_start3A_148] : memref<2x128xi32, #tpu.memory_space<vmem>> -> memref<1x128xi32, #tpu.memory_space<vmem>>
    %dma_start3A_150 = tpu.memref_squeeze %dma_start3A_149 : memref<1x128xi32, #tpu.memory_space<vmem>> -> memref<128xi32, #tpu.memory_space<vmem>>
    %dma_start3A_151 = tpu.memref_slice %arg3[%add3A_142] : memref<640000xi32, #tpu.memory_space<hbm>> -> memref<128xi32, #tpu.memory_space<hbm>>
    tpu.enqueue_dma source(%dma_start3A_151 : memref<128xi32, #tpu.memory_space<hbm>>) target(%dma_start3A_150 : memref<128xi32, #tpu.memory_space<vmem>>) target_semaphore(%arg17 : memref<!tpu.dma_semaphore, #tpu.memory_space<semaphore_mem>>)
    %add3A_152 = arith.constant 320000 : i32
    %add3A_153 = arith.addi %add3A_152, %mul3A_2 : i32
    %add3A_154 = arith.constant 9472 : i32
    %add3A_155 = arith.addi %add3A_153, %add3A_154 : i32
    %dma_start3A_156 = arith.constant 1 : i32
    %dma_start3A_157 = arith.constant 0 : i32
    %dma_start3A_158 = tpu.memref_slice %arg8[%dma_start3A_156, %dma_start3A_157] : memref<2x128xi32, #tpu.memory_space<vmem>> -> memref<1x128xi32, #tpu.memory_space<vmem>>
    %dma_start3A_159 = tpu.memref_squeeze %dma_start3A_158 : memref<1x128xi32, #tpu.memory_space<vmem>> -> memref<128xi32, #tpu.memory_space<vmem>>
    %dma_start3A_160 = tpu.memref_slice %arg3[%add3A_155] : memref<640000xi32, #tpu.memory_space<hbm>> -> memref<128xi32, #tpu.memory_space<hbm>>
    %dma_start3A_161 = arith.constant 0 : i32
    %dma_start3A_162 = tpu.memref_slice %arg8[%dma_start3A_156, %dma_start3A_161] : memref<2x128xi32, #tpu.memory_space<vmem>> -> memref<1x128xi32, #tpu.memory_space<vmem>>
    %dma_start3A_163 = tpu.memref_squeeze %dma_start3A_162 : memref<1x128xi32, #tpu.memory_space<vmem>> -> memref<128xi32, #tpu.memory_space<vmem>>
    %dma_start3A_164 = tpu.memref_slice %arg3[%add3A_155] : memref<640000xi32, #tpu.memory_space<hbm>> -> memref<128xi32, #tpu.memory_space<hbm>>
    tpu.enqueue_dma source(%dma_start3A_164 : memref<128xi32, #tpu.memory_space<hbm>>) target(%dma_start3A_163 : memref<128xi32, #tpu.memory_space<vmem>>) target_semaphore(%arg17 : memref<!tpu.dma_semaphore, #tpu.memory_space<semaphore_mem>>)
    %dma_wait3A_165 = arith.constant 0 : i32
    %dma_wait3A_166 = arith.constant 0 : i32
    %dma_wait3A_167 = tpu.memref_slice %arg7[%dma_wait3A_165, %dma_wait3A_166] : memref<2x128xi32, #tpu.memory_space<vmem>> -> memref<1x128xi32, #tpu.memory_space<vmem>>
    %dma_wait3A_168 = tpu.memref_squeeze %dma_wait3A_167 : memref<1x128xi32, #tpu.memory_space<vmem>> -> memref<128xi32, #tpu.memory_space<vmem>>
    %dma_wait3A_169 = arith.constant 0 : i32
    %dma_wait3A_170 = arith.constant 0 : i32
    %dma_wait3A_171 = tpu.memref_slice %arg2[%dma_wait3A_169, %dma_wait3A_170] : memref<10000x16xf32, #tpu.memory_space<hbm>> -> memref<10000x16xf32, #tpu.memory_space<hbm>>
    tpu.wait_indirect_dma semaphore(%arg23 : memref<!tpu.dma_semaphore, #tpu.memory_space<semaphore_mem>>) src(%dma_wait3A_171 : memref<10000x16xf32, #tpu.memory_space<hbm>>) dst(%arg12 : memref<128x16xf32, #tpu.memory_space<vmem>>)
    %dma_start3A_172 = arith.constant 1 : i32
    %dma_start3A_173 = arith.constant 0 : i32
    %dma_start3A_174 = tpu.memref_slice %arg7[%dma_start3A_172, %dma_start3A_173] : memref<2x128xi32, #tpu.memory_space<vmem>> -> memref<1x128xi32, #tpu.memory_space<vmem>>
    %dma_start3A_175 = tpu.memref_squeeze %dma_start3A_174 : memref<1x128xi32, #tpu.memory_space<vmem>> -> memref<128xi32, #tpu.memory_space<vmem>>
    %dma_start3A_176 = arith.constant 0 : i32
    %dma_start3A_177 = arith.constant 0 : i32
    %dma_start3A_178 = tpu.memref_slice %arg14[%dma_start3A_176, %dma_start3A_177] : memref<10240x16xf32, #tpu.memory_space<vmem_shared>> -> memref<10240x16xf32, #tpu.memory_space<vmem_shared>>
    tpu.enqueue_indirect_dma source(%arg12 : memref<128x16xf32, #tpu.memory_space<vmem>>) target(%dma_start3A_178 : memref<10240x16xf32, #tpu.memory_space<vmem_shared>>) offsets(%dma_start3A_175 : memref<128xi32, #tpu.memory_space<vmem>>) semaphore(%arg25 : memref<!tpu.dma_semaphore, #tpu.memory_space<semaphore_mem>>) {add = true}
    %dma_wait3A_179 = arith.constant 1 : i32
    %dma_wait3A_180 = arith.constant 0 : i32
    %dma_wait3A_181 = tpu.memref_slice %arg6[%dma_wait3A_179, %dma_wait3A_180] : memref<2x128xi32, #tpu.memory_space<vmem>> -> memref<1x128xi32, #tpu.memory_space<vmem>>
    %dma_wait3A_182 = tpu.memref_squeeze %dma_wait3A_181 : memref<1x128xi32, #tpu.memory_space<vmem>> -> memref<128xi32, #tpu.memory_space<vmem>>
    %dma_wait3A_183 = arith.constant 0 : i32
    %dma_wait3A_184 = arith.constant 0 : i32
    %dma_wait3A_185 = tpu.memref_slice %arg14[%dma_wait3A_183, %dma_wait3A_184] : memref<10240x16xf32, #tpu.memory_space<vmem_shared>> -> memref<10240x16xf32, #tpu.memory_space<vmem_shared>>
    tpu.wait_indirect_dma semaphore(%arg24 : memref<!tpu.dma_semaphore, #tpu.memory_space<semaphore_mem>>) src(%arg11 : memref<128x16xf32, #tpu.memory_space<vmem>>) dst(%dma_wait3A_185 : memref<10240x16xf32, #tpu.memory_space<vmem_shared>>)
    %add3A_186 = arith.constant 9472 : i32
    %add3A_187 = arith.addi %mul3A_2, %add3A_186 : i32
    %dma_wait3A_188 = arith.constant 0 : i32
    %dma_wait3A_189 = arith.constant 0 : i32
    %dma_wait3A_190 = tpu.memref_slice %arg8[%dma_wait3A_188, %dma_wait3A_189] : memref<2x128xi32, #tpu.memory_space<vmem>> -> memref<1x128xi32, #tpu.memory_space<vmem>>
    %dma_wait3A_191 = tpu.memref_squeeze %dma_wait3A_190 : memref<1x128xi32, #tpu.memory_space<vmem>> -> memref<128xi32, #tpu.memory_space<vmem>>
    %dma_wait3A_192 = tpu.memref_slice %arg3[%add3A_187] : memref<640000xi32, #tpu.memory_space<hbm>> -> memref<128xi32, #tpu.memory_space<hbm>>
    %dma_wait3A_193 = arith.constant 0 : i32
    %dma_wait3A_194 = tpu.memref_slice %arg8[%dma_wait3A_188, %dma_wait3A_193] : memref<2x128xi32, #tpu.memory_space<vmem>> -> memref<1x128xi32, #tpu.memory_space<vmem>>
    %dma_wait3A_195 = tpu.memref_squeeze %dma_wait3A_194 : memref<1x128xi32, #tpu.memory_space<vmem>> -> memref<128xi32, #tpu.memory_space<vmem>>
    %dma_wait3A_196 = tpu.memref_slice %arg3[%add3A_187] : memref<640000xi32, #tpu.memory_space<hbm>> -> memref<128xi32, #tpu.memory_space<hbm>>
    tpu.wait_dma2 semaphore(%arg17 : memref<!tpu.dma_semaphore, #tpu.memory_space<semaphore_mem>>) src(%dma_wait3A_196 : memref<128xi32, #tpu.memory_space<hbm>>) dst(%dma_wait3A_195 : memref<128xi32, #tpu.memory_space<vmem>>)
    %add3A_197 = arith.constant 320000 : i32
    %add3A_198 = arith.addi %add3A_197, %mul3A_2 : i32
    %add3A_199 = arith.constant 9472 : i32
    %add3A_200 = arith.addi %add3A_198, %add3A_199 : i32
    %dma_wait3A_201 = arith.constant 1 : i32
    %dma_wait3A_202 = arith.constant 0 : i32
    %dma_wait3A_203 = tpu.memref_slice %arg8[%dma_wait3A_201, %dma_wait3A_202] : memref<2x128xi32, #tpu.memory_space<vmem>> -> memref<1x128xi32, #tpu.memory_space<vmem>>
    %dma_wait3A_204 = tpu.memref_squeeze %dma_wait3A_203 : memref<1x128xi32, #tpu.memory_space<vmem>> -> memref<128xi32, #tpu.memory_space<vmem>>
    %dma_wait3A_205 = tpu.memref_slice %arg3[%add3A_200] : memref<640000xi32, #tpu.memory_space<hbm>> -> memref<128xi32, #tpu.memory_space<hbm>>
    %dma_wait3A_206 = arith.constant 0 : i32
    %dma_wait3A_207 = tpu.memref_slice %arg8[%dma_wait3A_201, %dma_wait3A_206] : memref<2x128xi32, #tpu.memory_space<vmem>> -> memref<1x128xi32, #tpu.memory_space<vmem>>
    %dma_wait3A_208 = tpu.memref_squeeze %dma_wait3A_207 : memref<1x128xi32, #tpu.memory_space<vmem>> -> memref<128xi32, #tpu.memory_space<vmem>>
    %dma_wait3A_209 = tpu.memref_slice %arg3[%add3A_200] : memref<640000xi32, #tpu.memory_space<hbm>> -> memref<128xi32, #tpu.memory_space<hbm>>
    tpu.wait_dma2 semaphore(%arg17 : memref<!tpu.dma_semaphore, #tpu.memory_space<semaphore_mem>>) src(%dma_wait3A_209 : memref<128xi32, #tpu.memory_space<hbm>>) dst(%dma_wait3A_208 : memref<128xi32, #tpu.memory_space<vmem>>)
    %dma_start3A_210 = arith.constant 0 : i32
    %dma_start3A_211 = arith.constant 0 : i32
    %dma_start3A_212 = tpu.memref_slice %arg8[%dma_start3A_210, %dma_start3A_211] : memref<2x128xi32, #tpu.memory_space<vmem>> -> memref<1x128xi32, #tpu.memory_space<vmem>>
    %dma_start3A_213 = tpu.memref_squeeze %dma_start3A_212 : memref<1x128xi32, #tpu.memory_space<vmem>> -> memref<128xi32, #tpu.memory_space<vmem>>
    %dma_start3A_214 = arith.constant 0 : i32
    %dma_start3A_215 = arith.constant 0 : i32
    %dma_start3A_216 = tpu.memref_slice %arg2[%dma_start3A_214, %dma_start3A_215] : memref<10000x16xf32, #tpu.memory_space<hbm>> -> memref<10000x16xf32, #tpu.memory_space<hbm>>
    tpu.enqueue_indirect_dma source(%dma_start3A_216 : memref<10000x16xf32, #tpu.memory_space<hbm>>) target(%arg11 : memref<128x16xf32, #tpu.memory_space<vmem>>) offsets(%dma_start3A_213 : memref<128xi32, #tpu.memory_space<vmem>>) semaphore(%arg22 : memref<!tpu.dma_semaphore, #tpu.memory_space<semaphore_mem>>)
    %add3A_217 = arith.constant 9600 : i32
    %add3A_218 = arith.addi %mul3A_2, %add3A_217 : i32
    %dma_start3A_219 = arith.constant 0 : i32
    %dma_start3A_220 = arith.constant 0 : i32
    %dma_start3A_221 = tpu.memref_slice %arg9[%dma_start3A_219, %dma_start3A_220] : memref<2x128xi32, #tpu.memory_space<vmem>> -> memref<1x128xi32, #tpu.memory_space<vmem>>
    %dma_start3A_222 = tpu.memref_squeeze %dma_start3A_221 : memref<1x128xi32, #tpu.memory_space<vmem>> -> memref<128xi32, #tpu.memory_space<vmem>>
    %dma_start3A_223 = tpu.memref_slice %arg3[%add3A_218] : memref<640000xi32, #tpu.memory_space<hbm>> -> memref<128xi32, #tpu.memory_space<hbm>>
    %dma_start3A_224 = arith.constant 0 : i32
    %dma_start3A_225 = tpu.memref_slice %arg9[%dma_start3A_219, %dma_start3A_224] : memref<2x128xi32, #tpu.memory_space<vmem>> -> memref<1x128xi32, #tpu.memory_space<vmem>>
    %dma_start3A_226 = tpu.memref_squeeze %dma_start3A_225 : memref<1x128xi32, #tpu.memory_space<vmem>> -> memref<128xi32, #tpu.memory_space<vmem>>
    %dma_start3A_227 = tpu.memref_slice %arg3[%add3A_218] : memref<640000xi32, #tpu.memory_space<hbm>> -> memref<128xi32, #tpu.memory_space<hbm>>
    tpu.enqueue_dma source(%dma_start3A_227 : memref<128xi32, #tpu.memory_space<hbm>>) target(%dma_start3A_226 : memref<128xi32, #tpu.memory_space<vmem>>) target_semaphore(%arg18 : memref<!tpu.dma_semaphore, #tpu.memory_space<semaphore_mem>>)
    %add3A_228 = arith.constant 320000 : i32
    %add3A_229 = arith.addi %add3A_228, %mul3A_2 : i32
    %add3A_230 = arith.constant 9600 : i32
    %add3A_231 = arith.addi %add3A_229, %add3A_230 : i32
    %dma_start3A_232 = arith.constant 1 : i32
    %dma_start3A_233 = arith.constant 0 : i32
    %dma_start3A_234 = tpu.memref_slice %arg9[%dma_start3A_232, %dma_start3A_233] : memref<2x128xi32, #tpu.memory_space<vmem>> -> memref<1x128xi32, #tpu.memory_space<vmem>>
    %dma_start3A_235 = tpu.memref_squeeze %dma_start3A_234 : memref<1x128xi32, #tpu.memory_space<vmem>> -> memref<128xi32, #tpu.memory_space<vmem>>
    %dma_start3A_236 = tpu.memref_slice %arg3[%add3A_231] : memref<640000xi32, #tpu.memory_space<hbm>> -> memref<128xi32, #tpu.memory_space<hbm>>
    %dma_start3A_237 = arith.constant 0 : i32
    %dma_start3A_238 = tpu.memref_slice %arg9[%dma_start3A_232, %dma_start3A_237] : memref<2x128xi32, #tpu.memory_space<vmem>> -> memref<1x128xi32, #tpu.memory_space<vmem>>
    %dma_start3A_239 = tpu.memref_squeeze %dma_start3A_238 : memref<1x128xi32, #tpu.memory_space<vmem>> -> memref<128xi32, #tpu.memory_space<vmem>>
    %dma_start3A_240 = tpu.memref_slice %arg3[%add3A_231] : memref<640000xi32, #tpu.memory_space<hbm>> -> memref<128xi32, #tpu.memory_space<hbm>>
    tpu.enqueue_dma source(%dma_start3A_240 : memref<128xi32, #tpu.memory_space<hbm>>) target(%dma_start3A_239 : memref<128xi32, #tpu.memory_space<vmem>>) target_semaphore(%arg18 : memref<!tpu.dma_semaphore, #tpu.memory_space<semaphore_mem>>)
    %dma_wait3A_241 = arith.constant 0 : i32
    %dma_wait3A_242 = arith.constant 0 : i32
    %dma_wait3A_243 = tpu.memref_slice %arg8[%dma_wait3A_241, %dma_wait3A_242] : memref<2x128xi32, #tpu.memory_space<vmem>> -> memref<1x128xi32, #tpu.memory_space<vmem>>
    %dma_wait3A_244 = tpu.memref_squeeze %dma_wait3A_243 : memref<1x128xi32, #tpu.memory_space<vmem>> -> memref<128xi32, #tpu.memory_space<vmem>>
    %dma_wait3A_245 = arith.constant 0 : i32
    %dma_wait3A_246 = arith.constant 0 : i32
    %dma_wait3A_247 = tpu.memref_slice %arg2[%dma_wait3A_245, %dma_wait3A_246] : memref<10000x16xf32, #tpu.memory_space<hbm>> -> memref<10000x16xf32, #tpu.memory_space<hbm>>
    tpu.wait_indirect_dma semaphore(%arg22 : memref<!tpu.dma_semaphore, #tpu.memory_space<semaphore_mem>>) src(%dma_wait3A_247 : memref<10000x16xf32, #tpu.memory_space<hbm>>) dst(%arg11 : memref<128x16xf32, #tpu.memory_space<vmem>>)
    %dma_start3A_248 = arith.constant 1 : i32
    %dma_start3A_249 = arith.constant 0 : i32
    %dma_start3A_250 = tpu.memref_slice %arg8[%dma_start3A_248, %dma_start3A_249] : memref<2x128xi32, #tpu.memory_space<vmem>> -> memref<1x128xi32, #tpu.memory_space<vmem>>
    %dma_start3A_251 = tpu.memref_squeeze %dma_start3A_250 : memref<1x128xi32, #tpu.memory_space<vmem>> -> memref<128xi32, #tpu.memory_space<vmem>>
    %dma_start3A_252 = arith.constant 0 : i32
    %dma_start3A_253 = arith.constant 0 : i32
    %dma_start3A_254 = tpu.memref_slice %arg14[%dma_start3A_252, %dma_start3A_253] : memref<10240x16xf32, #tpu.memory_space<vmem_shared>> -> memref<10240x16xf32, #tpu.memory_space<vmem_shared>>
    tpu.enqueue_indirect_dma source(%arg11 : memref<128x16xf32, #tpu.memory_space<vmem>>) target(%dma_start3A_254 : memref<10240x16xf32, #tpu.memory_space<vmem_shared>>) offsets(%dma_start3A_251 : memref<128xi32, #tpu.memory_space<vmem>>) semaphore(%arg24 : memref<!tpu.dma_semaphore, #tpu.memory_space<semaphore_mem>>) {add = true}
    %dma_wait3A_255 = arith.constant 1 : i32
    %dma_wait3A_256 = arith.constant 0 : i32
    %dma_wait3A_257 = tpu.memref_slice %arg7[%dma_wait3A_255, %dma_wait3A_256] : memref<2x128xi32, #tpu.memory_space<vmem>> -> memref<1x128xi32, #tpu.memory_space<vmem>>
    %dma_wait3A_258 = tpu.memref_squeeze %dma_wait3A_257 : memref<1x128xi32, #tpu.memory_space<vmem>> -> memref<128xi32, #tpu.memory_space<vmem>>
    %dma_wait3A_259 = arith.constant 0 : i32
    %dma_wait3A_260 = arith.constant 0 : i32
    %dma_wait3A_261 = tpu.memref_slice %arg14[%dma_wait3A_259, %dma_wait3A_260] : memref<10240x16xf32, #tpu.memory_space<vmem_shared>> -> memref<10240x16xf32, #tpu.memory_space<vmem_shared>>
    tpu.wait_indirect_dma semaphore(%arg25 : memref<!tpu.dma_semaphore, #tpu.memory_space<semaphore_mem>>) src(%arg12 : memref<128x16xf32, #tpu.memory_space<vmem>>) dst(%dma_wait3A_261 : memref<10240x16xf32, #tpu.memory_space<vmem_shared>>)
    %add3A_262 = arith.constant 9600 : i32
    %add3A_263 = arith.addi %mul3A_2, %add3A_262 : i32
    %dma_wait3A_264 = arith.constant 0 : i32
    %dma_wait3A_265 = arith.constant 0 : i32
    %dma_wait3A_266 = tpu.memref_slice %arg9[%dma_wait3A_264, %dma_wait3A_265] : memref<2x128xi32, #tpu.memory_space<vmem>> -> memref<1x128xi32, #tpu.memory_space<vmem>>
    %dma_wait3A_267 = tpu.memref_squeeze %dma_wait3A_266 : memref<1x128xi32, #tpu.memory_space<vmem>> -> memref<128xi32, #tpu.memory_space<vmem>>
    %dma_wait3A_268 = tpu.memref_slice %arg3[%add3A_263] : memref<640000xi32, #tpu.memory_space<hbm>> -> memref<128xi32, #tpu.memory_space<hbm>>
    %dma_wait3A_269 = arith.constant 0 : i32
    %dma_wait3A_270 = tpu.memref_slice %arg9[%dma_wait3A_264, %dma_wait3A_269] : memref<2x128xi32, #tpu.memory_space<vmem>> -> memref<1x128xi32, #tpu.memory_space<vmem>>
    %dma_wait3A_271 = tpu.memref_squeeze %dma_wait3A_270 : memref<1x128xi32, #tpu.memory_space<vmem>> -> memref<128xi32, #tpu.memory_space<vmem>>
    %dma_wait3A_272 = tpu.memref_slice %arg3[%add3A_263] : memref<640000xi32, #tpu.memory_space<hbm>> -> memref<128xi32, #tpu.memory_space<hbm>>
    tpu.wait_dma2 semaphore(%arg18 : memref<!tpu.dma_semaphore, #tpu.memory_space<semaphore_mem>>) src(%dma_wait3A_272 : memref<128xi32, #tpu.memory_space<hbm>>) dst(%dma_wait3A_271 : memref<128xi32, #tpu.memory_space<vmem>>)
    %add3A_273 = arith.constant 320000 : i32
    %add3A_274 = arith.addi %add3A_273, %mul3A_2 : i32
    %add3A_275 = arith.constant 9600 : i32
    %add3A_276 = arith.addi %add3A_274, %add3A_275 : i32
    %dma_wait3A_277 = arith.constant 1 : i32
    %dma_wait3A_278 = arith.constant 0 : i32
    %dma_wait3A_279 = tpu.memref_slice %arg9[%dma_wait3A_277, %dma_wait3A_278] : memref<2x128xi32, #tpu.memory_space<vmem>> -> memref<1x128xi32, #tpu.memory_space<vmem>>
    %dma_wait3A_280 = tpu.memref_squeeze %dma_wait3A_279 : memref<1x128xi32, #tpu.memory_space<vmem>> -> memref<128xi32, #tpu.memory_space<vmem>>
    %dma_wait3A_281 = tpu.memref_slice %arg3[%add3A_276] : memref<640000xi32, #tpu.memory_space<hbm>> -> memref<128xi32, #tpu.memory_space<hbm>>
    %dma_wait3A_282 = arith.constant 0 : i32
    %dma_wait3A_283 = tpu.memref_slice %arg9[%dma_wait3A_277, %dma_wait3A_282] : memref<2x128xi32, #tpu.memory_space<vmem>> -> memref<1x128xi32, #tpu.memory_space<vmem>>
    %dma_wait3A_284 = tpu.memref_squeeze %dma_wait3A_283 : memref<1x128xi32, #tpu.memory_space<vmem>> -> memref<128xi32, #tpu.memory_space<vmem>>
    %dma_wait3A_285 = tpu.memref_slice %arg3[%add3A_276] : memref<640000xi32, #tpu.memory_space<hbm>> -> memref<128xi32, #tpu.memory_space<hbm>>
    tpu.wait_dma2 semaphore(%arg18 : memref<!tpu.dma_semaphore, #tpu.memory_space<semaphore_mem>>) src(%dma_wait3A_285 : memref<128xi32, #tpu.memory_space<hbm>>) dst(%dma_wait3A_284 : memref<128xi32, #tpu.memory_space<vmem>>)
    %dma_start3A_286 = arith.constant 0 : i32
    %dma_start3A_287 = arith.constant 0 : i32
    %dma_start3A_288 = tpu.memref_slice %arg9[%dma_start3A_286, %dma_start3A_287] : memref<2x128xi32, #tpu.memory_space<vmem>> -> memref<1x128xi32, #tpu.memory_space<vmem>>
    %dma_start3A_289 = tpu.memref_squeeze %dma_start3A_288 : memref<1x128xi32, #tpu.memory_space<vmem>> -> memref<128xi32, #tpu.memory_space<vmem>>
    %dma_start3A_290 = arith.constant 0 : i32
    %dma_start3A_291 = arith.constant 0 : i32
    %dma_start3A_292 = tpu.memref_slice %arg2[%dma_start3A_290, %dma_start3A_291] : memref<10000x16xf32, #tpu.memory_space<hbm>> -> memref<10000x16xf32, #tpu.memory_space<hbm>>
    tpu.enqueue_indirect_dma source(%dma_start3A_292 : memref<10000x16xf32, #tpu.memory_space<hbm>>) target(%arg12 : memref<128x16xf32, #tpu.memory_space<vmem>>) offsets(%dma_start3A_289 : memref<128xi32, #tpu.memory_space<vmem>>) semaphore(%arg23 : memref<!tpu.dma_semaphore, #tpu.memory_space<semaphore_mem>>)
    %add3A_293 = arith.constant 9728 : i32
    %add3A_294 = arith.addi %mul3A_2, %add3A_293 : i32
    %dma_start3A_295 = arith.constant 0 : i32
    %dma_start3A_296 = arith.constant 0 : i32
    %dma_start3A_297 = tpu.memref_slice %arg6[%dma_start3A_295, %dma_start3A_296] : memref<2x128xi32, #tpu.memory_space<vmem>> -> memref<1x128xi32, #tpu.memory_space<vmem>>
    %dma_start3A_298 = tpu.memref_squeeze %dma_start3A_297 : memref<1x128xi32, #tpu.memory_space<vmem>> -> memref<128xi32, #tpu.memory_space<vmem>>
    %dma_start3A_299 = tpu.memref_slice %arg3[%add3A_294] : memref<640000xi32, #tpu.memory_space<hbm>> -> memref<128xi32, #tpu.memory_space<hbm>>
    %dma_start3A_300 = arith.constant 0 : i32
    %dma_start3A_301 = tpu.memref_slice %arg6[%dma_start3A_295, %dma_start3A_300] : memref<2x128xi32, #tpu.memory_space<vmem>> -> memref<1x128xi32, #tpu.memory_space<vmem>>
    %dma_start3A_302 = tpu.memref_squeeze %dma_start3A_301 : memref<1x128xi32, #tpu.memory_space<vmem>> -> memref<128xi32, #tpu.memory_space<vmem>>
    %dma_start3A_303 = tpu.memref_slice %arg3[%add3A_294] : memref<640000xi32, #tpu.memory_space<hbm>> -> memref<128xi32, #tpu.memory_space<hbm>>
    tpu.enqueue_dma source(%dma_start3A_303 : memref<128xi32, #tpu.memory_space<hbm>>) target(%dma_start3A_302 : memref<128xi32, #tpu.memory_space<vmem>>) target_semaphore(%arg15 : memref<!tpu.dma_semaphore, #tpu.memory_space<semaphore_mem>>)
    %add3A_304 = arith.constant 320000 : i32
    %add3A_305 = arith.addi %add3A_304, %mul3A_2 : i32
    %add3A_306 = arith.constant 9728 : i32
    %add3A_307 = arith.addi %add3A_305, %add3A_306 : i32
    %dma_start3A_308 = arith.constant 1 : i32
    %dma_start3A_309 = arith.constant 0 : i32
    %dma_start3A_310 = tpu.memref_slice %arg6[%dma_start3A_308, %dma_start3A_309] : memref<2x128xi32, #tpu.memory_space<vmem>> -> memref<1x128xi32, #tpu.memory_space<vmem>>
    %dma_start3A_311 = tpu.memref_squeeze %dma_start3A_310 : memref<1x128xi32, #tpu.memory_space<vmem>> -> memref<128xi32, #tpu.memory_space<vmem>>
    %dma_start3A_312 = tpu.memref_slice %arg3[%add3A_307] : memref<640000xi32, #tpu.memory_space<hbm>> -> memref<128xi32, #tpu.memory_space<hbm>>
    %dma_start3A_313 = arith.constant 0 : i32
    %dma_start3A_314 = tpu.memref_slice %arg6[%dma_start3A_308, %dma_start3A_313] : memref<2x128xi32, #tpu.memory_space<vmem>> -> memref<1x128xi32, #tpu.memory_space<vmem>>
    %dma_start3A_315 = tpu.memref_squeeze %dma_start3A_314 : memref<1x128xi32, #tpu.memory_space<vmem>> -> memref<128xi32, #tpu.memory_space<vmem>>
    %dma_start3A_316 = tpu.memref_slice %arg3[%add3A_307] : memref<640000xi32, #tpu.memory_space<hbm>> -> memref<128xi32, #tpu.memory_space<hbm>>
    tpu.enqueue_dma source(%dma_start3A_316 : memref<128xi32, #tpu.memory_space<hbm>>) target(%dma_start3A_315 : memref<128xi32, #tpu.memory_space<vmem>>) target_semaphore(%arg15 : memref<!tpu.dma_semaphore, #tpu.memory_space<semaphore_mem>>)
    %dma_wait3A_317 = arith.constant 0 : i32
    %dma_wait3A_318 = arith.constant 0 : i32
    %dma_wait3A_319 = tpu.memref_slice %arg9[%dma_wait3A_317, %dma_wait3A_318] : memref<2x128xi32, #tpu.memory_space<vmem>> -> memref<1x128xi32, #tpu.memory_space<vmem>>
    %dma_wait3A_320 = tpu.memref_squeeze %dma_wait3A_319 : memref<1x128xi32, #tpu.memory_space<vmem>> -> memref<128xi32, #tpu.memory_space<vmem>>
    %dma_wait3A_321 = arith.constant 0 : i32
    %dma_wait3A_322 = arith.constant 0 : i32
    %dma_wait3A_323 = tpu.memref_slice %arg2[%dma_wait3A_321, %dma_wait3A_322] : memref<10000x16xf32, #tpu.memory_space<hbm>> -> memref<10000x16xf32, #tpu.memory_space<hbm>>
    tpu.wait_indirect_dma semaphore(%arg23 : memref<!tpu.dma_semaphore, #tpu.memory_space<semaphore_mem>>) src(%dma_wait3A_323 : memref<10000x16xf32, #tpu.memory_space<hbm>>) dst(%arg12 : memref<128x16xf32, #tpu.memory_space<vmem>>)
    %dma_start3A_324 = arith.constant 1 : i32
    %dma_start3A_325 = arith.constant 0 : i32
    %dma_start3A_326 = tpu.memref_slice %arg9[%dma_start3A_324, %dma_start3A_325] : memref<2x128xi32, #tpu.memory_space<vmem>> -> memref<1x128xi32, #tpu.memory_space<vmem>>
    %dma_start3A_327 = tpu.memref_squeeze %dma_start3A_326 : memref<1x128xi32, #tpu.memory_space<vmem>> -> memref<128xi32, #tpu.memory_space<vmem>>
    %dma_start3A_328 = arith.constant 0 : i32
    %dma_start3A_329 = arith.constant 0 : i32
    %dma_start3A_330 = tpu.memref_slice %arg14[%dma_start3A_328, %dma_start3A_329] : memref<10240x16xf32, #tpu.memory_space<vmem_shared>> -> memref<10240x16xf32, #tpu.memory_space<vmem_shared>>
    tpu.enqueue_indirect_dma source(%arg12 : memref<128x16xf32, #tpu.memory_space<vmem>>) target(%dma_start3A_330 : memref<10240x16xf32, #tpu.memory_space<vmem_shared>>) offsets(%dma_start3A_327 : memref<128xi32, #tpu.memory_space<vmem>>) semaphore(%arg25 : memref<!tpu.dma_semaphore, #tpu.memory_space<semaphore_mem>>) {add = true}
    %dma_wait3A_331 = arith.constant 1 : i32
    %dma_wait3A_332 = arith.constant 0 : i32
    %dma_wait3A_333 = tpu.memref_slice %arg8[%dma_wait3A_331, %dma_wait3A_332] : memref<2x128xi32, #tpu.memory_space<vmem>> -> memref<1x128xi32, #tpu.memory_space<vmem>>
    %dma_wait3A_334 = tpu.memref_squeeze %dma_wait3A_333 : memref<1x128xi32, #tpu.memory_space<vmem>> -> memref<128xi32, #tpu.memory_space<vmem>>
    %dma_wait3A_335 = arith.constant 0 : i32
    %dma_wait3A_336 = arith.constant 0 : i32
    %dma_wait3A_337 = tpu.memref_slice %arg14[%dma_wait3A_335, %dma_wait3A_336] : memref<10240x16xf32, #tpu.memory_space<vmem_shared>> -> memref<10240x16xf32, #tpu.memory_space<vmem_shared>>
    tpu.wait_indirect_dma semaphore(%arg24 : memref<!tpu.dma_semaphore, #tpu.memory_space<semaphore_mem>>) src(%arg11 : memref<128x16xf32, #tpu.memory_space<vmem>>) dst(%dma_wait3A_337 : memref<10240x16xf32, #tpu.memory_space<vmem_shared>>)
    %add3A_338 = arith.constant 9728 : i32
    %add3A_339 = arith.addi %mul3A_2, %add3A_338 : i32
    %dma_wait3A_340 = arith.constant 0 : i32
    %dma_wait3A_341 = arith.constant 0 : i32
    %dma_wait3A_342 = tpu.memref_slice %arg6[%dma_wait3A_340, %dma_wait3A_341] : memref<2x128xi32, #tpu.memory_space<vmem>> -> memref<1x128xi32, #tpu.memory_space<vmem>>
    %dma_wait3A_343 = tpu.memref_squeeze %dma_wait3A_342 : memref<1x128xi32, #tpu.memory_space<vmem>> -> memref<128xi32, #tpu.memory_space<vmem>>
    %dma_wait3A_344 = tpu.memref_slice %arg3[%add3A_339] : memref<640000xi32, #tpu.memory_space<hbm>> -> memref<128xi32, #tpu.memory_space<hbm>>
    %dma_wait3A_345 = arith.constant 0 : i32
    %dma_wait3A_346 = tpu.memref_slice %arg6[%dma_wait3A_340, %dma_wait3A_345] : memref<2x128xi32, #tpu.memory_space<vmem>> -> memref<1x128xi32, #tpu.memory_space<vmem>>
    %dma_wait3A_347 = tpu.memref_squeeze %dma_wait3A_346 : memref<1x128xi32, #tpu.memory_space<vmem>> -> memref<128xi32, #tpu.memory_space<vmem>>
    %dma_wait3A_348 = tpu.memref_slice %arg3[%add3A_339] : memref<640000xi32, #tpu.memory_space<hbm>> -> memref<128xi32, #tpu.memory_space<hbm>>
    tpu.wait_dma2 semaphore(%arg15 : memref<!tpu.dma_semaphore, #tpu.memory_space<semaphore_mem>>) src(%dma_wait3A_348 : memref<128xi32, #tpu.memory_space<hbm>>) dst(%dma_wait3A_347 : memref<128xi32, #tpu.memory_space<vmem>>)
    %add3A_349 = arith.constant 320000 : i32
    %add3A_350 = arith.addi %add3A_349, %mul3A_2 : i32
    %add3A_351 = arith.constant 9728 : i32
    %add3A_352 = arith.addi %add3A_350, %add3A_351 : i32
    %dma_wait3A_353 = arith.constant 1 : i32
    %dma_wait3A_354 = arith.constant 0 : i32
    %dma_wait3A_355 = tpu.memref_slice %arg6[%dma_wait3A_353, %dma_wait3A_354] : memref<2x128xi32, #tpu.memory_space<vmem>> -> memref<1x128xi32, #tpu.memory_space<vmem>>
    %dma_wait3A_356 = tpu.memref_squeeze %dma_wait3A_355 : memref<1x128xi32, #tpu.memory_space<vmem>> -> memref<128xi32, #tpu.memory_space<vmem>>
    %dma_wait3A_357 = tpu.memref_slice %arg3[%add3A_352] : memref<640000xi32, #tpu.memory_space<hbm>> -> memref<128xi32, #tpu.memory_space<hbm>>
    %dma_wait3A_358 = arith.constant 0 : i32
    %dma_wait3A_359 = tpu.memref_slice %arg6[%dma_wait3A_353, %dma_wait3A_358] : memref<2x128xi32, #tpu.memory_space<vmem>> -> memref<1x128xi32, #tpu.memory_space<vmem>>
    %dma_wait3A_360 = tpu.memref_squeeze %dma_wait3A_359 : memref<1x128xi32, #tpu.memory_space<vmem>> -> memref<128xi32, #tpu.memory_space<vmem>>
    %dma_wait3A_361 = tpu.memref_slice %arg3[%add3A_352] : memref<640000xi32, #tpu.memory_space<hbm>> -> memref<128xi32, #tpu.memory_space<hbm>>
    tpu.wait_dma2 semaphore(%arg15 : memref<!tpu.dma_semaphore, #tpu.memory_space<semaphore_mem>>) src(%dma_wait3A_361 : memref<128xi32, #tpu.memory_space<hbm>>) dst(%dma_wait3A_360 : memref<128xi32, #tpu.memory_space<vmem>>)
    %dma_start3A_362 = arith.constant 0 : i32
    %dma_start3A_363 = arith.constant 0 : i32
    %dma_start3A_364 = tpu.memref_slice %arg6[%dma_start3A_362, %dma_start3A_363] : memref<2x128xi32, #tpu.memory_space<vmem>> -> memref<1x128xi32, #tpu.memory_space<vmem>>
    %dma_start3A_365 = tpu.memref_squeeze %dma_start3A_364 : memref<1x128xi32, #tpu.memory_space<vmem>> -> memref<128xi32, #tpu.memory_space<vmem>>
    %dma_start3A_366 = arith.constant 0 : i32
    %dma_start3A_367 = arith.constant 0 : i32
    %dma_start3A_368 = tpu.memref_slice %arg2[%dma_start3A_366, %dma_start3A_367] : memref<10000x16xf32, #tpu.memory_space<hbm>> -> memref<10000x16xf32, #tpu.memory_space<hbm>>
    tpu.enqueue_indirect_dma source(%dma_start3A_368 : memref<10000x16xf32, #tpu.memory_space<hbm>>) target(%arg11 : memref<128x16xf32, #tpu.memory_space<vmem>>) offsets(%dma_start3A_365 : memref<128xi32, #tpu.memory_space<vmem>>) semaphore(%arg22 : memref<!tpu.dma_semaphore, #tpu.memory_space<semaphore_mem>>)
    %add3A_369 = arith.constant 9856 : i32
    %add3A_370 = arith.addi %mul3A_2, %add3A_369 : i32
    %dma_start3A_371 = arith.constant 0 : i32
    %dma_start3A_372 = arith.constant 0 : i32
    %dma_start3A_373 = tpu.memref_slice %arg7[%dma_start3A_371, %dma_start3A_372] : memref<2x128xi32, #tpu.memory_space<vmem>> -> memref<1x128xi32, #tpu.memory_space<vmem>>
    %dma_start3A_374 = tpu.memref_squeeze %dma_start3A_373 : memref<1x128xi32, #tpu.memory_space<vmem>> -> memref<128xi32, #tpu.memory_space<vmem>>
    %dma_start3A_375 = tpu.memref_slice %arg3[%add3A_370] : memref<640000xi32, #tpu.memory_space<hbm>> -> memref<128xi32, #tpu.memory_space<hbm>>
    %dma_start3A_376 = arith.constant 0 : i32
    %dma_start3A_377 = tpu.memref_slice %arg7[%dma_start3A_371, %dma_start3A_376] : memref<2x128xi32, #tpu.memory_space<vmem>> -> memref<1x128xi32, #tpu.memory_space<vmem>>
    %dma_start3A_378 = tpu.memref_squeeze %dma_start3A_377 : memref<1x128xi32, #tpu.memory_space<vmem>> -> memref<128xi32, #tpu.memory_space<vmem>>
    %dma_start3A_379 = tpu.memref_slice %arg3[%add3A_370] : memref<640000xi32, #tpu.memory_space<hbm>> -> memref<128xi32, #tpu.memory_space<hbm>>
    tpu.enqueue_dma source(%dma_start3A_379 : memref<128xi32, #tpu.memory_space<hbm>>) target(%dma_start3A_378 : memref<128xi32, #tpu.memory_space<vmem>>) target_semaphore(%arg16 : memref<!tpu.dma_semaphore, #tpu.memory_space<semaphore_mem>>)
    %add3A_380 = arith.constant 320000 : i32
    %add3A_381 = arith.addi %add3A_380, %mul3A_2 : i32
    %add3A_382 = arith.constant 9856 : i32
    %add3A_383 = arith.addi %add3A_381, %add3A_382 : i32
    %dma_start3A_384 = arith.constant 1 : i32
    %dma_start3A_385 = arith.constant 0 : i32
    %dma_start3A_386 = tpu.memref_slice %arg7[%dma_start3A_384, %dma_start3A_385] : memref<2x128xi32, #tpu.memory_space<vmem>> -> memref<1x128xi32, #tpu.memory_space<vmem>>
    %dma_start3A_387 = tpu.memref_squeeze %dma_start3A_386 : memref<1x128xi32, #tpu.memory_space<vmem>> -> memref<128xi32, #tpu.memory_space<vmem>>
    %dma_start3A_388 = tpu.memref_slice %arg3[%add3A_383] : memref<640000xi32, #tpu.memory_space<hbm>> -> memref<128xi32, #tpu.memory_space<hbm>>
    %dma_start3A_389 = arith.constant 0 : i32
    %dma_start3A_390 = tpu.memref_slice %arg7[%dma_start3A_384, %dma_start3A_389] : memref<2x128xi32, #tpu.memory_space<vmem>> -> memref<1x128xi32, #tpu.memory_space<vmem>>
    %dma_start3A_391 = tpu.memref_squeeze %dma_start3A_390 : memref<1x128xi32, #tpu.memory_space<vmem>> -> memref<128xi32, #tpu.memory_space<vmem>>
    %dma_start3A_392 = tpu.memref_slice %arg3[%add3A_383] : memref<640000xi32, #tpu.memory_space<hbm>> -> memref<128xi32, #tpu.memory_space<hbm>>
    tpu.enqueue_dma source(%dma_start3A_392 : memref<128xi32, #tpu.memory_space<hbm>>) target(%dma_start3A_391 : memref<128xi32, #tpu.memory_space<vmem>>) target_semaphore(%arg16 : memref<!tpu.dma_semaphore, #tpu.memory_space<semaphore_mem>>)
    %dma_wait3A_393 = arith.constant 0 : i32
    %dma_wait3A_394 = arith.constant 0 : i32
    %dma_wait3A_395 = tpu.memref_slice %arg6[%dma_wait3A_393, %dma_wait3A_394] : memref<2x128xi32, #tpu.memory_space<vmem>> -> memref<1x128xi32, #tpu.memory_space<vmem>>
    %dma_wait3A_396 = tpu.memref_squeeze %dma_wait3A_395 : memref<1x128xi32, #tpu.memory_space<vmem>> -> memref<128xi32, #tpu.memory_space<vmem>>
    %dma_wait3A_397 = arith.constant 0 : i32
    %dma_wait3A_398 = arith.constant 0 : i32
    %dma_wait3A_399 = tpu.memref_slice %arg2[%dma_wait3A_397, %dma_wait3A_398] : memref<10000x16xf32, #tpu.memory_space<hbm>> -> memref<10000x16xf32, #tpu.memory_space<hbm>>
    tpu.wait_indirect_dma semaphore(%arg22 : memref<!tpu.dma_semaphore, #tpu.memory_space<semaphore_mem>>) src(%dma_wait3A_399 : memref<10000x16xf32, #tpu.memory_space<hbm>>) dst(%arg11 : memref<128x16xf32, #tpu.memory_space<vmem>>)
    %dma_start3A_400 = arith.constant 1 : i32
    %dma_start3A_401 = arith.constant 0 : i32
    %dma_start3A_402 = tpu.memref_slice %arg6[%dma_start3A_400, %dma_start3A_401] : memref<2x128xi32, #tpu.memory_space<vmem>> -> memref<1x128xi32, #tpu.memory_space<vmem>>
    %dma_start3A_403 = tpu.memref_squeeze %dma_start3A_402 : memref<1x128xi32, #tpu.memory_space<vmem>> -> memref<128xi32, #tpu.memory_space<vmem>>
    %dma_start3A_404 = arith.constant 0 : i32
    %dma_start3A_405 = arith.constant 0 : i32
    %dma_start3A_406 = tpu.memref_slice %arg14[%dma_start3A_404, %dma_start3A_405] : memref<10240x16xf32, #tpu.memory_space<vmem_shared>> -> memref<10240x16xf32, #tpu.memory_space<vmem_shared>>
    tpu.enqueue_indirect_dma source(%arg11 : memref<128x16xf32, #tpu.memory_space<vmem>>) target(%dma_start3A_406 : memref<10240x16xf32, #tpu.memory_space<vmem_shared>>) offsets(%dma_start3A_403 : memref<128xi32, #tpu.memory_space<vmem>>) semaphore(%arg24 : memref<!tpu.dma_semaphore, #tpu.memory_space<semaphore_mem>>) {add = true}
    %dma_wait3A_407 = arith.constant 1 : i32
    %dma_wait3A_408 = arith.constant 0 : i32
    %dma_wait3A_409 = tpu.memref_slice %arg9[%dma_wait3A_407, %dma_wait3A_408] : memref<2x128xi32, #tpu.memory_space<vmem>> -> memref<1x128xi32, #tpu.memory_space<vmem>>
    %dma_wait3A_410 = tpu.memref_squeeze %dma_wait3A_409 : memref<1x128xi32, #tpu.memory_space<vmem>> -> memref<128xi32, #tpu.memory_space<vmem>>
    %dma_wait3A_411 = arith.constant 0 : i32
    %dma_wait3A_412 = arith.constant 0 : i32
    %dma_wait3A_413 = tpu.memref_slice %arg14[%dma_wait3A_411, %dma_wait3A_412] : memref<10240x16xf32, #tpu.memory_space<vmem_shared>> -> memref<10240x16xf32, #tpu.memory_space<vmem_shared>>
    tpu.wait_indirect_dma semaphore(%arg25 : memref<!tpu.dma_semaphore, #tpu.memory_space<semaphore_mem>>) src(%arg12 : memref<128x16xf32, #tpu.memory_space<vmem>>) dst(%dma_wait3A_413 : memref<10240x16xf32, #tpu.memory_space<vmem_shared>>)
    %add3A_414 = arith.constant 9856 : i32
    %add3A_415 = arith.addi %mul3A_2, %add3A_414 : i32
    %dma_wait3A_416 = arith.constant 0 : i32
    %dma_wait3A_417 = arith.constant 0 : i32
    %dma_wait3A_418 = tpu.memref_slice %arg7[%dma_wait3A_416, %dma_wait3A_417] : memref<2x128xi32, #tpu.memory_space<vmem>> -> memref<1x128xi32, #tpu.memory_space<vmem>>
    %dma_wait3A_419 = tpu.memref_squeeze %dma_wait3A_418 : memref<1x128xi32, #tpu.memory_space<vmem>> -> memref<128xi32, #tpu.memory_space<vmem>>
    %dma_wait3A_420 = tpu.memref_slice %arg3[%add3A_415] : memref<640000xi32, #tpu.memory_space<hbm>> -> memref<128xi32, #tpu.memory_space<hbm>>
    %dma_wait3A_421 = arith.constant 0 : i32
    %dma_wait3A_422 = tpu.memref_slice %arg7[%dma_wait3A_416, %dma_wait3A_421] : memref<2x128xi32, #tpu.memory_space<vmem>> -> memref<1x128xi32, #tpu.memory_space<vmem>>
    %dma_wait3A_423 = tpu.memref_squeeze %dma_wait3A_422 : memref<1x128xi32, #tpu.memory_space<vmem>> -> memref<128xi32, #tpu.memory_space<vmem>>
    %dma_wait3A_424 = tpu.memref_slice %arg3[%add3A_415] : memref<640000xi32, #tpu.memory_space<hbm>> -> memref<128xi32, #tpu.memory_space<hbm>>
    tpu.wait_dma2 semaphore(%arg16 : memref<!tpu.dma_semaphore, #tpu.memory_space<semaphore_mem>>) src(%dma_wait3A_424 : memref<128xi32, #tpu.memory_space<hbm>>) dst(%dma_wait3A_423 : memref<128xi32, #tpu.memory_space<vmem>>)
    %add3A_425 = arith.constant 320000 : i32
    %add3A_426 = arith.addi %add3A_425, %mul3A_2 : i32
    %add3A_427 = arith.constant 9856 : i32
    %add3A_428 = arith.addi %add3A_426, %add3A_427 : i32
    %dma_wait3A_429 = arith.constant 1 : i32
    %dma_wait3A_430 = arith.constant 0 : i32
    %dma_wait3A_431 = tpu.memref_slice %arg7[%dma_wait3A_429, %dma_wait3A_430] : memref<2x128xi32, #tpu.memory_space<vmem>> -> memref<1x128xi32, #tpu.memory_space<vmem>>
    %dma_wait3A_432 = tpu.memref_squeeze %dma_wait3A_431 : memref<1x128xi32, #tpu.memory_space<vmem>> -> memref<128xi32, #tpu.memory_space<vmem>>
    %dma_wait3A_433 = tpu.memref_slice %arg3[%add3A_428] : memref<640000xi32, #tpu.memory_space<hbm>> -> memref<128xi32, #tpu.memory_space<hbm>>
    %dma_wait3A_434 = arith.constant 0 : i32
    %dma_wait3A_435 = tpu.memref_slice %arg7[%dma_wait3A_429, %dma_wait3A_434] : memref<2x128xi32, #tpu.memory_space<vmem>> -> memref<1x128xi32, #tpu.memory_space<vmem>>
    %dma_wait3A_436 = tpu.memref_squeeze %dma_wait3A_435 : memref<1x128xi32, #tpu.memory_space<vmem>> -> memref<128xi32, #tpu.memory_space<vmem>>
    %dma_wait3A_437 = tpu.memref_slice %arg3[%add3A_428] : memref<640000xi32, #tpu.memory_space<hbm>> -> memref<128xi32, #tpu.memory_space<hbm>>
    tpu.wait_dma2 semaphore(%arg16 : memref<!tpu.dma_semaphore, #tpu.memory_space<semaphore_mem>>) src(%dma_wait3A_437 : memref<128xi32, #tpu.memory_space<hbm>>) dst(%dma_wait3A_436 : memref<128xi32, #tpu.memory_space<vmem>>)
    %dma_start3A_438 = arith.constant 0 : i32
    %dma_start3A_439 = arith.constant 0 : i32
    %dma_start3A_440 = tpu.memref_slice %arg7[%dma_start3A_438, %dma_start3A_439] : memref<2x128xi32, #tpu.memory_space<vmem>> -> memref<1x128xi32, #tpu.memory_space<vmem>>
    %dma_start3A_441 = tpu.memref_squeeze %dma_start3A_440 : memref<1x128xi32, #tpu.memory_space<vmem>> -> memref<128xi32, #tpu.memory_space<vmem>>
    %dma_start3A_442 = arith.constant 0 : i32
    %dma_start3A_443 = arith.constant 0 : i32
    %dma_start3A_444 = tpu.memref_slice %arg2[%dma_start3A_442, %dma_start3A_443] : memref<10000x16xf32, #tpu.memory_space<hbm>> -> memref<10000x16xf32, #tpu.memory_space<hbm>>
    tpu.enqueue_indirect_dma source(%dma_start3A_444 : memref<10000x16xf32, #tpu.memory_space<hbm>>) target(%arg12 : memref<128x16xf32, #tpu.memory_space<vmem>>) offsets(%dma_start3A_441 : memref<128xi32, #tpu.memory_space<vmem>>) semaphore(%arg23 : memref<!tpu.dma_semaphore, #tpu.memory_space<semaphore_mem>>)
    %dma_wait3A_445 = arith.constant 0 : i32
    %dma_wait3A_446 = arith.constant 0 : i32
    %dma_wait3A_447 = tpu.memref_slice %arg7[%dma_wait3A_445, %dma_wait3A_446] : memref<2x128xi32, #tpu.memory_space<vmem>> -> memref<1x128xi32, #tpu.memory_space<vmem>>
    %dma_wait3A_448 = tpu.memref_squeeze %dma_wait3A_447 : memref<1x128xi32, #tpu.memory_space<vmem>> -> memref<128xi32, #tpu.memory_space<vmem>>
    %dma_wait3A_449 = arith.constant 0 : i32
    %dma_wait3A_450 = arith.constant 0 : i32
    %dma_wait3A_451 = tpu.memref_slice %arg2[%dma_wait3A_449, %dma_wait3A_450] : memref<10000x16xf32, #tpu.memory_space<hbm>> -> memref<10000x16xf32, #tpu.memory_space<hbm>>
    tpu.wait_indirect_dma semaphore(%arg23 : memref<!tpu.dma_semaphore, #tpu.memory_space<semaphore_mem>>) src(%dma_wait3A_451 : memref<10000x16xf32, #tpu.memory_space<hbm>>) dst(%arg12 : memref<128x16xf32, #tpu.memory_space<vmem>>)
    %dma_start3A_452 = arith.constant 1 : i32
    %dma_start3A_453 = arith.constant 0 : i32
    %dma_start3A_454 = tpu.memref_slice %arg7[%dma_start3A_452, %dma_start3A_453] : memref<2x128xi32, #tpu.memory_space<vmem>> -> memref<1x128xi32, #tpu.memory_space<vmem>>
    %dma_start3A_455 = tpu.memref_squeeze %dma_start3A_454 : memref<1x128xi32, #tpu.memory_space<vmem>> -> memref<128xi32, #tpu.memory_space<vmem>>
    %dma_start3A_456 = arith.constant 0 : i32
    %dma_start3A_457 = arith.constant 0 : i32
    %dma_start3A_458 = tpu.memref_slice %arg14[%dma_start3A_456, %dma_start3A_457] : memref<10240x16xf32, #tpu.memory_space<vmem_shared>> -> memref<10240x16xf32, #tpu.memory_space<vmem_shared>>
    tpu.enqueue_indirect_dma source(%arg12 : memref<128x16xf32, #tpu.memory_space<vmem>>) target(%dma_start3A_458 : memref<10240x16xf32, #tpu.memory_space<vmem_shared>>) offsets(%dma_start3A_455 : memref<128xi32, #tpu.memory_space<vmem>>) semaphore(%arg25 : memref<!tpu.dma_semaphore, #tpu.memory_space<semaphore_mem>>) {add = true}
    %dma_wait3A_459 = arith.constant 1 : i32
    %dma_wait3A_460 = arith.constant 0 : i32
    %dma_wait3A_461 = tpu.memref_slice %arg6[%dma_wait3A_459, %dma_wait3A_460] : memref<2x128xi32, #tpu.memory_space<vmem>> -> memref<1x128xi32, #tpu.memory_space<vmem>>
    %dma_wait3A_462 = tpu.memref_squeeze %dma_wait3A_461 : memref<1x128xi32, #tpu.memory_space<vmem>> -> memref<128xi32, #tpu.memory_space<vmem>>
    %dma_wait3A_463 = arith.constant 0 : i32
    %dma_wait3A_464 = arith.constant 0 : i32
    %dma_wait3A_465 = tpu.memref_slice %arg14[%dma_wait3A_463, %dma_wait3A_464] : memref<10240x16xf32, #tpu.memory_space<vmem_shared>> -> memref<10240x16xf32, #tpu.memory_space<vmem_shared>>
    tpu.wait_indirect_dma semaphore(%arg24 : memref<!tpu.dma_semaphore, #tpu.memory_space<semaphore_mem>>) src(%arg11 : memref<128x16xf32, #tpu.memory_space<vmem>>) dst(%dma_wait3A_465 : memref<10240x16xf32, #tpu.memory_space<vmem_shared>>)
    %add3A_466 = arith.constant 9984 : i32
    %add3A_467 = arith.addi %mul3A_2, %add3A_466 : i32
    %dma_start3A_468 = arith.constant 0 : i32
    %dma_start3A_469 = arith.constant 0 : i32
    %dma_start3A_470 = tpu.memref_slice %arg10[%dma_start3A_468, %dma_start3A_469] : memref<2x16xi32, #tpu.memory_space<vmem>> -> memref<1x16xi32, #tpu.memory_space<vmem>>
    %dma_start3A_471 = tpu.memref_squeeze %dma_start3A_470 : memref<1x16xi32, #tpu.memory_space<vmem>> -> memref<16xi32, #tpu.memory_space<vmem>>
    %dma_start3A_472 = tpu.memref_slice %arg3[%add3A_467] : memref<640000xi32, #tpu.memory_space<hbm>> -> memref<16xi32, #tpu.memory_space<hbm>>
    %dma_start3A_473 = arith.constant 0 : i32
    %dma_start3A_474 = tpu.memref_slice %arg10[%dma_start3A_468, %dma_start3A_473] : memref<2x16xi32, #tpu.memory_space<vmem>> -> memref<1x16xi32, #tpu.memory_space<vmem>>
    %dma_start3A_475 = tpu.memref_squeeze %dma_start3A_474 : memref<1x16xi32, #tpu.memory_space<vmem>> -> memref<16xi32, #tpu.memory_space<vmem>>
    %dma_start3A_476 = tpu.memref_slice %arg3[%add3A_467] : memref<640000xi32, #tpu.memory_space<hbm>> -> memref<16xi32, #tpu.memory_space<hbm>>
    tpu.enqueue_dma source(%dma_start3A_476 : memref<16xi32, #tpu.memory_space<hbm>>) target(%dma_start3A_475 : memref<16xi32, #tpu.memory_space<vmem>>) target_semaphore(%arg19 : memref<!tpu.dma_semaphore, #tpu.memory_space<semaphore_mem>>)
    %add3A_477 = arith.constant 320000 : i32
    %add3A_478 = arith.addi %add3A_477, %add3A_467 : i32
    %dma_start3A_479 = arith.constant 1 : i32
    %dma_start3A_480 = arith.constant 0 : i32
    %dma_start3A_481 = tpu.memref_slice %arg10[%dma_start3A_479, %dma_start3A_480] : memref<2x16xi32, #tpu.memory_space<vmem>> -> memref<1x16xi32, #tpu.memory_space<vmem>>
    %dma_start3A_482 = tpu.memref_squeeze %dma_start3A_481 : memref<1x16xi32, #tpu.memory_space<vmem>> -> memref<16xi32, #tpu.memory_space<vmem>>
    %dma_start3A_483 = tpu.memref_slice %arg3[%add3A_478] : memref<640000xi32, #tpu.memory_space<hbm>> -> memref<16xi32, #tpu.memory_space<hbm>>
    %dma_start3A_484 = arith.constant 0 : i32
    %dma_start3A_485 = tpu.memref_slice %arg10[%dma_start3A_479, %dma_start3A_484] : memref<2x16xi32, #tpu.memory_space<vmem>> -> memref<1x16xi32, #tpu.memory_space<vmem>>
    %dma_start3A_486 = tpu.memref_squeeze %dma_start3A_485 : memref<1x16xi32, #tpu.memory_space<vmem>> -> memref<16xi32, #tpu.memory_space<vmem>>
    %dma_start3A_487 = tpu.memref_slice %arg3[%add3A_478] : memref<640000xi32, #tpu.memory_space<hbm>> -> memref<16xi32, #tpu.memory_space<hbm>>
    tpu.enqueue_dma source(%dma_start3A_487 : memref<16xi32, #tpu.memory_space<hbm>>) target(%dma_start3A_486 : memref<16xi32, #tpu.memory_space<vmem>>) target_semaphore(%arg19 : memref<!tpu.dma_semaphore, #tpu.memory_space<semaphore_mem>>)
    %dma_wait3A_488 = arith.constant 0 : i32
    %dma_wait3A_489 = arith.constant 0 : i32
    %dma_wait3A_490 = tpu.memref_slice %arg10[%dma_wait3A_488, %dma_wait3A_489] : memref<2x16xi32, #tpu.memory_space<vmem>> -> memref<1x16xi32, #tpu.memory_space<vmem>>
    %dma_wait3A_491 = tpu.memref_squeeze %dma_wait3A_490 : memref<1x16xi32, #tpu.memory_space<vmem>> -> memref<16xi32, #tpu.memory_space<vmem>>
    %dma_wait3A_492 = tpu.memref_slice %arg3[%add3A_467] : memref<640000xi32, #tpu.memory_space<hbm>> -> memref<16xi32, #tpu.memory_space<hbm>>
    %dma_wait3A_493 = arith.constant 0 : i32
    %dma_wait3A_494 = tpu.memref_slice %arg10[%dma_wait3A_488, %dma_wait3A_493] : memref<2x16xi32, #tpu.memory_space<vmem>> -> memref<1x16xi32, #tpu.memory_space<vmem>>
    %dma_wait3A_495 = tpu.memref_squeeze %dma_wait3A_494 : memref<1x16xi32, #tpu.memory_space<vmem>> -> memref<16xi32, #tpu.memory_space<vmem>>
    %dma_wait3A_496 = tpu.memref_slice %arg3[%add3A_467] : memref<640000xi32, #tpu.memory_space<hbm>> -> memref<16xi32, #tpu.memory_space<hbm>>
    tpu.wait_dma2 semaphore(%arg19 : memref<!tpu.dma_semaphore, #tpu.memory_space<semaphore_mem>>) src(%dma_wait3A_496 : memref<16xi32, #tpu.memory_space<hbm>>) dst(%dma_wait3A_495 : memref<16xi32, #tpu.memory_space<vmem>>)
    %add3A_497 = arith.constant 320000 : i32
    %add3A_498 = arith.addi %add3A_497, %add3A_467 : i32
    %dma_wait3A_499 = arith.constant 1 : i32
    %dma_wait3A_500 = arith.constant 0 : i32
    %dma_wait3A_501 = tpu.memref_slice %arg10[%dma_wait3A_499, %dma_wait3A_500] : memref<2x16xi32, #tpu.memory_space<vmem>> -> memref<1x16xi32, #tpu.memory_space<vmem>>
    %dma_wait3A_502 = tpu.memref_squeeze %dma_wait3A_501 : memref<1x16xi32, #tpu.memory_space<vmem>> -> memref<16xi32, #tpu.memory_space<vmem>>
    %dma_wait3A_503 = tpu.memref_slice %arg3[%add3A_498] : memref<640000xi32, #tpu.memory_space<hbm>> -> memref<16xi32, #tpu.memory_space<hbm>>
    %dma_wait3A_504 = arith.constant 0 : i32
    %dma_wait3A_505 = tpu.memref_slice %arg10[%dma_wait3A_499, %dma_wait3A_504] : memref<2x16xi32, #tpu.memory_space<vmem>> -> memref<1x16xi32, #tpu.memory_space<vmem>>
    %dma_wait3A_506 = tpu.memref_squeeze %dma_wait3A_505 : memref<1x16xi32, #tpu.memory_space<vmem>> -> memref<16xi32, #tpu.memory_space<vmem>>
    %dma_wait3A_507 = tpu.memref_slice %arg3[%add3A_498] : memref<640000xi32, #tpu.memory_space<hbm>> -> memref<16xi32, #tpu.memory_space<hbm>>
    tpu.wait_dma2 semaphore(%arg19 : memref<!tpu.dma_semaphore, #tpu.memory_space<semaphore_mem>>) src(%dma_wait3A_507 : memref<16xi32, #tpu.memory_space<hbm>>) dst(%dma_wait3A_506 : memref<16xi32, #tpu.memory_space<vmem>>)
    %dma_start3A_508 = arith.constant 0 : i32
    %dma_start3A_509 = arith.constant 0 : i32
    %dma_start3A_510 = tpu.memref_slice %arg10[%dma_start3A_508, %dma_start3A_509] : memref<2x16xi32, #tpu.memory_space<vmem>> -> memref<1x16xi32, #tpu.memory_space<vmem>>
    %dma_start3A_511 = tpu.memref_squeeze %dma_start3A_510 : memref<1x16xi32, #tpu.memory_space<vmem>> -> memref<16xi32, #tpu.memory_space<vmem>>
    %dma_start3A_512 = arith.constant 0 : i32
    %dma_start3A_513 = arith.constant 0 : i32
    %dma_start3A_514 = tpu.memref_slice %arg2[%dma_start3A_512, %dma_start3A_513] : memref<10000x16xf32, #tpu.memory_space<hbm>> -> memref<10000x16xf32, #tpu.memory_space<hbm>>
    tpu.enqueue_indirect_dma source(%dma_start3A_514 : memref<10000x16xf32, #tpu.memory_space<hbm>>) target(%arg13 : memref<16x16xf32, #tpu.memory_space<vmem>>) offsets(%dma_start3A_511 : memref<16xi32, #tpu.memory_space<vmem>>) semaphore(%arg20 : memref<!tpu.dma_semaphore, #tpu.memory_space<semaphore_mem>>)
    %dma_wait3A_515 = arith.constant 0 : i32
    %dma_wait3A_516 = arith.constant 0 : i32
    %dma_wait3A_517 = tpu.memref_slice %arg10[%dma_wait3A_515, %dma_wait3A_516] : memref<2x16xi32, #tpu.memory_space<vmem>> -> memref<1x16xi32, #tpu.memory_space<vmem>>
    %dma_wait3A_518 = tpu.memref_squeeze %dma_wait3A_517 : memref<1x16xi32, #tpu.memory_space<vmem>> -> memref<16xi32, #tpu.memory_space<vmem>>
    %dma_wait3A_519 = arith.constant 0 : i32
    %dma_wait3A_520 = arith.constant 0 : i32
    %dma_wait3A_521 = tpu.memref_slice %arg2[%dma_wait3A_519, %dma_wait3A_520] : memref<10000x16xf32, #tpu.memory_space<hbm>> -> memref<10000x16xf32, #tpu.memory_space<hbm>>
    tpu.wait_indirect_dma semaphore(%arg20 : memref<!tpu.dma_semaphore, #tpu.memory_space<semaphore_mem>>) src(%dma_wait3A_521 : memref<10000x16xf32, #tpu.memory_space<hbm>>) dst(%arg13 : memref<16x16xf32, #tpu.memory_space<vmem>>)
    %dma_start3A_522 = arith.constant 1 : i32
    %dma_start3A_523 = arith.constant 0 : i32
    %dma_start3A_524 = tpu.memref_slice %arg10[%dma_start3A_522, %dma_start3A_523] : memref<2x16xi32, #tpu.memory_space<vmem>> -> memref<1x16xi32, #tpu.memory_space<vmem>>
    %dma_start3A_525 = tpu.memref_squeeze %dma_start3A_524 : memref<1x16xi32, #tpu.memory_space<vmem>> -> memref<16xi32, #tpu.memory_space<vmem>>
    %dma_start3A_526 = arith.constant 0 : i32
    %dma_start3A_527 = arith.constant 0 : i32
    %dma_start3A_528 = tpu.memref_slice %arg14[%dma_start3A_526, %dma_start3A_527] : memref<10240x16xf32, #tpu.memory_space<vmem_shared>> -> memref<10240x16xf32, #tpu.memory_space<vmem_shared>>
    tpu.enqueue_indirect_dma source(%arg13 : memref<16x16xf32, #tpu.memory_space<vmem>>) target(%dma_start3A_528 : memref<10240x16xf32, #tpu.memory_space<vmem_shared>>) offsets(%dma_start3A_525 : memref<16xi32, #tpu.memory_space<vmem>>) semaphore(%arg21 : memref<!tpu.dma_semaphore, #tpu.memory_space<semaphore_mem>>) {add = true}
    %dma_wait3A_529 = arith.constant 1 : i32
    %dma_wait3A_530 = arith.constant 0 : i32
    %dma_wait3A_531 = tpu.memref_slice %arg7[%dma_wait3A_529, %dma_wait3A_530] : memref<2x128xi32, #tpu.memory_space<vmem>> -> memref<1x128xi32, #tpu.memory_space<vmem>>
    %dma_wait3A_532 = tpu.memref_squeeze %dma_wait3A_531 : memref<1x128xi32, #tpu.memory_space<vmem>> -> memref<128xi32, #tpu.memory_space<vmem>>
    %dma_wait3A_533 = arith.constant 0 : i32
    %dma_wait3A_534 = arith.constant 0 : i32
    %dma_wait3A_535 = tpu.memref_slice %arg14[%dma_wait3A_533, %dma_wait3A_534] : memref<10240x16xf32, #tpu.memory_space<vmem_shared>> -> memref<10240x16xf32, #tpu.memory_space<vmem_shared>>
    tpu.wait_indirect_dma semaphore(%arg25 : memref<!tpu.dma_semaphore, #tpu.memory_space<semaphore_mem>>) src(%arg12 : memref<128x16xf32, #tpu.memory_space<vmem>>) dst(%dma_wait3A_535 : memref<10240x16xf32, #tpu.memory_space<vmem_shared>>)
    %dma_wait3A_536 = arith.constant 1 : i32
    %dma_wait3A_537 = arith.constant 0 : i32
    %dma_wait3A_538 = tpu.memref_slice %arg10[%dma_wait3A_536, %dma_wait3A_537] : memref<2x16xi32, #tpu.memory_space<vmem>> -> memref<1x16xi32, #tpu.memory_space<vmem>>
    %dma_wait3A_539 = tpu.memref_squeeze %dma_wait3A_538 : memref<1x16xi32, #tpu.memory_space<vmem>> -> memref<16xi32, #tpu.memory_space<vmem>>
    %dma_wait3A_540 = arith.constant 0 : i32
    %dma_wait3A_541 = arith.constant 0 : i32
    %dma_wait3A_542 = tpu.memref_slice %arg14[%dma_wait3A_540, %dma_wait3A_541] : memref<10240x16xf32, #tpu.memory_space<vmem_shared>> -> memref<10240x16xf32, #tpu.memory_space<vmem_shared>>
    tpu.wait_indirect_dma semaphore(%arg21 : memref<!tpu.dma_semaphore, #tpu.memory_space<semaphore_mem>>) src(%arg13 : memref<16x16xf32, #tpu.memory_space<vmem>>) dst(%dma_wait3A_542 : memref<10240x16xf32, #tpu.memory_space<vmem_shared>>)
    %barrier3A_543 = arith.constant 0 : index
    tpu.barrier barrier_id(%barrier3A_543)
    %mul3A_544 = arith.constant 640 : i32
    %mul3A_545 = arith.muli %arg1, %mul3A_544 : i32
    %mul3A_546 = arith.constant 640 : i32
    %mul3A_547 = arith.muli %arg1, %mul3A_546 : i32
    "tpu.region"() ({
      %run_scoped3A = tpu.sem_alloc : memref<!tpu.dma_semaphore, #tpu.memory_space<semaphore_mem>>
      %dma_start3A_548 = arith.constant 0 : i32
      %dma_start3A_549 = tpu.memref_slice %arg5[%arg0, %mul3A_547, %dma_start3A_548] : memref<2x10240x16xf32, #tpu.memory_space<hbm>> -> memref<1x640x16xf32, #tpu.memory_space<hbm>>
      %dma_start3A_550 = tpu.memref_squeeze %dma_start3A_549 : memref<1x640x16xf32, #tpu.memory_space<hbm>> -> memref<640x16xf32, #tpu.memory_space<hbm>>
      %dma_start3A_551 = arith.constant 0 : i32
      %dma_start3A_552 = tpu.memref_slice %arg14[%mul3A_545, %dma_start3A_551] : memref<10240x16xf32, #tpu.memory_space<vmem_shared>> -> memref<640x16xf32, #tpu.memory_space<vmem_shared>>
      tpu.enqueue_dma source(%dma_start3A_552 : memref<640x16xf32, #tpu.memory_space<vmem_shared>>) target(%dma_start3A_550 : memref<640x16xf32, #tpu.memory_space<hbm>>) target_semaphore(%run_scoped3A : memref<!tpu.dma_semaphore, #tpu.memory_space<semaphore_mem>>)
      %dma_wait3A_553 = arith.constant 0 : i32
      %dma_wait3A_554 = tpu.memref_slice %arg5[%arg0, %mul3A_547, %dma_wait3A_553] : memref<2x10240x16xf32, #tpu.memory_space<hbm>> -> memref<1x640x16xf32, #tpu.memory_space<hbm>>
      %dma_wait3A_555 = tpu.memref_squeeze %dma_wait3A_554 : memref<1x640x16xf32, #tpu.memory_space<hbm>> -> memref<640x16xf32, #tpu.memory_space<hbm>>
      %dma_wait3A_556 = arith.constant 0 : i32
      %dma_wait3A_557 = tpu.memref_slice %arg14[%mul3A_545, %dma_wait3A_556] : memref<10240x16xf32, #tpu.memory_space<vmem_shared>> -> memref<640x16xf32, #tpu.memory_space<vmem_shared>>
      tpu.wait_dma2 semaphore(%run_scoped3A : memref<!tpu.dma_semaphore, #tpu.memory_space<semaphore_mem>>) src(%dma_wait3A_557 : memref<640x16xf32, #tpu.memory_space<vmem_shared>>) dst(%dma_wait3A_555 : memref<640x16xf32, #tpu.memory_space<hbm>>)
      tpu.yield
    }) : () -> ()
    return
  }
}

#map = affine_map<(d0, d1) -> (0, 0)>
#map1 = affine_map<(d0, d1) -> (0)>
#map2 = affine_map<(d0, d1) -> (0, 0, 0)>
module attributes {stable_mosaic.version = 14 : i64} {
  func.func @_scat_body(%arg0: i32, %arg1: i32, %arg2: memref<10000x128xf32, #tpu.memory_space<hbm>>, %arg3: memref<640000xi32, #tpu.memory_space<hbm>>, %arg4: memref<10240x128xf32, #tpu.memory_space<hbm>>, %arg5: memref<2x10240x128xf32, #tpu.memory_space<hbm>>, %arg6: memref<2x128xi32, #tpu.memory_space<vmem>>, %arg7: memref<2x128xi32, #tpu.memory_space<vmem>>, %arg8: memref<2x128xi32, #tpu.memory_space<vmem>>, %arg9: memref<2x128xi32, #tpu.memory_space<vmem>>, %arg10: memref<2x16xi32, #tpu.memory_space<vmem>>, %arg11: memref<128x128xf32, #tpu.memory_space<vmem>>, %arg12: memref<128x128xf32, #tpu.memory_space<vmem>>, %arg13: memref<16x128xf32, #tpu.memory_space<vmem>>, %arg14: memref<10240x128xf32, #tpu.memory_space<vmem_shared>>, %arg15: memref<!tpu.dma_semaphore, #tpu.memory_space<semaphore_mem>>, %arg16: memref<!tpu.dma_semaphore, #tpu.memory_space<semaphore_mem>>, %arg17: memref<!tpu.dma_semaphore, #tpu.memory_space<semaphore_mem>>, %arg18: memref<!tpu.dma_semaphore, #tpu.memory_space<semaphore_mem>>, %arg19: memref<!tpu.dma_semaphore, #tpu.memory_space<semaphore_mem>>, %arg20: memref<!tpu.dma_semaphore, #tpu.memory_space<semaphore_mem>>, %arg21: memref<!tpu.dma_semaphore, #tpu.memory_space<semaphore_mem>>, %arg22: memref<!tpu.dma_semaphore, #tpu.memory_space<semaphore_mem>>, %arg23: memref<!tpu.dma_semaphore, #tpu.memory_space<semaphore_mem>>, %arg24: memref<!tpu.dma_semaphore, #tpu.memory_space<semaphore_mem>>, %arg25: memref<!tpu.dma_semaphore, #tpu.memory_space<semaphore_mem>>) attributes {dimension_semantics = [#tpu.dimension_semantics<core_parallel>, #tpu.dimension_semantics<subcore_parallel>], iteration_bounds = array<i64: 2, 16>, scalar_prefetch = 0 : i64, scratch_operands = 20 : i64, tpu.core_type = #tpu.core_type<sc_vector_subcore>, window_params = [{transform_indices = #map}, {transform_indices = #map1}, {transform_indices = #map}, {transform_indices = #map2}]} {
    %mul3A = arith.constant 2 : i32
    %mul3A_0 = arith.muli %arg1, %mul3A : i32
    %add3A = arith.addi %mul3A_0, %arg0 : i32
    %mul3A_1 = arith.constant 10000 : i32
    %mul3A_2 = arith.muli %add3A, %mul3A_1 : i32
    %add3A_3 = arith.constant 0 : i32
    %add3A_4 = arith.addi %mul3A_2, %add3A_3 : i32
    %dma_start3A = arith.constant 0 : i32
    %dma_start3A_5 = arith.constant 0 : i32
    %dma_start3A_6 = tpu.memref_slice %arg6[%dma_start3A, %dma_start3A_5] : memref<2x128xi32, #tpu.memory_space<vmem>> -> memref<1x128xi32, #tpu.memory_space<vmem>>
    %dma_start3A_7 = tpu.memref_squeeze %dma_start3A_6 : memref<1x128xi32, #tpu.memory_space<vmem>> -> memref<128xi32, #tpu.memory_space<vmem>>
    %dma_start3A_8 = tpu.memref_slice %arg3[%add3A_4] : memref<640000xi32, #tpu.memory_space<hbm>> -> memref<128xi32, #tpu.memory_space<hbm>>
    %dma_start3A_9 = arith.constant 0 : i32
    %dma_start3A_10 = tpu.memref_slice %arg6[%dma_start3A, %dma_start3A_9] : memref<2x128xi32, #tpu.memory_space<vmem>> -> memref<1x128xi32, #tpu.memory_space<vmem>>
    %dma_start3A_11 = tpu.memref_squeeze %dma_start3A_10 : memref<1x128xi32, #tpu.memory_space<vmem>> -> memref<128xi32, #tpu.memory_space<vmem>>
    %dma_start3A_12 = tpu.memref_slice %arg3[%add3A_4] : memref<640000xi32, #tpu.memory_space<hbm>> -> memref<128xi32, #tpu.memory_space<hbm>>
    tpu.enqueue_dma source(%dma_start3A_12 : memref<128xi32, #tpu.memory_space<hbm>>) target(%dma_start3A_11 : memref<128xi32, #tpu.memory_space<vmem>>) target_semaphore(%arg15 : memref<!tpu.dma_semaphore, #tpu.memory_space<semaphore_mem>>)
    %add3A_13 = arith.constant 320000 : i32
    %add3A_14 = arith.addi %add3A_13, %mul3A_2 : i32
    %add3A_15 = arith.constant 0 : i32
    %add3A_16 = arith.addi %add3A_14, %add3A_15 : i32
    %dma_start3A_17 = arith.constant 1 : i32
    %dma_start3A_18 = arith.constant 0 : i32
    %dma_start3A_19 = tpu.memref_slice %arg6[%dma_start3A_17, %dma_start3A_18] : memref<2x128xi32, #tpu.memory_space<vmem>> -> memref<1x128xi32, #tpu.memory_space<vmem>>
    %dma_start3A_20 = tpu.memref_squeeze %dma_start3A_19 : memref<1x128xi32, #tpu.memory_space<vmem>> -> memref<128xi32, #tpu.memory_space<vmem>>
    %dma_start3A_21 = tpu.memref_slice %arg3[%add3A_16] : memref<640000xi32, #tpu.memory_space<hbm>> -> memref<128xi32, #tpu.memory_space<hbm>>
    %dma_start3A_22 = arith.constant 0 : i32
    %dma_start3A_23 = tpu.memref_slice %arg6[%dma_start3A_17, %dma_start3A_22] : memref<2x128xi32, #tpu.memory_space<vmem>> -> memref<1x128xi32, #tpu.memory_space<vmem>>
    %dma_start3A_24 = tpu.memref_squeeze %dma_start3A_23 : memref<1x128xi32, #tpu.memory_space<vmem>> -> memref<128xi32, #tpu.memory_space<vmem>>
    %dma_start3A_25 = tpu.memref_slice %arg3[%add3A_16] : memref<640000xi32, #tpu.memory_space<hbm>> -> memref<128xi32, #tpu.memory_space<hbm>>
    tpu.enqueue_dma source(%dma_start3A_25 : memref<128xi32, #tpu.memory_space<hbm>>) target(%dma_start3A_24 : memref<128xi32, #tpu.memory_space<vmem>>) target_semaphore(%arg15 : memref<!tpu.dma_semaphore, #tpu.memory_space<semaphore_mem>>)
    %add3A_26 = arith.constant 128 : i32
    %add3A_27 = arith.addi %mul3A_2, %add3A_26 : i32
    %dma_start3A_28 = arith.constant 0 : i32
    %dma_start3A_29 = arith.constant 0 : i32
    %dma_start3A_30 = tpu.memref_slice %arg7[%dma_start3A_28, %dma_start3A_29] : memref<2x128xi32, #tpu.memory_space<vmem>> -> memref<1x128xi32, #tpu.memory_space<vmem>>
    %dma_start3A_31 = tpu.memref_squeeze %dma_start3A_30 : memref<1x128xi32, #tpu.memory_space<vmem>> -> memref<128xi32, #tpu.memory_space<vmem>>
    %dma_start3A_32 = tpu.memref_slice %arg3[%add3A_27] : memref<640000xi32, #tpu.memory_space<hbm>> -> memref<128xi32, #tpu.memory_space<hbm>>
    %dma_start3A_33 = arith.constant 0 : i32
    %dma_start3A_34 = tpu.memref_slice %arg7[%dma_start3A_28, %dma_start3A_33] : memref<2x128xi32, #tpu.memory_space<vmem>> -> memref<1x128xi32, #tpu.memory_space<vmem>>
    %dma_start3A_35 = tpu.memref_squeeze %dma_start3A_34 : memref<1x128xi32, #tpu.memory_space<vmem>> -> memref<128xi32, #tpu.memory_space<vmem>>
    %dma_start3A_36 = tpu.memref_slice %arg3[%add3A_27] : memref<640000xi32, #tpu.memory_space<hbm>> -> memref<128xi32, #tpu.memory_space<hbm>>
    tpu.enqueue_dma source(%dma_start3A_36 : memref<128xi32, #tpu.memory_space<hbm>>) target(%dma_start3A_35 : memref<128xi32, #tpu.memory_space<vmem>>) target_semaphore(%arg16 : memref<!tpu.dma_semaphore, #tpu.memory_space<semaphore_mem>>)
    %add3A_37 = arith.constant 320000 : i32
    %add3A_38 = arith.addi %add3A_37, %mul3A_2 : i32
    %add3A_39 = arith.constant 128 : i32
    %add3A_40 = arith.addi %add3A_38, %add3A_39 : i32
    %dma_start3A_41 = arith.constant 1 : i32
    %dma_start3A_42 = arith.constant 0 : i32
    %dma_start3A_43 = tpu.memref_slice %arg7[%dma_start3A_41, %dma_start3A_42] : memref<2x128xi32, #tpu.memory_space<vmem>> -> memref<1x128xi32, #tpu.memory_space<vmem>>
    %dma_start3A_44 = tpu.memref_squeeze %dma_start3A_43 : memref<1x128xi32, #tpu.memory_space<vmem>> -> memref<128xi32, #tpu.memory_space<vmem>>
    %dma_start3A_45 = tpu.memref_slice %arg3[%add3A_40] : memref<640000xi32, #tpu.memory_space<hbm>> -> memref<128xi32, #tpu.memory_space<hbm>>
    %dma_start3A_46 = arith.constant 0 : i32
    %dma_start3A_47 = tpu.memref_slice %arg7[%dma_start3A_41, %dma_start3A_46] : memref<2x128xi32, #tpu.memory_space<vmem>> -> memref<1x128xi32, #tpu.memory_space<vmem>>
    %dma_start3A_48 = tpu.memref_squeeze %dma_start3A_47 : memref<1x128xi32, #tpu.memory_space<vmem>> -> memref<128xi32, #tpu.memory_space<vmem>>
    %dma_start3A_49 = tpu.memref_slice %arg3[%add3A_40] : memref<640000xi32, #tpu.memory_space<hbm>> -> memref<128xi32, #tpu.memory_space<hbm>>
    tpu.enqueue_dma source(%dma_start3A_49 : memref<128xi32, #tpu.memory_space<hbm>>) target(%dma_start3A_48 : memref<128xi32, #tpu.memory_space<vmem>>) target_semaphore(%arg16 : memref<!tpu.dma_semaphore, #tpu.memory_space<semaphore_mem>>)
    %mul3A_50 = arith.constant 640 : i32
    %mul3A_51 = arith.muli %arg1, %mul3A_50 : i32
    %mul3A_52 = arith.constant 640 : i32
    %mul3A_53 = arith.muli %arg1, %mul3A_52 : i32
    "tpu.region"() ({
      %run_scoped3A = tpu.sem_alloc : memref<!tpu.dma_semaphore, #tpu.memory_space<semaphore_mem>>
      %dma_start3A_548 = arith.constant 0 : i32
      %dma_start3A_549 = tpu.memref_slice %arg14[%mul3A_53, %dma_start3A_548] : memref<10240x128xf32, #tpu.memory_space<vmem_shared>> -> memref<640x128xf32, #tpu.memory_space<vmem_shared>>
      %dma_start3A_550 = arith.constant 0 : i32
      %dma_start3A_551 = tpu.memref_slice %arg4[%mul3A_51, %dma_start3A_550] : memref<10240x128xf32, #tpu.memory_space<hbm>> -> memref<640x128xf32, #tpu.memory_space<hbm>>
      tpu.enqueue_dma source(%dma_start3A_551 : memref<640x128xf32, #tpu.memory_space<hbm>>) target(%dma_start3A_549 : memref<640x128xf32, #tpu.memory_space<vmem_shared>>) target_semaphore(%run_scoped3A : memref<!tpu.dma_semaphore, #tpu.memory_space<semaphore_mem>>)
      %dma_wait3A_552 = arith.constant 0 : i32
      %dma_wait3A_553 = tpu.memref_slice %arg14[%mul3A_53, %dma_wait3A_552] : memref<10240x128xf32, #tpu.memory_space<vmem_shared>> -> memref<640x128xf32, #tpu.memory_space<vmem_shared>>
      %dma_wait3A_554 = arith.constant 0 : i32
      %dma_wait3A_555 = tpu.memref_slice %arg4[%mul3A_51, %dma_wait3A_554] : memref<10240x128xf32, #tpu.memory_space<hbm>> -> memref<640x128xf32, #tpu.memory_space<hbm>>
      tpu.wait_dma2 semaphore(%run_scoped3A : memref<!tpu.dma_semaphore, #tpu.memory_space<semaphore_mem>>) src(%dma_wait3A_555 : memref<640x128xf32, #tpu.memory_space<hbm>>) dst(%dma_wait3A_553 : memref<640x128xf32, #tpu.memory_space<vmem_shared>>)
      tpu.yield
    }) : () -> ()
    %barrier3A = arith.constant 0 : index
    tpu.barrier barrier_id(%barrier3A)
    %add3A_54 = arith.constant 0 : i32
    %add3A_55 = arith.addi %mul3A_2, %add3A_54 : i32
    %dma_wait3A = arith.constant 0 : i32
    %dma_wait3A_56 = arith.constant 0 : i32
    %dma_wait3A_57 = tpu.memref_slice %arg6[%dma_wait3A, %dma_wait3A_56] : memref<2x128xi32, #tpu.memory_space<vmem>> -> memref<1x128xi32, #tpu.memory_space<vmem>>
    %dma_wait3A_58 = tpu.memref_squeeze %dma_wait3A_57 : memref<1x128xi32, #tpu.memory_space<vmem>> -> memref<128xi32, #tpu.memory_space<vmem>>
    %dma_wait3A_59 = tpu.memref_slice %arg3[%add3A_55] : memref<640000xi32, #tpu.memory_space<hbm>> -> memref<128xi32, #tpu.memory_space<hbm>>
    %dma_wait3A_60 = arith.constant 0 : i32
    %dma_wait3A_61 = tpu.memref_slice %arg6[%dma_wait3A, %dma_wait3A_60] : memref<2x128xi32, #tpu.memory_space<vmem>> -> memref<1x128xi32, #tpu.memory_space<vmem>>
    %dma_wait3A_62 = tpu.memref_squeeze %dma_wait3A_61 : memref<1x128xi32, #tpu.memory_space<vmem>> -> memref<128xi32, #tpu.memory_space<vmem>>
    %dma_wait3A_63 = tpu.memref_slice %arg3[%add3A_55] : memref<640000xi32, #tpu.memory_space<hbm>> -> memref<128xi32, #tpu.memory_space<hbm>>
    tpu.wait_dma2 semaphore(%arg15 : memref<!tpu.dma_semaphore, #tpu.memory_space<semaphore_mem>>) src(%dma_wait3A_63 : memref<128xi32, #tpu.memory_space<hbm>>) dst(%dma_wait3A_62 : memref<128xi32, #tpu.memory_space<vmem>>)
    %add3A_64 = arith.constant 320000 : i32
    %add3A_65 = arith.addi %add3A_64, %mul3A_2 : i32
    %add3A_66 = arith.constant 0 : i32
    %add3A_67 = arith.addi %add3A_65, %add3A_66 : i32
    %dma_wait3A_68 = arith.constant 1 : i32
    %dma_wait3A_69 = arith.constant 0 : i32
    %dma_wait3A_70 = tpu.memref_slice %arg6[%dma_wait3A_68, %dma_wait3A_69] : memref<2x128xi32, #tpu.memory_space<vmem>> -> memref<1x128xi32, #tpu.memory_space<vmem>>
    %dma_wait3A_71 = tpu.memref_squeeze %dma_wait3A_70 : memref<1x128xi32, #tpu.memory_space<vmem>> -> memref<128xi32, #tpu.memory_space<vmem>>
    %dma_wait3A_72 = tpu.memref_slice %arg3[%add3A_67] : memref<640000xi32, #tpu.memory_space<hbm>> -> memref<128xi32, #tpu.memory_space<hbm>>
    %dma_wait3A_73 = arith.constant 0 : i32
    %dma_wait3A_74 = tpu.memref_slice %arg6[%dma_wait3A_68, %dma_wait3A_73] : memref<2x128xi32, #tpu.memory_space<vmem>> -> memref<1x128xi32, #tpu.memory_space<vmem>>
    %dma_wait3A_75 = tpu.memref_squeeze %dma_wait3A_74 : memref<1x128xi32, #tpu.memory_space<vmem>> -> memref<128xi32, #tpu.memory_space<vmem>>
    %dma_wait3A_76 = tpu.memref_slice %arg3[%add3A_67] : memref<640000xi32, #tpu.memory_space<hbm>> -> memref<128xi32, #tpu.memory_space<hbm>>
    tpu.wait_dma2 semaphore(%arg15 : memref<!tpu.dma_semaphore, #tpu.memory_space<semaphore_mem>>) src(%dma_wait3A_76 : memref<128xi32, #tpu.memory_space<hbm>>) dst(%dma_wait3A_75 : memref<128xi32, #tpu.memory_space<vmem>>)
    %dma_start3A_77 = arith.constant 0 : i32
    %dma_start3A_78 = arith.constant 0 : i32
    %dma_start3A_79 = tpu.memref_slice %arg6[%dma_start3A_77, %dma_start3A_78] : memref<2x128xi32, #tpu.memory_space<vmem>> -> memref<1x128xi32, #tpu.memory_space<vmem>>
    %dma_start3A_80 = tpu.memref_squeeze %dma_start3A_79 : memref<1x128xi32, #tpu.memory_space<vmem>> -> memref<128xi32, #tpu.memory_space<vmem>>
    %dma_start3A_81 = arith.constant 0 : i32
    %dma_start3A_82 = arith.constant 0 : i32
    %dma_start3A_83 = tpu.memref_slice %arg2[%dma_start3A_81, %dma_start3A_82] : memref<10000x128xf32, #tpu.memory_space<hbm>> -> memref<10000x128xf32, #tpu.memory_space<hbm>>
    tpu.enqueue_indirect_dma source(%dma_start3A_83 : memref<10000x128xf32, #tpu.memory_space<hbm>>) target(%arg11 : memref<128x128xf32, #tpu.memory_space<vmem>>) offsets(%dma_start3A_80 : memref<128xi32, #tpu.memory_space<vmem>>) semaphore(%arg22 : memref<!tpu.dma_semaphore, #tpu.memory_space<semaphore_mem>>)
    %scan3A = arith.constant 0 : i32
    %scan3A_84 = arith.constant 0 : i32
    %scan3A_85 = arith.constant 18 : i32
    %scan3A_86 = arith.addi %scan3A_84, %scan3A_85 : i32
    %scan3A_87 = arith.constant 1 : i32
    scf.for %scan3A_548 = %scan3A_84 to %scan3A_86 step %scan3A_87  : i32 {
      %mul3A_549 = arith.constant 4 : i32
      %mul3A_550 = arith.muli %scan3A_548, %mul3A_549 : i32
      %add3A_551 = arith.constant 0 : i32
      %add3A_552 = arith.addi %mul3A_550, %add3A_551 : i32
      %gt3A = arith.constant 0 : i32
      %gt3A_553 = arith.cmpi sgt, %scan3A_548, %gt3A : i32
      %dma_wait3A_554 = arith.constant 0 : i32
      %dma_wait3A_555 = arith.constant 0 : i32
      %dma_wait3A_556 = tpu.memref_slice %arg6[%dma_wait3A_554, %dma_wait3A_555] : memref<2x128xi32, #tpu.memory_space<vmem>> -> memref<1x128xi32, #tpu.memory_space<vmem>>
      %dma_wait3A_557 = tpu.memref_squeeze %dma_wait3A_556 : memref<1x128xi32, #tpu.memory_space<vmem>> -> memref<128xi32, #tpu.memory_space<vmem>>
      %dma_wait3A_558 = arith.constant 0 : i32
      %dma_wait3A_559 = arith.constant 0 : i32
      %dma_wait3A_560 = tpu.memref_slice %arg2[%dma_wait3A_558, %dma_wait3A_559] : memref<10000x128xf32, #tpu.memory_space<hbm>> -> memref<10000x128xf32, #tpu.memory_space<hbm>>
      tpu.wait_indirect_dma semaphore(%arg22 : memref<!tpu.dma_semaphore, #tpu.memory_space<semaphore_mem>>) src(%dma_wait3A_560 : memref<10000x128xf32, #tpu.memory_space<hbm>>) dst(%arg11 : memref<128x128xf32, #tpu.memory_space<vmem>>)
      %dma_start3A_561 = arith.constant 1 : i32
      %dma_start3A_562 = arith.constant 0 : i32
      %dma_start3A_563 = tpu.memref_slice %arg6[%dma_start3A_561, %dma_start3A_562] : memref<2x128xi32, #tpu.memory_space<vmem>> -> memref<1x128xi32, #tpu.memory_space<vmem>>
      %dma_start3A_564 = tpu.memref_squeeze %dma_start3A_563 : memref<1x128xi32, #tpu.memory_space<vmem>> -> memref<128xi32, #tpu.memory_space<vmem>>
      %dma_start3A_565 = arith.constant 0 : i32
      %dma_start3A_566 = arith.constant 0 : i32
      %dma_start3A_567 = tpu.memref_slice %arg14[%dma_start3A_565, %dma_start3A_566] : memref<10240x128xf32, #tpu.memory_space<vmem_shared>> -> memref<10240x128xf32, #tpu.memory_space<vmem_shared>>
      tpu.enqueue_indirect_dma source(%arg11 : memref<128x128xf32, #tpu.memory_space<vmem>>) target(%dma_start3A_567 : memref<10240x128xf32, #tpu.memory_space<vmem_shared>>) offsets(%dma_start3A_564 : memref<128xi32, #tpu.memory_space<vmem>>) semaphore(%arg24 : memref<!tpu.dma_semaphore, #tpu.memory_space<semaphore_mem>>) {add = true}
      %convert_element_type3A = arith.extui %gt3A_553 : i1 to i32
      %cond3A = arith.constant 0 : i32
      %cond3A_568 = arith.cmpi ne, %convert_element_type3A, %cond3A : i32
      scf.if %cond3A_568 {
        %dma_wait3A_896 = arith.constant 1 : i32
        %dma_wait3A_897 = arith.constant 0 : i32
        %dma_wait3A_898 = tpu.memref_slice %arg9[%dma_wait3A_896, %dma_wait3A_897] : memref<2x128xi32, #tpu.memory_space<vmem>> -> memref<1x128xi32, #tpu.memory_space<vmem>>
        %dma_wait3A_899 = tpu.memref_squeeze %dma_wait3A_898 : memref<1x128xi32, #tpu.memory_space<vmem>> -> memref<128xi32, #tpu.memory_space<vmem>>
        %dma_wait3A_900 = arith.constant 0 : i32
        %dma_wait3A_901 = arith.constant 0 : i32
        %dma_wait3A_902 = tpu.memref_slice %arg14[%dma_wait3A_900, %dma_wait3A_901] : memref<10240x128xf32, #tpu.memory_space<vmem_shared>> -> memref<10240x128xf32, #tpu.memory_space<vmem_shared>>
        tpu.wait_indirect_dma semaphore(%arg25 : memref<!tpu.dma_semaphore, #tpu.memory_space<semaphore_mem>>) src(%arg12 : memref<128x128xf32, #tpu.memory_space<vmem>>) dst(%dma_wait3A_902 : memref<10240x128xf32, #tpu.memory_space<vmem_shared>>)
      } else {
      }
      %add3A_569 = arith.constant 1 : i32
      %add3A_570 = arith.addi %add3A_552, %add3A_569 : i32
      %mul3A_571 = arith.constant 128 : i32
      %mul3A_572 = arith.muli %add3A_570, %mul3A_571 : i32
      %add3A_573 = arith.addi %mul3A_2, %mul3A_572 : i32
      %dma_wait3A_574 = arith.constant 0 : i32
      %dma_wait3A_575 = arith.constant 0 : i32
      %dma_wait3A_576 = tpu.memref_slice %arg7[%dma_wait3A_574, %dma_wait3A_575] : memref<2x128xi32, #tpu.memory_space<vmem>> -> memref<1x128xi32, #tpu.memory_space<vmem>>
      %dma_wait3A_577 = tpu.memref_squeeze %dma_wait3A_576 : memref<1x128xi32, #tpu.memory_space<vmem>> -> memref<128xi32, #tpu.memory_space<vmem>>
      %dma_wait3A_578 = tpu.memref_slice %arg3[%add3A_573] : memref<640000xi32, #tpu.memory_space<hbm>> -> memref<128xi32, #tpu.memory_space<hbm>>
      %dma_wait3A_579 = arith.constant 0 : i32
      %dma_wait3A_580 = tpu.memref_slice %arg7[%dma_wait3A_574, %dma_wait3A_579] : memref<2x128xi32, #tpu.memory_space<vmem>> -> memref<1x128xi32, #tpu.memory_space<vmem>>
      %dma_wait3A_581 = tpu.memref_squeeze %dma_wait3A_580 : memref<1x128xi32, #tpu.memory_space<vmem>> -> memref<128xi32, #tpu.memory_space<vmem>>
      %dma_wait3A_582 = tpu.memref_slice %arg3[%add3A_573] : memref<640000xi32, #tpu.memory_space<hbm>> -> memref<128xi32, #tpu.memory_space<hbm>>
      tpu.wait_dma2 semaphore(%arg16 : memref<!tpu.dma_semaphore, #tpu.memory_space<semaphore_mem>>) src(%dma_wait3A_582 : memref<128xi32, #tpu.memory_space<hbm>>) dst(%dma_wait3A_581 : memref<128xi32, #tpu.memory_space<vmem>>)
      %add3A_583 = arith.constant 320000 : i32
      %add3A_584 = arith.addi %add3A_583, %mul3A_2 : i32
      %mul3A_585 = arith.constant 128 : i32
      %mul3A_586 = arith.muli %add3A_570, %mul3A_585 : i32
      %add3A_587 = arith.addi %add3A_584, %mul3A_586 : i32
      %dma_wait3A_588 = arith.constant 1 : i32
      %dma_wait3A_589 = arith.constant 0 : i32
      %dma_wait3A_590 = tpu.memref_slice %arg7[%dma_wait3A_588, %dma_wait3A_589] : memref<2x128xi32, #tpu.memory_space<vmem>> -> memref<1x128xi32, #tpu.memory_space<vmem>>
      %dma_wait3A_591 = tpu.memref_squeeze %dma_wait3A_590 : memref<1x128xi32, #tpu.memory_space<vmem>> -> memref<128xi32, #tpu.memory_space<vmem>>
      %dma_wait3A_592 = tpu.memref_slice %arg3[%add3A_587] : memref<640000xi32, #tpu.memory_space<hbm>> -> memref<128xi32, #tpu.memory_space<hbm>>
      %dma_wait3A_593 = arith.constant 0 : i32
      %dma_wait3A_594 = tpu.memref_slice %arg7[%dma_wait3A_588, %dma_wait3A_593] : memref<2x128xi32, #tpu.memory_space<vmem>> -> memref<1x128xi32, #tpu.memory_space<vmem>>
      %dma_wait3A_595 = tpu.memref_squeeze %dma_wait3A_594 : memref<1x128xi32, #tpu.memory_space<vmem>> -> memref<128xi32, #tpu.memory_space<vmem>>
      %dma_wait3A_596 = tpu.memref_slice %arg3[%add3A_587] : memref<640000xi32, #tpu.memory_space<hbm>> -> memref<128xi32, #tpu.memory_space<hbm>>
      tpu.wait_dma2 semaphore(%arg16 : memref<!tpu.dma_semaphore, #tpu.memory_space<semaphore_mem>>) src(%dma_wait3A_596 : memref<128xi32, #tpu.memory_space<hbm>>) dst(%dma_wait3A_595 : memref<128xi32, #tpu.memory_space<vmem>>)
      %dma_start3A_597 = arith.constant 0 : i32
      %dma_start3A_598 = arith.constant 0 : i32
      %dma_start3A_599 = tpu.memref_slice %arg7[%dma_start3A_597, %dma_start3A_598] : memref<2x128xi32, #tpu.memory_space<vmem>> -> memref<1x128xi32, #tpu.memory_space<vmem>>
      %dma_start3A_600 = tpu.memref_squeeze %dma_start3A_599 : memref<1x128xi32, #tpu.memory_space<vmem>> -> memref<128xi32, #tpu.memory_space<vmem>>
      %dma_start3A_601 = arith.constant 0 : i32
      %dma_start3A_602 = arith.constant 0 : i32
      %dma_start3A_603 = tpu.memref_slice %arg2[%dma_start3A_601, %dma_start3A_602] : memref<10000x128xf32, #tpu.memory_space<hbm>> -> memref<10000x128xf32, #tpu.memory_space<hbm>>
      tpu.enqueue_indirect_dma source(%dma_start3A_603 : memref<10000x128xf32, #tpu.memory_space<hbm>>) target(%arg12 : memref<128x128xf32, #tpu.memory_space<vmem>>) offsets(%dma_start3A_600 : memref<128xi32, #tpu.memory_space<vmem>>) semaphore(%arg23 : memref<!tpu.dma_semaphore, #tpu.memory_space<semaphore_mem>>)
      %add3A_604 = arith.constant 2 : i32
      %add3A_605 = arith.addi %add3A_552, %add3A_604 : i32
      %mul3A_606 = arith.constant 128 : i32
      %mul3A_607 = arith.muli %add3A_605, %mul3A_606 : i32
      %add3A_608 = arith.addi %mul3A_2, %mul3A_607 : i32
      %dma_start3A_609 = arith.constant 0 : i32
      %dma_start3A_610 = arith.constant 0 : i32
      %dma_start3A_611 = tpu.memref_slice %arg8[%dma_start3A_609, %dma_start3A_610] : memref<2x128xi32, #tpu.memory_space<vmem>> -> memref<1x128xi32, #tpu.memory_space<vmem>>
      %dma_start3A_612 = tpu.memref_squeeze %dma_start3A_611 : memref<1x128xi32, #tpu.memory_space<vmem>> -> memref<128xi32, #tpu.memory_space<vmem>>
      %dma_start3A_613 = tpu.memref_slice %arg3[%add3A_608] : memref<640000xi32, #tpu.memory_space<hbm>> -> memref<128xi32, #tpu.memory_space<hbm>>
      %dma_start3A_614 = arith.constant 0 : i32
      %dma_start3A_615 = tpu.memref_slice %arg8[%dma_start3A_609, %dma_start3A_614] : memref<2x128xi32, #tpu.memory_space<vmem>> -> memref<1x128xi32, #tpu.memory_space<vmem>>
      %dma_start3A_616 = tpu.memref_squeeze %dma_start3A_615 : memref<1x128xi32, #tpu.memory_space<vmem>> -> memref<128xi32, #tpu.memory_space<vmem>>
      %dma_start3A_617 = tpu.memref_slice %arg3[%add3A_608] : memref<640000xi32, #tpu.memory_space<hbm>> -> memref<128xi32, #tpu.memory_space<hbm>>
      tpu.enqueue_dma source(%dma_start3A_617 : memref<128xi32, #tpu.memory_space<hbm>>) target(%dma_start3A_616 : memref<128xi32, #tpu.memory_space<vmem>>) target_semaphore(%arg17 : memref<!tpu.dma_semaphore, #tpu.memory_space<semaphore_mem>>)
      %add3A_618 = arith.constant 320000 : i32
      %add3A_619 = arith.addi %add3A_618, %mul3A_2 : i32
      %mul3A_620 = arith.constant 128 : i32
      %mul3A_621 = arith.muli %add3A_605, %mul3A_620 : i32
      %add3A_622 = arith.addi %add3A_619, %mul3A_621 : i32
      %dma_start3A_623 = arith.constant 1 : i32
      %dma_start3A_624 = arith.constant 0 : i32
      %dma_start3A_625 = tpu.memref_slice %arg8[%dma_start3A_623, %dma_start3A_624] : memref<2x128xi32, #tpu.memory_space<vmem>> -> memref<1x128xi32, #tpu.memory_space<vmem>>
      %dma_start3A_626 = tpu.memref_squeeze %dma_start3A_625 : memref<1x128xi32, #tpu.memory_space<vmem>> -> memref<128xi32, #tpu.memory_space<vmem>>
      %dma_start3A_627 = tpu.memref_slice %arg3[%add3A_622] : memref<640000xi32, #tpu.memory_space<hbm>> -> memref<128xi32, #tpu.memory_space<hbm>>
      %dma_start3A_628 = arith.constant 0 : i32
      %dma_start3A_629 = tpu.memref_slice %arg8[%dma_start3A_623, %dma_start3A_628] : memref<2x128xi32, #tpu.memory_space<vmem>> -> memref<1x128xi32, #tpu.memory_space<vmem>>
      %dma_start3A_630 = tpu.memref_squeeze %dma_start3A_629 : memref<1x128xi32, #tpu.memory_space<vmem>> -> memref<128xi32, #tpu.memory_space<vmem>>
      %dma_start3A_631 = tpu.memref_slice %arg3[%add3A_622] : memref<640000xi32, #tpu.memory_space<hbm>> -> memref<128xi32, #tpu.memory_space<hbm>>
      tpu.enqueue_dma source(%dma_start3A_631 : memref<128xi32, #tpu.memory_space<hbm>>) target(%dma_start3A_630 : memref<128xi32, #tpu.memory_space<vmem>>) target_semaphore(%arg17 : memref<!tpu.dma_semaphore, #tpu.memory_space<semaphore_mem>>)
      %mul3A_632 = arith.constant 4 : i32
      %mul3A_633 = arith.muli %scan3A_548, %mul3A_632 : i32
      %add3A_634 = arith.constant 1 : i32
      %add3A_635 = arith.addi %mul3A_633, %add3A_634 : i32
      %dma_wait3A_636 = arith.constant 0 : i32
      %dma_wait3A_637 = arith.constant 0 : i32
      %dma_wait3A_638 = tpu.memref_slice %arg7[%dma_wait3A_636, %dma_wait3A_637] : memref<2x128xi32, #tpu.memory_space<vmem>> -> memref<1x128xi32, #tpu.memory_space<vmem>>
      %dma_wait3A_639 = tpu.memref_squeeze %dma_wait3A_638 : memref<1x128xi32, #tpu.memory_space<vmem>> -> memref<128xi32, #tpu.memory_space<vmem>>
      %dma_wait3A_640 = arith.constant 0 : i32
      %dma_wait3A_641 = arith.constant 0 : i32
      %dma_wait3A_642 = tpu.memref_slice %arg2[%dma_wait3A_640, %dma_wait3A_641] : memref<10000x128xf32, #tpu.memory_space<hbm>> -> memref<10000x128xf32, #tpu.memory_space<hbm>>
      tpu.wait_indirect_dma semaphore(%arg23 : memref<!tpu.dma_semaphore, #tpu.memory_space<semaphore_mem>>) src(%dma_wait3A_642 : memref<10000x128xf32, #tpu.memory_space<hbm>>) dst(%arg12 : memref<128x128xf32, #tpu.memory_space<vmem>>)
      %dma_start3A_643 = arith.constant 1 : i32
      %dma_start3A_644 = arith.constant 0 : i32
      %dma_start3A_645 = tpu.memref_slice %arg7[%dma_start3A_643, %dma_start3A_644] : memref<2x128xi32, #tpu.memory_space<vmem>> -> memref<1x128xi32, #tpu.memory_space<vmem>>
      %dma_start3A_646 = tpu.memref_squeeze %dma_start3A_645 : memref<1x128xi32, #tpu.memory_space<vmem>> -> memref<128xi32, #tpu.memory_space<vmem>>
      %dma_start3A_647 = arith.constant 0 : i32
      %dma_start3A_648 = arith.constant 0 : i32
      %dma_start3A_649 = tpu.memref_slice %arg14[%dma_start3A_647, %dma_start3A_648] : memref<10240x128xf32, #tpu.memory_space<vmem_shared>> -> memref<10240x128xf32, #tpu.memory_space<vmem_shared>>
      tpu.enqueue_indirect_dma source(%arg12 : memref<128x128xf32, #tpu.memory_space<vmem>>) target(%dma_start3A_649 : memref<10240x128xf32, #tpu.memory_space<vmem_shared>>) offsets(%dma_start3A_646 : memref<128xi32, #tpu.memory_space<vmem>>) semaphore(%arg25 : memref<!tpu.dma_semaphore, #tpu.memory_space<semaphore_mem>>) {add = true}
      %dma_wait3A_650 = arith.constant 1 : i32
      %dma_wait3A_651 = arith.constant 0 : i32
      %dma_wait3A_652 = tpu.memref_slice %arg6[%dma_wait3A_650, %dma_wait3A_651] : memref<2x128xi32, #tpu.memory_space<vmem>> -> memref<1x128xi32, #tpu.memory_space<vmem>>
      %dma_wait3A_653 = tpu.memref_squeeze %dma_wait3A_652 : memref<1x128xi32, #tpu.memory_space<vmem>> -> memref<128xi32, #tpu.memory_space<vmem>>
      %dma_wait3A_654 = arith.constant 0 : i32
      %dma_wait3A_655 = arith.constant 0 : i32
      %dma_wait3A_656 = tpu.memref_slice %arg14[%dma_wait3A_654, %dma_wait3A_655] : memref<10240x128xf32, #tpu.memory_space<vmem_shared>> -> memref<10240x128xf32, #tpu.memory_space<vmem_shared>>
      tpu.wait_indirect_dma semaphore(%arg24 : memref<!tpu.dma_semaphore, #tpu.memory_space<semaphore_mem>>) src(%arg11 : memref<128x128xf32, #tpu.memory_space<vmem>>) dst(%dma_wait3A_656 : memref<10240x128xf32, #tpu.memory_space<vmem_shared>>)
      %add3A_657 = arith.constant 1 : i32
      %add3A_658 = arith.addi %add3A_635, %add3A_657 : i32
      %mul3A_659 = arith.constant 128 : i32
      %mul3A_660 = arith.muli %add3A_658, %mul3A_659 : i32
      %add3A_661 = arith.addi %mul3A_2, %mul3A_660 : i32
      %dma_wait3A_662 = arith.constant 0 : i32
      %dma_wait3A_663 = arith.constant 0 : i32
      %dma_wait3A_664 = tpu.memref_slice %arg8[%dma_wait3A_662, %dma_wait3A_663] : memref<2x128xi32, #tpu.memory_space<vmem>> -> memref<1x128xi32, #tpu.memory_space<vmem>>
      %dma_wait3A_665 = tpu.memref_squeeze %dma_wait3A_664 : memref<1x128xi32, #tpu.memory_space<vmem>> -> memref<128xi32, #tpu.memory_space<vmem>>
      %dma_wait3A_666 = tpu.memref_slice %arg3[%add3A_661] : memref<640000xi32, #tpu.memory_space<hbm>> -> memref<128xi32, #tpu.memory_space<hbm>>
      %dma_wait3A_667 = arith.constant 0 : i32
      %dma_wait3A_668 = tpu.memref_slice %arg8[%dma_wait3A_662, %dma_wait3A_667] : memref<2x128xi32, #tpu.memory_space<vmem>> -> memref<1x128xi32, #tpu.memory_space<vmem>>
      %dma_wait3A_669 = tpu.memref_squeeze %dma_wait3A_668 : memref<1x128xi32, #tpu.memory_space<vmem>> -> memref<128xi32, #tpu.memory_space<vmem>>
      %dma_wait3A_670 = tpu.memref_slice %arg3[%add3A_661] : memref<640000xi32, #tpu.memory_space<hbm>> -> memref<128xi32, #tpu.memory_space<hbm>>
      tpu.wait_dma2 semaphore(%arg17 : memref<!tpu.dma_semaphore, #tpu.memory_space<semaphore_mem>>) src(%dma_wait3A_670 : memref<128xi32, #tpu.memory_space<hbm>>) dst(%dma_wait3A_669 : memref<128xi32, #tpu.memory_space<vmem>>)
      %add3A_671 = arith.constant 320000 : i32
      %add3A_672 = arith.addi %add3A_671, %mul3A_2 : i32
      %mul3A_673 = arith.constant 128 : i32
      %mul3A_674 = arith.muli %add3A_658, %mul3A_673 : i32
      %add3A_675 = arith.addi %add3A_672, %mul3A_674 : i32
      %dma_wait3A_676 = arith.constant 1 : i32
      %dma_wait3A_677 = arith.constant 0 : i32
      %dma_wait3A_678 = tpu.memref_slice %arg8[%dma_wait3A_676, %dma_wait3A_677] : memref<2x128xi32, #tpu.memory_space<vmem>> -> memref<1x128xi32, #tpu.memory_space<vmem>>
      %dma_wait3A_679 = tpu.memref_squeeze %dma_wait3A_678 : memref<1x128xi32, #tpu.memory_space<vmem>> -> memref<128xi32, #tpu.memory_space<vmem>>
      %dma_wait3A_680 = tpu.memref_slice %arg3[%add3A_675] : memref<640000xi32, #tpu.memory_space<hbm>> -> memref<128xi32, #tpu.memory_space<hbm>>
      %dma_wait3A_681 = arith.constant 0 : i32
      %dma_wait3A_682 = tpu.memref_slice %arg8[%dma_wait3A_676, %dma_wait3A_681] : memref<2x128xi32, #tpu.memory_space<vmem>> -> memref<1x128xi32, #tpu.memory_space<vmem>>
      %dma_wait3A_683 = tpu.memref_squeeze %dma_wait3A_682 : memref<1x128xi32, #tpu.memory_space<vmem>> -> memref<128xi32, #tpu.memory_space<vmem>>
      %dma_wait3A_684 = tpu.memref_slice %arg3[%add3A_675] : memref<640000xi32, #tpu.memory_space<hbm>> -> memref<128xi32, #tpu.memory_space<hbm>>
      tpu.wait_dma2 semaphore(%arg17 : memref<!tpu.dma_semaphore, #tpu.memory_space<semaphore_mem>>) src(%dma_wait3A_684 : memref<128xi32, #tpu.memory_space<hbm>>) dst(%dma_wait3A_683 : memref<128xi32, #tpu.memory_space<vmem>>)
      %dma_start3A_685 = arith.constant 0 : i32
      %dma_start3A_686 = arith.constant 0 : i32
      %dma_start3A_687 = tpu.memref_slice %arg8[%dma_start3A_685, %dma_start3A_686] : memref<2x128xi32, #tpu.memory_space<vmem>> -> memref<1x128xi32, #tpu.memory_space<vmem>>
      %dma_start3A_688 = tpu.memref_squeeze %dma_start3A_687 : memref<1x128xi32, #tpu.memory_space<vmem>> -> memref<128xi32, #tpu.memory_space<vmem>>
      %dma_start3A_689 = arith.constant 0 : i32
      %dma_start3A_690 = arith.constant 0 : i32
      %dma_start3A_691 = tpu.memref_slice %arg2[%dma_start3A_689, %dma_start3A_690] : memref<10000x128xf32, #tpu.memory_space<hbm>> -> memref<10000x128xf32, #tpu.memory_space<hbm>>
      tpu.enqueue_indirect_dma source(%dma_start3A_691 : memref<10000x128xf32, #tpu.memory_space<hbm>>) target(%arg11 : memref<128x128xf32, #tpu.memory_space<vmem>>) offsets(%dma_start3A_688 : memref<128xi32, #tpu.memory_space<vmem>>) semaphore(%arg22 : memref<!tpu.dma_semaphore, #tpu.memory_space<semaphore_mem>>)
      %add3A_692 = arith.constant 2 : i32
      %add3A_693 = arith.addi %add3A_635, %add3A_692 : i32
      %mul3A_694 = arith.constant 128 : i32
      %mul3A_695 = arith.muli %add3A_693, %mul3A_694 : i32
      %add3A_696 = arith.addi %mul3A_2, %mul3A_695 : i32
      %dma_start3A_697 = arith.constant 0 : i32
      %dma_start3A_698 = arith.constant 0 : i32
      %dma_start3A_699 = tpu.memref_slice %arg9[%dma_start3A_697, %dma_start3A_698] : memref<2x128xi32, #tpu.memory_space<vmem>> -> memref<1x128xi32, #tpu.memory_space<vmem>>
      %dma_start3A_700 = tpu.memref_squeeze %dma_start3A_699 : memref<1x128xi32, #tpu.memory_space<vmem>> -> memref<128xi32, #tpu.memory_space<vmem>>
      %dma_start3A_701 = tpu.memref_slice %arg3[%add3A_696] : memref<640000xi32, #tpu.memory_space<hbm>> -> memref<128xi32, #tpu.memory_space<hbm>>
      %dma_start3A_702 = arith.constant 0 : i32
      %dma_start3A_703 = tpu.memref_slice %arg9[%dma_start3A_697, %dma_start3A_702] : memref<2x128xi32, #tpu.memory_space<vmem>> -> memref<1x128xi32, #tpu.memory_space<vmem>>
      %dma_start3A_704 = tpu.memref_squeeze %dma_start3A_703 : memref<1x128xi32, #tpu.memory_space<vmem>> -> memref<128xi32, #tpu.memory_space<vmem>>
      %dma_start3A_705 = tpu.memref_slice %arg3[%add3A_696] : memref<640000xi32, #tpu.memory_space<hbm>> -> memref<128xi32, #tpu.memory_space<hbm>>
      tpu.enqueue_dma source(%dma_start3A_705 : memref<128xi32, #tpu.memory_space<hbm>>) target(%dma_start3A_704 : memref<128xi32, #tpu.memory_space<vmem>>) target_semaphore(%arg18 : memref<!tpu.dma_semaphore, #tpu.memory_space<semaphore_mem>>)
      %add3A_706 = arith.constant 320000 : i32
      %add3A_707 = arith.addi %add3A_706, %mul3A_2 : i32
      %mul3A_708 = arith.constant 128 : i32
      %mul3A_709 = arith.muli %add3A_693, %mul3A_708 : i32
      %add3A_710 = arith.addi %add3A_707, %mul3A_709 : i32
      %dma_start3A_711 = arith.constant 1 : i32
      %dma_start3A_712 = arith.constant 0 : i32
      %dma_start3A_713 = tpu.memref_slice %arg9[%dma_start3A_711, %dma_start3A_712] : memref<2x128xi32, #tpu.memory_space<vmem>> -> memref<1x128xi32, #tpu.memory_space<vmem>>
      %dma_start3A_714 = tpu.memref_squeeze %dma_start3A_713 : memref<1x128xi32, #tpu.memory_space<vmem>> -> memref<128xi32, #tpu.memory_space<vmem>>
      %dma_start3A_715 = tpu.memref_slice %arg3[%add3A_710] : memref<640000xi32, #tpu.memory_space<hbm>> -> memref<128xi32, #tpu.memory_space<hbm>>
      %dma_start3A_716 = arith.constant 0 : i32
      %dma_start3A_717 = tpu.memref_slice %arg9[%dma_start3A_711, %dma_start3A_716] : memref<2x128xi32, #tpu.memory_space<vmem>> -> memref<1x128xi32, #tpu.memory_space<vmem>>
      %dma_start3A_718 = tpu.memref_squeeze %dma_start3A_717 : memref<1x128xi32, #tpu.memory_space<vmem>> -> memref<128xi32, #tpu.memory_space<vmem>>
      %dma_start3A_719 = tpu.memref_slice %arg3[%add3A_710] : memref<640000xi32, #tpu.memory_space<hbm>> -> memref<128xi32, #tpu.memory_space<hbm>>
      tpu.enqueue_dma source(%dma_start3A_719 : memref<128xi32, #tpu.memory_space<hbm>>) target(%dma_start3A_718 : memref<128xi32, #tpu.memory_space<vmem>>) target_semaphore(%arg18 : memref<!tpu.dma_semaphore, #tpu.memory_space<semaphore_mem>>)
      %mul3A_720 = arith.constant 4 : i32
      %mul3A_721 = arith.muli %scan3A_548, %mul3A_720 : i32
      %add3A_722 = arith.constant 2 : i32
      %add3A_723 = arith.addi %mul3A_721, %add3A_722 : i32
      %dma_wait3A_724 = arith.constant 0 : i32
      %dma_wait3A_725 = arith.constant 0 : i32
      %dma_wait3A_726 = tpu.memref_slice %arg8[%dma_wait3A_724, %dma_wait3A_725] : memref<2x128xi32, #tpu.memory_space<vmem>> -> memref<1x128xi32, #tpu.memory_space<vmem>>
      %dma_wait3A_727 = tpu.memref_squeeze %dma_wait3A_726 : memref<1x128xi32, #tpu.memory_space<vmem>> -> memref<128xi32, #tpu.memory_space<vmem>>
      %dma_wait3A_728 = arith.constant 0 : i32
      %dma_wait3A_729 = arith.constant 0 : i32
      %dma_wait3A_730 = tpu.memref_slice %arg2[%dma_wait3A_728, %dma_wait3A_729] : memref<10000x128xf32, #tpu.memory_space<hbm>> -> memref<10000x128xf32, #tpu.memory_space<hbm>>
      tpu.wait_indirect_dma semaphore(%arg22 : memref<!tpu.dma_semaphore, #tpu.memory_space<semaphore_mem>>) src(%dma_wait3A_730 : memref<10000x128xf32, #tpu.memory_space<hbm>>) dst(%arg11 : memref<128x128xf32, #tpu.memory_space<vmem>>)
      %dma_start3A_731 = arith.constant 1 : i32
      %dma_start3A_732 = arith.constant 0 : i32
      %dma_start3A_733 = tpu.memref_slice %arg8[%dma_start3A_731, %dma_start3A_732] : memref<2x128xi32, #tpu.memory_space<vmem>> -> memref<1x128xi32, #tpu.memory_space<vmem>>
      %dma_start3A_734 = tpu.memref_squeeze %dma_start3A_733 : memref<1x128xi32, #tpu.memory_space<vmem>> -> memref<128xi32, #tpu.memory_space<vmem>>
      %dma_start3A_735 = arith.constant 0 : i32
      %dma_start3A_736 = arith.constant 0 : i32
      %dma_start3A_737 = tpu.memref_slice %arg14[%dma_start3A_735, %dma_start3A_736] : memref<10240x128xf32, #tpu.memory_space<vmem_shared>> -> memref<10240x128xf32, #tpu.memory_space<vmem_shared>>
      tpu.enqueue_indirect_dma source(%arg11 : memref<128x128xf32, #tpu.memory_space<vmem>>) target(%dma_start3A_737 : memref<10240x128xf32, #tpu.memory_space<vmem_shared>>) offsets(%dma_start3A_734 : memref<128xi32, #tpu.memory_space<vmem>>) semaphore(%arg24 : memref<!tpu.dma_semaphore, #tpu.memory_space<semaphore_mem>>) {add = true}
      %dma_wait3A_738 = arith.constant 1 : i32
      %dma_wait3A_739 = arith.constant 0 : i32
      %dma_wait3A_740 = tpu.memref_slice %arg7[%dma_wait3A_738, %dma_wait3A_739] : memref<2x128xi32, #tpu.memory_space<vmem>> -> memref<1x128xi32, #tpu.memory_space<vmem>>
      %dma_wait3A_741 = tpu.memref_squeeze %dma_wait3A_740 : memref<1x128xi32, #tpu.memory_space<vmem>> -> memref<128xi32, #tpu.memory_space<vmem>>
      %dma_wait3A_742 = arith.constant 0 : i32
      %dma_wait3A_743 = arith.constant 0 : i32
      %dma_wait3A_744 = tpu.memref_slice %arg14[%dma_wait3A_742, %dma_wait3A_743] : memref<10240x128xf32, #tpu.memory_space<vmem_shared>> -> memref<10240x128xf32, #tpu.memory_space<vmem_shared>>
      tpu.wait_indirect_dma semaphore(%arg25 : memref<!tpu.dma_semaphore, #tpu.memory_space<semaphore_mem>>) src(%arg12 : memref<128x128xf32, #tpu.memory_space<vmem>>) dst(%dma_wait3A_744 : memref<10240x128xf32, #tpu.memory_space<vmem_shared>>)
      %add3A_745 = arith.constant 1 : i32
      %add3A_746 = arith.addi %add3A_723, %add3A_745 : i32
      %mul3A_747 = arith.constant 128 : i32
      %mul3A_748 = arith.muli %add3A_746, %mul3A_747 : i32
      %add3A_749 = arith.addi %mul3A_2, %mul3A_748 : i32
      %dma_wait3A_750 = arith.constant 0 : i32
      %dma_wait3A_751 = arith.constant 0 : i32
      %dma_wait3A_752 = tpu.memref_slice %arg9[%dma_wait3A_750, %dma_wait3A_751] : memref<2x128xi32, #tpu.memory_space<vmem>> -> memref<1x128xi32, #tpu.memory_space<vmem>>
      %dma_wait3A_753 = tpu.memref_squeeze %dma_wait3A_752 : memref<1x128xi32, #tpu.memory_space<vmem>> -> memref<128xi32, #tpu.memory_space<vmem>>
      %dma_wait3A_754 = tpu.memref_slice %arg3[%add3A_749] : memref<640000xi32, #tpu.memory_space<hbm>> -> memref<128xi32, #tpu.memory_space<hbm>>
      %dma_wait3A_755 = arith.constant 0 : i32
      %dma_wait3A_756 = tpu.memref_slice %arg9[%dma_wait3A_750, %dma_wait3A_755] : memref<2x128xi32, #tpu.memory_space<vmem>> -> memref<1x128xi32, #tpu.memory_space<vmem>>
      %dma_wait3A_757 = tpu.memref_squeeze %dma_wait3A_756 : memref<1x128xi32, #tpu.memory_space<vmem>> -> memref<128xi32, #tpu.memory_space<vmem>>
      %dma_wait3A_758 = tpu.memref_slice %arg3[%add3A_749] : memref<640000xi32, #tpu.memory_space<hbm>> -> memref<128xi32, #tpu.memory_space<hbm>>
      tpu.wait_dma2 semaphore(%arg18 : memref<!tpu.dma_semaphore, #tpu.memory_space<semaphore_mem>>) src(%dma_wait3A_758 : memref<128xi32, #tpu.memory_space<hbm>>) dst(%dma_wait3A_757 : memref<128xi32, #tpu.memory_space<vmem>>)
      %add3A_759 = arith.constant 320000 : i32
      %add3A_760 = arith.addi %add3A_759, %mul3A_2 : i32
      %mul3A_761 = arith.constant 128 : i32
      %mul3A_762 = arith.muli %add3A_746, %mul3A_761 : i32
      %add3A_763 = arith.addi %add3A_760, %mul3A_762 : i32
      %dma_wait3A_764 = arith.constant 1 : i32
      %dma_wait3A_765 = arith.constant 0 : i32
      %dma_wait3A_766 = tpu.memref_slice %arg9[%dma_wait3A_764, %dma_wait3A_765] : memref<2x128xi32, #tpu.memory_space<vmem>> -> memref<1x128xi32, #tpu.memory_space<vmem>>
      %dma_wait3A_767 = tpu.memref_squeeze %dma_wait3A_766 : memref<1x128xi32, #tpu.memory_space<vmem>> -> memref<128xi32, #tpu.memory_space<vmem>>
      %dma_wait3A_768 = tpu.memref_slice %arg3[%add3A_763] : memref<640000xi32, #tpu.memory_space<hbm>> -> memref<128xi32, #tpu.memory_space<hbm>>
      %dma_wait3A_769 = arith.constant 0 : i32
      %dma_wait3A_770 = tpu.memref_slice %arg9[%dma_wait3A_764, %dma_wait3A_769] : memref<2x128xi32, #tpu.memory_space<vmem>> -> memref<1x128xi32, #tpu.memory_space<vmem>>
      %dma_wait3A_771 = tpu.memref_squeeze %dma_wait3A_770 : memref<1x128xi32, #tpu.memory_space<vmem>> -> memref<128xi32, #tpu.memory_space<vmem>>
      %dma_wait3A_772 = tpu.memref_slice %arg3[%add3A_763] : memref<640000xi32, #tpu.memory_space<hbm>> -> memref<128xi32, #tpu.memory_space<hbm>>
      tpu.wait_dma2 semaphore(%arg18 : memref<!tpu.dma_semaphore, #tpu.memory_space<semaphore_mem>>) src(%dma_wait3A_772 : memref<128xi32, #tpu.memory_space<hbm>>) dst(%dma_wait3A_771 : memref<128xi32, #tpu.memory_space<vmem>>)
      %dma_start3A_773 = arith.constant 0 : i32
      %dma_start3A_774 = arith.constant 0 : i32
      %dma_start3A_775 = tpu.memref_slice %arg9[%dma_start3A_773, %dma_start3A_774] : memref<2x128xi32, #tpu.memory_space<vmem>> -> memref<1x128xi32, #tpu.memory_space<vmem>>
      %dma_start3A_776 = tpu.memref_squeeze %dma_start3A_775 : memref<1x128xi32, #tpu.memory_space<vmem>> -> memref<128xi32, #tpu.memory_space<vmem>>
      %dma_start3A_777 = arith.constant 0 : i32
      %dma_start3A_778 = arith.constant 0 : i32
      %dma_start3A_779 = tpu.memref_slice %arg2[%dma_start3A_777, %dma_start3A_778] : memref<10000x128xf32, #tpu.memory_space<hbm>> -> memref<10000x128xf32, #tpu.memory_space<hbm>>
      tpu.enqueue_indirect_dma source(%dma_start3A_779 : memref<10000x128xf32, #tpu.memory_space<hbm>>) target(%arg12 : memref<128x128xf32, #tpu.memory_space<vmem>>) offsets(%dma_start3A_776 : memref<128xi32, #tpu.memory_space<vmem>>) semaphore(%arg23 : memref<!tpu.dma_semaphore, #tpu.memory_space<semaphore_mem>>)
      %add3A_780 = arith.constant 2 : i32
      %add3A_781 = arith.addi %add3A_723, %add3A_780 : i32
      %mul3A_782 = arith.constant 128 : i32
      %mul3A_783 = arith.muli %add3A_781, %mul3A_782 : i32
      %add3A_784 = arith.addi %mul3A_2, %mul3A_783 : i32
      %dma_start3A_785 = arith.constant 0 : i32
      %dma_start3A_786 = arith.constant 0 : i32
      %dma_start3A_787 = tpu.memref_slice %arg6[%dma_start3A_785, %dma_start3A_786] : memref<2x128xi32, #tpu.memory_space<vmem>> -> memref<1x128xi32, #tpu.memory_space<vmem>>
      %dma_start3A_788 = tpu.memref_squeeze %dma_start3A_787 : memref<1x128xi32, #tpu.memory_space<vmem>> -> memref<128xi32, #tpu.memory_space<vmem>>
      %dma_start3A_789 = tpu.memref_slice %arg3[%add3A_784] : memref<640000xi32, #tpu.memory_space<hbm>> -> memref<128xi32, #tpu.memory_space<hbm>>
      %dma_start3A_790 = arith.constant 0 : i32
      %dma_start3A_791 = tpu.memref_slice %arg6[%dma_start3A_785, %dma_start3A_790] : memref<2x128xi32, #tpu.memory_space<vmem>> -> memref<1x128xi32, #tpu.memory_space<vmem>>
      %dma_start3A_792 = tpu.memref_squeeze %dma_start3A_791 : memref<1x128xi32, #tpu.memory_space<vmem>> -> memref<128xi32, #tpu.memory_space<vmem>>
      %dma_start3A_793 = tpu.memref_slice %arg3[%add3A_784] : memref<640000xi32, #tpu.memory_space<hbm>> -> memref<128xi32, #tpu.memory_space<hbm>>
      tpu.enqueue_dma source(%dma_start3A_793 : memref<128xi32, #tpu.memory_space<hbm>>) target(%dma_start3A_792 : memref<128xi32, #tpu.memory_space<vmem>>) target_semaphore(%arg15 : memref<!tpu.dma_semaphore, #tpu.memory_space<semaphore_mem>>)
      %add3A_794 = arith.constant 320000 : i32
      %add3A_795 = arith.addi %add3A_794, %mul3A_2 : i32
      %mul3A_796 = arith.constant 128 : i32
      %mul3A_797 = arith.muli %add3A_781, %mul3A_796 : i32
      %add3A_798 = arith.addi %add3A_795, %mul3A_797 : i32
      %dma_start3A_799 = arith.constant 1 : i32
      %dma_start3A_800 = arith.constant 0 : i32
      %dma_start3A_801 = tpu.memref_slice %arg6[%dma_start3A_799, %dma_start3A_800] : memref<2x128xi32, #tpu.memory_space<vmem>> -> memref<1x128xi32, #tpu.memory_space<vmem>>
      %dma_start3A_802 = tpu.memref_squeeze %dma_start3A_801 : memref<1x128xi32, #tpu.memory_space<vmem>> -> memref<128xi32, #tpu.memory_space<vmem>>
      %dma_start3A_803 = tpu.memref_slice %arg3[%add3A_798] : memref<640000xi32, #tpu.memory_space<hbm>> -> memref<128xi32, #tpu.memory_space<hbm>>
      %dma_start3A_804 = arith.constant 0 : i32
      %dma_start3A_805 = tpu.memref_slice %arg6[%dma_start3A_799, %dma_start3A_804] : memref<2x128xi32, #tpu.memory_space<vmem>> -> memref<1x128xi32, #tpu.memory_space<vmem>>
      %dma_start3A_806 = tpu.memref_squeeze %dma_start3A_805 : memref<1x128xi32, #tpu.memory_space<vmem>> -> memref<128xi32, #tpu.memory_space<vmem>>
      %dma_start3A_807 = tpu.memref_slice %arg3[%add3A_798] : memref<640000xi32, #tpu.memory_space<hbm>> -> memref<128xi32, #tpu.memory_space<hbm>>
      tpu.enqueue_dma source(%dma_start3A_807 : memref<128xi32, #tpu.memory_space<hbm>>) target(%dma_start3A_806 : memref<128xi32, #tpu.memory_space<vmem>>) target_semaphore(%arg15 : memref<!tpu.dma_semaphore, #tpu.memory_space<semaphore_mem>>)
      %mul3A_808 = arith.constant 4 : i32
      %mul3A_809 = arith.muli %scan3A_548, %mul3A_808 : i32
      %add3A_810 = arith.constant 3 : i32
      %add3A_811 = arith.addi %mul3A_809, %add3A_810 : i32
      %dma_wait3A_812 = arith.constant 0 : i32
      %dma_wait3A_813 = arith.constant 0 : i32
      %dma_wait3A_814 = tpu.memref_slice %arg9[%dma_wait3A_812, %dma_wait3A_813] : memref<2x128xi32, #tpu.memory_space<vmem>> -> memref<1x128xi32, #tpu.memory_space<vmem>>
      %dma_wait3A_815 = tpu.memref_squeeze %dma_wait3A_814 : memref<1x128xi32, #tpu.memory_space<vmem>> -> memref<128xi32, #tpu.memory_space<vmem>>
      %dma_wait3A_816 = arith.constant 0 : i32
      %dma_wait3A_817 = arith.constant 0 : i32
      %dma_wait3A_818 = tpu.memref_slice %arg2[%dma_wait3A_816, %dma_wait3A_817] : memref<10000x128xf32, #tpu.memory_space<hbm>> -> memref<10000x128xf32, #tpu.memory_space<hbm>>
      tpu.wait_indirect_dma semaphore(%arg23 : memref<!tpu.dma_semaphore, #tpu.memory_space<semaphore_mem>>) src(%dma_wait3A_818 : memref<10000x128xf32, #tpu.memory_space<hbm>>) dst(%arg12 : memref<128x128xf32, #tpu.memory_space<vmem>>)
      %dma_start3A_819 = arith.constant 1 : i32
      %dma_start3A_820 = arith.constant 0 : i32
      %dma_start3A_821 = tpu.memref_slice %arg9[%dma_start3A_819, %dma_start3A_820] : memref<2x128xi32, #tpu.memory_space<vmem>> -> memref<1x128xi32, #tpu.memory_space<vmem>>
      %dma_start3A_822 = tpu.memref_squeeze %dma_start3A_821 : memref<1x128xi32, #tpu.memory_space<vmem>> -> memref<128xi32, #tpu.memory_space<vmem>>
      %dma_start3A_823 = arith.constant 0 : i32
      %dma_start3A_824 = arith.constant 0 : i32
      %dma_start3A_825 = tpu.memref_slice %arg14[%dma_start3A_823, %dma_start3A_824] : memref<10240x128xf32, #tpu.memory_space<vmem_shared>> -> memref<10240x128xf32, #tpu.memory_space<vmem_shared>>
      tpu.enqueue_indirect_dma source(%arg12 : memref<128x128xf32, #tpu.memory_space<vmem>>) target(%dma_start3A_825 : memref<10240x128xf32, #tpu.memory_space<vmem_shared>>) offsets(%dma_start3A_822 : memref<128xi32, #tpu.memory_space<vmem>>) semaphore(%arg25 : memref<!tpu.dma_semaphore, #tpu.memory_space<semaphore_mem>>) {add = true}
      %dma_wait3A_826 = arith.constant 1 : i32
      %dma_wait3A_827 = arith.constant 0 : i32
      %dma_wait3A_828 = tpu.memref_slice %arg8[%dma_wait3A_826, %dma_wait3A_827] : memref<2x128xi32, #tpu.memory_space<vmem>> -> memref<1x128xi32, #tpu.memory_space<vmem>>
      %dma_wait3A_829 = tpu.memref_squeeze %dma_wait3A_828 : memref<1x128xi32, #tpu.memory_space<vmem>> -> memref<128xi32, #tpu.memory_space<vmem>>
      %dma_wait3A_830 = arith.constant 0 : i32
      %dma_wait3A_831 = arith.constant 0 : i32
      %dma_wait3A_832 = tpu.memref_slice %arg14[%dma_wait3A_830, %dma_wait3A_831] : memref<10240x128xf32, #tpu.memory_space<vmem_shared>> -> memref<10240x128xf32, #tpu.memory_space<vmem_shared>>
      tpu.wait_indirect_dma semaphore(%arg24 : memref<!tpu.dma_semaphore, #tpu.memory_space<semaphore_mem>>) src(%arg11 : memref<128x128xf32, #tpu.memory_space<vmem>>) dst(%dma_wait3A_832 : memref<10240x128xf32, #tpu.memory_space<vmem_shared>>)
      %add3A_833 = arith.constant 1 : i32
      %add3A_834 = arith.addi %add3A_811, %add3A_833 : i32
      %mul3A_835 = arith.constant 128 : i32
      %mul3A_836 = arith.muli %add3A_834, %mul3A_835 : i32
      %add3A_837 = arith.addi %mul3A_2, %mul3A_836 : i32
      %dma_wait3A_838 = arith.constant 0 : i32
      %dma_wait3A_839 = arith.constant 0 : i32
      %dma_wait3A_840 = tpu.memref_slice %arg6[%dma_wait3A_838, %dma_wait3A_839] : memref<2x128xi32, #tpu.memory_space<vmem>> -> memref<1x128xi32, #tpu.memory_space<vmem>>
      %dma_wait3A_841 = tpu.memref_squeeze %dma_wait3A_840 : memref<1x128xi32, #tpu.memory_space<vmem>> -> memref<128xi32, #tpu.memory_space<vmem>>
      %dma_wait3A_842 = tpu.memref_slice %arg3[%add3A_837] : memref<640000xi32, #tpu.memory_space<hbm>> -> memref<128xi32, #tpu.memory_space<hbm>>
      %dma_wait3A_843 = arith.constant 0 : i32
      %dma_wait3A_844 = tpu.memref_slice %arg6[%dma_wait3A_838, %dma_wait3A_843] : memref<2x128xi32, #tpu.memory_space<vmem>> -> memref<1x128xi32, #tpu.memory_space<vmem>>
      %dma_wait3A_845 = tpu.memref_squeeze %dma_wait3A_844 : memref<1x128xi32, #tpu.memory_space<vmem>> -> memref<128xi32, #tpu.memory_space<vmem>>
      %dma_wait3A_846 = tpu.memref_slice %arg3[%add3A_837] : memref<640000xi32, #tpu.memory_space<hbm>> -> memref<128xi32, #tpu.memory_space<hbm>>
      tpu.wait_dma2 semaphore(%arg15 : memref<!tpu.dma_semaphore, #tpu.memory_space<semaphore_mem>>) src(%dma_wait3A_846 : memref<128xi32, #tpu.memory_space<hbm>>) dst(%dma_wait3A_845 : memref<128xi32, #tpu.memory_space<vmem>>)
      %add3A_847 = arith.constant 320000 : i32
      %add3A_848 = arith.addi %add3A_847, %mul3A_2 : i32
      %mul3A_849 = arith.constant 128 : i32
      %mul3A_850 = arith.muli %add3A_834, %mul3A_849 : i32
      %add3A_851 = arith.addi %add3A_848, %mul3A_850 : i32
      %dma_wait3A_852 = arith.constant 1 : i32
      %dma_wait3A_853 = arith.constant 0 : i32
      %dma_wait3A_854 = tpu.memref_slice %arg6[%dma_wait3A_852, %dma_wait3A_853] : memref<2x128xi32, #tpu.memory_space<vmem>> -> memref<1x128xi32, #tpu.memory_space<vmem>>
      %dma_wait3A_855 = tpu.memref_squeeze %dma_wait3A_854 : memref<1x128xi32, #tpu.memory_space<vmem>> -> memref<128xi32, #tpu.memory_space<vmem>>
      %dma_wait3A_856 = tpu.memref_slice %arg3[%add3A_851] : memref<640000xi32, #tpu.memory_space<hbm>> -> memref<128xi32, #tpu.memory_space<hbm>>
      %dma_wait3A_857 = arith.constant 0 : i32
      %dma_wait3A_858 = tpu.memref_slice %arg6[%dma_wait3A_852, %dma_wait3A_857] : memref<2x128xi32, #tpu.memory_space<vmem>> -> memref<1x128xi32, #tpu.memory_space<vmem>>
      %dma_wait3A_859 = tpu.memref_squeeze %dma_wait3A_858 : memref<1x128xi32, #tpu.memory_space<vmem>> -> memref<128xi32, #tpu.memory_space<vmem>>
      %dma_wait3A_860 = tpu.memref_slice %arg3[%add3A_851] : memref<640000xi32, #tpu.memory_space<hbm>> -> memref<128xi32, #tpu.memory_space<hbm>>
      tpu.wait_dma2 semaphore(%arg15 : memref<!tpu.dma_semaphore, #tpu.memory_space<semaphore_mem>>) src(%dma_wait3A_860 : memref<128xi32, #tpu.memory_space<hbm>>) dst(%dma_wait3A_859 : memref<128xi32, #tpu.memory_space<vmem>>)
      %dma_start3A_861 = arith.constant 0 : i32
      %dma_start3A_862 = arith.constant 0 : i32
      %dma_start3A_863 = tpu.memref_slice %arg6[%dma_start3A_861, %dma_start3A_862] : memref<2x128xi32, #tpu.memory_space<vmem>> -> memref<1x128xi32, #tpu.memory_space<vmem>>
      %dma_start3A_864 = tpu.memref_squeeze %dma_start3A_863 : memref<1x128xi32, #tpu.memory_space<vmem>> -> memref<128xi32, #tpu.memory_space<vmem>>
      %dma_start3A_865 = arith.constant 0 : i32
      %dma_start3A_866 = arith.constant 0 : i32
      %dma_start3A_867 = tpu.memref_slice %arg2[%dma_start3A_865, %dma_start3A_866] : memref<10000x128xf32, #tpu.memory_space<hbm>> -> memref<10000x128xf32, #tpu.memory_space<hbm>>
      tpu.enqueue_indirect_dma source(%dma_start3A_867 : memref<10000x128xf32, #tpu.memory_space<hbm>>) target(%arg11 : memref<128x128xf32, #tpu.memory_space<vmem>>) offsets(%dma_start3A_864 : memref<128xi32, #tpu.memory_space<vmem>>) semaphore(%arg22 : memref<!tpu.dma_semaphore, #tpu.memory_space<semaphore_mem>>)
      %add3A_868 = arith.constant 2 : i32
      %add3A_869 = arith.addi %add3A_811, %add3A_868 : i32
      %mul3A_870 = arith.constant 128 : i32
      %mul3A_871 = arith.muli %add3A_869, %mul3A_870 : i32
      %add3A_872 = arith.addi %mul3A_2, %mul3A_871 : i32
      %dma_start3A_873 = arith.constant 0 : i32
      %dma_start3A_874 = arith.constant 0 : i32
      %dma_start3A_875 = tpu.memref_slice %arg7[%dma_start3A_873, %dma_start3A_874] : memref<2x128xi32, #tpu.memory_space<vmem>> -> memref<1x128xi32, #tpu.memory_space<vmem>>
      %dma_start3A_876 = tpu.memref_squeeze %dma_start3A_875 : memref<1x128xi32, #tpu.memory_space<vmem>> -> memref<128xi32, #tpu.memory_space<vmem>>
      %dma_start3A_877 = tpu.memref_slice %arg3[%add3A_872] : memref<640000xi32, #tpu.memory_space<hbm>> -> memref<128xi32, #tpu.memory_space<hbm>>
      %dma_start3A_878 = arith.constant 0 : i32
      %dma_start3A_879 = tpu.memref_slice %arg7[%dma_start3A_873, %dma_start3A_878] : memref<2x128xi32, #tpu.memory_space<vmem>> -> memref<1x128xi32, #tpu.memory_space<vmem>>
      %dma_start3A_880 = tpu.memref_squeeze %dma_start3A_879 : memref<1x128xi32, #tpu.memory_space<vmem>> -> memref<128xi32, #tpu.memory_space<vmem>>
      %dma_start3A_881 = tpu.memref_slice %arg3[%add3A_872] : memref<640000xi32, #tpu.memory_space<hbm>> -> memref<128xi32, #tpu.memory_space<hbm>>
      tpu.enqueue_dma source(%dma_start3A_881 : memref<128xi32, #tpu.memory_space<hbm>>) target(%dma_start3A_880 : memref<128xi32, #tpu.memory_space<vmem>>) target_semaphore(%arg16 : memref<!tpu.dma_semaphore, #tpu.memory_space<semaphore_mem>>)
      %add3A_882 = arith.constant 320000 : i32
      %add3A_883 = arith.addi %add3A_882, %mul3A_2 : i32
      %mul3A_884 = arith.constant 128 : i32
      %mul3A_885 = arith.muli %add3A_869, %mul3A_884 : i32
      %add3A_886 = arith.addi %add3A_883, %mul3A_885 : i32
      %dma_start3A_887 = arith.constant 1 : i32
      %dma_start3A_888 = arith.constant 0 : i32
      %dma_start3A_889 = tpu.memref_slice %arg7[%dma_start3A_887, %dma_start3A_888] : memref<2x128xi32, #tpu.memory_space<vmem>> -> memref<1x128xi32, #tpu.memory_space<vmem>>
      %dma_start3A_890 = tpu.memref_squeeze %dma_start3A_889 : memref<1x128xi32, #tpu.memory_space<vmem>> -> memref<128xi32, #tpu.memory_space<vmem>>
      %dma_start3A_891 = tpu.memref_slice %arg3[%add3A_886] : memref<640000xi32, #tpu.memory_space<hbm>> -> memref<128xi32, #tpu.memory_space<hbm>>
      %dma_start3A_892 = arith.constant 0 : i32
      %dma_start3A_893 = tpu.memref_slice %arg7[%dma_start3A_887, %dma_start3A_892] : memref<2x128xi32, #tpu.memory_space<vmem>> -> memref<1x128xi32, #tpu.memory_space<vmem>>
      %dma_start3A_894 = tpu.memref_squeeze %dma_start3A_893 : memref<1x128xi32, #tpu.memory_space<vmem>> -> memref<128xi32, #tpu.memory_space<vmem>>
      %dma_start3A_895 = tpu.memref_slice %arg3[%add3A_886] : memref<640000xi32, #tpu.memory_space<hbm>> -> memref<128xi32, #tpu.memory_space<hbm>>
      tpu.enqueue_dma source(%dma_start3A_895 : memref<128xi32, #tpu.memory_space<hbm>>) target(%dma_start3A_894 : memref<128xi32, #tpu.memory_space<vmem>>) target_semaphore(%arg16 : memref<!tpu.dma_semaphore, #tpu.memory_space<semaphore_mem>>)
    }
    %scan3A_88 = arith.constant 18 : i32
    %dma_wait3A_89 = arith.constant 0 : i32
    %dma_wait3A_90 = arith.constant 0 : i32
    %dma_wait3A_91 = tpu.memref_slice %arg6[%dma_wait3A_89, %dma_wait3A_90] : memref<2x128xi32, #tpu.memory_space<vmem>> -> memref<1x128xi32, #tpu.memory_space<vmem>>
    %dma_wait3A_92 = tpu.memref_squeeze %dma_wait3A_91 : memref<1x128xi32, #tpu.memory_space<vmem>> -> memref<128xi32, #tpu.memory_space<vmem>>
    %dma_wait3A_93 = arith.constant 0 : i32
    %dma_wait3A_94 = arith.constant 0 : i32
    %dma_wait3A_95 = tpu.memref_slice %arg2[%dma_wait3A_93, %dma_wait3A_94] : memref<10000x128xf32, #tpu.memory_space<hbm>> -> memref<10000x128xf32, #tpu.memory_space<hbm>>
    tpu.wait_indirect_dma semaphore(%arg22 : memref<!tpu.dma_semaphore, #tpu.memory_space<semaphore_mem>>) src(%dma_wait3A_95 : memref<10000x128xf32, #tpu.memory_space<hbm>>) dst(%arg11 : memref<128x128xf32, #tpu.memory_space<vmem>>)
    %dma_start3A_96 = arith.constant 1 : i32
    %dma_start3A_97 = arith.constant 0 : i32
    %dma_start3A_98 = tpu.memref_slice %arg6[%dma_start3A_96, %dma_start3A_97] : memref<2x128xi32, #tpu.memory_space<vmem>> -> memref<1x128xi32, #tpu.memory_space<vmem>>
    %dma_start3A_99 = tpu.memref_squeeze %dma_start3A_98 : memref<1x128xi32, #tpu.memory_space<vmem>> -> memref<128xi32, #tpu.memory_space<vmem>>
    %dma_start3A_100 = arith.constant 0 : i32
    %dma_start3A_101 = arith.constant 0 : i32
    %dma_start3A_102 = tpu.memref_slice %arg14[%dma_start3A_100, %dma_start3A_101] : memref<10240x128xf32, #tpu.memory_space<vmem_shared>> -> memref<10240x128xf32, #tpu.memory_space<vmem_shared>>
    tpu.enqueue_indirect_dma source(%arg11 : memref<128x128xf32, #tpu.memory_space<vmem>>) target(%dma_start3A_102 : memref<10240x128xf32, #tpu.memory_space<vmem_shared>>) offsets(%dma_start3A_99 : memref<128xi32, #tpu.memory_space<vmem>>) semaphore(%arg24 : memref<!tpu.dma_semaphore, #tpu.memory_space<semaphore_mem>>) {add = true}
    %dma_wait3A_103 = arith.constant 1 : i32
    %dma_wait3A_104 = arith.constant 0 : i32
    %dma_wait3A_105 = tpu.memref_slice %arg9[%dma_wait3A_103, %dma_wait3A_104] : memref<2x128xi32, #tpu.memory_space<vmem>> -> memref<1x128xi32, #tpu.memory_space<vmem>>
    %dma_wait3A_106 = tpu.memref_squeeze %dma_wait3A_105 : memref<1x128xi32, #tpu.memory_space<vmem>> -> memref<128xi32, #tpu.memory_space<vmem>>
    %dma_wait3A_107 = arith.constant 0 : i32
    %dma_wait3A_108 = arith.constant 0 : i32
    %dma_wait3A_109 = tpu.memref_slice %arg14[%dma_wait3A_107, %dma_wait3A_108] : memref<10240x128xf32, #tpu.memory_space<vmem_shared>> -> memref<10240x128xf32, #tpu.memory_space<vmem_shared>>
    tpu.wait_indirect_dma semaphore(%arg25 : memref<!tpu.dma_semaphore, #tpu.memory_space<semaphore_mem>>) src(%arg12 : memref<128x128xf32, #tpu.memory_space<vmem>>) dst(%dma_wait3A_109 : memref<10240x128xf32, #tpu.memory_space<vmem_shared>>)
    %add3A_110 = arith.constant 9344 : i32
    %add3A_111 = arith.addi %mul3A_2, %add3A_110 : i32
    %dma_wait3A_112 = arith.constant 0 : i32
    %dma_wait3A_113 = arith.constant 0 : i32
    %dma_wait3A_114 = tpu.memref_slice %arg7[%dma_wait3A_112, %dma_wait3A_113] : memref<2x128xi32, #tpu.memory_space<vmem>> -> memref<1x128xi32, #tpu.memory_space<vmem>>
    %dma_wait3A_115 = tpu.memref_squeeze %dma_wait3A_114 : memref<1x128xi32, #tpu.memory_space<vmem>> -> memref<128xi32, #tpu.memory_space<vmem>>
    %dma_wait3A_116 = tpu.memref_slice %arg3[%add3A_111] : memref<640000xi32, #tpu.memory_space<hbm>> -> memref<128xi32, #tpu.memory_space<hbm>>
    %dma_wait3A_117 = arith.constant 0 : i32
    %dma_wait3A_118 = tpu.memref_slice %arg7[%dma_wait3A_112, %dma_wait3A_117] : memref<2x128xi32, #tpu.memory_space<vmem>> -> memref<1x128xi32, #tpu.memory_space<vmem>>
    %dma_wait3A_119 = tpu.memref_squeeze %dma_wait3A_118 : memref<1x128xi32, #tpu.memory_space<vmem>> -> memref<128xi32, #tpu.memory_space<vmem>>
    %dma_wait3A_120 = tpu.memref_slice %arg3[%add3A_111] : memref<640000xi32, #tpu.memory_space<hbm>> -> memref<128xi32, #tpu.memory_space<hbm>>
    tpu.wait_dma2 semaphore(%arg16 : memref<!tpu.dma_semaphore, #tpu.memory_space<semaphore_mem>>) src(%dma_wait3A_120 : memref<128xi32, #tpu.memory_space<hbm>>) dst(%dma_wait3A_119 : memref<128xi32, #tpu.memory_space<vmem>>)
    %add3A_121 = arith.constant 320000 : i32
    %add3A_122 = arith.addi %add3A_121, %mul3A_2 : i32
    %add3A_123 = arith.constant 9344 : i32
    %add3A_124 = arith.addi %add3A_122, %add3A_123 : i32
    %dma_wait3A_125 = arith.constant 1 : i32
    %dma_wait3A_126 = arith.constant 0 : i32
    %dma_wait3A_127 = tpu.memref_slice %arg7[%dma_wait3A_125, %dma_wait3A_126] : memref<2x128xi32, #tpu.memory_space<vmem>> -> memref<1x128xi32, #tpu.memory_space<vmem>>
    %dma_wait3A_128 = tpu.memref_squeeze %dma_wait3A_127 : memref<1x128xi32, #tpu.memory_space<vmem>> -> memref<128xi32, #tpu.memory_space<vmem>>
    %dma_wait3A_129 = tpu.memref_slice %arg3[%add3A_124] : memref<640000xi32, #tpu.memory_space<hbm>> -> memref<128xi32, #tpu.memory_space<hbm>>
    %dma_wait3A_130 = arith.constant 0 : i32
    %dma_wait3A_131 = tpu.memref_slice %arg7[%dma_wait3A_125, %dma_wait3A_130] : memref<2x128xi32, #tpu.memory_space<vmem>> -> memref<1x128xi32, #tpu.memory_space<vmem>>
    %dma_wait3A_132 = tpu.memref_squeeze %dma_wait3A_131 : memref<1x128xi32, #tpu.memory_space<vmem>> -> memref<128xi32, #tpu.memory_space<vmem>>
    %dma_wait3A_133 = tpu.memref_slice %arg3[%add3A_124] : memref<640000xi32, #tpu.memory_space<hbm>> -> memref<128xi32, #tpu.memory_space<hbm>>
    tpu.wait_dma2 semaphore(%arg16 : memref<!tpu.dma_semaphore, #tpu.memory_space<semaphore_mem>>) src(%dma_wait3A_133 : memref<128xi32, #tpu.memory_space<hbm>>) dst(%dma_wait3A_132 : memref<128xi32, #tpu.memory_space<vmem>>)
    %dma_start3A_134 = arith.constant 0 : i32
    %dma_start3A_135 = arith.constant 0 : i32
    %dma_start3A_136 = tpu.memref_slice %arg7[%dma_start3A_134, %dma_start3A_135] : memref<2x128xi32, #tpu.memory_space<vmem>> -> memref<1x128xi32, #tpu.memory_space<vmem>>
    %dma_start3A_137 = tpu.memref_squeeze %dma_start3A_136 : memref<1x128xi32, #tpu.memory_space<vmem>> -> memref<128xi32, #tpu.memory_space<vmem>>
    %dma_start3A_138 = arith.constant 0 : i32
    %dma_start3A_139 = arith.constant 0 : i32
    %dma_start3A_140 = tpu.memref_slice %arg2[%dma_start3A_138, %dma_start3A_139] : memref<10000x128xf32, #tpu.memory_space<hbm>> -> memref<10000x128xf32, #tpu.memory_space<hbm>>
    tpu.enqueue_indirect_dma source(%dma_start3A_140 : memref<10000x128xf32, #tpu.memory_space<hbm>>) target(%arg12 : memref<128x128xf32, #tpu.memory_space<vmem>>) offsets(%dma_start3A_137 : memref<128xi32, #tpu.memory_space<vmem>>) semaphore(%arg23 : memref<!tpu.dma_semaphore, #tpu.memory_space<semaphore_mem>>)
    %add3A_141 = arith.constant 9472 : i32
    %add3A_142 = arith.addi %mul3A_2, %add3A_141 : i32
    %dma_start3A_143 = arith.constant 0 : i32
    %dma_start3A_144 = arith.constant 0 : i32
    %dma_start3A_145 = tpu.memref_slice %arg8[%dma_start3A_143, %dma_start3A_144] : memref<2x128xi32, #tpu.memory_space<vmem>> -> memref<1x128xi32, #tpu.memory_space<vmem>>
    %dma_start3A_146 = tpu.memref_squeeze %dma_start3A_145 : memref<1x128xi32, #tpu.memory_space<vmem>> -> memref<128xi32, #tpu.memory_space<vmem>>
    %dma_start3A_147 = tpu.memref_slice %arg3[%add3A_142] : memref<640000xi32, #tpu.memory_space<hbm>> -> memref<128xi32, #tpu.memory_space<hbm>>
    %dma_start3A_148 = arith.constant 0 : i32
    %dma_start3A_149 = tpu.memref_slice %arg8[%dma_start3A_143, %dma_start3A_148] : memref<2x128xi32, #tpu.memory_space<vmem>> -> memref<1x128xi32, #tpu.memory_space<vmem>>
    %dma_start3A_150 = tpu.memref_squeeze %dma_start3A_149 : memref<1x128xi32, #tpu.memory_space<vmem>> -> memref<128xi32, #tpu.memory_space<vmem>>
    %dma_start3A_151 = tpu.memref_slice %arg3[%add3A_142] : memref<640000xi32, #tpu.memory_space<hbm>> -> memref<128xi32, #tpu.memory_space<hbm>>
    tpu.enqueue_dma source(%dma_start3A_151 : memref<128xi32, #tpu.memory_space<hbm>>) target(%dma_start3A_150 : memref<128xi32, #tpu.memory_space<vmem>>) target_semaphore(%arg17 : memref<!tpu.dma_semaphore, #tpu.memory_space<semaphore_mem>>)
    %add3A_152 = arith.constant 320000 : i32
    %add3A_153 = arith.addi %add3A_152, %mul3A_2 : i32
    %add3A_154 = arith.constant 9472 : i32
    %add3A_155 = arith.addi %add3A_153, %add3A_154 : i32
    %dma_start3A_156 = arith.constant 1 : i32
    %dma_start3A_157 = arith.constant 0 : i32
    %dma_start3A_158 = tpu.memref_slice %arg8[%dma_start3A_156, %dma_start3A_157] : memref<2x128xi32, #tpu.memory_space<vmem>> -> memref<1x128xi32, #tpu.memory_space<vmem>>
    %dma_start3A_159 = tpu.memref_squeeze %dma_start3A_158 : memref<1x128xi32, #tpu.memory_space<vmem>> -> memref<128xi32, #tpu.memory_space<vmem>>
    %dma_start3A_160 = tpu.memref_slice %arg3[%add3A_155] : memref<640000xi32, #tpu.memory_space<hbm>> -> memref<128xi32, #tpu.memory_space<hbm>>
    %dma_start3A_161 = arith.constant 0 : i32
    %dma_start3A_162 = tpu.memref_slice %arg8[%dma_start3A_156, %dma_start3A_161] : memref<2x128xi32, #tpu.memory_space<vmem>> -> memref<1x128xi32, #tpu.memory_space<vmem>>
    %dma_start3A_163 = tpu.memref_squeeze %dma_start3A_162 : memref<1x128xi32, #tpu.memory_space<vmem>> -> memref<128xi32, #tpu.memory_space<vmem>>
    %dma_start3A_164 = tpu.memref_slice %arg3[%add3A_155] : memref<640000xi32, #tpu.memory_space<hbm>> -> memref<128xi32, #tpu.memory_space<hbm>>
    tpu.enqueue_dma source(%dma_start3A_164 : memref<128xi32, #tpu.memory_space<hbm>>) target(%dma_start3A_163 : memref<128xi32, #tpu.memory_space<vmem>>) target_semaphore(%arg17 : memref<!tpu.dma_semaphore, #tpu.memory_space<semaphore_mem>>)
    %dma_wait3A_165 = arith.constant 0 : i32
    %dma_wait3A_166 = arith.constant 0 : i32
    %dma_wait3A_167 = tpu.memref_slice %arg7[%dma_wait3A_165, %dma_wait3A_166] : memref<2x128xi32, #tpu.memory_space<vmem>> -> memref<1x128xi32, #tpu.memory_space<vmem>>
    %dma_wait3A_168 = tpu.memref_squeeze %dma_wait3A_167 : memref<1x128xi32, #tpu.memory_space<vmem>> -> memref<128xi32, #tpu.memory_space<vmem>>
    %dma_wait3A_169 = arith.constant 0 : i32
    %dma_wait3A_170 = arith.constant 0 : i32
    %dma_wait3A_171 = tpu.memref_slice %arg2[%dma_wait3A_169, %dma_wait3A_170] : memref<10000x128xf32, #tpu.memory_space<hbm>> -> memref<10000x128xf32, #tpu.memory_space<hbm>>
    tpu.wait_indirect_dma semaphore(%arg23 : memref<!tpu.dma_semaphore, #tpu.memory_space<semaphore_mem>>) src(%dma_wait3A_171 : memref<10000x128xf32, #tpu.memory_space<hbm>>) dst(%arg12 : memref<128x128xf32, #tpu.memory_space<vmem>>)
    %dma_start3A_172 = arith.constant 1 : i32
    %dma_start3A_173 = arith.constant 0 : i32
    %dma_start3A_174 = tpu.memref_slice %arg7[%dma_start3A_172, %dma_start3A_173] : memref<2x128xi32, #tpu.memory_space<vmem>> -> memref<1x128xi32, #tpu.memory_space<vmem>>
    %dma_start3A_175 = tpu.memref_squeeze %dma_start3A_174 : memref<1x128xi32, #tpu.memory_space<vmem>> -> memref<128xi32, #tpu.memory_space<vmem>>
    %dma_start3A_176 = arith.constant 0 : i32
    %dma_start3A_177 = arith.constant 0 : i32
    %dma_start3A_178 = tpu.memref_slice %arg14[%dma_start3A_176, %dma_start3A_177] : memref<10240x128xf32, #tpu.memory_space<vmem_shared>> -> memref<10240x128xf32, #tpu.memory_space<vmem_shared>>
    tpu.enqueue_indirect_dma source(%arg12 : memref<128x128xf32, #tpu.memory_space<vmem>>) target(%dma_start3A_178 : memref<10240x128xf32, #tpu.memory_space<vmem_shared>>) offsets(%dma_start3A_175 : memref<128xi32, #tpu.memory_space<vmem>>) semaphore(%arg25 : memref<!tpu.dma_semaphore, #tpu.memory_space<semaphore_mem>>) {add = true}
    %dma_wait3A_179 = arith.constant 1 : i32
    %dma_wait3A_180 = arith.constant 0 : i32
    %dma_wait3A_181 = tpu.memref_slice %arg6[%dma_wait3A_179, %dma_wait3A_180] : memref<2x128xi32, #tpu.memory_space<vmem>> -> memref<1x128xi32, #tpu.memory_space<vmem>>
    %dma_wait3A_182 = tpu.memref_squeeze %dma_wait3A_181 : memref<1x128xi32, #tpu.memory_space<vmem>> -> memref<128xi32, #tpu.memory_space<vmem>>
    %dma_wait3A_183 = arith.constant 0 : i32
    %dma_wait3A_184 = arith.constant 0 : i32
    %dma_wait3A_185 = tpu.memref_slice %arg14[%dma_wait3A_183, %dma_wait3A_184] : memref<10240x128xf32, #tpu.memory_space<vmem_shared>> -> memref<10240x128xf32, #tpu.memory_space<vmem_shared>>
    tpu.wait_indirect_dma semaphore(%arg24 : memref<!tpu.dma_semaphore, #tpu.memory_space<semaphore_mem>>) src(%arg11 : memref<128x128xf32, #tpu.memory_space<vmem>>) dst(%dma_wait3A_185 : memref<10240x128xf32, #tpu.memory_space<vmem_shared>>)
    %add3A_186 = arith.constant 9472 : i32
    %add3A_187 = arith.addi %mul3A_2, %add3A_186 : i32
    %dma_wait3A_188 = arith.constant 0 : i32
    %dma_wait3A_189 = arith.constant 0 : i32
    %dma_wait3A_190 = tpu.memref_slice %arg8[%dma_wait3A_188, %dma_wait3A_189] : memref<2x128xi32, #tpu.memory_space<vmem>> -> memref<1x128xi32, #tpu.memory_space<vmem>>
    %dma_wait3A_191 = tpu.memref_squeeze %dma_wait3A_190 : memref<1x128xi32, #tpu.memory_space<vmem>> -> memref<128xi32, #tpu.memory_space<vmem>>
    %dma_wait3A_192 = tpu.memref_slice %arg3[%add3A_187] : memref<640000xi32, #tpu.memory_space<hbm>> -> memref<128xi32, #tpu.memory_space<hbm>>
    %dma_wait3A_193 = arith.constant 0 : i32
    %dma_wait3A_194 = tpu.memref_slice %arg8[%dma_wait3A_188, %dma_wait3A_193] : memref<2x128xi32, #tpu.memory_space<vmem>> -> memref<1x128xi32, #tpu.memory_space<vmem>>
    %dma_wait3A_195 = tpu.memref_squeeze %dma_wait3A_194 : memref<1x128xi32, #tpu.memory_space<vmem>> -> memref<128xi32, #tpu.memory_space<vmem>>
    %dma_wait3A_196 = tpu.memref_slice %arg3[%add3A_187] : memref<640000xi32, #tpu.memory_space<hbm>> -> memref<128xi32, #tpu.memory_space<hbm>>
    tpu.wait_dma2 semaphore(%arg17 : memref<!tpu.dma_semaphore, #tpu.memory_space<semaphore_mem>>) src(%dma_wait3A_196 : memref<128xi32, #tpu.memory_space<hbm>>) dst(%dma_wait3A_195 : memref<128xi32, #tpu.memory_space<vmem>>)
    %add3A_197 = arith.constant 320000 : i32
    %add3A_198 = arith.addi %add3A_197, %mul3A_2 : i32
    %add3A_199 = arith.constant 9472 : i32
    %add3A_200 = arith.addi %add3A_198, %add3A_199 : i32
    %dma_wait3A_201 = arith.constant 1 : i32
    %dma_wait3A_202 = arith.constant 0 : i32
    %dma_wait3A_203 = tpu.memref_slice %arg8[%dma_wait3A_201, %dma_wait3A_202] : memref<2x128xi32, #tpu.memory_space<vmem>> -> memref<1x128xi32, #tpu.memory_space<vmem>>
    %dma_wait3A_204 = tpu.memref_squeeze %dma_wait3A_203 : memref<1x128xi32, #tpu.memory_space<vmem>> -> memref<128xi32, #tpu.memory_space<vmem>>
    %dma_wait3A_205 = tpu.memref_slice %arg3[%add3A_200] : memref<640000xi32, #tpu.memory_space<hbm>> -> memref<128xi32, #tpu.memory_space<hbm>>
    %dma_wait3A_206 = arith.constant 0 : i32
    %dma_wait3A_207 = tpu.memref_slice %arg8[%dma_wait3A_201, %dma_wait3A_206] : memref<2x128xi32, #tpu.memory_space<vmem>> -> memref<1x128xi32, #tpu.memory_space<vmem>>
    %dma_wait3A_208 = tpu.memref_squeeze %dma_wait3A_207 : memref<1x128xi32, #tpu.memory_space<vmem>> -> memref<128xi32, #tpu.memory_space<vmem>>
    %dma_wait3A_209 = tpu.memref_slice %arg3[%add3A_200] : memref<640000xi32, #tpu.memory_space<hbm>> -> memref<128xi32, #tpu.memory_space<hbm>>
    tpu.wait_dma2 semaphore(%arg17 : memref<!tpu.dma_semaphore, #tpu.memory_space<semaphore_mem>>) src(%dma_wait3A_209 : memref<128xi32, #tpu.memory_space<hbm>>) dst(%dma_wait3A_208 : memref<128xi32, #tpu.memory_space<vmem>>)
    %dma_start3A_210 = arith.constant 0 : i32
    %dma_start3A_211 = arith.constant 0 : i32
    %dma_start3A_212 = tpu.memref_slice %arg8[%dma_start3A_210, %dma_start3A_211] : memref<2x128xi32, #tpu.memory_space<vmem>> -> memref<1x128xi32, #tpu.memory_space<vmem>>
    %dma_start3A_213 = tpu.memref_squeeze %dma_start3A_212 : memref<1x128xi32, #tpu.memory_space<vmem>> -> memref<128xi32, #tpu.memory_space<vmem>>
    %dma_start3A_214 = arith.constant 0 : i32
    %dma_start3A_215 = arith.constant 0 : i32
    %dma_start3A_216 = tpu.memref_slice %arg2[%dma_start3A_214, %dma_start3A_215] : memref<10000x128xf32, #tpu.memory_space<hbm>> -> memref<10000x128xf32, #tpu.memory_space<hbm>>
    tpu.enqueue_indirect_dma source(%dma_start3A_216 : memref<10000x128xf32, #tpu.memory_space<hbm>>) target(%arg11 : memref<128x128xf32, #tpu.memory_space<vmem>>) offsets(%dma_start3A_213 : memref<128xi32, #tpu.memory_space<vmem>>) semaphore(%arg22 : memref<!tpu.dma_semaphore, #tpu.memory_space<semaphore_mem>>)
    %add3A_217 = arith.constant 9600 : i32
    %add3A_218 = arith.addi %mul3A_2, %add3A_217 : i32
    %dma_start3A_219 = arith.constant 0 : i32
    %dma_start3A_220 = arith.constant 0 : i32
    %dma_start3A_221 = tpu.memref_slice %arg9[%dma_start3A_219, %dma_start3A_220] : memref<2x128xi32, #tpu.memory_space<vmem>> -> memref<1x128xi32, #tpu.memory_space<vmem>>
    %dma_start3A_222 = tpu.memref_squeeze %dma_start3A_221 : memref<1x128xi32, #tpu.memory_space<vmem>> -> memref<128xi32, #tpu.memory_space<vmem>>
    %dma_start3A_223 = tpu.memref_slice %arg3[%add3A_218] : memref<640000xi32, #tpu.memory_space<hbm>> -> memref<128xi32, #tpu.memory_space<hbm>>
    %dma_start3A_224 = arith.constant 0 : i32
    %dma_start3A_225 = tpu.memref_slice %arg9[%dma_start3A_219, %dma_start3A_224] : memref<2x128xi32, #tpu.memory_space<vmem>> -> memref<1x128xi32, #tpu.memory_space<vmem>>
    %dma_start3A_226 = tpu.memref_squeeze %dma_start3A_225 : memref<1x128xi32, #tpu.memory_space<vmem>> -> memref<128xi32, #tpu.memory_space<vmem>>
    %dma_start3A_227 = tpu.memref_slice %arg3[%add3A_218] : memref<640000xi32, #tpu.memory_space<hbm>> -> memref<128xi32, #tpu.memory_space<hbm>>
    tpu.enqueue_dma source(%dma_start3A_227 : memref<128xi32, #tpu.memory_space<hbm>>) target(%dma_start3A_226 : memref<128xi32, #tpu.memory_space<vmem>>) target_semaphore(%arg18 : memref<!tpu.dma_semaphore, #tpu.memory_space<semaphore_mem>>)
    %add3A_228 = arith.constant 320000 : i32
    %add3A_229 = arith.addi %add3A_228, %mul3A_2 : i32
    %add3A_230 = arith.constant 9600 : i32
    %add3A_231 = arith.addi %add3A_229, %add3A_230 : i32
    %dma_start3A_232 = arith.constant 1 : i32
    %dma_start3A_233 = arith.constant 0 : i32
    %dma_start3A_234 = tpu.memref_slice %arg9[%dma_start3A_232, %dma_start3A_233] : memref<2x128xi32, #tpu.memory_space<vmem>> -> memref<1x128xi32, #tpu.memory_space<vmem>>
    %dma_start3A_235 = tpu.memref_squeeze %dma_start3A_234 : memref<1x128xi32, #tpu.memory_space<vmem>> -> memref<128xi32, #tpu.memory_space<vmem>>
    %dma_start3A_236 = tpu.memref_slice %arg3[%add3A_231] : memref<640000xi32, #tpu.memory_space<hbm>> -> memref<128xi32, #tpu.memory_space<hbm>>
    %dma_start3A_237 = arith.constant 0 : i32
    %dma_start3A_238 = tpu.memref_slice %arg9[%dma_start3A_232, %dma_start3A_237] : memref<2x128xi32, #tpu.memory_space<vmem>> -> memref<1x128xi32, #tpu.memory_space<vmem>>
    %dma_start3A_239 = tpu.memref_squeeze %dma_start3A_238 : memref<1x128xi32, #tpu.memory_space<vmem>> -> memref<128xi32, #tpu.memory_space<vmem>>
    %dma_start3A_240 = tpu.memref_slice %arg3[%add3A_231] : memref<640000xi32, #tpu.memory_space<hbm>> -> memref<128xi32, #tpu.memory_space<hbm>>
    tpu.enqueue_dma source(%dma_start3A_240 : memref<128xi32, #tpu.memory_space<hbm>>) target(%dma_start3A_239 : memref<128xi32, #tpu.memory_space<vmem>>) target_semaphore(%arg18 : memref<!tpu.dma_semaphore, #tpu.memory_space<semaphore_mem>>)
    %dma_wait3A_241 = arith.constant 0 : i32
    %dma_wait3A_242 = arith.constant 0 : i32
    %dma_wait3A_243 = tpu.memref_slice %arg8[%dma_wait3A_241, %dma_wait3A_242] : memref<2x128xi32, #tpu.memory_space<vmem>> -> memref<1x128xi32, #tpu.memory_space<vmem>>
    %dma_wait3A_244 = tpu.memref_squeeze %dma_wait3A_243 : memref<1x128xi32, #tpu.memory_space<vmem>> -> memref<128xi32, #tpu.memory_space<vmem>>
    %dma_wait3A_245 = arith.constant 0 : i32
    %dma_wait3A_246 = arith.constant 0 : i32
    %dma_wait3A_247 = tpu.memref_slice %arg2[%dma_wait3A_245, %dma_wait3A_246] : memref<10000x128xf32, #tpu.memory_space<hbm>> -> memref<10000x128xf32, #tpu.memory_space<hbm>>
    tpu.wait_indirect_dma semaphore(%arg22 : memref<!tpu.dma_semaphore, #tpu.memory_space<semaphore_mem>>) src(%dma_wait3A_247 : memref<10000x128xf32, #tpu.memory_space<hbm>>) dst(%arg11 : memref<128x128xf32, #tpu.memory_space<vmem>>)
    %dma_start3A_248 = arith.constant 1 : i32
    %dma_start3A_249 = arith.constant 0 : i32
    %dma_start3A_250 = tpu.memref_slice %arg8[%dma_start3A_248, %dma_start3A_249] : memref<2x128xi32, #tpu.memory_space<vmem>> -> memref<1x128xi32, #tpu.memory_space<vmem>>
    %dma_start3A_251 = tpu.memref_squeeze %dma_start3A_250 : memref<1x128xi32, #tpu.memory_space<vmem>> -> memref<128xi32, #tpu.memory_space<vmem>>
    %dma_start3A_252 = arith.constant 0 : i32
    %dma_start3A_253 = arith.constant 0 : i32
    %dma_start3A_254 = tpu.memref_slice %arg14[%dma_start3A_252, %dma_start3A_253] : memref<10240x128xf32, #tpu.memory_space<vmem_shared>> -> memref<10240x128xf32, #tpu.memory_space<vmem_shared>>
    tpu.enqueue_indirect_dma source(%arg11 : memref<128x128xf32, #tpu.memory_space<vmem>>) target(%dma_start3A_254 : memref<10240x128xf32, #tpu.memory_space<vmem_shared>>) offsets(%dma_start3A_251 : memref<128xi32, #tpu.memory_space<vmem>>) semaphore(%arg24 : memref<!tpu.dma_semaphore, #tpu.memory_space<semaphore_mem>>) {add = true}
    %dma_wait3A_255 = arith.constant 1 : i32
    %dma_wait3A_256 = arith.constant 0 : i32
    %dma_wait3A_257 = tpu.memref_slice %arg7[%dma_wait3A_255, %dma_wait3A_256] : memref<2x128xi32, #tpu.memory_space<vmem>> -> memref<1x128xi32, #tpu.memory_space<vmem>>
    %dma_wait3A_258 = tpu.memref_squeeze %dma_wait3A_257 : memref<1x128xi32, #tpu.memory_space<vmem>> -> memref<128xi32, #tpu.memory_space<vmem>>
    %dma_wait3A_259 = arith.constant 0 : i32
    %dma_wait3A_260 = arith.constant 0 : i32
    %dma_wait3A_261 = tpu.memref_slice %arg14[%dma_wait3A_259, %dma_wait3A_260] : memref<10240x128xf32, #tpu.memory_space<vmem_shared>> -> memref<10240x128xf32, #tpu.memory_space<vmem_shared>>
    tpu.wait_indirect_dma semaphore(%arg25 : memref<!tpu.dma_semaphore, #tpu.memory_space<semaphore_mem>>) src(%arg12 : memref<128x128xf32, #tpu.memory_space<vmem>>) dst(%dma_wait3A_261 : memref<10240x128xf32, #tpu.memory_space<vmem_shared>>)
    %add3A_262 = arith.constant 9600 : i32
    %add3A_263 = arith.addi %mul3A_2, %add3A_262 : i32
    %dma_wait3A_264 = arith.constant 0 : i32
    %dma_wait3A_265 = arith.constant 0 : i32
    %dma_wait3A_266 = tpu.memref_slice %arg9[%dma_wait3A_264, %dma_wait3A_265] : memref<2x128xi32, #tpu.memory_space<vmem>> -> memref<1x128xi32, #tpu.memory_space<vmem>>
    %dma_wait3A_267 = tpu.memref_squeeze %dma_wait3A_266 : memref<1x128xi32, #tpu.memory_space<vmem>> -> memref<128xi32, #tpu.memory_space<vmem>>
    %dma_wait3A_268 = tpu.memref_slice %arg3[%add3A_263] : memref<640000xi32, #tpu.memory_space<hbm>> -> memref<128xi32, #tpu.memory_space<hbm>>
    %dma_wait3A_269 = arith.constant 0 : i32
    %dma_wait3A_270 = tpu.memref_slice %arg9[%dma_wait3A_264, %dma_wait3A_269] : memref<2x128xi32, #tpu.memory_space<vmem>> -> memref<1x128xi32, #tpu.memory_space<vmem>>
    %dma_wait3A_271 = tpu.memref_squeeze %dma_wait3A_270 : memref<1x128xi32, #tpu.memory_space<vmem>> -> memref<128xi32, #tpu.memory_space<vmem>>
    %dma_wait3A_272 = tpu.memref_slice %arg3[%add3A_263] : memref<640000xi32, #tpu.memory_space<hbm>> -> memref<128xi32, #tpu.memory_space<hbm>>
    tpu.wait_dma2 semaphore(%arg18 : memref<!tpu.dma_semaphore, #tpu.memory_space<semaphore_mem>>) src(%dma_wait3A_272 : memref<128xi32, #tpu.memory_space<hbm>>) dst(%dma_wait3A_271 : memref<128xi32, #tpu.memory_space<vmem>>)
    %add3A_273 = arith.constant 320000 : i32
    %add3A_274 = arith.addi %add3A_273, %mul3A_2 : i32
    %add3A_275 = arith.constant 9600 : i32
    %add3A_276 = arith.addi %add3A_274, %add3A_275 : i32
    %dma_wait3A_277 = arith.constant 1 : i32
    %dma_wait3A_278 = arith.constant 0 : i32
    %dma_wait3A_279 = tpu.memref_slice %arg9[%dma_wait3A_277, %dma_wait3A_278] : memref<2x128xi32, #tpu.memory_space<vmem>> -> memref<1x128xi32, #tpu.memory_space<vmem>>
    %dma_wait3A_280 = tpu.memref_squeeze %dma_wait3A_279 : memref<1x128xi32, #tpu.memory_space<vmem>> -> memref<128xi32, #tpu.memory_space<vmem>>
    %dma_wait3A_281 = tpu.memref_slice %arg3[%add3A_276] : memref<640000xi32, #tpu.memory_space<hbm>> -> memref<128xi32, #tpu.memory_space<hbm>>
    %dma_wait3A_282 = arith.constant 0 : i32
    %dma_wait3A_283 = tpu.memref_slice %arg9[%dma_wait3A_277, %dma_wait3A_282] : memref<2x128xi32, #tpu.memory_space<vmem>> -> memref<1x128xi32, #tpu.memory_space<vmem>>
    %dma_wait3A_284 = tpu.memref_squeeze %dma_wait3A_283 : memref<1x128xi32, #tpu.memory_space<vmem>> -> memref<128xi32, #tpu.memory_space<vmem>>
    %dma_wait3A_285 = tpu.memref_slice %arg3[%add3A_276] : memref<640000xi32, #tpu.memory_space<hbm>> -> memref<128xi32, #tpu.memory_space<hbm>>
    tpu.wait_dma2 semaphore(%arg18 : memref<!tpu.dma_semaphore, #tpu.memory_space<semaphore_mem>>) src(%dma_wait3A_285 : memref<128xi32, #tpu.memory_space<hbm>>) dst(%dma_wait3A_284 : memref<128xi32, #tpu.memory_space<vmem>>)
    %dma_start3A_286 = arith.constant 0 : i32
    %dma_start3A_287 = arith.constant 0 : i32
    %dma_start3A_288 = tpu.memref_slice %arg9[%dma_start3A_286, %dma_start3A_287] : memref<2x128xi32, #tpu.memory_space<vmem>> -> memref<1x128xi32, #tpu.memory_space<vmem>>
    %dma_start3A_289 = tpu.memref_squeeze %dma_start3A_288 : memref<1x128xi32, #tpu.memory_space<vmem>> -> memref<128xi32, #tpu.memory_space<vmem>>
    %dma_start3A_290 = arith.constant 0 : i32
    %dma_start3A_291 = arith.constant 0 : i32
    %dma_start3A_292 = tpu.memref_slice %arg2[%dma_start3A_290, %dma_start3A_291] : memref<10000x128xf32, #tpu.memory_space<hbm>> -> memref<10000x128xf32, #tpu.memory_space<hbm>>
    tpu.enqueue_indirect_dma source(%dma_start3A_292 : memref<10000x128xf32, #tpu.memory_space<hbm>>) target(%arg12 : memref<128x128xf32, #tpu.memory_space<vmem>>) offsets(%dma_start3A_289 : memref<128xi32, #tpu.memory_space<vmem>>) semaphore(%arg23 : memref<!tpu.dma_semaphore, #tpu.memory_space<semaphore_mem>>)
    %add3A_293 = arith.constant 9728 : i32
    %add3A_294 = arith.addi %mul3A_2, %add3A_293 : i32
    %dma_start3A_295 = arith.constant 0 : i32
    %dma_start3A_296 = arith.constant 0 : i32
    %dma_start3A_297 = tpu.memref_slice %arg6[%dma_start3A_295, %dma_start3A_296] : memref<2x128xi32, #tpu.memory_space<vmem>> -> memref<1x128xi32, #tpu.memory_space<vmem>>
    %dma_start3A_298 = tpu.memref_squeeze %dma_start3A_297 : memref<1x128xi32, #tpu.memory_space<vmem>> -> memref<128xi32, #tpu.memory_space<vmem>>
    %dma_start3A_299 = tpu.memref_slice %arg3[%add3A_294] : memref<640000xi32, #tpu.memory_space<hbm>> -> memref<128xi32, #tpu.memory_space<hbm>>
    %dma_start3A_300 = arith.constant 0 : i32
    %dma_start3A_301 = tpu.memref_slice %arg6[%dma_start3A_295, %dma_start3A_300] : memref<2x128xi32, #tpu.memory_space<vmem>> -> memref<1x128xi32, #tpu.memory_space<vmem>>
    %dma_start3A_302 = tpu.memref_squeeze %dma_start3A_301 : memref<1x128xi32, #tpu.memory_space<vmem>> -> memref<128xi32, #tpu.memory_space<vmem>>
    %dma_start3A_303 = tpu.memref_slice %arg3[%add3A_294] : memref<640000xi32, #tpu.memory_space<hbm>> -> memref<128xi32, #tpu.memory_space<hbm>>
    tpu.enqueue_dma source(%dma_start3A_303 : memref<128xi32, #tpu.memory_space<hbm>>) target(%dma_start3A_302 : memref<128xi32, #tpu.memory_space<vmem>>) target_semaphore(%arg15 : memref<!tpu.dma_semaphore, #tpu.memory_space<semaphore_mem>>)
    %add3A_304 = arith.constant 320000 : i32
    %add3A_305 = arith.addi %add3A_304, %mul3A_2 : i32
    %add3A_306 = arith.constant 9728 : i32
    %add3A_307 = arith.addi %add3A_305, %add3A_306 : i32
    %dma_start3A_308 = arith.constant 1 : i32
    %dma_start3A_309 = arith.constant 0 : i32
    %dma_start3A_310 = tpu.memref_slice %arg6[%dma_start3A_308, %dma_start3A_309] : memref<2x128xi32, #tpu.memory_space<vmem>> -> memref<1x128xi32, #tpu.memory_space<vmem>>
    %dma_start3A_311 = tpu.memref_squeeze %dma_start3A_310 : memref<1x128xi32, #tpu.memory_space<vmem>> -> memref<128xi32, #tpu.memory_space<vmem>>
    %dma_start3A_312 = tpu.memref_slice %arg3[%add3A_307] : memref<640000xi32, #tpu.memory_space<hbm>> -> memref<128xi32, #tpu.memory_space<hbm>>
    %dma_start3A_313 = arith.constant 0 : i32
    %dma_start3A_314 = tpu.memref_slice %arg6[%dma_start3A_308, %dma_start3A_313] : memref<2x128xi32, #tpu.memory_space<vmem>> -> memref<1x128xi32, #tpu.memory_space<vmem>>
    %dma_start3A_315 = tpu.memref_squeeze %dma_start3A_314 : memref<1x128xi32, #tpu.memory_space<vmem>> -> memref<128xi32, #tpu.memory_space<vmem>>
    %dma_start3A_316 = tpu.memref_slice %arg3[%add3A_307] : memref<640000xi32, #tpu.memory_space<hbm>> -> memref<128xi32, #tpu.memory_space<hbm>>
    tpu.enqueue_dma source(%dma_start3A_316 : memref<128xi32, #tpu.memory_space<hbm>>) target(%dma_start3A_315 : memref<128xi32, #tpu.memory_space<vmem>>) target_semaphore(%arg15 : memref<!tpu.dma_semaphore, #tpu.memory_space<semaphore_mem>>)
    %dma_wait3A_317 = arith.constant 0 : i32
    %dma_wait3A_318 = arith.constant 0 : i32
    %dma_wait3A_319 = tpu.memref_slice %arg9[%dma_wait3A_317, %dma_wait3A_318] : memref<2x128xi32, #tpu.memory_space<vmem>> -> memref<1x128xi32, #tpu.memory_space<vmem>>
    %dma_wait3A_320 = tpu.memref_squeeze %dma_wait3A_319 : memref<1x128xi32, #tpu.memory_space<vmem>> -> memref<128xi32, #tpu.memory_space<vmem>>
    %dma_wait3A_321 = arith.constant 0 : i32
    %dma_wait3A_322 = arith.constant 0 : i32
    %dma_wait3A_323 = tpu.memref_slice %arg2[%dma_wait3A_321, %dma_wait3A_322] : memref<10000x128xf32, #tpu.memory_space<hbm>> -> memref<10000x128xf32, #tpu.memory_space<hbm>>
    tpu.wait_indirect_dma semaphore(%arg23 : memref<!tpu.dma_semaphore, #tpu.memory_space<semaphore_mem>>) src(%dma_wait3A_323 : memref<10000x128xf32, #tpu.memory_space<hbm>>) dst(%arg12 : memref<128x128xf32, #tpu.memory_space<vmem>>)
    %dma_start3A_324 = arith.constant 1 : i32
    %dma_start3A_325 = arith.constant 0 : i32
    %dma_start3A_326 = tpu.memref_slice %arg9[%dma_start3A_324, %dma_start3A_325] : memref<2x128xi32, #tpu.memory_space<vmem>> -> memref<1x128xi32, #tpu.memory_space<vmem>>
    %dma_start3A_327 = tpu.memref_squeeze %dma_start3A_326 : memref<1x128xi32, #tpu.memory_space<vmem>> -> memref<128xi32, #tpu.memory_space<vmem>>
    %dma_start3A_328 = arith.constant 0 : i32
    %dma_start3A_329 = arith.constant 0 : i32
    %dma_start3A_330 = tpu.memref_slice %arg14[%dma_start3A_328, %dma_start3A_329] : memref<10240x128xf32, #tpu.memory_space<vmem_shared>> -> memref<10240x128xf32, #tpu.memory_space<vmem_shared>>
    tpu.enqueue_indirect_dma source(%arg12 : memref<128x128xf32, #tpu.memory_space<vmem>>) target(%dma_start3A_330 : memref<10240x128xf32, #tpu.memory_space<vmem_shared>>) offsets(%dma_start3A_327 : memref<128xi32, #tpu.memory_space<vmem>>) semaphore(%arg25 : memref<!tpu.dma_semaphore, #tpu.memory_space<semaphore_mem>>) {add = true}
    %dma_wait3A_331 = arith.constant 1 : i32
    %dma_wait3A_332 = arith.constant 0 : i32
    %dma_wait3A_333 = tpu.memref_slice %arg8[%dma_wait3A_331, %dma_wait3A_332] : memref<2x128xi32, #tpu.memory_space<vmem>> -> memref<1x128xi32, #tpu.memory_space<vmem>>
    %dma_wait3A_334 = tpu.memref_squeeze %dma_wait3A_333 : memref<1x128xi32, #tpu.memory_space<vmem>> -> memref<128xi32, #tpu.memory_space<vmem>>
    %dma_wait3A_335 = arith.constant 0 : i32
    %dma_wait3A_336 = arith.constant 0 : i32
    %dma_wait3A_337 = tpu.memref_slice %arg14[%dma_wait3A_335, %dma_wait3A_336] : memref<10240x128xf32, #tpu.memory_space<vmem_shared>> -> memref<10240x128xf32, #tpu.memory_space<vmem_shared>>
    tpu.wait_indirect_dma semaphore(%arg24 : memref<!tpu.dma_semaphore, #tpu.memory_space<semaphore_mem>>) src(%arg11 : memref<128x128xf32, #tpu.memory_space<vmem>>) dst(%dma_wait3A_337 : memref<10240x128xf32, #tpu.memory_space<vmem_shared>>)
    %add3A_338 = arith.constant 9728 : i32
    %add3A_339 = arith.addi %mul3A_2, %add3A_338 : i32
    %dma_wait3A_340 = arith.constant 0 : i32
    %dma_wait3A_341 = arith.constant 0 : i32
    %dma_wait3A_342 = tpu.memref_slice %arg6[%dma_wait3A_340, %dma_wait3A_341] : memref<2x128xi32, #tpu.memory_space<vmem>> -> memref<1x128xi32, #tpu.memory_space<vmem>>
    %dma_wait3A_343 = tpu.memref_squeeze %dma_wait3A_342 : memref<1x128xi32, #tpu.memory_space<vmem>> -> memref<128xi32, #tpu.memory_space<vmem>>
    %dma_wait3A_344 = tpu.memref_slice %arg3[%add3A_339] : memref<640000xi32, #tpu.memory_space<hbm>> -> memref<128xi32, #tpu.memory_space<hbm>>
    %dma_wait3A_345 = arith.constant 0 : i32
    %dma_wait3A_346 = tpu.memref_slice %arg6[%dma_wait3A_340, %dma_wait3A_345] : memref<2x128xi32, #tpu.memory_space<vmem>> -> memref<1x128xi32, #tpu.memory_space<vmem>>
    %dma_wait3A_347 = tpu.memref_squeeze %dma_wait3A_346 : memref<1x128xi32, #tpu.memory_space<vmem>> -> memref<128xi32, #tpu.memory_space<vmem>>
    %dma_wait3A_348 = tpu.memref_slice %arg3[%add3A_339] : memref<640000xi32, #tpu.memory_space<hbm>> -> memref<128xi32, #tpu.memory_space<hbm>>
    tpu.wait_dma2 semaphore(%arg15 : memref<!tpu.dma_semaphore, #tpu.memory_space<semaphore_mem>>) src(%dma_wait3A_348 : memref<128xi32, #tpu.memory_space<hbm>>) dst(%dma_wait3A_347 : memref<128xi32, #tpu.memory_space<vmem>>)
    %add3A_349 = arith.constant 320000 : i32
    %add3A_350 = arith.addi %add3A_349, %mul3A_2 : i32
    %add3A_351 = arith.constant 9728 : i32
    %add3A_352 = arith.addi %add3A_350, %add3A_351 : i32
    %dma_wait3A_353 = arith.constant 1 : i32
    %dma_wait3A_354 = arith.constant 0 : i32
    %dma_wait3A_355 = tpu.memref_slice %arg6[%dma_wait3A_353, %dma_wait3A_354] : memref<2x128xi32, #tpu.memory_space<vmem>> -> memref<1x128xi32, #tpu.memory_space<vmem>>
    %dma_wait3A_356 = tpu.memref_squeeze %dma_wait3A_355 : memref<1x128xi32, #tpu.memory_space<vmem>> -> memref<128xi32, #tpu.memory_space<vmem>>
    %dma_wait3A_357 = tpu.memref_slice %arg3[%add3A_352] : memref<640000xi32, #tpu.memory_space<hbm>> -> memref<128xi32, #tpu.memory_space<hbm>>
    %dma_wait3A_358 = arith.constant 0 : i32
    %dma_wait3A_359 = tpu.memref_slice %arg6[%dma_wait3A_353, %dma_wait3A_358] : memref<2x128xi32, #tpu.memory_space<vmem>> -> memref<1x128xi32, #tpu.memory_space<vmem>>
    %dma_wait3A_360 = tpu.memref_squeeze %dma_wait3A_359 : memref<1x128xi32, #tpu.memory_space<vmem>> -> memref<128xi32, #tpu.memory_space<vmem>>
    %dma_wait3A_361 = tpu.memref_slice %arg3[%add3A_352] : memref<640000xi32, #tpu.memory_space<hbm>> -> memref<128xi32, #tpu.memory_space<hbm>>
    tpu.wait_dma2 semaphore(%arg15 : memref<!tpu.dma_semaphore, #tpu.memory_space<semaphore_mem>>) src(%dma_wait3A_361 : memref<128xi32, #tpu.memory_space<hbm>>) dst(%dma_wait3A_360 : memref<128xi32, #tpu.memory_space<vmem>>)
    %dma_start3A_362 = arith.constant 0 : i32
    %dma_start3A_363 = arith.constant 0 : i32
    %dma_start3A_364 = tpu.memref_slice %arg6[%dma_start3A_362, %dma_start3A_363] : memref<2x128xi32, #tpu.memory_space<vmem>> -> memref<1x128xi32, #tpu.memory_space<vmem>>
    %dma_start3A_365 = tpu.memref_squeeze %dma_start3A_364 : memref<1x128xi32, #tpu.memory_space<vmem>> -> memref<128xi32, #tpu.memory_space<vmem>>
    %dma_start3A_366 = arith.constant 0 : i32
    %dma_start3A_367 = arith.constant 0 : i32
    %dma_start3A_368 = tpu.memref_slice %arg2[%dma_start3A_366, %dma_start3A_367] : memref<10000x128xf32, #tpu.memory_space<hbm>> -> memref<10000x128xf32, #tpu.memory_space<hbm>>
    tpu.enqueue_indirect_dma source(%dma_start3A_368 : memref<10000x128xf32, #tpu.memory_space<hbm>>) target(%arg11 : memref<128x128xf32, #tpu.memory_space<vmem>>) offsets(%dma_start3A_365 : memref<128xi32, #tpu.memory_space<vmem>>) semaphore(%arg22 : memref<!tpu.dma_semaphore, #tpu.memory_space<semaphore_mem>>)
    %add3A_369 = arith.constant 9856 : i32
    %add3A_370 = arith.addi %mul3A_2, %add3A_369 : i32
    %dma_start3A_371 = arith.constant 0 : i32
    %dma_start3A_372 = arith.constant 0 : i32
    %dma_start3A_373 = tpu.memref_slice %arg7[%dma_start3A_371, %dma_start3A_372] : memref<2x128xi32, #tpu.memory_space<vmem>> -> memref<1x128xi32, #tpu.memory_space<vmem>>
    %dma_start3A_374 = tpu.memref_squeeze %dma_start3A_373 : memref<1x128xi32, #tpu.memory_space<vmem>> -> memref<128xi32, #tpu.memory_space<vmem>>
    %dma_start3A_375 = tpu.memref_slice %arg3[%add3A_370] : memref<640000xi32, #tpu.memory_space<hbm>> -> memref<128xi32, #tpu.memory_space<hbm>>
    %dma_start3A_376 = arith.constant 0 : i32
    %dma_start3A_377 = tpu.memref_slice %arg7[%dma_start3A_371, %dma_start3A_376] : memref<2x128xi32, #tpu.memory_space<vmem>> -> memref<1x128xi32, #tpu.memory_space<vmem>>
    %dma_start3A_378 = tpu.memref_squeeze %dma_start3A_377 : memref<1x128xi32, #tpu.memory_space<vmem>> -> memref<128xi32, #tpu.memory_space<vmem>>
    %dma_start3A_379 = tpu.memref_slice %arg3[%add3A_370] : memref<640000xi32, #tpu.memory_space<hbm>> -> memref<128xi32, #tpu.memory_space<hbm>>
    tpu.enqueue_dma source(%dma_start3A_379 : memref<128xi32, #tpu.memory_space<hbm>>) target(%dma_start3A_378 : memref<128xi32, #tpu.memory_space<vmem>>) target_semaphore(%arg16 : memref<!tpu.dma_semaphore, #tpu.memory_space<semaphore_mem>>)
    %add3A_380 = arith.constant 320000 : i32
    %add3A_381 = arith.addi %add3A_380, %mul3A_2 : i32
    %add3A_382 = arith.constant 9856 : i32
    %add3A_383 = arith.addi %add3A_381, %add3A_382 : i32
    %dma_start3A_384 = arith.constant 1 : i32
    %dma_start3A_385 = arith.constant 0 : i32
    %dma_start3A_386 = tpu.memref_slice %arg7[%dma_start3A_384, %dma_start3A_385] : memref<2x128xi32, #tpu.memory_space<vmem>> -> memref<1x128xi32, #tpu.memory_space<vmem>>
    %dma_start3A_387 = tpu.memref_squeeze %dma_start3A_386 : memref<1x128xi32, #tpu.memory_space<vmem>> -> memref<128xi32, #tpu.memory_space<vmem>>
    %dma_start3A_388 = tpu.memref_slice %arg3[%add3A_383] : memref<640000xi32, #tpu.memory_space<hbm>> -> memref<128xi32, #tpu.memory_space<hbm>>
    %dma_start3A_389 = arith.constant 0 : i32
    %dma_start3A_390 = tpu.memref_slice %arg7[%dma_start3A_384, %dma_start3A_389] : memref<2x128xi32, #tpu.memory_space<vmem>> -> memref<1x128xi32, #tpu.memory_space<vmem>>
    %dma_start3A_391 = tpu.memref_squeeze %dma_start3A_390 : memref<1x128xi32, #tpu.memory_space<vmem>> -> memref<128xi32, #tpu.memory_space<vmem>>
    %dma_start3A_392 = tpu.memref_slice %arg3[%add3A_383] : memref<640000xi32, #tpu.memory_space<hbm>> -> memref<128xi32, #tpu.memory_space<hbm>>
    tpu.enqueue_dma source(%dma_start3A_392 : memref<128xi32, #tpu.memory_space<hbm>>) target(%dma_start3A_391 : memref<128xi32, #tpu.memory_space<vmem>>) target_semaphore(%arg16 : memref<!tpu.dma_semaphore, #tpu.memory_space<semaphore_mem>>)
    %dma_wait3A_393 = arith.constant 0 : i32
    %dma_wait3A_394 = arith.constant 0 : i32
    %dma_wait3A_395 = tpu.memref_slice %arg6[%dma_wait3A_393, %dma_wait3A_394] : memref<2x128xi32, #tpu.memory_space<vmem>> -> memref<1x128xi32, #tpu.memory_space<vmem>>
    %dma_wait3A_396 = tpu.memref_squeeze %dma_wait3A_395 : memref<1x128xi32, #tpu.memory_space<vmem>> -> memref<128xi32, #tpu.memory_space<vmem>>
    %dma_wait3A_397 = arith.constant 0 : i32
    %dma_wait3A_398 = arith.constant 0 : i32
    %dma_wait3A_399 = tpu.memref_slice %arg2[%dma_wait3A_397, %dma_wait3A_398] : memref<10000x128xf32, #tpu.memory_space<hbm>> -> memref<10000x128xf32, #tpu.memory_space<hbm>>
    tpu.wait_indirect_dma semaphore(%arg22 : memref<!tpu.dma_semaphore, #tpu.memory_space<semaphore_mem>>) src(%dma_wait3A_399 : memref<10000x128xf32, #tpu.memory_space<hbm>>) dst(%arg11 : memref<128x128xf32, #tpu.memory_space<vmem>>)
    %dma_start3A_400 = arith.constant 1 : i32
    %dma_start3A_401 = arith.constant 0 : i32
    %dma_start3A_402 = tpu.memref_slice %arg6[%dma_start3A_400, %dma_start3A_401] : memref<2x128xi32, #tpu.memory_space<vmem>> -> memref<1x128xi32, #tpu.memory_space<vmem>>
    %dma_start3A_403 = tpu.memref_squeeze %dma_start3A_402 : memref<1x128xi32, #tpu.memory_space<vmem>> -> memref<128xi32, #tpu.memory_space<vmem>>
    %dma_start3A_404 = arith.constant 0 : i32
    %dma_start3A_405 = arith.constant 0 : i32
    %dma_start3A_406 = tpu.memref_slice %arg14[%dma_start3A_404, %dma_start3A_405] : memref<10240x128xf32, #tpu.memory_space<vmem_shared>> -> memref<10240x128xf32, #tpu.memory_space<vmem_shared>>
    tpu.enqueue_indirect_dma source(%arg11 : memref<128x128xf32, #tpu.memory_space<vmem>>) target(%dma_start3A_406 : memref<10240x128xf32, #tpu.memory_space<vmem_shared>>) offsets(%dma_start3A_403 : memref<128xi32, #tpu.memory_space<vmem>>) semaphore(%arg24 : memref<!tpu.dma_semaphore, #tpu.memory_space<semaphore_mem>>) {add = true}
    %dma_wait3A_407 = arith.constant 1 : i32
    %dma_wait3A_408 = arith.constant 0 : i32
    %dma_wait3A_409 = tpu.memref_slice %arg9[%dma_wait3A_407, %dma_wait3A_408] : memref<2x128xi32, #tpu.memory_space<vmem>> -> memref<1x128xi32, #tpu.memory_space<vmem>>
    %dma_wait3A_410 = tpu.memref_squeeze %dma_wait3A_409 : memref<1x128xi32, #tpu.memory_space<vmem>> -> memref<128xi32, #tpu.memory_space<vmem>>
    %dma_wait3A_411 = arith.constant 0 : i32
    %dma_wait3A_412 = arith.constant 0 : i32
    %dma_wait3A_413 = tpu.memref_slice %arg14[%dma_wait3A_411, %dma_wait3A_412] : memref<10240x128xf32, #tpu.memory_space<vmem_shared>> -> memref<10240x128xf32, #tpu.memory_space<vmem_shared>>
    tpu.wait_indirect_dma semaphore(%arg25 : memref<!tpu.dma_semaphore, #tpu.memory_space<semaphore_mem>>) src(%arg12 : memref<128x128xf32, #tpu.memory_space<vmem>>) dst(%dma_wait3A_413 : memref<10240x128xf32, #tpu.memory_space<vmem_shared>>)
    %add3A_414 = arith.constant 9856 : i32
    %add3A_415 = arith.addi %mul3A_2, %add3A_414 : i32
    %dma_wait3A_416 = arith.constant 0 : i32
    %dma_wait3A_417 = arith.constant 0 : i32
    %dma_wait3A_418 = tpu.memref_slice %arg7[%dma_wait3A_416, %dma_wait3A_417] : memref<2x128xi32, #tpu.memory_space<vmem>> -> memref<1x128xi32, #tpu.memory_space<vmem>>
    %dma_wait3A_419 = tpu.memref_squeeze %dma_wait3A_418 : memref<1x128xi32, #tpu.memory_space<vmem>> -> memref<128xi32, #tpu.memory_space<vmem>>
    %dma_wait3A_420 = tpu.memref_slice %arg3[%add3A_415] : memref<640000xi32, #tpu.memory_space<hbm>> -> memref<128xi32, #tpu.memory_space<hbm>>
    %dma_wait3A_421 = arith.constant 0 : i32
    %dma_wait3A_422 = tpu.memref_slice %arg7[%dma_wait3A_416, %dma_wait3A_421] : memref<2x128xi32, #tpu.memory_space<vmem>> -> memref<1x128xi32, #tpu.memory_space<vmem>>
    %dma_wait3A_423 = tpu.memref_squeeze %dma_wait3A_422 : memref<1x128xi32, #tpu.memory_space<vmem>> -> memref<128xi32, #tpu.memory_space<vmem>>
    %dma_wait3A_424 = tpu.memref_slice %arg3[%add3A_415] : memref<640000xi32, #tpu.memory_space<hbm>> -> memref<128xi32, #tpu.memory_space<hbm>>
    tpu.wait_dma2 semaphore(%arg16 : memref<!tpu.dma_semaphore, #tpu.memory_space<semaphore_mem>>) src(%dma_wait3A_424 : memref<128xi32, #tpu.memory_space<hbm>>) dst(%dma_wait3A_423 : memref<128xi32, #tpu.memory_space<vmem>>)
    %add3A_425 = arith.constant 320000 : i32
    %add3A_426 = arith.addi %add3A_425, %mul3A_2 : i32
    %add3A_427 = arith.constant 9856 : i32
    %add3A_428 = arith.addi %add3A_426, %add3A_427 : i32
    %dma_wait3A_429 = arith.constant 1 : i32
    %dma_wait3A_430 = arith.constant 0 : i32
    %dma_wait3A_431 = tpu.memref_slice %arg7[%dma_wait3A_429, %dma_wait3A_430] : memref<2x128xi32, #tpu.memory_space<vmem>> -> memref<1x128xi32, #tpu.memory_space<vmem>>
    %dma_wait3A_432 = tpu.memref_squeeze %dma_wait3A_431 : memref<1x128xi32, #tpu.memory_space<vmem>> -> memref<128xi32, #tpu.memory_space<vmem>>
    %dma_wait3A_433 = tpu.memref_slice %arg3[%add3A_428] : memref<640000xi32, #tpu.memory_space<hbm>> -> memref<128xi32, #tpu.memory_space<hbm>>
    %dma_wait3A_434 = arith.constant 0 : i32
    %dma_wait3A_435 = tpu.memref_slice %arg7[%dma_wait3A_429, %dma_wait3A_434] : memref<2x128xi32, #tpu.memory_space<vmem>> -> memref<1x128xi32, #tpu.memory_space<vmem>>
    %dma_wait3A_436 = tpu.memref_squeeze %dma_wait3A_435 : memref<1x128xi32, #tpu.memory_space<vmem>> -> memref<128xi32, #tpu.memory_space<vmem>>
    %dma_wait3A_437 = tpu.memref_slice %arg3[%add3A_428] : memref<640000xi32, #tpu.memory_space<hbm>> -> memref<128xi32, #tpu.memory_space<hbm>>
    tpu.wait_dma2 semaphore(%arg16 : memref<!tpu.dma_semaphore, #tpu.memory_space<semaphore_mem>>) src(%dma_wait3A_437 : memref<128xi32, #tpu.memory_space<hbm>>) dst(%dma_wait3A_436 : memref<128xi32, #tpu.memory_space<vmem>>)
    %dma_start3A_438 = arith.constant 0 : i32
    %dma_start3A_439 = arith.constant 0 : i32
    %dma_start3A_440 = tpu.memref_slice %arg7[%dma_start3A_438, %dma_start3A_439] : memref<2x128xi32, #tpu.memory_space<vmem>> -> memref<1x128xi32, #tpu.memory_space<vmem>>
    %dma_start3A_441 = tpu.memref_squeeze %dma_start3A_440 : memref<1x128xi32, #tpu.memory_space<vmem>> -> memref<128xi32, #tpu.memory_space<vmem>>
    %dma_start3A_442 = arith.constant 0 : i32
    %dma_start3A_443 = arith.constant 0 : i32
    %dma_start3A_444 = tpu.memref_slice %arg2[%dma_start3A_442, %dma_start3A_443] : memref<10000x128xf32, #tpu.memory_space<hbm>> -> memref<10000x128xf32, #tpu.memory_space<hbm>>
    tpu.enqueue_indirect_dma source(%dma_start3A_444 : memref<10000x128xf32, #tpu.memory_space<hbm>>) target(%arg12 : memref<128x128xf32, #tpu.memory_space<vmem>>) offsets(%dma_start3A_441 : memref<128xi32, #tpu.memory_space<vmem>>) semaphore(%arg23 : memref<!tpu.dma_semaphore, #tpu.memory_space<semaphore_mem>>)
    %dma_wait3A_445 = arith.constant 0 : i32
    %dma_wait3A_446 = arith.constant 0 : i32
    %dma_wait3A_447 = tpu.memref_slice %arg7[%dma_wait3A_445, %dma_wait3A_446] : memref<2x128xi32, #tpu.memory_space<vmem>> -> memref<1x128xi32, #tpu.memory_space<vmem>>
    %dma_wait3A_448 = tpu.memref_squeeze %dma_wait3A_447 : memref<1x128xi32, #tpu.memory_space<vmem>> -> memref<128xi32, #tpu.memory_space<vmem>>
    %dma_wait3A_449 = arith.constant 0 : i32
    %dma_wait3A_450 = arith.constant 0 : i32
    %dma_wait3A_451 = tpu.memref_slice %arg2[%dma_wait3A_449, %dma_wait3A_450] : memref<10000x128xf32, #tpu.memory_space<hbm>> -> memref<10000x128xf32, #tpu.memory_space<hbm>>
    tpu.wait_indirect_dma semaphore(%arg23 : memref<!tpu.dma_semaphore, #tpu.memory_space<semaphore_mem>>) src(%dma_wait3A_451 : memref<10000x128xf32, #tpu.memory_space<hbm>>) dst(%arg12 : memref<128x128xf32, #tpu.memory_space<vmem>>)
    %dma_start3A_452 = arith.constant 1 : i32
    %dma_start3A_453 = arith.constant 0 : i32
    %dma_start3A_454 = tpu.memref_slice %arg7[%dma_start3A_452, %dma_start3A_453] : memref<2x128xi32, #tpu.memory_space<vmem>> -> memref<1x128xi32, #tpu.memory_space<vmem>>
    %dma_start3A_455 = tpu.memref_squeeze %dma_start3A_454 : memref<1x128xi32, #tpu.memory_space<vmem>> -> memref<128xi32, #tpu.memory_space<vmem>>
    %dma_start3A_456 = arith.constant 0 : i32
    %dma_start3A_457 = arith.constant 0 : i32
    %dma_start3A_458 = tpu.memref_slice %arg14[%dma_start3A_456, %dma_start3A_457] : memref<10240x128xf32, #tpu.memory_space<vmem_shared>> -> memref<10240x128xf32, #tpu.memory_space<vmem_shared>>
    tpu.enqueue_indirect_dma source(%arg12 : memref<128x128xf32, #tpu.memory_space<vmem>>) target(%dma_start3A_458 : memref<10240x128xf32, #tpu.memory_space<vmem_shared>>) offsets(%dma_start3A_455 : memref<128xi32, #tpu.memory_space<vmem>>) semaphore(%arg25 : memref<!tpu.dma_semaphore, #tpu.memory_space<semaphore_mem>>) {add = true}
    %dma_wait3A_459 = arith.constant 1 : i32
    %dma_wait3A_460 = arith.constant 0 : i32
    %dma_wait3A_461 = tpu.memref_slice %arg6[%dma_wait3A_459, %dma_wait3A_460] : memref<2x128xi32, #tpu.memory_space<vmem>> -> memref<1x128xi32, #tpu.memory_space<vmem>>
    %dma_wait3A_462 = tpu.memref_squeeze %dma_wait3A_461 : memref<1x128xi32, #tpu.memory_space<vmem>> -> memref<128xi32, #tpu.memory_space<vmem>>
    %dma_wait3A_463 = arith.constant 0 : i32
    %dma_wait3A_464 = arith.constant 0 : i32
    %dma_wait3A_465 = tpu.memref_slice %arg14[%dma_wait3A_463, %dma_wait3A_464] : memref<10240x128xf32, #tpu.memory_space<vmem_shared>> -> memref<10240x128xf32, #tpu.memory_space<vmem_shared>>
    tpu.wait_indirect_dma semaphore(%arg24 : memref<!tpu.dma_semaphore, #tpu.memory_space<semaphore_mem>>) src(%arg11 : memref<128x128xf32, #tpu.memory_space<vmem>>) dst(%dma_wait3A_465 : memref<10240x128xf32, #tpu.memory_space<vmem_shared>>)
    %add3A_466 = arith.constant 9984 : i32
    %add3A_467 = arith.addi %mul3A_2, %add3A_466 : i32
    %dma_start3A_468 = arith.constant 0 : i32
    %dma_start3A_469 = arith.constant 0 : i32
    %dma_start3A_470 = tpu.memref_slice %arg10[%dma_start3A_468, %dma_start3A_469] : memref<2x16xi32, #tpu.memory_space<vmem>> -> memref<1x16xi32, #tpu.memory_space<vmem>>
    %dma_start3A_471 = tpu.memref_squeeze %dma_start3A_470 : memref<1x16xi32, #tpu.memory_space<vmem>> -> memref<16xi32, #tpu.memory_space<vmem>>
    %dma_start3A_472 = tpu.memref_slice %arg3[%add3A_467] : memref<640000xi32, #tpu.memory_space<hbm>> -> memref<16xi32, #tpu.memory_space<hbm>>
    %dma_start3A_473 = arith.constant 0 : i32
    %dma_start3A_474 = tpu.memref_slice %arg10[%dma_start3A_468, %dma_start3A_473] : memref<2x16xi32, #tpu.memory_space<vmem>> -> memref<1x16xi32, #tpu.memory_space<vmem>>
    %dma_start3A_475 = tpu.memref_squeeze %dma_start3A_474 : memref<1x16xi32, #tpu.memory_space<vmem>> -> memref<16xi32, #tpu.memory_space<vmem>>
    %dma_start3A_476 = tpu.memref_slice %arg3[%add3A_467] : memref<640000xi32, #tpu.memory_space<hbm>> -> memref<16xi32, #tpu.memory_space<hbm>>
    tpu.enqueue_dma source(%dma_start3A_476 : memref<16xi32, #tpu.memory_space<hbm>>) target(%dma_start3A_475 : memref<16xi32, #tpu.memory_space<vmem>>) target_semaphore(%arg19 : memref<!tpu.dma_semaphore, #tpu.memory_space<semaphore_mem>>)
    %add3A_477 = arith.constant 320000 : i32
    %add3A_478 = arith.addi %add3A_477, %add3A_467 : i32
    %dma_start3A_479 = arith.constant 1 : i32
    %dma_start3A_480 = arith.constant 0 : i32
    %dma_start3A_481 = tpu.memref_slice %arg10[%dma_start3A_479, %dma_start3A_480] : memref<2x16xi32, #tpu.memory_space<vmem>> -> memref<1x16xi32, #tpu.memory_space<vmem>>
    %dma_start3A_482 = tpu.memref_squeeze %dma_start3A_481 : memref<1x16xi32, #tpu.memory_space<vmem>> -> memref<16xi32, #tpu.memory_space<vmem>>
    %dma_start3A_483 = tpu.memref_slice %arg3[%add3A_478] : memref<640000xi32, #tpu.memory_space<hbm>> -> memref<16xi32, #tpu.memory_space<hbm>>
    %dma_start3A_484 = arith.constant 0 : i32
    %dma_start3A_485 = tpu.memref_slice %arg10[%dma_start3A_479, %dma_start3A_484] : memref<2x16xi32, #tpu.memory_space<vmem>> -> memref<1x16xi32, #tpu.memory_space<vmem>>
    %dma_start3A_486 = tpu.memref_squeeze %dma_start3A_485 : memref<1x16xi32, #tpu.memory_space<vmem>> -> memref<16xi32, #tpu.memory_space<vmem>>
    %dma_start3A_487 = tpu.memref_slice %arg3[%add3A_478] : memref<640000xi32, #tpu.memory_space<hbm>> -> memref<16xi32, #tpu.memory_space<hbm>>
    tpu.enqueue_dma source(%dma_start3A_487 : memref<16xi32, #tpu.memory_space<hbm>>) target(%dma_start3A_486 : memref<16xi32, #tpu.memory_space<vmem>>) target_semaphore(%arg19 : memref<!tpu.dma_semaphore, #tpu.memory_space<semaphore_mem>>)
    %dma_wait3A_488 = arith.constant 0 : i32
    %dma_wait3A_489 = arith.constant 0 : i32
    %dma_wait3A_490 = tpu.memref_slice %arg10[%dma_wait3A_488, %dma_wait3A_489] : memref<2x16xi32, #tpu.memory_space<vmem>> -> memref<1x16xi32, #tpu.memory_space<vmem>>
    %dma_wait3A_491 = tpu.memref_squeeze %dma_wait3A_490 : memref<1x16xi32, #tpu.memory_space<vmem>> -> memref<16xi32, #tpu.memory_space<vmem>>
    %dma_wait3A_492 = tpu.memref_slice %arg3[%add3A_467] : memref<640000xi32, #tpu.memory_space<hbm>> -> memref<16xi32, #tpu.memory_space<hbm>>
    %dma_wait3A_493 = arith.constant 0 : i32
    %dma_wait3A_494 = tpu.memref_slice %arg10[%dma_wait3A_488, %dma_wait3A_493] : memref<2x16xi32, #tpu.memory_space<vmem>> -> memref<1x16xi32, #tpu.memory_space<vmem>>
    %dma_wait3A_495 = tpu.memref_squeeze %dma_wait3A_494 : memref<1x16xi32, #tpu.memory_space<vmem>> -> memref<16xi32, #tpu.memory_space<vmem>>
    %dma_wait3A_496 = tpu.memref_slice %arg3[%add3A_467] : memref<640000xi32, #tpu.memory_space<hbm>> -> memref<16xi32, #tpu.memory_space<hbm>>
    tpu.wait_dma2 semaphore(%arg19 : memref<!tpu.dma_semaphore, #tpu.memory_space<semaphore_mem>>) src(%dma_wait3A_496 : memref<16xi32, #tpu.memory_space<hbm>>) dst(%dma_wait3A_495 : memref<16xi32, #tpu.memory_space<vmem>>)
    %add3A_497 = arith.constant 320000 : i32
    %add3A_498 = arith.addi %add3A_497, %add3A_467 : i32
    %dma_wait3A_499 = arith.constant 1 : i32
    %dma_wait3A_500 = arith.constant 0 : i32
    %dma_wait3A_501 = tpu.memref_slice %arg10[%dma_wait3A_499, %dma_wait3A_500] : memref<2x16xi32, #tpu.memory_space<vmem>> -> memref<1x16xi32, #tpu.memory_space<vmem>>
    %dma_wait3A_502 = tpu.memref_squeeze %dma_wait3A_501 : memref<1x16xi32, #tpu.memory_space<vmem>> -> memref<16xi32, #tpu.memory_space<vmem>>
    %dma_wait3A_503 = tpu.memref_slice %arg3[%add3A_498] : memref<640000xi32, #tpu.memory_space<hbm>> -> memref<16xi32, #tpu.memory_space<hbm>>
    %dma_wait3A_504 = arith.constant 0 : i32
    %dma_wait3A_505 = tpu.memref_slice %arg10[%dma_wait3A_499, %dma_wait3A_504] : memref<2x16xi32, #tpu.memory_space<vmem>> -> memref<1x16xi32, #tpu.memory_space<vmem>>
    %dma_wait3A_506 = tpu.memref_squeeze %dma_wait3A_505 : memref<1x16xi32, #tpu.memory_space<vmem>> -> memref<16xi32, #tpu.memory_space<vmem>>
    %dma_wait3A_507 = tpu.memref_slice %arg3[%add3A_498] : memref<640000xi32, #tpu.memory_space<hbm>> -> memref<16xi32, #tpu.memory_space<hbm>>
    tpu.wait_dma2 semaphore(%arg19 : memref<!tpu.dma_semaphore, #tpu.memory_space<semaphore_mem>>) src(%dma_wait3A_507 : memref<16xi32, #tpu.memory_space<hbm>>) dst(%dma_wait3A_506 : memref<16xi32, #tpu.memory_space<vmem>>)
    %dma_start3A_508 = arith.constant 0 : i32
    %dma_start3A_509 = arith.constant 0 : i32
    %dma_start3A_510 = tpu.memref_slice %arg10[%dma_start3A_508, %dma_start3A_509] : memref<2x16xi32, #tpu.memory_space<vmem>> -> memref<1x16xi32, #tpu.memory_space<vmem>>
    %dma_start3A_511 = tpu.memref_squeeze %dma_start3A_510 : memref<1x16xi32, #tpu.memory_space<vmem>> -> memref<16xi32, #tpu.memory_space<vmem>>
    %dma_start3A_512 = arith.constant 0 : i32
    %dma_start3A_513 = arith.constant 0 : i32
    %dma_start3A_514 = tpu.memref_slice %arg2[%dma_start3A_512, %dma_start3A_513] : memref<10000x128xf32, #tpu.memory_space<hbm>> -> memref<10000x128xf32, #tpu.memory_space<hbm>>
    tpu.enqueue_indirect_dma source(%dma_start3A_514 : memref<10000x128xf32, #tpu.memory_space<hbm>>) target(%arg13 : memref<16x128xf32, #tpu.memory_space<vmem>>) offsets(%dma_start3A_511 : memref<16xi32, #tpu.memory_space<vmem>>) semaphore(%arg20 : memref<!tpu.dma_semaphore, #tpu.memory_space<semaphore_mem>>)
    %dma_wait3A_515 = arith.constant 0 : i32
    %dma_wait3A_516 = arith.constant 0 : i32
    %dma_wait3A_517 = tpu.memref_slice %arg10[%dma_wait3A_515, %dma_wait3A_516] : memref<2x16xi32, #tpu.memory_space<vmem>> -> memref<1x16xi32, #tpu.memory_space<vmem>>
    %dma_wait3A_518 = tpu.memref_squeeze %dma_wait3A_517 : memref<1x16xi32, #tpu.memory_space<vmem>> -> memref<16xi32, #tpu.memory_space<vmem>>
    %dma_wait3A_519 = arith.constant 0 : i32
    %dma_wait3A_520 = arith.constant 0 : i32
    %dma_wait3A_521 = tpu.memref_slice %arg2[%dma_wait3A_519, %dma_wait3A_520] : memref<10000x128xf32, #tpu.memory_space<hbm>> -> memref<10000x128xf32, #tpu.memory_space<hbm>>
    tpu.wait_indirect_dma semaphore(%arg20 : memref<!tpu.dma_semaphore, #tpu.memory_space<semaphore_mem>>) src(%dma_wait3A_521 : memref<10000x128xf32, #tpu.memory_space<hbm>>) dst(%arg13 : memref<16x128xf32, #tpu.memory_space<vmem>>)
    %dma_start3A_522 = arith.constant 1 : i32
    %dma_start3A_523 = arith.constant 0 : i32
    %dma_start3A_524 = tpu.memref_slice %arg10[%dma_start3A_522, %dma_start3A_523] : memref<2x16xi32, #tpu.memory_space<vmem>> -> memref<1x16xi32, #tpu.memory_space<vmem>>
    %dma_start3A_525 = tpu.memref_squeeze %dma_start3A_524 : memref<1x16xi32, #tpu.memory_space<vmem>> -> memref<16xi32, #tpu.memory_space<vmem>>
    %dma_start3A_526 = arith.constant 0 : i32
    %dma_start3A_527 = arith.constant 0 : i32
    %dma_start3A_528 = tpu.memref_slice %arg14[%dma_start3A_526, %dma_start3A_527] : memref<10240x128xf32, #tpu.memory_space<vmem_shared>> -> memref<10240x128xf32, #tpu.memory_space<vmem_shared>>
    tpu.enqueue_indirect_dma source(%arg13 : memref<16x128xf32, #tpu.memory_space<vmem>>) target(%dma_start3A_528 : memref<10240x128xf32, #tpu.memory_space<vmem_shared>>) offsets(%dma_start3A_525 : memref<16xi32, #tpu.memory_space<vmem>>) semaphore(%arg21 : memref<!tpu.dma_semaphore, #tpu.memory_space<semaphore_mem>>) {add = true}
    %dma_wait3A_529 = arith.constant 1 : i32
    %dma_wait3A_530 = arith.constant 0 : i32
    %dma_wait3A_531 = tpu.memref_slice %arg7[%dma_wait3A_529, %dma_wait3A_530] : memref<2x128xi32, #tpu.memory_space<vmem>> -> memref<1x128xi32, #tpu.memory_space<vmem>>
    %dma_wait3A_532 = tpu.memref_squeeze %dma_wait3A_531 : memref<1x128xi32, #tpu.memory_space<vmem>> -> memref<128xi32, #tpu.memory_space<vmem>>
    %dma_wait3A_533 = arith.constant 0 : i32
    %dma_wait3A_534 = arith.constant 0 : i32
    %dma_wait3A_535 = tpu.memref_slice %arg14[%dma_wait3A_533, %dma_wait3A_534] : memref<10240x128xf32, #tpu.memory_space<vmem_shared>> -> memref<10240x128xf32, #tpu.memory_space<vmem_shared>>
    tpu.wait_indirect_dma semaphore(%arg25 : memref<!tpu.dma_semaphore, #tpu.memory_space<semaphore_mem>>) src(%arg12 : memref<128x128xf32, #tpu.memory_space<vmem>>) dst(%dma_wait3A_535 : memref<10240x128xf32, #tpu.memory_space<vmem_shared>>)
    %dma_wait3A_536 = arith.constant 1 : i32
    %dma_wait3A_537 = arith.constant 0 : i32
    %dma_wait3A_538 = tpu.memref_slice %arg10[%dma_wait3A_536, %dma_wait3A_537] : memref<2x16xi32, #tpu.memory_space<vmem>> -> memref<1x16xi32, #tpu.memory_space<vmem>>
    %dma_wait3A_539 = tpu.memref_squeeze %dma_wait3A_538 : memref<1x16xi32, #tpu.memory_space<vmem>> -> memref<16xi32, #tpu.memory_space<vmem>>
    %dma_wait3A_540 = arith.constant 0 : i32
    %dma_wait3A_541 = arith.constant 0 : i32
    %dma_wait3A_542 = tpu.memref_slice %arg14[%dma_wait3A_540, %dma_wait3A_541] : memref<10240x128xf32, #tpu.memory_space<vmem_shared>> -> memref<10240x128xf32, #tpu.memory_space<vmem_shared>>
    tpu.wait_indirect_dma semaphore(%arg21 : memref<!tpu.dma_semaphore, #tpu.memory_space<semaphore_mem>>) src(%arg13 : memref<16x128xf32, #tpu.memory_space<vmem>>) dst(%dma_wait3A_542 : memref<10240x128xf32, #tpu.memory_space<vmem_shared>>)
    %barrier3A_543 = arith.constant 0 : index
    tpu.barrier barrier_id(%barrier3A_543)
    %mul3A_544 = arith.constant 640 : i32
    %mul3A_545 = arith.muli %arg1, %mul3A_544 : i32
    %mul3A_546 = arith.constant 640 : i32
    %mul3A_547 = arith.muli %arg1, %mul3A_546 : i32
    "tpu.region"() ({
      %run_scoped3A = tpu.sem_alloc : memref<!tpu.dma_semaphore, #tpu.memory_space<semaphore_mem>>
      %dma_start3A_548 = arith.constant 0 : i32
      %dma_start3A_549 = tpu.memref_slice %arg5[%arg0, %mul3A_547, %dma_start3A_548] : memref<2x10240x128xf32, #tpu.memory_space<hbm>> -> memref<1x640x128xf32, #tpu.memory_space<hbm>>
      %dma_start3A_550 = tpu.memref_squeeze %dma_start3A_549 : memref<1x640x128xf32, #tpu.memory_space<hbm>> -> memref<640x128xf32, #tpu.memory_space<hbm>>
      %dma_start3A_551 = arith.constant 0 : i32
      %dma_start3A_552 = tpu.memref_slice %arg14[%mul3A_545, %dma_start3A_551] : memref<10240x128xf32, #tpu.memory_space<vmem_shared>> -> memref<640x128xf32, #tpu.memory_space<vmem_shared>>
      tpu.enqueue_dma source(%dma_start3A_552 : memref<640x128xf32, #tpu.memory_space<vmem_shared>>) target(%dma_start3A_550 : memref<640x128xf32, #tpu.memory_space<hbm>>) target_semaphore(%run_scoped3A : memref<!tpu.dma_semaphore, #tpu.memory_space<semaphore_mem>>)
      %dma_wait3A_553 = arith.constant 0 : i32
      %dma_wait3A_554 = tpu.memref_slice %arg5[%arg0, %mul3A_547, %dma_wait3A_553] : memref<2x10240x128xf32, #tpu.memory_space<hbm>> -> memref<1x640x128xf32, #tpu.memory_space<hbm>>
      %dma_wait3A_555 = tpu.memref_squeeze %dma_wait3A_554 : memref<1x640x128xf32, #tpu.memory_space<hbm>> -> memref<640x128xf32, #tpu.memory_space<hbm>>
      %dma_wait3A_556 = arith.constant 0 : i32
      %dma_wait3A_557 = tpu.memref_slice %arg14[%mul3A_545, %dma_wait3A_556] : memref<10240x128xf32, #tpu.memory_space<vmem_shared>> -> memref<640x128xf32, #tpu.memory_space<vmem_shared>>
      tpu.wait_dma2 semaphore(%run_scoped3A : memref<!tpu.dma_semaphore, #tpu.memory_space<semaphore_mem>>) src(%dma_wait3A_557 : memref<640x128xf32, #tpu.memory_space<vmem_shared>>) dst(%dma_wait3A_555 : memref<640x128xf32, #tpu.memory_space<hbm>>)
      tpu.yield
    }) : () -> ()
    return
  }
}

module attributes {stable_mosaic.version = 14 : i64} {
  func.func @_tc1_body(%arg0: memref<10000x128xf32, #tpu.memory_space<vmem>>, %arg1: memref<128x128xf32, #tpu.memory_space<vmem>>, %arg2: memref<10000x1xf32, #tpu.memory_space<vmem>>, %arg3: memref<10000x128xf32, #tpu.memory_space<vmem>>, %arg4: memref<10000x1xf32, #tpu.memory_space<vmem>>) attributes {dimension_semantics = [], scalar_prefetch = 0 : i64, scratch_operands = 0 : i64, tpu.core_type = #tpu.core_type<tc>} {
    %get3A = arith.constant 0 : index
    %get3A_0 = arith.constant 0 : index
    %get3A_1 = vector.load %arg2[%get3A, %get3A_0] : memref<10000x1xf32, #tpu.memory_space<vmem>>, vector<10000x1xf32>
    %rsqrt3A = math.rsqrt %get3A_1 : vector<10000x1xf32>
    %get3A_2 = arith.constant 0 : index
    %get3A_3 = arith.constant 0 : index
    %get3A_4 = vector.load %arg0[%get3A_2, %get3A_3] : memref<10000x128xf32, #tpu.memory_space<vmem>>, vector<10000x128xf32>
    %get3A_5 = arith.constant 0 : index
    %get3A_6 = arith.constant 0 : index
    %get3A_7 = vector.load %arg1[%get3A_5, %get3A_6] : memref<128x128xf32, #tpu.memory_space<vmem>>, vector<128x128xf32>
    %dot_general3A = arith.constant dense<0.000000e+00> : vector<10000x128xf32>
    %dot_general3A_8 = tpu.matmul %get3A_4, %get3A_7, %dot_general3A {dimension_numbers = #tpu.dot_dimension_numbers<[1], [0], [0], [1], [0, 0, 1, 1], [], []>, transpose_lhs_hint = false} : vector<10000x128xf32>, vector<128x128xf32>, vector<10000x128xf32> -> vector<10000x128xf32>
    %mul3A = vector.broadcast %rsqrt3A : vector<10000x1xf32> to vector<10000x128xf32>
    %mul3A_9 = arith.mulf %dot_general3A_8, %mul3A : vector<10000x128xf32>
    %swap3A = arith.constant 0 : index
    %swap3A_10 = arith.constant 0 : index
    %swap3A_11 = vector.load %arg3[%swap3A, %swap3A_10] : memref<10000x128xf32, #tpu.memory_space<vmem>>, vector<10000x128xf32>
    tpu.vector_store %arg3[%swap3A, %swap3A_10], %mul3A_9 {strides = array<i32>} : memref<10000x128xf32, #tpu.memory_space<vmem>>, vector<10000x128xf32>,
    %swap3A_12 = arith.constant 0 : index
    %swap3A_13 = arith.constant 0 : index
    %swap3A_14 = vector.load %arg4[%swap3A_12, %swap3A_13] : memref<10000x1xf32, #tpu.memory_space<vmem>>, vector<10000x1xf32>
    tpu.vector_store %arg4[%swap3A_12, %swap3A_13], %rsqrt3A {strides = array<i32>} : memref<10000x1xf32, #tpu.memory_space<vmem>>, vector<10000x1xf32>,
    return
  }
}

module attributes {stable_mosaic.version = 14 : i64} {
  func.func @_tc2_body(%arg0: i32, %arg1: memref<2x10000x128xf32, #tpu.memory_space<vmem>>, %arg2: memref<10000x128xf32, #tpu.memory_space<vmem>>, %arg3: memref<10000x1xf32, #tpu.memory_space<vmem>>, %arg4: memref<1x128xf32, #tpu.memory_space<vmem>>, %arg5: memref<128x16xf32, #tpu.memory_space<vmem>>, %arg6: memref<10000x16xf32, #tpu.memory_space<vmem>>) attributes {dimension_semantics = [#tpu.dimension_semantics<arbitrary>], iteration_bounds = array<i64: 1>, scalar_prefetch = 0 : i64, scratch_operands = 0 : i64, tpu.core_type = #tpu.core_type<tc>, window_params = [{transform_indices = @transform_0, window_bounds = array<i64: 2, 10000, 128>}, {pipeline_mode = #tpu.pipeline_mode<synchronous>, transform_indices = @transform_1, window_bounds = array<i64: 10000, 128>}, {pipeline_mode = #tpu.pipeline_mode<synchronous>, transform_indices = @transform_2, window_bounds = array<i64: 10000, 1>}, {pipeline_mode = #tpu.pipeline_mode<synchronous>, transform_indices = @transform_3, window_bounds = array<i64: 1, 128>}, {pipeline_mode = #tpu.pipeline_mode<synchronous>, transform_indices = @transform_4, window_bounds = array<i64: 128, 16>}, {pipeline_mode = #tpu.pipeline_mode<synchronous>, transform_indices = @transform_5, window_bounds = array<i64: 10000, 16>}]} {
    %get3A = arith.constant 0 : index
    %get3A_0 = arith.constant 0 : index
    %get3A_1 = arith.constant 0 : index
    %get3A_2 = vector.load %arg1[%get3A, %get3A_0, %get3A_1] : memref<2x10000x128xf32, #tpu.memory_space<vmem>>, vector<1x10000x128xf32>
    %get3A_3 = vector.shape_cast %get3A_2 : vector<1x10000x128xf32> to vector<10000x128xf32>
    %get3A_4 = arith.constant 1 : index
    %get3A_5 = arith.constant 0 : index
    %get3A_6 = arith.constant 0 : index
    %get3A_7 = vector.load %arg1[%get3A_4, %get3A_5, %get3A_6] : memref<2x10000x128xf32, #tpu.memory_space<vmem>>, vector<1x10000x128xf32>
    %get3A_8 = vector.shape_cast %get3A_7 : vector<1x10000x128xf32> to vector<10000x128xf32>
    %add3A = arith.addf %get3A_3, %get3A_8 : vector<10000x128xf32>
    %get3A_9 = arith.constant 0 : index
    %get3A_10 = arith.constant 0 : index
    %get3A_11 = vector.load %arg2[%get3A_9, %get3A_10] : memref<10000x128xf32, #tpu.memory_space<vmem>>, vector<10000x128xf32>
    %add3A_12 = arith.addf %add3A, %get3A_11 : vector<10000x128xf32>
    %get3A_13 = arith.constant 0 : index
    %get3A_14 = arith.constant 0 : index
    %get3A_15 = vector.load %arg3[%get3A_13, %get3A_14] : memref<10000x1xf32, #tpu.memory_space<vmem>>, vector<10000x1xf32>
    %mul3A = vector.broadcast %get3A_15 : vector<10000x1xf32> to vector<10000x128xf32>
    %mul3A_16 = arith.mulf %add3A_12, %mul3A : vector<10000x128xf32>
    %get3A_17 = arith.constant 0 : index
    %get3A_18 = arith.constant 0 : index
    %get3A_19 = vector.load %arg4[%get3A_17, %get3A_18] : memref<1x128xf32, #tpu.memory_space<vmem>>, vector<1x128xf32>
    %add3A_20 = vector.broadcast %get3A_19 : vector<1x128xf32> to vector<10000x128xf32>
    %add3A_21 = arith.addf %mul3A_16, %add3A_20 : vector<10000x128xf32>
    %max3A = arith.constant 0.000000e+00 : f32
    %max3A_22 = vector.broadcast %max3A : f32 to vector<10000x128xf32>
    %max3A_23 = arith.maximumf %add3A_21, %max3A_22 : vector<10000x128xf32>
    %get3A_24 = arith.constant 0 : index
    %get3A_25 = arith.constant 0 : index
    %get3A_26 = vector.load %arg5[%get3A_24, %get3A_25] : memref<128x16xf32, #tpu.memory_space<vmem>>, vector<128x16xf32>
    %dot_general3A = arith.constant dense<0.000000e+00> : vector<10000x16xf32>
    %dot_general3A_27 = tpu.matmul %max3A_23, %get3A_26, %dot_general3A {dimension_numbers = #tpu.dot_dimension_numbers<[1], [0], [0], [1], [0, 0, 1, 1], [], []>, transpose_lhs_hint = false} : vector<10000x128xf32>, vector<128x16xf32>, vector<10000x16xf32> -> vector<10000x16xf32>
    %get3A_28 = arith.constant 0 : index
    %get3A_29 = arith.constant 0 : index
    %get3A_30 = vector.load %arg3[%get3A_28, %get3A_29] : memref<10000x1xf32, #tpu.memory_space<vmem>>, vector<10000x1xf32>
    %mul3A_31 = vector.broadcast %get3A_30 : vector<10000x1xf32> to vector<10000x16xf32>
    %mul3A_32 = arith.mulf %dot_general3A_27, %mul3A_31 : vector<10000x16xf32>
    %swap3A = arith.constant 0 : index
    %swap3A_33 = arith.constant 0 : index
    %swap3A_34 = vector.load %arg6[%swap3A, %swap3A_33] : memref<10000x16xf32, #tpu.memory_space<vmem>>, vector<10000x16xf32>
    tpu.vector_store %arg6[%swap3A, %swap3A_33], %mul3A_32 {strides = array<i32>} : memref<10000x16xf32, #tpu.memory_space<vmem>>, vector<10000x16xf32>,
    return
  }
  func.func @transform_0(%arg0: i32) -> (i32, i32, i32) {
    %c0_i32 = arith.constant 0 : i32
    %c0_i32_0 = arith.constant 0 : i32
    %c0_i32_1 = arith.constant 0 : i32
    %c0_i32_2 = arith.constant 0 : i32
    return %c0_i32, %c0_i32_0, %c0_i32_1 : i32, i32, i32
  }
  func.func @transform_1(%arg0: i32) -> (i32, i32) {
    %c0_i32 = arith.constant 0 : i32
    %c0_i32_0 = arith.constant 0 : i32
    %c0_i32_1 = arith.constant 0 : i32
    return %c0_i32, %c0_i32_0 : i32, i32
  }
  func.func @transform_2(%arg0: i32) -> (i32, i32) {
    %c0_i32 = arith.constant 0 : i32
    %c0_i32_0 = arith.constant 0 : i32
    %c0_i32_1 = arith.constant 0 : i32
    return %c0_i32, %c0_i32_0 : i32, i32
  }
  func.func @transform_3(%arg0: i32) -> (i32, i32) {
    %c0_i32 = arith.constant 0 : i32
    %c0_i32_0 = arith.constant 0 : i32
    %c0_i32_1 = arith.constant 0 : i32
    return %c0_i32, %c0_i32_0 : i32, i32
  }
  func.func @transform_4(%arg0: i32) -> (i32, i32) {
    %c0_i32 = arith.constant 0 : i32
    %c0_i32_0 = arith.constant 0 : i32
    %c0_i32_1 = arith.constant 0 : i32
    return %c0_i32, %c0_i32_0 : i32, i32
  }
  func.func @transform_5(%arg0: i32) -> (i32, i32) {
    %c0_i32 = arith.constant 0 : i32
    %c0_i32_0 = arith.constant 0 : i32
    %c0_i32_1 = arith.constant 0 : i32
    return %c0_i32, %c0_i32_0 : i32, i32
  }
}

module attributes {stable_mosaic.version = 14 : i64} {
  func.func @_tc3_body(%arg0: i32, %arg1: memref<2x10000x16xf32, #tpu.memory_space<vmem>>, %arg2: memref<10000x16xf32, #tpu.memory_space<vmem>>, %arg3: memref<10000x1xf32, #tpu.memory_space<vmem>>, %arg4: memref<1x16xf32, #tpu.memory_space<vmem>>, %arg5: memref<10000x2xf32, #tpu.memory_space<vmem>>) attributes {dimension_semantics = [#tpu.dimension_semantics<arbitrary>], iteration_bounds = array<i64: 1>, scalar_prefetch = 0 : i64, scratch_operands = 0 : i64, tpu.core_type = #tpu.core_type<tc>, window_params = [{transform_indices = @transform_0, window_bounds = array<i64: 2, 10000, 16>}, {pipeline_mode = #tpu.pipeline_mode<synchronous>, transform_indices = @transform_1, window_bounds = array<i64: 10000, 16>}, {pipeline_mode = #tpu.pipeline_mode<synchronous>, transform_indices = @transform_2, window_bounds = array<i64: 10000, 1>}, {pipeline_mode = #tpu.pipeline_mode<synchronous>, transform_indices = @transform_3, window_bounds = array<i64: 1, 16>}, {pipeline_mode = #tpu.pipeline_mode<synchronous>, transform_indices = @transform_4, window_bounds = array<i64: 10000, 2>}]} {
    %get3A = arith.constant 0 : index
    %get3A_0 = arith.constant 0 : index
    %get3A_1 = arith.constant 0 : index
    %get3A_2 = vector.load %arg1[%get3A, %get3A_0, %get3A_1] : memref<2x10000x16xf32, #tpu.memory_space<vmem>>, vector<1x10000x16xf32>
    %get3A_3 = vector.shape_cast %get3A_2 : vector<1x10000x16xf32> to vector<10000x16xf32>
    %get3A_4 = arith.constant 1 : index
    %get3A_5 = arith.constant 0 : index
    %get3A_6 = arith.constant 0 : index
    %get3A_7 = vector.load %arg1[%get3A_4, %get3A_5, %get3A_6] : memref<2x10000x16xf32, #tpu.memory_space<vmem>>, vector<1x10000x16xf32>
    %get3A_8 = vector.shape_cast %get3A_7 : vector<1x10000x16xf32> to vector<10000x16xf32>
    %add3A = arith.addf %get3A_3, %get3A_8 : vector<10000x16xf32>
    %get3A_9 = arith.constant 0 : index
    %get3A_10 = arith.constant 0 : index
    %get3A_11 = vector.load %arg2[%get3A_9, %get3A_10] : memref<10000x16xf32, #tpu.memory_space<vmem>>, vector<10000x16xf32>
    %add3A_12 = arith.addf %add3A, %get3A_11 : vector<10000x16xf32>
    %get3A_13 = arith.constant 0 : index
    %get3A_14 = arith.constant 0 : index
    %get3A_15 = vector.load %arg3[%get3A_13, %get3A_14] : memref<10000x1xf32, #tpu.memory_space<vmem>>, vector<10000x1xf32>
    %mul3A = vector.broadcast %get3A_15 : vector<10000x1xf32> to vector<10000x16xf32>
    %mul3A_16 = arith.mulf %add3A_12, %mul3A : vector<10000x16xf32>
    %get3A_17 = arith.constant 0 : index
    %get3A_18 = arith.constant 0 : index
    %get3A_19 = vector.load %arg4[%get3A_17, %get3A_18] : memref<1x16xf32, #tpu.memory_space<vmem>>, vector<1x16xf32>
    %add3A_20 = vector.broadcast %get3A_19 : vector<1x16xf32> to vector<10000x16xf32>
    %add3A_21 = arith.addf %mul3A_16, %add3A_20 : vector<10000x16xf32>
    %slice3A = vector.extract_strided_slice %add3A_21 {offsets = [0, 0], sizes = [10000, 2], strides = [1, 1]} : vector<10000x16xf32> to vector<10000x2xf32>
    %swap3A = arith.constant 0 : index
    %swap3A_22 = arith.constant 0 : index
    %swap3A_23 = vector.load %arg5[%swap3A, %swap3A_22] : memref<10000x2xf32, #tpu.memory_space<vmem>>, vector<10000x2xf32>
    tpu.vector_store %arg5[%swap3A, %swap3A_22], %slice3A {strides = array<i32>} : memref<10000x2xf32, #tpu.memory_space<vmem>>, vector<10000x2xf32>,
    return
  }
  func.func @transform_0(%arg0: i32) -> (i32, i32, i32) {
    %c0_i32 = arith.constant 0 : i32
    %c0_i32_0 = arith.constant 0 : i32
    %c0_i32_1 = arith.constant 0 : i32
    %c0_i32_2 = arith.constant 0 : i32
    return %c0_i32, %c0_i32_0, %c0_i32_1 : i32, i32, i32
  }
  func.func @transform_1(%arg0: i32) -> (i32, i32) {
    %c0_i32 = arith.constant 0 : i32
    %c0_i32_0 = arith.constant 0 : i32
    %c0_i32_1 = arith.constant 0 : i32
    return %c0_i32, %c0_i32_0 : i32, i32
  }
  func.func @transform_2(%arg0: i32) -> (i32, i32) {
    %c0_i32 = arith.constant 0 : i32
    %c0_i32_0 = arith.constant 0 : i32
    %c0_i32_1 = arith.constant 0 : i32
    return %c0_i32, %c0_i32_0 : i32, i32
  }
  func.func @transform_3(%arg0: i32) -> (i32, i32) {
    %c0_i32 = arith.constant 0 : i32
    %c0_i32_0 = arith.constant 0 : i32
    %c0_i32_1 = arith.constant 0 : i32
    return %c0_i32, %c0_i32_0 : i32, i32
  }
  func.func @transform_4(%arg0: i32) -> (i32, i32) {
    %c0_i32 = arith.constant 0 : i32
    %c0_i32_0 = arith.constant 0 : i32
    %c0_i32_1 = arith.constant 0 : i32
    return %c0_i32, %c0_i32_0 : i32, i32
  }
}

</mosaic_0001>

<sc_bundles>
// kernel: kernel.11.cloned.1.call-start
scs
__scs_entry_jumppad:
0x0: {  	(pc) =	sbr.rel $0x88, $3  }
0x1: {  	(tag) =	ssettag $0x0;
	lr =	simm.s32 $0x1  }
0x2: {  	[smem:$0x3F9B] =	sst lr;
	_ =	strace $0xD0000000  }
0x3: {  	_ = 	snop  }
0x4: {  	_ = 	snop  }
0x5: {  	_ = 	snop  }
0x6: {  	_ = 	snop  }
0x7: {  	_ = 	snop  }
__scs_overlays_trampoline_lowered:
0x8: {  	[smem:$0x3FAA] =	sst s0  }
0x9: {  	[smem:$0x3FAB] =	sst s1  }
0xa: {  	[smem:$0x3FAC] =	sst s2  }
0xb: {  	[smem:$0x3FAD] =	sst s3  }
0xc: {  	[smem:$0x3FAE] =	sst s4  }
0xd: {  	[smem:$0x3FAF] =	sst s5  }
0xe: {  	[smem:$0x3FB0] =	sst s6  }
0xf: {  	[smem:$0x3FB1] =	sst s7  }
0x10: {  	[smem:$0x3FB2] =	sst s8  }
0x11: {  	[smem:$0x3FB3] =	sst s9;
	s0 =	simm.s32 @!p0 $0x0  }
0x12: {  	s1 =	sld [smem:$0x3F99];
	s0 =	simm.s32 @p0 $0x1  }
0x13: {  	[smem:$0x3FB4] =	sst s0;
	s0 =	simm.s32 @!p1 $0x0  }
0x14: {  	s2 =	sld [smem:$0x3F98];
	s0 =	simm.s32 @p1 $0x1  }
0x15: {  	[smem:$0x3FB5] =	sst s0;
	s0 =	simm.s32 @!p2 $0x0  }
0x16: {  	s3 =	sld [smem:$0x3FDB];
	s0 =	simm.s32 @p2 $0x1  }
0x17: {  	s4 =	simm.s32 $0x1BF5;
	[smem:$0x3FB7] =	sst s0  }
0x18: {  	s0 =	sld [smem:$0x3F9A];
	_ =	swait.ge [sflag:s4], $0x0  }
0x19: {  	s7 =	sld [smem:$0x3F9B]  }
0x1a: {  	s8 =	sadd.s32 $0xFFFFE003, lr  }
0x1b: {  	s9 =	sadd.s32 $0xFFFFFEF7, lr;
	s5 =	simm.s32 $0xFFFFFFFF;
	p2 =	slt.u32 s8, $0xFFFFF086  }
0x1c: {  	p1 =	slt.u32 s9, $0xF7A;
	s5 =	simm.s32 @!p2 $0x0  }
0x1d: {  	s5 =	simm.s32 @p1 $0x1;
	p0 =	seq.s32 s7, s2  }
0x1e: {  	s7 =	smul.u32 @!p0 $0xF7A, s2;
	p2 =	seq.s32 @!p0 s5, $0x0  }
0x1f: {  	s9 =	smul.u32 $0xF7A, s1;
	s8 =	simm.s32 @!p0 $0x1BF5;
	p2 =	por !p2, p0  }
0x20: {  	[sflag:s8] =	ssyncset.s32 @!p0 $0xFFFFF086;
	s6 =	sadd.s32 @!p0 s3, s7;
	s7 =	simm.s32 @!p0 $0x108  }
0x21: {  	s3 =	sadd.s32 s3, s9;
	s6 =	sadd.s32 @!p0 $0x88, s6;
	s7 =	simm.s32 @p2 $0x1082  }
0x22: {  	[simem:s7], [sflag:s8] =	dma.local @!p0 [hbm:s6], $0xF7A  }
0x23: {  	s9 =	sor.u32 $0xD0000000, s2;
	s6 =	simm.s32 $0x108;
	_ =	swait.ge @!p0 [sflag:s8], $0x0  }
0x24: {  	s3 =	sadd.s32 $0x88, s3;
	s6 =	simm.s32 @!p1 $0x1082;
	[sflag:s4] =	ssyncset.s32 $0xFFFFF086  }
0x25: {  	[simem:s6], [sflag:s4] =	dma.local [hbm:s3], $0xF7A  }
0x26: {  	[smem:$0x3F9B] =	sst s1;
	(tag) =	ssettag s2;
	_ =	strace s9  }
0x27: {  	s1 =	sld [smem:$0x3FAB]  }
0x28: {  	s2 =	sld [smem:$0x3FAC]  }
0x29: {  	s4 =	sld [smem:$0x3FAE]  }
0x2a: {  	p0 =	seq.s32 s5, $0x0;
	s5 =	sld [smem:$0x3FAF]  }
0x2b: {  	s6 =	sld [smem:$0x3FB0]  }
0x2c: {  	s7 =	sld [smem:$0x3FB1]  }
0x2d: {  	s3 =	simm.s32 $0x108;
	s8 =	sld [smem:$0x3FB2]  }
0x2e: {  	s3 =	simm.s32 @!p0 $0x1082;
	s9 =	sld [smem:$0x3FB3]  }
0x2f: {  	lr =	sadd.s32 s0, s3;
	s0 =	sld [smem:$0x3FAA]  }
0x30: {  	s3 =	sld [smem:$0x3FAD]  }
0x31: {  	[smem:$0x3FB6] =	sst s10  }
0x32: {  	s10 =	sld [smem:$0x3FB4];
	_ =	sdelay $0x3  }
0x33: {  	p0 =	seq.s32 s10, $0x1;
	s10 =	sld [smem:$0x3FB6];
	_ =	sdelay $0x3  }
0x34: {  	[smem:$0x3FB6] =	sst s10  }
0x35: {  	s10 =	sld [smem:$0x3FB5];
	_ =	sdelay $0x3  }
0x36: {  	p1 =	seq.s32 s10, $0x1;
	s10 =	sld [smem:$0x3FB6];
	_ =	sdelay $0x3  }
0x37: {  	[smem:$0x3FB6] =	sst s10  }
0x38: {  	s10 =	sld [smem:$0x3FB7]  }
0x39: {  	_ = 	snop;
	(pc) =	sbr.ind lr, $3  }
0x3a: {  	_ = 	snop  }
0x3b: {  	_ = 	snop  }
0x3c: {  	p2 =	seq.s32 s10, $0x1;
	s10 =	sld [smem:$0x3FB6]  }
0x3d: {  	_ =	shalt  }
0x3e: {  	_ =	shalt  }
0x3f: {  	_ =	shalt  }
0x40: {  	_ =	shalt  }
0x41: {  	_ =	shalt  }
0x42: {  	_ =	shalt  }
0x43: {  	_ =	shalt  }
0x44: {  	_ =	shalt  }
0x45: {  	_ =	shalt  }
0x46: {  	_ =	shalt  }
0x47: {  	_ =	shalt  }
0x48: {  	_ =	shalt  }
0x49: {  	_ =	shalt  }
0x4a: {  	_ =	shalt  }
0x4b: {  	_ =	shalt  }
0x4c: {  	_ =	shalt  }
0x4d: {  	_ =	shalt  }
0x4e: {  	_ =	shalt  }
0x4f: {  	_ =	shalt  }
0x50: {  	_ =	shalt  }
0x51: {  	_ =	shalt  }
0x52: {  	_ =	shalt  }
0x53: {  	_ =	shalt  }
0x54: {  	_ =	shalt  }
0x55: {  	_ =	shalt  }
0x56: {  	_ =	shalt  }
0x57: {  	_ =	shalt  }
0x58: {  	_ =	shalt  }
0x59: {  	_ =	shalt  }
0x5a: {  	_ =	shalt  }
0x5b: {  	_ =	shalt  }
0x5c: {  	_ =	shalt  }
0x5d: {  	_ =	shalt  }
0x5e: {  	_ =	shalt  }
0x5f: {  	_ =	shalt  }
0x60: {  	_ =	shalt  }
0x61: {  	_ =	shalt  }
0x62: {  	_ =	shalt  }
0x63: {  	_ =	shalt  }
0x64: {  	_ =	shalt  }
0x65: {  	_ =	shalt  }
0x66: {  	_ =	shalt  }
0x67: {  	_ =	shalt  }
0x68: {  	_ =	shalt  }
0x69: {  	_ =	shalt  }
0x6a: {  	_ =	shalt  }
0x6b: {  	_ =	shalt  }
0x6c: {  	_ =	shalt  }
0x6d: {  	_ =	shalt  }
0x6e: {  	_ =	shalt  }
0x6f: {  	_ =	shalt  }
0x70: {  	_ =	shalt  }
0x71: {  	_ =	shalt  }
0x72: {  	_ =	shalt  }
0x73: {  	_ =	shalt  }
0x74: {  	_ =	shalt  }
0x75: {  	_ =	shalt  }
0x76: {  	_ =	shalt  }
0x77: {  	_ =	shalt  }
0x78: {  	_ =	shalt  }
0x79: {  	_ =	shalt  }
0x7a: {  	_ =	shalt  }
0x7b: {  	_ =	shalt  }
0x7c: {  	_ =	shalt  }
0x7d: {  	_ =	shalt  }
0x7e: {  	_ =	shalt  }
0x7f: {  	_ =	shalt  }
0x80: {  	_ =	shalt  }
0x81: {  	_ =	shalt  }
0x82: {  	_ =	shalt  }
0x83: {  	_ =	shalt  }
0x84: {  	_ =	shalt  }
0x85: {  	_ =	shalt  }
0x86: {  	_ =	shalt  }
0x87: {  	_ =	shalt  }
.Lfunc_end0:
.L_simem_size_0:
called_computation.1_lowered:
.L_overlay_start_0:
0x88: {  	s2 =	sld [smem:$0x3FD9]  }
0x89: {  	s3 =	sld [smem:$0x3FFE];
	_ =	sdelay $0x1  }
0x8a: {  	s1 =	srdreg.scid  }
0x8b: {  	s0 =	sand.u32 $0x1, s1  }
0x8c: {  	s16 =	sshll.u32 s0, $0xA;
	s2 =	sadd.s32 s3, s2  }
0x8d: {  	s2 =	sadd.s32 s2, s16  }
0x8e: {  	[smem:$0x3FC2] =	sst s2  }
0x8f: {  	_ = 	snop  }
0x90: {  	(tm) =	ssettm $0x1  }
0x91: {  	s17 =	sld [smem:$0x3FFB];
	_ =	sdelay $0x3  }
0x92: {  	_ =	strace s17  }
0x93: {  	s2 =	sld [smem:$0x3FFC];
	_ =	sdelay $0x3  }
0x94: {  	_ =	strace s2  }
0x95: {  	s2 =	sld [smem:$0x3FFD];
	_ =	sdelay $0x3  }
0x96: {  	_ =	strace s2  }
0x97: {  	_ =	strace $0x8FFFFFFF  }
0x98: {  	s18 =	sld [smem:$0x3FDB];
	_ =	sdelay $0x1  }
0x99: {  	s19 =	simm.s32 $_scs_section_size  }
0x9a: {  	s4 =	simm.s32 $_size__tile_overlayer_lowered;
	s5 =	simm.s32 $_tile_overlayer_lowered  }
0x9b: {  	s22 =	simm.s32 $0x1BFF;
	s21 =	sshll.u32 s5, $0x1;
	s2 =	sadd.s32 s19, s18  }
0x9c: {  	s6 =	simm.s32 $0x0;
	s20 =	sshll.u32 s4, $0x1;
	s4 =	sadd.s32 s21, s2  }
0x9d: {  	[timem:s6], [sflag:s22] =	dma.local [hbm:s4], s20  }
0x9e: {  	_ =	swait.ge [sflag:s22], s20  }
0x9f: {  	s3 =	ssub.s32 $0x0, s20;
	[sflag:s22] =	ssyncset.done $0x0  }
0xa0: {  	[sflag:s22] =	ssyncadd.s32 s3;
	_ =	sdelay $0x1  }
0xa1: {  	s23 =	simm.s32 $0x1B8B  }
0xa2: {  	_ =	swait.ge [sflag:s23], $0x1  }
0xa3: {  	[sflag:s23] =	ssyncset.done $0x0  }
0xa4: {  	s25 =	simm.s32 $0x1B8E;
	s24 =	sld [smem:$0x3FFE];
	[sflag:s23] =	ssyncadd.s32 $0xFFFFFFFF  }
0xa5: {  	s26 =	simm.s32 $execute0_lowered;
	[smem:$0x3FD2] =	sst s25  }
0xa6: {  	s4 =	sshll.u32 s26, $0x1;
	_ =	strace $0x80000049;
	[dreg:$0x1] =	wrdreg $0xFFFFFFFF  }
0xa7: {  	s28 =	simm.s32 $_size_execute0_lowered;
	s2 =	sadd.s32 s2, s4;
	[dreg:$0x0] =	wrdreg $0x0  }
0xa8: {  	s4 =	sshll.u32 s28, $0x1;
	[dreg:$0x2] =	wrdreg s2  }
0xa9: {  	[dreg:$0x3] =	wrdreg s4  }
0xaa: {  	[dreg:$0x4] =	wrdreg $0xC0  }
0xab: {  	_ =	task [dreg:s6], $0x5FFFF  }
0xac: {  	[dreg:$0x1] =	wrdreg $0xFFFFFFFF  }
0xad: {  	[dreg:$0x0] =	wrdreg $0x60  }
0xae: {  	[dreg:$0x2] =	wrdreg s24  }
0xaf: {  	[dreg:$0x3] =	wrdreg $0x8D000  }
0xb0: {  	[dreg:$0x4] =	wrdreg $0x9  }
0xb1: {  	_ =	task.clear_ibuf [dreg:s6], $0x5FFFF;
	_ =	strace $0x90000049  }
0xb2: {  	s29 =	simm.s32 $0x9;
	_ =	strace $0x8000004B  }
0xb3: {  	_ =	swait.ge [sflag:s29], $0x1  }
0xb4: {  	[sflag:s29] =	ssyncadd.s32 $0xFFFFFFFF  }
0xb5: {  	_ =	strace $0x9000004B  }
0xb6: {  	_ =	sfence  }
0xb7: {  	s30 =	sld [smem:$0x0];
	_ =	sdelay $0x2  }
0xb8: {  	s31 =	sshll.u32 s1, $0xD;
	s1 =	sshrl.u32 s1, $0x2  }
0xb9: {  	s3 =	sand.u32 $0x4000, s31;
	s1 =	sadd.s32 s1, s30  }
0xba: {  	s0 =	sor.u32 s3, s0;
	s1 =	sshll.u32 s1, $0x11  }
0xbb: {  	s0 =	sor.u32 s1, s0  }
0xbc: {  	s0 =	sadd.s32 $0x8F2B, s0  }
0xbd: {  	[sflag:s0] =	ssyncadd.remote.s32 $0x1  }
0xbe: {  	_ =	sfence.sel $0xFFFF  }
0xbf: {  	[dreg:$0x0] =	wrdreg $0xFFFFFFFF;
	(pc) =	sbr.abs _section_cstart, $3  }
0xc0: {  	[dreg:$0x1] =	wrdreg $0xFFFFFFFF  }
0xc1: {  	_ =	task.clear_ibuf [dreg:s6], $0x2FFFF;
	_ =	strace $0x9FFFFFFF  }
0xc2: {  	(tm) =	ssettm $0x7FFFFFFF  }
0xc3: {  	_ =	shalt  }
tec
execute0_lowered:
.L_overlay_start_1:
0x0: {  	(tag) =	ssettag $0x1  }
0x1: {  	s0 =	rddreg [dreg:$0x0]  }
0x2: {  	s2 =	rddreg [dreg:$0x1];
	s3 =	simm.s32 $0x0  }
0x3: {  	s10 =	stileid.u32;
	s1 =	srdreg.scid;
	s28 =	simm.s32 $0x100  }
0x4: {  	s29 =	simm.s32 $0x180;
	s30 =	simm.s32 $0xC;
	s31 =	simm.s32 $0x1  }
0x5: {  	[smem:$0x7FF] =	sst s3;
	s6 =	smul.u32 $0x14000, s10;
	s1 =	sand.u32 $0x1, s1  }
0x6: {  	s8 =	sshll.u32 s10, $0x1;
	s4 =	sadd.s32 $0x15C00, s0;
	s26 =	smul.u32 $0x50000, s10  }
0x7: {  	s5 =	sadd.s32 $0x2200, s0;
	s14 =	smul.u32 $0x4E20, s10;
	s16 =	sshll.u32 s10, $0x6  }
0x8: {  	_ =	strace $0x8000004A;
	s7 =	smul.u32 $0x140000, s1;
	s8 =	sor.u32 s1, s8  }
0x9: {  	s24 =	ssub.s32 $0x2, s1;
	s1 =	smul.u32 $0x2710, s1;
	s9 =	sshrl.u32 s6, $0x3  }
0xa: {  	s22 =	smul.u32 $0x2710, s8;
	s25 =	sshrl.u32 s24, $0x1;
	s6 =	sadd.s32 s6, s7  }
0xb: {  	s23 =	sadd.s32 s9, s0;
	s1 =	sadd.s32 s1, s14;
	s6 =	sshrl.u32 s6, $0x3  }
0xc: {  	s7 =	sshrl.u32 s22, $0x3;
	s15 =	sadd.s32 $0x3CE00, s23;
	s20 =	sadd.s32 $0x4E400, s1  }
0xd: {  	s9 =	sadd.s32 $0x4E300, s1;
	s14 =	sadd.s32 $0x100, s1;
	s0 =	sadd.s32 s6, s0  }
0xe: {  	s6 =	ssub.s32 s24, s25;
	s11 =	sadd.s32 s5, s7;
	[dreg:$0xf] =	wrdreg s15  }
0xf: {  	s7 =	sshrl.u32 s26, $0x2;
	s12 =	sadd.s32 $0x9C40, s11;
	[dreg:$0xa] =	wrdreg s11  }
0x10: {  	s24 =	sadd.s32 $0x4E380, s1;
	s13 =	sadd.s32 $0x10, s11;
	[dreg:$0xb] =	wrdreg s12  }
0x11: {  	s26 =	sadd.s32 $0x180, s1;
	s7 =	sadd.s32 s7, s2;
	[dreg:$0xc] =	wrdreg s13  }
0x12: {  	s10 =	sshrl.u32 s9, $0x3;
	s17 =	sadd.s32 $0x4A0, s11;
	[dreg:$0xe] =	wrdreg s7  }
0x13: {  	s15 =	sshrl.u32 s14, $0x3;
	s18 =	sadd.s32 $0xA0E0, s11;
	[dreg:$0x10] =	wrdreg s17  }
0x14: {  	s9 =	simm.s32 $0x200;
	s19 =	sadd.s32 $0x4B0, s11;
	[dreg:$0x11] =	wrdreg s18  }
0x15: {  	s14 =	simm.s32 $0x3;
	s21 =	sadd.s32 $0xA0F0, s11;
	[dreg:$0x12] =	wrdreg s19  }
0x16: {  	s22 =	sadd.s32 $0x4C0, s11;
	s23 =	sadd.s32 $0xA100, s11;
	[dreg:$0x13] =	wrdreg s21  }
0x17: {  	s25 =	sshrl.u32 s24, $0x3;
	s8 =	sshrl.u32 s26, $0x3;
	[dreg:$0x14] =	wrdreg s22  }
0x18: {  	s24 =	sadd.s32 $0xA120, s11;
	s0 =	sadd.s32 $0x64E00, s0;
	[dreg:$0x15] =	wrdreg s23  }
0x19: {  	s26 =	sadd.s32 $0x200, s1;
	s12 =	sadd.s32 $0x9C50, s11;
	[dreg:$0x19] =	wrdreg s24  }
0x1a: {  	s7 =	sshrl.u32 s20, $0x3;
	s8 =	sadd.s32 s8, s5;
	[dreg:$0x1a] =	wrdreg s0  }
0x1b: {  	s13 =	sadd.s32 s10, s5;
	s17 =	sadd.s32 $0x280, s1;
	[dreg:$0x1c] =	wrdreg s26  }
0x1c: {  	s20 =	sadd.s32 $0x4D0, s11;
	s22 =	sadd.s32 $0xA110, s11;
	[dreg:$0xd] =	wrdreg s12  }
0x1d: {  	s23 =	sadd.s32 $0x4E0, s11;
	s26 =	simm.s32 $0x80;
	[dreg:$0x5] =	wrdreg s8  }
0x1e: {  	s0 =	simm.s32 $0x500;
	s10 =	simm.s32 $0x280;
	[dreg:$0x6] =	wrdreg s13  }
0x1f: {  	s11 =	simm.s32 $0x9;
	s12 =	sor.u32 $0x1C0C, s16;
	[dreg:$0x16] =	wrdreg s20  }
0x20: {  	s7 =	sadd.s32 s7, s5;
	s16 =	sadd.s32 $0x4E480, s1;
	[dreg:$0x17] =	wrdreg s22  }
0x21: {  	s19 =	sshrl.u32 s17, $0x3;
	[dreg:$0x18] =	wrdreg s23;
	s1 =	simm.s32 $0x8  }
0x22: {  	s13 =	simm.s32 $0xA;
	s17 =	simm.s32 $0xB;
	s20 =	simm.s32 $0x0  }
0x23: {  	[dreg:$0x3] =	wrdreg s7;
	s7 =	sadd.s32 s25, s5;
	s8 =	sshrl.u32 s16, $0x3  }
0x24: {  	s21 =	sadd.s32 s19, s5;
	s25 =	smax.u32 s6, $0x1;
	[dreg:$0x4] =	wrdreg s7  }
0x25: {  	s16 =	simm.s32 $0x380;
	s7 =	sadd.s32 s15, s5;
	[dreg:$0x9] =	wrdreg s21  }
0x26: {  	s18 =	sadd.s32 s8, s5;
	[dreg:$0x1b] =	wrdreg s25;
	s8 =	simm.s32 $0x4500  }
0x27: {  	s15 =	simm.s32 $0x300;
	s21 =	simm.s32 $0x5;
	[dreg:$0x7] =	wrdreg s7  }
0x28: {  	[dreg:$0x8] =	wrdreg s18;
	s7 =	simm.s32 $0x2;
	s18 =	simm.s32 $0x4  }
.LBB2_1:
0x29: {  	s6 =	rddreg [dreg:$0xa]  }
0x2a: {  	s19 =	rddreg [dreg:$0xb]  }
0x2b: {  	s22 =	rddreg [dreg:$0xc]  }
0x2c: {  	[tilespmem:s3], [sflag:$0x1] =	stream.linear.gather [hbm4b:s6+s3], $0x80, $0x38;
	[tilespmem:$0x1CD00] =	vst v63  }
0x2d: {  	s23 =	rddreg [dreg:$0xd]  }
0x2e: {  	[tilespmem:s26], [sflag:$0x1] =	stream.linear.gather [hbm4b:s19+s3], $0x80, $0x38;
	[tilespmem:$0x1CD00] =	vst v63  }
0x2f: {  	s24 =	rddreg [dreg:$0xe]  }
0x30: {  	[tilespmem:s28], [sflag:$0x2] =	stream.linear.gather [hbm4b:s22+s3], $0x80, $0x38;
	[tilespmem:$0x1CD00] =	vst v63  }
0x31: {  	s25 =	rddreg [dreg:$0xf];
	s22 =	sshrl.u32 s24, $0x3  }
0x32: {  	[tilespmem:s29], [sflag:$0x2] =	stream.linear.gather [hbm4b:s23+s3], $0x80, $0x38;
	[tilespmem:$0x1CD00] =	vst v63  }
0x33: {  	[spmem:s22], [sflag:s12] =	dma.local [hbm:s25], $0x2800  }
0x34: {  	_ =	swait.ge [sflag:s30], $0x2800  }
0x35: {  	[sflag:s30] =	ssyncset.done $0x0  }
0x36: {  	[sflag:s30] =	ssyncadd.s32 $0xFFFFD800  }
0x37: {  	[bflag:$0x0] =	sbarrier.arrive $0xFFFF  }
0x38: {  	_ =	swait.ge [sflag:s31], $0x80  }
0x39: {  	[sflag:s31] =	ssyncset.done $0x0  }
0x3a: {  	[sflag:s31] =	ssyncadd.s32 $0xFFFFFF80  }
0x3b: {  	_ =	swait.ge [sflag:s31], $0x80  }
0x3c: {  	[sflag:s31] =	ssyncset.done $0x0  }
0x3d: {  	[sflag:s31] =	ssyncadd.s32 $0xFFFFFF80  }
0x3e: {  	[tilespmem:s0], [sflag:$0x8] =	stream.indirect.gather [hbm4b:s4+s26], $0x80, s3, s26, $0xb8;
	[tilespmem:$0x1CD00] =	vst v63  }
0x3f: {  	_ =	swait.ge [sflag:s1], $0x4000  }
0x40: {  	p0 =	por $0x1, $0x1;
	[sflag:s1] =	ssyncset.done $0x0  }
0x41: {  	s6 =	simm.s32 @!p0 $0xB;
	[sflag:s1] =	ssyncadd.s32 $0xFFFFC000  }
0x42: {  	[spmem:s2] =	stream.indirect.scatter.add.f32 [tilespmem:s0], [sflag:$0xA], $0x80, s26, s26, $0xb8;
	[tilespmem:$0x1CD00] =	vst v63  }
0x43: {  	_ =	swait.ge @!p0 [sflag:s6], $0x4000  }
0x44: {  	[sflag:s6] =	ssyncset.done @!p0 $0x0  }
0x45: {  	[sflag:s6] =	ssyncadd.s32 @!p0 $0xFFFFC000  }
0x46: {  	_ =	swait.ge [sflag:s7], $0x80  }
0x47: {  	[sflag:s7] =	ssyncset.done $0x0  }
0x48: {  	[sflag:s7] =	ssyncadd.s32 $0xFFFFFF80  }
0x49: {  	_ =	swait.ge [sflag:s7], $0x80  }
0x4a: {  	[sflag:s7] =	ssyncset.done $0x0  }
0x4b: {  	s24 =	smov.u32 s12;
	s12 =	rddreg [dreg:$0x7];
	[sflag:s7] =	ssyncadd.s32 $0xFFFFFF80  }
0x4c: {  	[tilespmem:s8], [sflag:$0x9] =	stream.indirect.gather [hbm4b:s4+s26], $0x80, s28, s26, $0xb8;
	[tilespmem:$0x1CD00] =	vst v63  }
0x4d: {  	s19 =	rddreg [dreg:$0x6];
	s6 =	sadd.s32 $0x0, s12  }
0x4e: {  	[tilespmem:s9], [sflag:$0x3] =	stream.linear.gather [hbm4b:s6+s3], $0x80, $0x38;
	[tilespmem:$0x1CD00] =	vst v63  }
0x4f: {  	s23 =	sadd.s32 $0x0, s19  }
0x50: {  	[tilespmem:s10], [sflag:$0x3] =	stream.linear.gather [hbm4b:s23+s3], $0x80, $0x38;
	[tilespmem:$0x1CD00] =	vst v63  }
0x51: {  	_ =	swait.ge [sflag:s11], $0x4000  }
0x52: {  	[sflag:s11] =	ssyncset.done $0x0  }
0x53: {  	[sflag:s11] =	ssyncadd.s32 $0xFFFFC000  }
0x54: {  	[spmem:s2] =	stream.indirect.scatter.add.f32 [tilespmem:s8], [sflag:$0xB], $0x80, s29, s26, $0xb8;
	[tilespmem:$0x1CD00] =	vst v63  }
0x55: {  	_ =	swait.ge [sflag:s13], $0x4000  }
0x56: {  	[sflag:s13] =	ssyncset.done $0x0  }
0x57: {  	[sflag:s13] =	ssyncadd.s32 $0xFFFFC000  }
0x58: {  	_ =	swait.ge [sflag:s14], $0x80  }
0x59: {  	[sflag:s14] =	ssyncset.done $0x0  }
0x5a: {  	[sflag:s14] =	ssyncadd.s32 $0xFFFFFF80  }
0x5b: {  	_ =	swait.ge [sflag:s14], $0x80  }
0x5c: {  	[sflag:s14] =	ssyncset.done $0x0  }
0x5d: {  	s25 =	rddreg [dreg:$0x5];
	[sflag:s14] =	ssyncadd.s32 $0xFFFFFF80  }
0x5e: {  	[tilespmem:s0], [sflag:$0x8] =	stream.indirect.gather [hbm4b:s4+s26], $0x80, s9, s26, $0xb8;
	[tilespmem:$0x1CD00] =	vst v63  }
0x5f: {  	s12 =	rddreg [dreg:$0x4];
	s6 =	sadd.s32 $0x0, s25  }
0x60: {  	[tilespmem:s15], [sflag:$0x4] =	stream.linear.gather [hbm4b:s6+s3], $0x80, $0x38;
	[tilespmem:$0x1CD00] =	vst v63  }
0x61: {  	s19 =	sadd.s32 $0x0, s12  }
0x62: {  	[tilespmem:s16], [sflag:$0x4] =	stream.linear.gather [hbm4b:s19+s3], $0x80, $0x38;
	[tilespmem:$0x1CD00] =	vst v63  }
0x63: {  	_ =	swait.ge [sflag:s1], $0x4000  }
0x64: {  	[sflag:s1] =	ssyncset.done $0x0  }
0x65: {  	[sflag:s1] =	ssyncadd.s32 $0xFFFFC000  }
0x66: {  	[spmem:s2] =	stream.indirect.scatter.add.f32 [tilespmem:s0], [sflag:$0xA], $0x80, s10, s26, $0xb8;
	[tilespmem:$0x1CD00] =	vst v63  }
0x67: {  	_ =	swait.ge [sflag:s17], $0x4000  }
0x68: {  	[sflag:s17] =	ssyncset.done $0x0  }
0x69: {  	[sflag:s17] =	ssyncadd.s32 $0xFFFFC000  }
0x6a: {  	_ =	swait.ge [sflag:s18], $0x80  }
0x6b: {  	[sflag:s18] =	ssyncset.done $0x0  }
0x6c: {  	[sflag:s18] =	ssyncadd.s32 $0xFFFFFF80  }
0x6d: {  	_ =	swait.ge [sflag:s18], $0x80  }
0x6e: {  	[sflag:s18] =	ssyncset.done $0x0;
	s25 =	rddreg [dreg:$0x1c]  }
0x6f: {  	[sflag:s18] =	ssyncadd.s32 $0xFFFFFF80;
	s23 =	sshrl.u32 s25, $0x3  }
0x70: {  	[tilespmem:s8], [sflag:$0x9] =	stream.indirect.gather [hbm4b:s4+s26], $0x80, s15, s26, $0xb8;
	[tilespmem:$0x1CD00] =	vst v63  }
0x71: {  	s12 =	rddreg [dreg:$0x3];
	s6 =	sadd.s32 s5, s23  }
0x72: {  	[tilespmem:s3], [sflag:$0x1] =	stream.linear.gather [hbm4b:s6+s3], $0x80, $0x38;
	[tilespmem:$0x1CD00] =	vst v63  }
0x73: {  	s19 =	sadd.s32 $0x0, s12  }
0x74: {  	[tilespmem:s26], [sflag:$0x1] =	stream.linear.gather [hbm4b:s19+s3], $0x80, $0x38;
	[tilespmem:$0x1CD00] =	vst v63  }
0x75: {  	_ =	swait.ge [sflag:s11], $0x4000  }
0x76: {  	[sflag:s11] =	ssyncset.done $0x0  }
0x77: {  	[sflag:s11] =	ssyncadd.s32 $0xFFFFC000  }
0x78: {  	[spmem:s2] =	stream.indirect.scatter.add.f32 [tilespmem:s8], [sflag:$0xB], $0x80, s16, s26, $0xb8;
	[tilespmem:$0x1CD00] =	vst v63  }
0x79: {  	_ =	swait.ge [sflag:s13], $0x4000  }
0x7a: {  	[sflag:s13] =	ssyncset.done $0x0  }
0x7b: {  	[sflag:s13] =	ssyncadd.s32 $0xFFFFC000  }
0x7c: {  	_ =	swait.ge [sflag:s31], $0x80  }
0x7d: {  	[sflag:s31] =	ssyncset.done $0x0  }
0x7e: {  	[sflag:s31] =	ssyncadd.s32 $0xFFFFFF80  }
0x7f: {  	_ =	swait.ge [sflag:s31], $0x80  }
0x80: {  	[sflag:s31] =	ssyncset.done $0x0  }
0x81: {  	s23 =	rddreg [dreg:$0x9];
	[sflag:s31] =	ssyncadd.s32 $0xFFFFFF80  }
0x82: {  	[tilespmem:s0], [sflag:$0x8] =	stream.indirect.gather [hbm4b:s4+s26], $0x80, s3, s26, $0xb8;
	[tilespmem:$0x1CD00] =	vst v63  }
0x83: {  	s6 =	sadd.s32 $0x0, s23  }
0x84: {  	[tilespmem:s28], [sflag:$0x2] =	stream.linear.gather [hbm4b:s6+s3], $0x80, $0x38;
	[tilespmem:$0x1CD00] =	vst v63  }
0x85: {  	s19 =	rddreg [dreg:$0x8];
	s23 =	simm.s32 $0x40;
	s6 =	simm.s32 $0x0  }
.LBB2_2:
0x86: {  	s19 =	sadd.s32 s6, s19  }
0x87: {  	[tilespmem:s29], [sflag:$0x2] =	stream.linear.gather [hbm4b:s19+s3], $0x80, $0x38;
	[tilespmem:$0x1CD00] =	vst v63  }
0x88: {  	s6 =	smov.u32 s23;
	_ =	swait.ge [sflag:s1], $0x4000  }
0x89: {  	p1 =	seq.s32 s6, $0x0;
	[sflag:s1] =	ssyncset.done $0x0  }
0x8a: {  	s19 =	simm.s32 @!p1 $0xB;
	[sflag:s1] =	ssyncadd.s32 $0xFFFFC000  }
0x8b: {  	[spmem:s2] =	stream.indirect.scatter.add.f32 [tilespmem:s0], [sflag:$0xA], $0x80, s26, s26, $0xb8;
	[tilespmem:$0x1CD00] =	vst v63  }
0x8c: {  	_ =	swait.ge @!p1 [sflag:s19], $0x4000  }
0x8d: {  	[sflag:s19] =	ssyncset.done @!p1 $0x0  }
0x8e: {  	[sflag:s19] =	ssyncadd.s32 @!p1 $0xFFFFC000  }
0x8f: {  	_ =	swait.ge [sflag:s7], $0x80  }
0x90: {  	[sflag:s7] =	ssyncset.done $0x0  }
0x91: {  	[sflag:s7] =	ssyncadd.s32 $0xFFFFFF80  }
0x92: {  	_ =	swait.ge [sflag:s7], $0x80  }
0x93: {  	[sflag:s7] =	ssyncset.done $0x0  }
0x94: {  	s19 =	rddreg [dreg:$0x7];
	[sflag:s7] =	ssyncadd.s32 $0xFFFFFF80  }
0x95: {  	[tilespmem:s8], [sflag:$0x9] =	stream.indirect.gather [hbm4b:s4+s26], $0x80, s28, s26, $0xb8;
	[tilespmem:$0x1CD00] =	vst v63  }
0x96: {  	s12 =	rddreg [dreg:$0x6];
	s19 =	sadd.s32 s6, s19  }
0x97: {  	[tilespmem:s9], [sflag:$0x3] =	stream.linear.gather [hbm4b:s19+s3], $0x80, $0x38;
	[tilespmem:$0x1CD00] =	vst v63  }
0x98: {  	s12 =	sadd.s32 s6, s12  }
0x99: {  	[tilespmem:s10], [sflag:$0x3] =	stream.linear.gather [hbm4b:s12+s3], $0x80, $0x38;
	[tilespmem:$0x1CD00] =	vst v63  }
0x9a: {  	_ =	swait.ge [sflag:s11], $0x4000  }
0x9b: {  	[sflag:s11] =	ssyncset.done $0x0  }
0x9c: {  	[sflag:s11] =	ssyncadd.s32 $0xFFFFC000  }
0x9d: {  	[spmem:s2] =	stream.indirect.scatter.add.f32 [tilespmem:s8], [sflag:$0xB], $0x80, s29, s26, $0xb8;
	[tilespmem:$0x1CD00] =	vst v63  }
0x9e: {  	_ =	swait.ge [sflag:s13], $0x4000  }
0x9f: {  	[sflag:s13] =	ssyncset.done $0x0  }
0xa0: {  	[sflag:s13] =	ssyncadd.s32 $0xFFFFC000  }
0xa1: {  	_ =	swait.ge [sflag:s14], $0x80  }
0xa2: {  	[sflag:s14] =	ssyncset.done $0x0  }
0xa3: {  	[sflag:s14] =	ssyncadd.s32 $0xFFFFFF80  }
0xa4: {  	_ =	swait.ge [sflag:s14], $0x80  }
0xa5: {  	[sflag:s14] =	ssyncset.done $0x0  }
0xa6: {  	s12 =	rddreg [dreg:$0x5];
	[sflag:s14] =	ssyncadd.s32 $0xFFFFFF80  }
0xa7: {  	[tilespmem:s0], [sflag:$0x8] =	stream.indirect.gather [hbm4b:s4+s26], $0x80, s9, s26, $0xb8;
	[tilespmem:$0x1CD00] =	vst v63  }
0xa8: {  	s19 =	rddreg [dreg:$0x4];
	s12 =	sadd.s32 s6, s12  }
0xa9: {  	[tilespmem:s15], [sflag:$0x4] =	stream.linear.gather [hbm4b:s12+s3], $0x80, $0x38;
	[tilespmem:$0x1CD00] =	vst v63  }
0xaa: {  	s19 =	sadd.s32 s6, s19  }
0xab: {  	[tilespmem:s16], [sflag:$0x4] =	stream.linear.gather [hbm4b:s19+s3], $0x80, $0x38;
	[tilespmem:$0x1CD00] =	vst v63  }
0xac: {  	_ =	swait.ge [sflag:s1], $0x4000  }
0xad: {  	[sflag:s1] =	ssyncset.done $0x0  }
0xae: {  	[sflag:s1] =	ssyncadd.s32 $0xFFFFC000  }
0xaf: {  	[spmem:s2] =	stream.indirect.scatter.add.f32 [tilespmem:s0], [sflag:$0xA], $0x80, s10, s26, $0xb8;
	[tilespmem:$0x1CD00] =	vst v63  }
0xb0: {  	_ =	swait.ge [sflag:s17], $0x4000  }
0xb1: {  	[sflag:s17] =	ssyncset.done $0x0  }
0xb2: {  	[sflag:s17] =	ssyncadd.s32 $0xFFFFC000  }
0xb3: {  	_ =	swait.ge [sflag:s18], $0x80  }
0xb4: {  	[sflag:s18] =	ssyncset.done $0x0  }
0xb5: {  	[sflag:s18] =	ssyncadd.s32 $0xFFFFFF80  }
0xb6: {  	_ =	swait.ge [sflag:s18], $0x80  }
0xb7: {  	s25 =	sadd.s32 $0x200, s25;
	[sflag:s18] =	ssyncset.done $0x0  }
0xb8: {  	s12 =	sshrl.u32 s25, $0x3;
	[sflag:s18] =	ssyncadd.s32 $0xFFFFFF80  }
0xb9: {  	[tilespmem:s8], [sflag:$0x9] =	stream.indirect.gather [hbm4b:s4+s26], $0x80, s15, s26, $0xb8;
	[tilespmem:$0x1CD00] =	vst v63  }
0xba: {  	s12 =	sadd.s32 s5, s12;
	s19 =	rddreg [dreg:$0x3]  }
0xbb: {  	[tilespmem:s3], [sflag:$0x1] =	stream.linear.gather [hbm4b:s12+s3], $0x80, $0x38;
	[tilespmem:$0x1CD00] =	vst v63  }
0xbc: {  	s19 =	sadd.s32 s6, s19  }
0xbd: {  	[tilespmem:s26], [sflag:$0x1] =	stream.linear.gather [hbm4b:s19+s3], $0x80, $0x38;
	[tilespmem:$0x1CD00] =	vst v63  }
0xbe: {  	_ =	swait.ge [sflag:s11], $0x4000  }
0xbf: {  	[sflag:s11] =	ssyncset.done $0x0  }
0xc0: {  	[sflag:s11] =	ssyncadd.s32 $0xFFFFC000  }
0xc1: {  	[spmem:s2] =	stream.indirect.scatter.add.f32 [tilespmem:s8], [sflag:$0xB], $0x80, s16, s26, $0xb8;
	[tilespmem:$0x1CD00] =	vst v63  }
0xc2: {  	_ =	swait.ge [sflag:s13], $0x4000  }
0xc3: {  	[sflag:s13] =	ssyncset.done $0x0  }
0xc4: {  	[sflag:s13] =	ssyncadd.s32 $0xFFFFC000  }
0xc5: {  	_ =	swait.ge [sflag:s31], $0x80  }
0xc6: {  	[sflag:s31] =	ssyncset.done $0x0  }
0xc7: {  	s23 =	sadd.s32 $0x40, s23;
	[sflag:s31] =	ssyncadd.s32 $0xFFFFFF80  }
0xc8: {  	p0 =	sne.s32 s23, $0x480;
	_ =	swait.ge [sflag:s31], $0x80  }
.Ltmp0:
0xc9: {  	[sflag:s31] =	ssyncset.done $0x0;
	(pc) =	sbr.rel @p0 .LBB2_2-.Ltmp0, $4  }
0xca: {  	s12 =	rddreg [dreg:$0x9];
	[sflag:s31] =	ssyncadd.s32 $0xFFFFFF80  }
0xcb: {  	[tilespmem:s0], [sflag:$0x8] =	stream.indirect.gather [hbm4b:s4+s26], $0x80, s3, s26, $0xb8;
	[tilespmem:$0x1CD00] =	vst v63  }
0xcc: {  	s19 =	rddreg [dreg:$0x8];
	s12 =	sadd.s32 s6, s12  }
0xcd: {  	[tilespmem:s28], [sflag:$0x2] =	stream.linear.gather [hbm4b:s12+s3], $0x80, $0x38;
	[tilespmem:$0x1CD00] =	vst v63  }
0xce: {  	s6 =	sadd.s32 s6, s19  }
0xcf: {  	[tilespmem:s29], [sflag:$0x2] =	stream.linear.gather [hbm4b:s6+s3], $0x80, $0x38;
	[tilespmem:$0x1CD00] =	vst v63  }
0xd0: {  	_ =	swait.ge [sflag:s1], $0x4000  }
0xd1: {  	[sflag:s1] =	ssyncset.done $0x0  }
0xd2: {  	[sflag:s1] =	ssyncadd.s32 $0xFFFFC000  }
0xd3: {  	[spmem:s2] =	stream.indirect.scatter.add.f32 [tilespmem:s0], [sflag:$0xA], $0x80, s26, s26, $0xb8;
	[tilespmem:$0x1CD00] =	vst v63  }
0xd4: {  	_ =	swait.ge [sflag:s17], $0x4000  }
0xd5: {  	[sflag:s17] =	ssyncset.done $0x0  }
0xd6: {  	[sflag:s17] =	ssyncadd.s32 $0xFFFFC000  }
0xd7: {  	_ =	swait.ge [sflag:s7], $0x80  }
0xd8: {  	[sflag:s7] =	ssyncset.done $0x0  }
0xd9: {  	[sflag:s7] =	ssyncadd.s32 $0xFFFFFF80  }
0xda: {  	_ =	swait.ge [sflag:s7], $0x80  }
0xdb: {  	[sflag:s7] =	ssyncset.done $0x0  }
0xdc: {  	[sflag:s7] =	ssyncadd.s32 $0xFFFFFF80  }
0xdd: {  	[tilespmem:s8], [sflag:$0x9] =	stream.indirect.gather [hbm4b:s4+s26], $0x80, s28, s26, $0xb8;
	[tilespmem:$0x1CD00] =	vst v63  }
0xde: {  	s19 =	rddreg [dreg:$0x10]  }
0xdf: {  	[tilespmem:s9], [sflag:$0x3] =	stream.linear.gather [hbm4b:s19+s3], $0x80, $0x38;
	[tilespmem:$0x1CD00] =	vst v63  }
0xe0: {  	s23 =	rddreg [dreg:$0x11]  }
0xe1: {  	[tilespmem:s10], [sflag:$0x3] =	stream.linear.gather [hbm4b:s23+s3], $0x80, $0x38;
	[tilespmem:$0x1CD00] =	vst v63  }
0xe2: {  	_ =	swait.ge [sflag:s11], $0x4000  }
0xe3: {  	[sflag:s11] =	ssyncset.done $0x0  }
0xe4: {  	[sflag:s11] =	ssyncadd.s32 $0xFFFFC000  }
0xe5: {  	[spmem:s2] =	stream.indirect.scatter.add.f32 [tilespmem:s8], [sflag:$0xB], $0x80, s29, s26, $0xb8;
	[tilespmem:$0x1CD00] =	vst v63  }
0xe6: {  	_ =	swait.ge [sflag:s13], $0x4000  }
0xe7: {  	[sflag:s13] =	ssyncset.done $0x0  }
0xe8: {  	[sflag:s13] =	ssyncadd.s32 $0xFFFFC000  }
0xe9: {  	_ =	swait.ge [sflag:s14], $0x80  }
0xea: {  	[sflag:s14] =	ssyncset.done $0x0  }
0xeb: {  	[sflag:s14] =	ssyncadd.s32 $0xFFFFFF80  }
0xec: {  	_ =	swait.ge [sflag:s14], $0x80  }
0xed: {  	[sflag:s14] =	ssyncset.done $0x0  }
0xee: {  	[sflag:s14] =	ssyncadd.s32 $0xFFFFFF80  }
0xef: {  	[tilespmem:s0], [sflag:$0x8] =	stream.indirect.gather [hbm4b:s4+s26], $0x80, s9, s26, $0xb8;
	[tilespmem:$0x1CD00] =	vst v63  }
0xf0: {  	s25 =	rddreg [dreg:$0x12]  }
0xf1: {  	[tilespmem:s15], [sflag:$0x4] =	stream.linear.gather [hbm4b:s25+s3], $0x80, $0x38;
	[tilespmem:$0x1CD00] =	vst v63  }
0xf2: {  	s12 =	rddreg [dreg:$0x13]  }
0xf3: {  	[tilespmem:s16], [sflag:$0x4] =	stream.linear.gather [hbm4b:s12+s3], $0x80, $0x38;
	[tilespmem:$0x1CD00] =	vst v63  }
0xf4: {  	_ =	swait.ge [sflag:s1], $0x4000  }
0xf5: {  	[sflag:s1] =	ssyncset.done $0x0  }
0xf6: {  	[sflag:s1] =	ssyncadd.s32 $0xFFFFC000  }
0xf7: {  	[spmem:s2] =	stream.indirect.scatter.add.f32 [tilespmem:s0], [sflag:$0xA], $0x80, s10, s26, $0xb8;
	[tilespmem:$0x1CD00] =	vst v63  }
0xf8: {  	_ =	swait.ge [sflag:s17], $0x4000  }
0xf9: {  	[sflag:s17] =	ssyncset.done $0x0  }
0xfa: {  	[sflag:s17] =	ssyncadd.s32 $0xFFFFC000  }
0xfb: {  	_ =	swait.ge [sflag:s18], $0x80  }
0xfc: {  	[sflag:s18] =	ssyncset.done $0x0  }
0xfd: {  	[sflag:s18] =	ssyncadd.s32 $0xFFFFFF80  }
0xfe: {  	_ =	swait.ge [sflag:s18], $0x80  }
0xff: {  	[sflag:s18] =	ssyncset.done $0x0  }
0x100: {  	[sflag:s18] =	ssyncadd.s32 $0xFFFFFF80  }
0x101: {  	[tilespmem:s8], [sflag:$0x9] =	stream.indirect.gather [hbm4b:s4+s26], $0x80, s15, s26, $0xb8;
	[tilespmem:$0x1CD00] =	vst v63  }
0x102: {  	s19 =	rddreg [dreg:$0x14]  }
0x103: {  	[tilespmem:s3], [sflag:$0x1] =	stream.linear.gather [hbm4b:s19+s3], $0x80, $0x38;
	[tilespmem:$0x1CD00] =	vst v63  }
0x104: {  	s23 =	rddreg [dreg:$0x15]  }
0x105: {  	[tilespmem:s26], [sflag:$0x1] =	stream.linear.gather [hbm4b:s23+s3], $0x80, $0x38;
	[tilespmem:$0x1CD00] =	vst v63  }
0x106: {  	_ =	swait.ge [sflag:s11], $0x4000  }
0x107: {  	[sflag:s11] =	ssyncset.done $0x0  }
0x108: {  	[sflag:s11] =	ssyncadd.s32 $0xFFFFC000  }
0x109: {  	[spmem:s2] =	stream.indirect.scatter.add.f32 [tilespmem:s8], [sflag:$0xB], $0x80, s16, s26, $0xb8;
	[tilespmem:$0x1CD00] =	vst v63  }
0x10a: {  	_ =	swait.ge [sflag:s13], $0x4000  }
0x10b: {  	[sflag:s13] =	ssyncset.done $0x0  }
0x10c: {  	[sflag:s13] =	ssyncadd.s32 $0xFFFFC000  }
0x10d: {  	_ =	swait.ge [sflag:s31], $0x80  }
0x10e: {  	[sflag:s31] =	ssyncset.done $0x0  }
0x10f: {  	[sflag:s31] =	ssyncadd.s32 $0xFFFFFF80  }
0x110: {  	_ =	swait.ge [sflag:s31], $0x80  }
0x111: {  	[sflag:s31] =	ssyncset.done $0x0  }
0x112: {  	[sflag:s31] =	ssyncadd.s32 $0xFFFFFF80  }
0x113: {  	[tilespmem:s0], [sflag:$0x8] =	stream.indirect.gather [hbm4b:s4+s26], $0x80, s3, s26, $0xb8;
	[tilespmem:$0x1CD00] =	vst v63  }
0x114: {  	s25 =	rddreg [dreg:$0x16]  }
0x115: {  	[tilespmem:s28], [sflag:$0x2] =	stream.linear.gather [hbm4b:s25+s3], $0x80, $0x38;
	[tilespmem:$0x1CD00] =	vst v63  }
0x116: {  	s12 =	rddreg [dreg:$0x17]  }
0x117: {  	[tilespmem:s29], [sflag:$0x2] =	stream.linear.gather [hbm4b:s12+s3], $0x80, $0x38;
	[tilespmem:$0x1CD00] =	vst v63  }
0x118: {  	_ =	swait.ge [sflag:s1], $0x4000  }
0x119: {  	[sflag:s1] =	ssyncset.done $0x0  }
0x11a: {  	[sflag:s1] =	ssyncadd.s32 $0xFFFFC000  }
0x11b: {  	[spmem:s2] =	stream.indirect.scatter.add.f32 [tilespmem:s0], [sflag:$0xA], $0x80, s26, s26, $0xb8;
	[tilespmem:$0x1CD00] =	vst v63  }
0x11c: {  	_ =	swait.ge [sflag:s17], $0x4000  }
0x11d: {  	[sflag:s17] =	ssyncset.done $0x0  }
0x11e: {  	[sflag:s17] =	ssyncadd.s32 $0xFFFFC000  }
0x11f: {  	_ =	swait.ge [sflag:s7], $0x80  }
0x120: {  	[sflag:s7] =	ssyncset.done $0x0  }
0x121: {  	[sflag:s7] =	ssyncadd.s32 $0xFFFFFF80  }
0x122: {  	_ =	swait.ge [sflag:s7], $0x80  }
0x123: {  	[sflag:s7] =	ssyncset.done $0x0  }
0x124: {  	[sflag:s7] =	ssyncadd.s32 $0xFFFFFF80  }
0x125: {  	[tilespmem:s8], [sflag:$0x9] =	stream.indirect.gather [hbm4b:s4+s26], $0x80, s28, s26, $0xb8;
	[tilespmem:$0x1CD00] =	vst v63  }
0x126: {  	_ =	swait.ge [sflag:s11], $0x4000  }
0x127: {  	[sflag:s11] =	ssyncset.done $0x0  }
0x128: {  	[sflag:s11] =	ssyncadd.s32 $0xFFFFC000  }
0x129: {  	[spmem:s2] =	stream.indirect.scatter.add.f32 [tilespmem:s8], [sflag:$0xB], $0x80, s29, s26, $0xb8;
	[tilespmem:$0x1CD00] =	vst v63  }
0x12a: {  	_ =	swait.ge [sflag:s13], $0x4000  }
0x12b: {  	[sflag:s13] =	ssyncset.done $0x0  }
0x12c: {  	s12 =	simm.s32 $0x400;
	s19 =	rddreg [dreg:$0x18];
	[sflag:s13] =	ssyncadd.s32 $0xFFFFC000  }
0x12d: {  	[tilespmem:s12], [sflag:$0x5] =	stream.linear.gather [hbm4b:s19+s3], $0x10, $0x38;
	[tilespmem:$0x1CD00] =	vst v63  }
0x12e: {  	s23 =	rddreg [dreg:$0x19];
	s19 =	simm.s32 $0x480  }
0x12f: {  	[tilespmem:s19], [sflag:$0x5] =	stream.linear.gather [hbm4b:s23+s3], $0x10, $0x38;
	[tilespmem:$0x1CD00] =	vst v63  }
0x130: {  	_ =	swait.ge [sflag:s21], $0x10  }
0x131: {  	[sflag:s21] =	ssyncset.done $0x0  }
0x132: {  	[sflag:s21] =	ssyncadd.s32 $0xFFFFFFF0  }
0x133: {  	_ =	swait.ge [sflag:s21], $0x10  }
0x134: {  	s6 =	simm.s32 $0x10;
	[sflag:s21] =	ssyncset.done $0x0  }
0x135: {  	s25 =	simm.s32 $0x6;
	s23 =	simm.s32 $0x8500;
	[sflag:s21] =	ssyncadd.s32 $0xFFFFFFF0  }
0x136: {  	[tilespmem:s23], [sflag:$0x6] =	stream.indirect.gather [hbm4b:s4+s6], $0x80, s12, s6, $0xb8;
	[tilespmem:$0x1CD00] =	vst v63  }
0x137: {  	_ =	swait.ge [sflag:s25], $0x800  }
0x138: {  	[sflag:s25] =	ssyncset.done $0x0  }
0x139: {  	[sflag:s25] =	ssyncadd.s32 $0xFFFFF800  }
0x13a: {  	[spmem:s2] =	stream.indirect.scatter.add.f32 [tilespmem:s23], [sflag:$0x7], $0x80, s19, s6, $0xb8;
	[tilespmem:$0x1CD00] =	vst v63  }
0x13b: {  	_ =	swait.ge [sflag:s17], $0x4000  }
0x13c: {  	[sflag:s17] =	ssyncset.done $0x0  }
0x13d: {  	s19 =	simm.s32 $0x7;
	[sflag:s17] =	ssyncadd.s32 $0xFFFFC000  }
0x13e: {  	_ =	swait.ge [sflag:s19], $0x800  }
0x13f: {  	[sflag:s19] =	ssyncset.done $0x0  }
0x140: {  	[sflag:s19] =	ssyncadd.s32 $0xFFFFF800  }
0x141: {  	[bflag:$0x0] =	sbarrier.arrive $0xFFFF  }
0x142: {  	s23 =	rddreg [dreg:$0x1a]  }
0x143: {  	[hbm:s23], [sflag:s24] =	dma.local [spmem:s22], $0x2800  }
0x144: {  	_ =	swait.ge [sflag:s30], $0x2800  }
0x145: {  	s20 =	sadd.s32 $0x1, s20;
	s25 =	rddreg [dreg:$0x1b]  }
0x146: {  	p0 =	sne.s32 s20, s25  }
.Ltmp1:
0x147: {  	_ = 	snop;
	(pc) =	sbr.rel @p0 .LBB2_1-.Ltmp1, $3  }
0x148: {  	_ =	sdelay $0x1  }
0x149: {  	[sflag:s30] =	ssyncset.done $0x0  }
0x14a: {  	s12 =	smov.u32 s24;
	[sflag:s30] =	ssyncadd.s32 $0xFFFFD800  }
0x14b: {  	_ =	sfence.sel $0x180000  }
0x14c: {  	[bflag:$0x0] =	sbarrier.arrive $0xFFFF  }
0x14d: {  	_ =	strace $0x9000004A  }
0x14e: {  	s0 =	stileid.u32;
	[bflag:$0x2] =	sbarrier.arrive $0xFFFF  }
0x14f: {  	p0 =	sne.s32 s0, $0x0;
	s0 =	rddreg [dreg:$0x2]  }
0x150: {  	s0 =	sadd.s32 @!p0 $0x100000, s0  }
0x151: {  	[sflag:s0] =	ssyncadd.tile.s32 @!p0 $0x1;
	_ =	shalt  }
.Lfunc_end2:
_tile_overlayer_lowered:
.L_overlay_start_2:
0x152: {  	(tag) =	ssettag $0x2  }
0x153: {  	s0 =	rddreg [dreg:$0x0];
	s2 =	stileid.u32  }
0x154: {  	s1 =	rddreg [dreg:$0x1];
	p0 =	sne.s32 s2, $0x0  }
0x155: {  	s3 =	rddreg [dreg:$0x2];
	[bflag:$0x3] =	sbarrier.arrive $0xFFFF;
	s2 =	simm.s32 @!p0 $0x1C0C  }
0x156: {  	[timem:s3], [sflag:s2] =	dma.local @!p0 [hbm:s0], s1  }
0x157: {  	s0 =	simm.s32 @!p0 $0xC  }
0x158: {  	_ =	swait.ge @!p0 [sflag:s0], s1  }
0x159: {  	s1 =	ssub.s32 @!p0 $0x0, s1;
	[sflag:s0] =	ssyncset.done @!p0 $0x0  }
0x15a: {  	[sflag:s0] =	ssyncadd.s32 @!p0 s1  }
0x15b: {  	[bflag:$0x3] =	sbarrier.arrive $0xFFFF  }
0x15c: {  	_ =	shalt  }

// kernel: kernel.14.cloned.1.call-start
scs
__scs_entry_jumppad:
0x0: {  	(pc) =	sbr.rel $0x88, $3  }
0x1: {  	(tag) =	ssettag $0x0;
	lr =	simm.s32 $0x1  }
0x2: {  	[smem:$0x3F9B] =	sst lr;
	_ =	strace $0xD0000000  }
0x3: {  	_ = 	snop  }
0x4: {  	_ = 	snop  }
0x5: {  	_ = 	snop  }
0x6: {  	_ = 	snop  }
0x7: {  	_ = 	snop  }
__scs_overlays_trampoline_lowered:
0x8: {  	[smem:$0x3FAA] =	sst s0  }
0x9: {  	[smem:$0x3FAB] =	sst s1  }
0xa: {  	[smem:$0x3FAC] =	sst s2  }
0xb: {  	[smem:$0x3FAD] =	sst s3  }
0xc: {  	[smem:$0x3FAE] =	sst s4  }
0xd: {  	[smem:$0x3FAF] =	sst s5  }
0xe: {  	[smem:$0x3FB0] =	sst s6  }
0xf: {  	[smem:$0x3FB1] =	sst s7  }
0x10: {  	[smem:$0x3FB2] =	sst s8  }
0x11: {  	[smem:$0x3FB3] =	sst s9;
	s0 =	simm.s32 @!p0 $0x0  }
0x12: {  	s1 =	sld [smem:$0x3F99];
	s0 =	simm.s32 @p0 $0x1  }
0x13: {  	[smem:$0x3FB4] =	sst s0;
	s0 =	simm.s32 @!p1 $0x0  }
0x14: {  	s2 =	sld [smem:$0x3F98];
	s0 =	simm.s32 @p1 $0x1  }
0x15: {  	[smem:$0x3FB5] =	sst s0;
	s0 =	simm.s32 @!p2 $0x0  }
0x16: {  	s3 =	sld [smem:$0x3FDB];
	s0 =	simm.s32 @p2 $0x1  }
0x17: {  	s4 =	simm.s32 $0x1BF5;
	[smem:$0x3FB7] =	sst s0  }
0x18: {  	s0 =	sld [smem:$0x3F9A];
	_ =	swait.ge [sflag:s4], $0x0  }
0x19: {  	s7 =	sld [smem:$0x3F9B]  }
0x1a: {  	s8 =	sadd.s32 $0xFFFFE003, lr  }
0x1b: {  	s9 =	sadd.s32 $0xFFFFFEF7, lr;
	s5 =	simm.s32 $0xFFFFFFFF;
	p2 =	slt.u32 s8, $0xFFFFF086  }
0x1c: {  	p1 =	slt.u32 s9, $0xF7A;
	s5 =	simm.s32 @!p2 $0x0  }
0x1d: {  	s5 =	simm.s32 @p1 $0x1;
	p0 =	seq.s32 s7, s2  }
0x1e: {  	s7 =	smul.u32 @!p0 $0xF7A, s2;
	p2 =	seq.s32 @!p0 s5, $0x0  }
0x1f: {  	s9 =	smul.u32 $0xF7A, s1;
	s8 =	simm.s32 @!p0 $0x1BF5;
	p2 =	por !p2, p0  }
0x20: {  	[sflag:s8] =	ssyncset.s32 @!p0 $0xFFFFF086;
	s6 =	sadd.s32 @!p0 s3, s7;
	s7 =	simm.s32 @!p0 $0x108  }
0x21: {  	s3 =	sadd.s32 s3, s9;
	s6 =	sadd.s32 @!p0 $0x88, s6;
	s7 =	simm.s32 @p2 $0x1082  }
0x22: {  	[simem:s7], [sflag:s8] =	dma.local @!p0 [hbm:s6], $0xF7A  }
0x23: {  	s9 =	sor.u32 $0xD0000000, s2;
	s6 =	simm.s32 $0x108;
	_ =	swait.ge @!p0 [sflag:s8], $0x0  }
0x24: {  	s3 =	sadd.s32 $0x88, s3;
	s6 =	simm.s32 @!p1 $0x1082;
	[sflag:s4] =	ssyncset.s32 $0xFFFFF086  }
0x25: {  	[simem:s6], [sflag:s4] =	dma.local [hbm:s3], $0xF7A  }
0x26: {  	[smem:$0x3F9B] =	sst s1;
	(tag) =	ssettag s2;
	_ =	strace s9  }
0x27: {  	s1 =	sld [smem:$0x3FAB]  }
0x28: {  	s2 =	sld [smem:$0x3FAC]  }
0x29: {  	s4 =	sld [smem:$0x3FAE]  }
0x2a: {  	p0 =	seq.s32 s5, $0x0;
	s5 =	sld [smem:$0x3FAF]  }
0x2b: {  	s6 =	sld [smem:$0x3FB0]  }
0x2c: {  	s7 =	sld [smem:$0x3FB1]  }
0x2d: {  	s3 =	simm.s32 $0x108;
	s8 =	sld [smem:$0x3FB2]  }
0x2e: {  	s3 =	simm.s32 @!p0 $0x1082;
	s9 =	sld [smem:$0x3FB3]  }
0x2f: {  	lr =	sadd.s32 s0, s3;
	s0 =	sld [smem:$0x3FAA]  }
0x30: {  	s3 =	sld [smem:$0x3FAD]  }
0x31: {  	[smem:$0x3FB6] =	sst s10  }
0x32: {  	s10 =	sld [smem:$0x3FB4];
	_ =	sdelay $0x3  }
0x33: {  	p0 =	seq.s32 s10, $0x1;
	s10 =	sld [smem:$0x3FB6];
	_ =	sdelay $0x3  }
0x34: {  	[smem:$0x3FB6] =	sst s10  }
0x35: {  	s10 =	sld [smem:$0x3FB5];
	_ =	sdelay $0x3  }
0x36: {  	p1 =	seq.s32 s10, $0x1;
	s10 =	sld [smem:$0x3FB6];
	_ =	sdelay $0x3  }
0x37: {  	[smem:$0x3FB6] =	sst s10  }
0x38: {  	s10 =	sld [smem:$0x3FB7]  }
0x39: {  	_ = 	snop;
	(pc) =	sbr.ind lr, $3  }
0x3a: {  	_ = 	snop  }
0x3b: {  	_ = 	snop  }
0x3c: {  	p2 =	seq.s32 s10, $0x1;
	s10 =	sld [smem:$0x3FB6]  }
0x3d: {  	_ =	shalt  }
0x3e: {  	_ =	shalt  }
0x3f: {  	_ =	shalt  }
0x40: {  	_ =	shalt  }
0x41: {  	_ =	shalt  }
0x42: {  	_ =	shalt  }
0x43: {  	_ =	shalt  }
0x44: {  	_ =	shalt  }
0x45: {  	_ =	shalt  }
0x46: {  	_ =	shalt  }
0x47: {  	_ =	shalt  }
0x48: {  	_ =	shalt  }
0x49: {  	_ =	shalt  }
0x4a: {  	_ =	shalt  }
0x4b: {  	_ =	shalt  }
0x4c: {  	_ =	shalt  }
0x4d: {  	_ =	shalt  }
0x4e: {  	_ =	shalt  }
0x4f: {  	_ =	shalt  }
0x50: {  	_ =	shalt  }
0x51: {  	_ =	shalt  }
0x52: {  	_ =	shalt  }
0x53: {  	_ =	shalt  }
0x54: {  	_ =	shalt  }
0x55: {  	_ =	shalt  }
0x56: {  	_ =	shalt  }
0x57: {  	_ =	shalt  }
0x58: {  	_ =	shalt  }
0x59: {  	_ =	shalt  }
0x5a: {  	_ =	shalt  }
0x5b: {  	_ =	shalt  }
0x5c: {  	_ =	shalt  }
0x5d: {  	_ =	shalt  }
0x5e: {  	_ =	shalt  }
0x5f: {  	_ =	shalt  }
0x60: {  	_ =	shalt  }
0x61: {  	_ =	shalt  }
0x62: {  	_ =	shalt  }
0x63: {  	_ =	shalt  }
0x64: {  	_ =	shalt  }
0x65: {  	_ =	shalt  }
0x66: {  	_ =	shalt  }
0x67: {  	_ =	shalt  }
0x68: {  	_ =	shalt  }
0x69: {  	_ =	shalt  }
0x6a: {  	_ =	shalt  }
0x6b: {  	_ =	shalt  }
0x6c: {  	_ =	shalt  }
0x6d: {  	_ =	shalt  }
0x6e: {  	_ =	shalt  }
0x6f: {  	_ =	shalt  }
0x70: {  	_ =	shalt  }
0x71: {  	_ =	shalt  }
0x72: {  	_ =	shalt  }
0x73: {  	_ =	shalt  }
0x74: {  	_ =	shalt  }
0x75: {  	_ =	shalt  }
0x76: {  	_ =	shalt  }
0x77: {  	_ =	shalt  }
0x78: {  	_ =	shalt  }
0x79: {  	_ =	shalt  }
0x7a: {  	_ =	shalt  }
0x7b: {  	_ =	shalt  }
0x7c: {  	_ =	shalt  }
0x7d: {  	_ =	shalt  }
0x7e: {  	_ =	shalt  }
0x7f: {  	_ =	shalt  }
0x80: {  	_ =	shalt  }
0x81: {  	_ =	shalt  }
0x82: {  	_ =	shalt  }
0x83: {  	_ =	shalt  }
0x84: {  	_ =	shalt  }
0x85: {  	_ =	shalt  }
0x86: {  	_ =	shalt  }
0x87: {  	_ =	shalt  }
.Lfunc_end0:
.L_simem_size_0:
called_computation.2_lowered:
.L_overlay_start_0:
0x88: {  	s2 =	sld [smem:$0x3FD9]  }
0x89: {  	s3 =	sld [smem:$0x3FFE];
	_ =	sdelay $0x1  }
0x8a: {  	s1 =	srdreg.scid  }
0x8b: {  	s0 =	sand.u32 $0x1, s1  }
0x8c: {  	s16 =	sshll.u32 s0, $0xA;
	s2 =	sadd.s32 s3, s2  }
0x8d: {  	s2 =	sadd.s32 s2, s16  }
0x8e: {  	[smem:$0x3FC2] =	sst s2  }
0x8f: {  	_ = 	snop  }
0x90: {  	(tm) =	ssettm $0x1  }
0x91: {  	s17 =	sld [smem:$0x3FFB];
	_ =	sdelay $0x3  }
0x92: {  	_ =	strace s17  }
0x93: {  	s2 =	sld [smem:$0x3FFC];
	_ =	sdelay $0x3  }
0x94: {  	_ =	strace s2  }
0x95: {  	s2 =	sld [smem:$0x3FFD];
	_ =	sdelay $0x3  }
0x96: {  	_ =	strace s2  }
0x97: {  	_ =	strace $0x8FFFFFFF  }
0x98: {  	s18 =	sld [smem:$0x3FDB];
	_ =	sdelay $0x1  }
0x99: {  	s19 =	simm.s32 $_scs_section_size  }
0x9a: {  	s4 =	simm.s32 $_size__tile_overlayer_lowered;
	s5 =	simm.s32 $_tile_overlayer_lowered  }
0x9b: {  	s22 =	simm.s32 $0x1BFF;
	s21 =	sshll.u32 s5, $0x1;
	s2 =	sadd.s32 s19, s18  }
0x9c: {  	s6 =	simm.s32 $0x0;
	s20 =	sshll.u32 s4, $0x1;
	s4 =	sadd.s32 s21, s2  }
0x9d: {  	[timem:s6], [sflag:s22] =	dma.local [hbm:s4], s20  }
0x9e: {  	_ =	swait.ge [sflag:s22], s20  }
0x9f: {  	s3 =	ssub.s32 $0x0, s20;
	[sflag:s22] =	ssyncset.done $0x0  }
0xa0: {  	[sflag:s22] =	ssyncadd.s32 s3;
	_ =	sdelay $0x1  }
0xa1: {  	s23 =	simm.s32 $0x1B8B  }
0xa2: {  	_ =	swait.ge [sflag:s23], $0x1  }
0xa3: {  	[sflag:s23] =	ssyncset.done $0x0  }
0xa4: {  	s25 =	simm.s32 $0x1B8E;
	s24 =	sld [smem:$0x3FFE];
	[sflag:s23] =	ssyncadd.s32 $0xFFFFFFFF  }
0xa5: {  	s26 =	simm.s32 $execute0_lowered;
	[smem:$0x3FD2] =	sst s25  }
0xa6: {  	s4 =	sshll.u32 s26, $0x1;
	_ =	strace $0x8000004C;
	[dreg:$0x1] =	wrdreg $0xFFFFFFFF  }
0xa7: {  	s28 =	simm.s32 $_size_execute0_lowered;
	s2 =	sadd.s32 s2, s4;
	[dreg:$0x0] =	wrdreg $0x0  }
0xa8: {  	s4 =	sshll.u32 s28, $0x1;
	[dreg:$0x2] =	wrdreg s2  }
0xa9: {  	[dreg:$0x3] =	wrdreg s4  }
0xaa: {  	[dreg:$0x4] =	wrdreg $0xC0  }
0xab: {  	_ =	task [dreg:s6], $0x5FFFF  }
0xac: {  	[dreg:$0x1] =	wrdreg $0xFFFFFFFF  }
0xad: {  	[dreg:$0x0] =	wrdreg $0x60  }
0xae: {  	[dreg:$0x2] =	wrdreg s24  }
0xaf: {  	[dreg:$0x3] =	wrdreg $0x15200  }
0xb0: {  	[dreg:$0x4] =	wrdreg $0x9  }
0xb1: {  	_ =	task.clear_ibuf [dreg:s6], $0x5FFFF;
	_ =	strace $0x9000004C  }
0xb2: {  	s29 =	simm.s32 $0x9;
	_ =	strace $0x8000004E  }
0xb3: {  	_ =	swait.ge [sflag:s29], $0x1  }
0xb4: {  	[sflag:s29] =	ssyncadd.s32 $0xFFFFFFFF  }
0xb5: {  	_ =	strace $0x9000004E  }
0xb6: {  	_ =	sfence  }
0xb7: {  	s30 =	sld [smem:$0x0];
	_ =	sdelay $0x2  }
0xb8: {  	s31 =	sshll.u32 s1, $0xD;
	s1 =	sshrl.u32 s1, $0x2  }
0xb9: {  	s3 =	sand.u32 $0x4000, s31;
	s1 =	sadd.s32 s1, s30  }
0xba: {  	s0 =	sor.u32 s3, s0;
	s1 =	sshll.u32 s1, $0x11  }
0xbb: {  	s0 =	sor.u32 s1, s0  }
0xbc: {  	s0 =	sadd.s32 $0x8F2B, s0  }
0xbd: {  	[sflag:s0] =	ssyncadd.remote.s32 $0x1  }
0xbe: {  	_ =	sfence.sel $0xFFFF  }
0xbf: {  	[dreg:$0x0] =	wrdreg $0xFFFFFFFF;
	(pc) =	sbr.abs _section_cstart, $3  }
0xc0: {  	[dreg:$0x1] =	wrdreg $0xFFFFFFFF  }
0xc1: {  	_ =	task.clear_ibuf [dreg:s6], $0x2FFFF;
	_ =	strace $0x9FFFFFFF  }
0xc2: {  	(tm) =	ssettm $0x7FFFFFFF  }
0xc3: {  	_ =	shalt  }
tec
execute0_lowered:
.L_overlay_start_1:
0x0: {  	(tag) =	ssettag $0x1  }
0x1: {  	s0 =	rddreg [dreg:$0x0]  }
0x2: {  	s2 =	rddreg [dreg:$0x1];
	s3 =	simm.s32 $0x0;
	s11 =	stileid.u32  }
0x3: {  	s1 =	srdreg.scid;
	s28 =	simm.s32 $0x100;
	s29 =	simm.s32 $0x180  }
0x4: {  	s30 =	simm.s32 $0xC;
	s31 =	simm.s32 $0x1;
	[smem:$0x7FF] =	sst s3  }
0x5: {  	s6 =	smul.u32 $0x2800, s11;
	s1 =	sand.u32 $0x1, s1;
	s4 =	sshll.u32 s11, $0x1  }
0x6: {  	s25 =	smul.u32 $0x4E20, s11;
	s15 =	sshll.u32 s11, $0x6;
	_ =	strace $0x8000004D  }
0x7: {  	s7 =	smul.u32 $0x28000, s1;
	s5 =	sor.u32 s1, s4;
	s4 =	sadd.s32 $0x15C00, s0  }
0x8: {  	s10 =	ssub.s32 $0x2, s1;
	s1 =	smul.u32 $0x2710, s1;
	s19 =	sor.u32 $0x1C0C, s15  }
0x9: {  	s8 =	sshrl.u32 s6, $0x3;
	s9 =	smul.u32 $0x2710, s5;
	s5 =	sadd.s32 $0x2200, s0  }
0xa: {  	s8 =	sadd.s32 s8, s0;
	s7 =	sadd.s32 s6, s7;
	s6 =	sadd.s32 s6, s2  }
0xb: {  	s9 =	sshrl.u32 s9, $0x3;
	[dreg:$0xe] =	wrdreg s6;
	s14 =	sadd.s32 $0x1AC00, s8  }
0xc: {  	s24 =	sshrl.u32 s10, $0x1;
	s12 =	sadd.s32 s5, s9;
	[dreg:$0xf] =	wrdreg s14  }
0xd: {  	s1 =	sadd.s32 s1, s25;
	s9 =	sadd.s32 $0x9C40, s12;
	[dreg:$0xa] =	wrdreg s12  }
0xe: {  	s7 =	sshrl.u32 s7, $0x3;
	s26 =	sadd.s32 $0x10, s12;
	[dreg:$0xb] =	wrdreg s9  }
0xf: {  	s20 =	sadd.s32 $0x4E400, s1;
	s13 =	sadd.s32 $0x9C50, s12;
	[dreg:$0xc] =	wrdreg s26  }
0x10: {  	s15 =	sadd.s32 $0x4E480, s1;
	s16 =	sadd.s32 $0x4A0, s12;
	[dreg:$0xd] =	wrdreg s13  }
0x11: {  	s0 =	sadd.s32 s7, s0;
	s17 =	sadd.s32 $0xA0E0, s12;
	[dreg:$0x10] =	wrdreg s16  }
0x12: {  	s7 =	ssub.s32 s10, s24;
	s18 =	sadd.s32 $0x4B0, s12;
	[dreg:$0x11] =	wrdreg s17  }
0x13: {  	s6 =	sshrl.u32 s20, $0x3;
	s21 =	sadd.s32 $0xA0F0, s12;
	[dreg:$0x12] =	wrdreg s18  }
0x14: {  	s24 =	sadd.s32 $0x4E380, s1;
	s22 =	sadd.s32 $0x4C0, s12;
	[dreg:$0x13] =	wrdreg s21  }
0x15: {  	s23 =	sadd.s32 $0xA100, s12;
	s6 =	sadd.s32 s6, s5;
	[dreg:$0x14] =	wrdreg s22  }
0x16: {  	s25 =	sshrl.u32 s24, $0x3;
	s20 =	sadd.s32 $0x4D0, s12;
	[dreg:$0x15] =	wrdreg s23  }
0x17: {  	s24 =	sadd.s32 $0xA120, s12;
	s0 =	sadd.s32 $0x1FC00, s0;
	[dreg:$0x3] =	wrdreg s6  }
0x18: {  	s26 =	sadd.s32 $0x180, s1;
	s6 =	sadd.s32 s25, s5;
	s9 =	sadd.s32 $0x4E300, s1  }
0x19: {  	s13 =	sadd.s32 $0x100, s1;
	s16 =	sadd.s32 $0x280, s1;
	[dreg:$0x16] =	wrdreg s20  }
0x1a: {  	s22 =	sadd.s32 $0xA110, s12;
	s23 =	sadd.s32 $0x4E0, s12;
	[dreg:$0x19] =	wrdreg s24  }
0x1b: {  	[dreg:$0x1a] =	wrdreg s0;
	s25 =	smax.u32 s7, $0x1;
	s0 =	simm.s32 $0x420  }
0x1c: {  	s7 =	simm.s32 $0x2;
	s20 =	simm.s32 $0x0;
	[dreg:$0x4] =	wrdreg s6  }
0x1d: {  	s8 =	sshrl.u32 s26, $0x3;
	s10 =	sshrl.u32 s9, $0x3;
	[dreg:$0x17] =	wrdreg s22  }
0x1e: {  	s14 =	sshrl.u32 s13, $0x3;
	s18 =	sshrl.u32 s16, $0x3;
	[dreg:$0x18] =	wrdreg s23  }
0x1f: {  	[dreg:$0x1b] =	wrdreg s25;
	s26 =	sadd.s32 $0x200, s1;
	s1 =	simm.s32 $0x8  }
0x20: {  	s9 =	simm.s32 $0x200;
	s13 =	simm.s32 $0xA;
	s16 =	simm.s32 $0x380  }
0x21: {  	s8 =	sadd.s32 s8, s5;
	s11 =	sadd.s32 s10, s5;
	[dreg:$0x1c] =	wrdreg s26  }
0x22: {  	s6 =	sadd.s32 s14, s5;
	s21 =	sadd.s32 s18, s5;
	[dreg:$0x5] =	wrdreg s8  }
0x23: {  	s26 =	simm.s32 $0x80;
	s10 =	simm.s32 $0x280;
	[dreg:$0x6] =	wrdreg s11  }
0x24: {  	s14 =	simm.s32 $0x3;
	s18 =	simm.s32 $0x4;
	[dreg:$0x7] =	wrdreg s6  }
0x25: {  	s8 =	sshrl.u32 s15, $0x3;
	[dreg:$0x9] =	wrdreg s21;
	s11 =	simm.s32 $0x9  }
0x26: {  	s15 =	simm.s32 $0x300;
	s21 =	simm.s32 $0x5;
	s17 =	sadd.s32 s8, s5  }
0x27: {  	s8 =	simm.s32 $0xC20;
	[dreg:$0x8] =	wrdreg s17;
	s17 =	simm.s32 $0xB  }
.LBB2_1:
0x28: {  	s6 =	rddreg [dreg:$0xa]  }
0x29: {  	s24 =	rddreg [dreg:$0xb]  }
0x2a: {  	s25 =	rddreg [dreg:$0xc]  }
0x2b: {  	[tilespmem:s3], [sflag:$0x1] =	stream.linear.gather [hbm4b:s6+s3], $0x80, $0x38;
	[tilespmem:$0x3D20] =	vst v63  }
0x2c: {  	s12 =	rddreg [dreg:$0xd]  }
0x2d: {  	[tilespmem:s26], [sflag:$0x1] =	stream.linear.gather [hbm4b:s24+s3], $0x80, $0x38;
	[tilespmem:$0x3D20] =	vst v63  }
0x2e: {  	s22 =	rddreg [dreg:$0xe]  }
0x2f: {  	[tilespmem:s28], [sflag:$0x2] =	stream.linear.gather [hbm4b:s25+s3], $0x80, $0x38;
	[tilespmem:$0x3D20] =	vst v63  }
0x30: {  	s23 =	rddreg [dreg:$0xf];
	s22 =	sshrl.u32 s22, $0x3  }
0x31: {  	[tilespmem:s29], [sflag:$0x2] =	stream.linear.gather [hbm4b:s12+s3], $0x80, $0x38;
	[tilespmem:$0x3D20] =	vst v63  }
0x32: {  	[spmem:s22], [sflag:s19] =	dma.local [hbm:s23], $0x500  }
0x33: {  	_ =	swait.ge [sflag:s30], $0x500  }
0x34: {  	[sflag:s30] =	ssyncset.done $0x0  }
0x35: {  	[sflag:s30] =	ssyncadd.s32 $0xFFFFFB00  }
0x36: {  	[bflag:$0x0] =	sbarrier.arrive $0xFFFF  }
0x37: {  	_ =	swait.ge [sflag:s31], $0x80  }
0x38: {  	[sflag:s31] =	ssyncset.done $0x0  }
0x39: {  	[sflag:s31] =	ssyncadd.s32 $0xFFFFFF80  }
0x3a: {  	_ =	swait.ge [sflag:s31], $0x80  }
0x3b: {  	[sflag:s31] =	ssyncset.done $0x0  }
0x3c: {  	[sflag:s31] =	ssyncadd.s32 $0xFFFFFF80  }
0x3d: {  	[tilespmem:s0], [sflag:$0x8] =	stream.indirect.gather [hbm4b:s4+s26], $0x10, s3, s26, $0xb8;
	[tilespmem:$0x3D20] =	vst v63  }
0x3e: {  	_ =	swait.ge [sflag:s1], $0x800  }
0x3f: {  	p0 =	por $0x1, $0x1;
	[sflag:s1] =	ssyncset.done $0x0  }
0x40: {  	s6 =	simm.s32 @!p0 $0xB;
	[sflag:s1] =	ssyncadd.s32 $0xFFFFF800  }
0x41: {  	[spmem:s2] =	stream.indirect.scatter.add.f32 [tilespmem:s0], [sflag:$0xA], $0x10, s26, s26, $0xb8;
	[tilespmem:$0x3D20] =	vst v63  }
0x42: {  	_ =	swait.ge @!p0 [sflag:s6], $0x800  }
0x43: {  	[sflag:s6] =	ssyncset.done @!p0 $0x0  }
0x44: {  	[sflag:s6] =	ssyncadd.s32 @!p0 $0xFFFFF800  }
0x45: {  	_ =	swait.ge [sflag:s7], $0x80  }
0x46: {  	[sflag:s7] =	ssyncset.done $0x0  }
0x47: {  	[sflag:s7] =	ssyncadd.s32 $0xFFFFFF80  }
0x48: {  	_ =	swait.ge [sflag:s7], $0x80  }
0x49: {  	[sflag:s7] =	ssyncset.done $0x0  }
0x4a: {  	s25 =	rddreg [dreg:$0x7];
	[sflag:s7] =	ssyncadd.s32 $0xFFFFFF80  }
0x4b: {  	[tilespmem:s8], [sflag:$0x9] =	stream.indirect.gather [hbm4b:s4+s26], $0x10, s28, s26, $0xb8;
	[tilespmem:$0x3D20] =	vst v63  }
0x4c: {  	s12 =	rddreg [dreg:$0x6];
	s6 =	sadd.s32 $0x0, s25  }
0x4d: {  	[tilespmem:s9], [sflag:$0x3] =	stream.linear.gather [hbm4b:s6+s3], $0x80, $0x38;
	[tilespmem:$0x3D20] =	vst v63  }
0x4e: {  	s23 =	sadd.s32 $0x0, s12  }
0x4f: {  	[tilespmem:s10], [sflag:$0x3] =	stream.linear.gather [hbm4b:s23+s3], $0x80, $0x38;
	[tilespmem:$0x3D20] =	vst v63  }
0x50: {  	_ =	swait.ge [sflag:s11], $0x800  }
0x51: {  	[sflag:s11] =	ssyncset.done $0x0  }
0x52: {  	[sflag:s11] =	ssyncadd.s32 $0xFFFFF800  }
0x53: {  	[spmem:s2] =	stream.indirect.scatter.add.f32 [tilespmem:s8], [sflag:$0xB], $0x10, s29, s26, $0xb8;
	[tilespmem:$0x3D20] =	vst v63  }
0x54: {  	_ =	swait.ge [sflag:s13], $0x800  }
0x55: {  	[sflag:s13] =	ssyncset.done $0x0  }
0x56: {  	[sflag:s13] =	ssyncadd.s32 $0xFFFFF800  }
0x57: {  	_ =	swait.ge [sflag:s14], $0x80  }
0x58: {  	[sflag:s14] =	ssyncset.done $0x0  }
0x59: {  	[sflag:s14] =	ssyncadd.s32 $0xFFFFFF80  }
0x5a: {  	_ =	swait.ge [sflag:s14], $0x80  }
0x5b: {  	[sflag:s14] =	ssyncset.done $0x0  }
0x5c: {  	s25 =	rddreg [dreg:$0x5];
	[sflag:s14] =	ssyncadd.s32 $0xFFFFFF80  }
0x5d: {  	[tilespmem:s0], [sflag:$0x8] =	stream.indirect.gather [hbm4b:s4+s26], $0x10, s9, s26, $0xb8;
	[tilespmem:$0x3D20] =	vst v63  }
0x5e: {  	s12 =	rddreg [dreg:$0x4];
	s6 =	sadd.s32 $0x0, s25  }
0x5f: {  	[tilespmem:s15], [sflag:$0x4] =	stream.linear.gather [hbm4b:s6+s3], $0x80, $0x38;
	[tilespmem:$0x3D20] =	vst v63  }
0x60: {  	s24 =	smov.u32 s19;
	s19 =	sadd.s32 $0x0, s12  }
0x61: {  	[tilespmem:s16], [sflag:$0x4] =	stream.linear.gather [hbm4b:s19+s3], $0x80, $0x38;
	[tilespmem:$0x3D20] =	vst v63  }
0x62: {  	_ =	swait.ge [sflag:s1], $0x800  }
0x63: {  	[sflag:s1] =	ssyncset.done $0x0  }
0x64: {  	[sflag:s1] =	ssyncadd.s32 $0xFFFFF800  }
0x65: {  	[spmem:s2] =	stream.indirect.scatter.add.f32 [tilespmem:s0], [sflag:$0xA], $0x10, s10, s26, $0xb8;
	[tilespmem:$0x3D20] =	vst v63  }
0x66: {  	_ =	swait.ge [sflag:s17], $0x800  }
0x67: {  	[sflag:s17] =	ssyncset.done $0x0  }
0x68: {  	[sflag:s17] =	ssyncadd.s32 $0xFFFFF800  }
0x69: {  	_ =	swait.ge [sflag:s18], $0x80  }
0x6a: {  	[sflag:s18] =	ssyncset.done $0x0  }
0x6b: {  	[sflag:s18] =	ssyncadd.s32 $0xFFFFFF80  }
0x6c: {  	_ =	swait.ge [sflag:s18], $0x80  }
0x6d: {  	[sflag:s18] =	ssyncset.done $0x0;
	s25 =	rddreg [dreg:$0x1c]  }
0x6e: {  	[sflag:s18] =	ssyncadd.s32 $0xFFFFFF80;
	s23 =	sshrl.u32 s25, $0x3  }
0x6f: {  	[tilespmem:s8], [sflag:$0x9] =	stream.indirect.gather [hbm4b:s4+s26], $0x10, s15, s26, $0xb8;
	[tilespmem:$0x3D20] =	vst v63  }
0x70: {  	s12 =	rddreg [dreg:$0x3];
	s6 =	sadd.s32 s5, s23  }
0x71: {  	[tilespmem:s3], [sflag:$0x1] =	stream.linear.gather [hbm4b:s6+s3], $0x80, $0x38;
	[tilespmem:$0x3D20] =	vst v63  }
0x72: {  	s19 =	sadd.s32 $0x0, s12  }
0x73: {  	[tilespmem:s26], [sflag:$0x1] =	stream.linear.gather [hbm4b:s19+s3], $0x80, $0x38;
	[tilespmem:$0x3D20] =	vst v63  }
0x74: {  	_ =	swait.ge [sflag:s11], $0x800  }
0x75: {  	[sflag:s11] =	ssyncset.done $0x0  }
0x76: {  	[sflag:s11] =	ssyncadd.s32 $0xFFFFF800  }
0x77: {  	[spmem:s2] =	stream.indirect.scatter.add.f32 [tilespmem:s8], [sflag:$0xB], $0x10, s16, s26, $0xb8;
	[tilespmem:$0x3D20] =	vst v63  }
0x78: {  	_ =	swait.ge [sflag:s13], $0x800  }
0x79: {  	[sflag:s13] =	ssyncset.done $0x0  }
0x7a: {  	[sflag:s13] =	ssyncadd.s32 $0xFFFFF800  }
0x7b: {  	_ =	swait.ge [sflag:s31], $0x80  }
0x7c: {  	[sflag:s31] =	ssyncset.done $0x0  }
0x7d: {  	[sflag:s31] =	ssyncadd.s32 $0xFFFFFF80  }
0x7e: {  	_ =	swait.ge [sflag:s31], $0x80  }
0x7f: {  	[sflag:s31] =	ssyncset.done $0x0  }
0x80: {  	s23 =	rddreg [dreg:$0x9];
	[sflag:s31] =	ssyncadd.s32 $0xFFFFFF80  }
0x81: {  	[tilespmem:s0], [sflag:$0x8] =	stream.indirect.gather [hbm4b:s4+s26], $0x10, s3, s26, $0xb8;
	[tilespmem:$0x3D20] =	vst v63  }
0x82: {  	s6 =	sadd.s32 $0x0, s23  }
0x83: {  	[tilespmem:s28], [sflag:$0x2] =	stream.linear.gather [hbm4b:s6+s3], $0x80, $0x38;
	[tilespmem:$0x3D20] =	vst v63  }
0x84: {  	s19 =	rddreg [dreg:$0x8];
	s23 =	simm.s32 $0x40;
	s6 =	simm.s32 $0x0  }
.LBB2_2:
0x85: {  	s19 =	sadd.s32 s6, s19  }
0x86: {  	[tilespmem:s29], [sflag:$0x2] =	stream.linear.gather [hbm4b:s19+s3], $0x80, $0x38;
	[tilespmem:$0x3D20] =	vst v63  }
0x87: {  	s6 =	smov.u32 s23;
	_ =	swait.ge [sflag:s1], $0x800  }
0x88: {  	p1 =	seq.s32 s6, $0x0;
	[sflag:s1] =	ssyncset.done $0x0  }
0x89: {  	s19 =	simm.s32 @!p1 $0xB;
	[sflag:s1] =	ssyncadd.s32 $0xFFFFF800  }
0x8a: {  	[spmem:s2] =	stream.indirect.scatter.add.f32 [tilespmem:s0], [sflag:$0xA], $0x10, s26, s26, $0xb8;
	[tilespmem:$0x3D20] =	vst v63  }
0x8b: {  	_ =	swait.ge @!p1 [sflag:s19], $0x800  }
0x8c: {  	[sflag:s19] =	ssyncset.done @!p1 $0x0  }
0x8d: {  	[sflag:s19] =	ssyncadd.s32 @!p1 $0xFFFFF800  }
0x8e: {  	_ =	swait.ge [sflag:s7], $0x80  }
0x8f: {  	[sflag:s7] =	ssyncset.done $0x0  }
0x90: {  	[sflag:s7] =	ssyncadd.s32 $0xFFFFFF80  }
0x91: {  	_ =	swait.ge [sflag:s7], $0x80  }
0x92: {  	[sflag:s7] =	ssyncset.done $0x0  }
0x93: {  	s19 =	rddreg [dreg:$0x7];
	[sflag:s7] =	ssyncadd.s32 $0xFFFFFF80  }
0x94: {  	[tilespmem:s8], [sflag:$0x9] =	stream.indirect.gather [hbm4b:s4+s26], $0x10, s28, s26, $0xb8;
	[tilespmem:$0x3D20] =	vst v63  }
0x95: {  	s12 =	rddreg [dreg:$0x6];
	s19 =	sadd.s32 s6, s19  }
0x96: {  	[tilespmem:s9], [sflag:$0x3] =	stream.linear.gather [hbm4b:s19+s3], $0x80, $0x38;
	[tilespmem:$0x3D20] =	vst v63  }
0x97: {  	s12 =	sadd.s32 s6, s12  }
0x98: {  	[tilespmem:s10], [sflag:$0x3] =	stream.linear.gather [hbm4b:s12+s3], $0x80, $0x38;
	[tilespmem:$0x3D20] =	vst v63  }
0x99: {  	_ =	swait.ge [sflag:s11], $0x800  }
0x9a: {  	[sflag:s11] =	ssyncset.done $0x0  }
0x9b: {  	[sflag:s11] =	ssyncadd.s32 $0xFFFFF800  }
0x9c: {  	[spmem:s2] =	stream.indirect.scatter.add.f32 [tilespmem:s8], [sflag:$0xB], $0x10, s29, s26, $0xb8;
	[tilespmem:$0x3D20] =	vst v63  }
0x9d: {  	_ =	swait.ge [sflag:s13], $0x800  }
0x9e: {  	[sflag:s13] =	ssyncset.done $0x0  }
0x9f: {  	[sflag:s13] =	ssyncadd.s32 $0xFFFFF800  }
0xa0: {  	_ =	swait.ge [sflag:s14], $0x80  }
0xa1: {  	[sflag:s14] =	ssyncset.done $0x0  }
0xa2: {  	[sflag:s14] =	ssyncadd.s32 $0xFFFFFF80  }
0xa3: {  	_ =	swait.ge [sflag:s14], $0x80  }
0xa4: {  	[sflag:s14] =	ssyncset.done $0x0  }
0xa5: {  	s12 =	rddreg [dreg:$0x5];
	[sflag:s14] =	ssyncadd.s32 $0xFFFFFF80  }
0xa6: {  	[tilespmem:s0], [sflag:$0x8] =	stream.indirect.gather [hbm4b:s4+s26], $0x10, s9, s26, $0xb8;
	[tilespmem:$0x3D20] =	vst v63  }
0xa7: {  	s19 =	rddreg [dreg:$0x4];
	s12 =	sadd.s32 s6, s12  }
0xa8: {  	[tilespmem:s15], [sflag:$0x4] =	stream.linear.gather [hbm4b:s12+s3], $0x80, $0x38;
	[tilespmem:$0x3D20] =	vst v63  }
0xa9: {  	s19 =	sadd.s32 s6, s19  }
0xaa: {  	[tilespmem:s16], [sflag:$0x4] =	stream.linear.gather [hbm4b:s19+s3], $0x80, $0x38;
	[tilespmem:$0x3D20] =	vst v63  }
0xab: {  	_ =	swait.ge [sflag:s1], $0x800  }
0xac: {  	[sflag:s1] =	ssyncset.done $0x0  }
0xad: {  	[sflag:s1] =	ssyncadd.s32 $0xFFFFF800  }
0xae: {  	[spmem:s2] =	stream.indirect.scatter.add.f32 [tilespmem:s0], [sflag:$0xA], $0x10, s10, s26, $0xb8;
	[tilespmem:$0x3D20] =	vst v63  }
0xaf: {  	_ =	swait.ge [sflag:s17], $0x800  }
0xb0: {  	[sflag:s17] =	ssyncset.done $0x0  }
0xb1: {  	[sflag:s17] =	ssyncadd.s32 $0xFFFFF800  }
0xb2: {  	_ =	swait.ge [sflag:s18], $0x80  }
0xb3: {  	[sflag:s18] =	ssyncset.done $0x0  }
0xb4: {  	[sflag:s18] =	ssyncadd.s32 $0xFFFFFF80  }
0xb5: {  	_ =	swait.ge [sflag:s18], $0x80  }
0xb6: {  	s25 =	sadd.s32 $0x200, s25;
	[sflag:s18] =	ssyncset.done $0x0  }
0xb7: {  	s12 =	sshrl.u32 s25, $0x3;
	[sflag:s18] =	ssyncadd.s32 $0xFFFFFF80  }
0xb8: {  	[tilespmem:s8], [sflag:$0x9] =	stream.indirect.gather [hbm4b:s4+s26], $0x10, s15, s26, $0xb8;
	[tilespmem:$0x3D20] =	vst v63  }
0xb9: {  	s12 =	sadd.s32 s5, s12;
	s19 =	rddreg [dreg:$0x3]  }
0xba: {  	[tilespmem:s3], [sflag:$0x1] =	stream.linear.gather [hbm4b:s12+s3], $0x80, $0x38;
	[tilespmem:$0x3D20] =	vst v63  }
0xbb: {  	s19 =	sadd.s32 s6, s19  }
0xbc: {  	[tilespmem:s26], [sflag:$0x1] =	stream.linear.gather [hbm4b:s19+s3], $0x80, $0x38;
	[tilespmem:$0x3D20] =	vst v63  }
0xbd: {  	_ =	swait.ge [sflag:s11], $0x800  }
0xbe: {  	[sflag:s11] =	ssyncset.done $0x0  }
0xbf: {  	[sflag:s11] =	ssyncadd.s32 $0xFFFFF800  }
0xc0: {  	[spmem:s2] =	stream.indirect.scatter.add.f32 [tilespmem:s8], [sflag:$0xB], $0x10, s16, s26, $0xb8;
	[tilespmem:$0x3D20] =	vst v63  }
0xc1: {  	_ =	swait.ge [sflag:s13], $0x800  }
0xc2: {  	[sflag:s13] =	ssyncset.done $0x0  }
0xc3: {  	[sflag:s13] =	ssyncadd.s32 $0xFFFFF800  }
0xc4: {  	_ =	swait.ge [sflag:s31], $0x80  }
0xc5: {  	[sflag:s31] =	ssyncset.done $0x0  }
0xc6: {  	s23 =	sadd.s32 $0x40, s23;
	[sflag:s31] =	ssyncadd.s32 $0xFFFFFF80  }
0xc7: {  	p0 =	sne.s32 s23, $0x480;
	_ =	swait.ge [sflag:s31], $0x80  }
.Ltmp0:
0xc8: {  	[sflag:s31] =	ssyncset.done $0x0;
	(pc) =	sbr.rel @p0 .LBB2_2-.Ltmp0, $4  }
0xc9: {  	s12 =	rddreg [dreg:$0x9];
	[sflag:s31] =	ssyncadd.s32 $0xFFFFFF80  }
0xca: {  	[tilespmem:s0], [sflag:$0x8] =	stream.indirect.gather [hbm4b:s4+s26], $0x10, s3, s26, $0xb8;
	[tilespmem:$0x3D20] =	vst v63  }
0xcb: {  	s19 =	rddreg [dreg:$0x8];
	s12 =	sadd.s32 s6, s12  }
0xcc: {  	[tilespmem:s28], [sflag:$0x2] =	stream.linear.gather [hbm4b:s12+s3], $0x80, $0x38;
	[tilespmem:$0x3D20] =	vst v63  }
0xcd: {  	s6 =	sadd.s32 s6, s19  }
0xce: {  	[tilespmem:s29], [sflag:$0x2] =	stream.linear.gather [hbm4b:s6+s3], $0x80, $0x38;
	[tilespmem:$0x3D20] =	vst v63  }
0xcf: {  	_ =	swait.ge [sflag:s1], $0x800  }
0xd0: {  	[sflag:s1] =	ssyncset.done $0x0  }
0xd1: {  	[sflag:s1] =	ssyncadd.s32 $0xFFFFF800  }
0xd2: {  	[spmem:s2] =	stream.indirect.scatter.add.f32 [tilespmem:s0], [sflag:$0xA], $0x10, s26, s26, $0xb8;
	[tilespmem:$0x3D20] =	vst v63  }
0xd3: {  	_ =	swait.ge [sflag:s17], $0x800  }
0xd4: {  	[sflag:s17] =	ssyncset.done $0x0  }
0xd5: {  	[sflag:s17] =	ssyncadd.s32 $0xFFFFF800  }
0xd6: {  	_ =	swait.ge [sflag:s7], $0x80  }
0xd7: {  	[sflag:s7] =	ssyncset.done $0x0  }
0xd8: {  	[sflag:s7] =	ssyncadd.s32 $0xFFFFFF80  }
0xd9: {  	_ =	swait.ge [sflag:s7], $0x80  }
0xda: {  	[sflag:s7] =	ssyncset.done $0x0  }
0xdb: {  	[sflag:s7] =	ssyncadd.s32 $0xFFFFFF80  }
0xdc: {  	[tilespmem:s8], [sflag:$0x9] =	stream.indirect.gather [hbm4b:s4+s26], $0x10, s28, s26, $0xb8;
	[tilespmem:$0x3D20] =	vst v63  }
0xdd: {  	s19 =	rddreg [dreg:$0x10]  }
0xde: {  	[tilespmem:s9], [sflag:$0x3] =	stream.linear.gather [hbm4b:s19+s3], $0x80, $0x38;
	[tilespmem:$0x3D20] =	vst v63  }
0xdf: {  	s23 =	rddreg [dreg:$0x11]  }
0xe0: {  	[tilespmem:s10], [sflag:$0x3] =	stream.linear.gather [hbm4b:s23+s3], $0x80, $0x38;
	[tilespmem:$0x3D20] =	vst v63  }
0xe1: {  	_ =	swait.ge [sflag:s11], $0x800  }
0xe2: {  	[sflag:s11] =	ssyncset.done $0x0  }
0xe3: {  	[sflag:s11] =	ssyncadd.s32 $0xFFFFF800  }
0xe4: {  	[spmem:s2] =	stream.indirect.scatter.add.f32 [tilespmem:s8], [sflag:$0xB], $0x10, s29, s26, $0xb8;
	[tilespmem:$0x3D20] =	vst v63  }
0xe5: {  	_ =	swait.ge [sflag:s13], $0x800  }
0xe6: {  	[sflag:s13] =	ssyncset.done $0x0  }
0xe7: {  	[sflag:s13] =	ssyncadd.s32 $0xFFFFF800  }
0xe8: {  	_ =	swait.ge [sflag:s14], $0x80  }
0xe9: {  	[sflag:s14] =	ssyncset.done $0x0  }
0xea: {  	[sflag:s14] =	ssyncadd.s32 $0xFFFFFF80  }
0xeb: {  	_ =	swait.ge [sflag:s14], $0x80  }
0xec: {  	[sflag:s14] =	ssyncset.done $0x0  }
0xed: {  	[sflag:s14] =	ssyncadd.s32 $0xFFFFFF80  }
0xee: {  	[tilespmem:s0], [sflag:$0x8] =	stream.indirect.gather [hbm4b:s4+s26], $0x10, s9, s26, $0xb8;
	[tilespmem:$0x3D20] =	vst v63  }
0xef: {  	s25 =	rddreg [dreg:$0x12]  }
0xf0: {  	[tilespmem:s15], [sflag:$0x4] =	stream.linear.gather [hbm4b:s25+s3], $0x80, $0x38;
	[tilespmem:$0x3D20] =	vst v63  }
0xf1: {  	s12 =	rddreg [dreg:$0x13]  }
0xf2: {  	[tilespmem:s16], [sflag:$0x4] =	stream.linear.gather [hbm4b:s12+s3], $0x80, $0x38;
	[tilespmem:$0x3D20] =	vst v63  }
0xf3: {  	_ =	swait.ge [sflag:s1], $0x800  }
0xf4: {  	[sflag:s1] =	ssyncset.done $0x0  }
0xf5: {  	[sflag:s1] =	ssyncadd.s32 $0xFFFFF800  }
0xf6: {  	[spmem:s2] =	stream.indirect.scatter.add.f32 [tilespmem:s0], [sflag:$0xA], $0x10, s10, s26, $0xb8;
	[tilespmem:$0x3D20] =	vst v63  }
0xf7: {  	_ =	swait.ge [sflag:s17], $0x800  }
0xf8: {  	[sflag:s17] =	ssyncset.done $0x0  }
0xf9: {  	[sflag:s17] =	ssyncadd.s32 $0xFFFFF800  }
0xfa: {  	_ =	swait.ge [sflag:s18], $0x80  }
0xfb: {  	[sflag:s18] =	ssyncset.done $0x0  }
0xfc: {  	[sflag:s18] =	ssyncadd.s32 $0xFFFFFF80  }
0xfd: {  	_ =	swait.ge [sflag:s18], $0x80  }
0xfe: {  	[sflag:s18] =	ssyncset.done $0x0  }
0xff: {  	[sflag:s18] =	ssyncadd.s32 $0xFFFFFF80  }
0x100: {  	[tilespmem:s8], [sflag:$0x9] =	stream.indirect.gather [hbm4b:s4+s26], $0x10, s15, s26, $0xb8;
	[tilespmem:$0x3D20] =	vst v63  }
0x101: {  	s19 =	rddreg [dreg:$0x14]  }
0x102: {  	[tilespmem:s3], [sflag:$0x1] =	stream.linear.gather [hbm4b:s19+s3], $0x80, $0x38;
	[tilespmem:$0x3D20] =	vst v63  }
0x103: {  	s23 =	rddreg [dreg:$0x15]  }
0x104: {  	[tilespmem:s26], [sflag:$0x1] =	stream.linear.gather [hbm4b:s23+s3], $0x80, $0x38;
	[tilespmem:$0x3D20] =	vst v63  }
0x105: {  	_ =	swait.ge [sflag:s11], $0x800  }
0x106: {  	[sflag:s11] =	ssyncset.done $0x0  }
0x107: {  	[sflag:s11] =	ssyncadd.s32 $0xFFFFF800  }
0x108: {  	[spmem:s2] =	stream.indirect.scatter.add.f32 [tilespmem:s8], [sflag:$0xB], $0x10, s16, s26, $0xb8;
	[tilespmem:$0x3D20] =	vst v63  }
0x109: {  	_ =	swait.ge [sflag:s13], $0x800  }
0x10a: {  	[sflag:s13] =	ssyncset.done $0x0  }
0x10b: {  	[sflag:s13] =	ssyncadd.s32 $0xFFFFF800  }
0x10c: {  	_ =	swait.ge [sflag:s31], $0x80  }
0x10d: {  	[sflag:s31] =	ssyncset.done $0x0  }
0x10e: {  	[sflag:s31] =	ssyncadd.s32 $0xFFFFFF80  }
0x10f: {  	_ =	swait.ge [sflag:s31], $0x80  }
0x110: {  	[sflag:s31] =	ssyncset.done $0x0  }
0x111: {  	[sflag:s31] =	ssyncadd.s32 $0xFFFFFF80  }
0x112: {  	[tilespmem:s0], [sflag:$0x8] =	stream.indirect.gather [hbm4b:s4+s26], $0x10, s3, s26, $0xb8;
	[tilespmem:$0x3D20] =	vst v63  }
0x113: {  	s25 =	rddreg [dreg:$0x16]  }
0x114: {  	[tilespmem:s28], [sflag:$0x2] =	stream.linear.gather [hbm4b:s25+s3], $0x80, $0x38;
	[tilespmem:$0x3D20] =	vst v63  }
0x115: {  	s12 =	rddreg [dreg:$0x17]  }
0x116: {  	[tilespmem:s29], [sflag:$0x2] =	stream.linear.gather [hbm4b:s12+s3], $0x80, $0x38;
	[tilespmem:$0x3D20] =	vst v63  }
0x117: {  	_ =	swait.ge [sflag:s1], $0x800  }
0x118: {  	[sflag:s1] =	ssyncset.done $0x0  }
0x119: {  	[sflag:s1] =	ssyncadd.s32 $0xFFFFF800  }
0x11a: {  	[spmem:s2] =	stream.indirect.scatter.add.f32 [tilespmem:s0], [sflag:$0xA], $0x10, s26, s26, $0xb8;
	[tilespmem:$0x3D20] =	vst v63  }
0x11b: {  	_ =	swait.ge [sflag:s17], $0x800  }
0x11c: {  	[sflag:s17] =	ssyncset.done $0x0  }
0x11d: {  	[sflag:s17] =	ssyncadd.s32 $0xFFFFF800  }
0x11e: {  	_ =	swait.ge [sflag:s7], $0x80  }
0x11f: {  	[sflag:s7] =	ssyncset.done $0x0  }
0x120: {  	[sflag:s7] =	ssyncadd.s32 $0xFFFFFF80  }
0x121: {  	_ =	swait.ge [sflag:s7], $0x80  }
0x122: {  	[sflag:s7] =	ssyncset.done $0x0  }
0x123: {  	[sflag:s7] =	ssyncadd.s32 $0xFFFFFF80  }
0x124: {  	[tilespmem:s8], [sflag:$0x9] =	stream.indirect.gather [hbm4b:s4+s26], $0x10, s28, s26, $0xb8;
	[tilespmem:$0x3D20] =	vst v63  }
0x125: {  	_ =	swait.ge [sflag:s11], $0x800  }
0x126: {  	[sflag:s11] =	ssyncset.done $0x0  }
0x127: {  	[sflag:s11] =	ssyncadd.s32 $0xFFFFF800  }
0x128: {  	[spmem:s2] =	stream.indirect.scatter.add.f32 [tilespmem:s8], [sflag:$0xB], $0x10, s29, s26, $0xb8;
	[tilespmem:$0x3D20] =	vst v63  }
0x129: {  	_ =	swait.ge [sflag:s13], $0x800  }
0x12a: {  	[sflag:s13] =	ssyncset.done $0x0  }
0x12b: {  	s12 =	simm.s32 $0x400;
	s19 =	rddreg [dreg:$0x18];
	[sflag:s13] =	ssyncadd.s32 $0xFFFFF800  }
0x12c: {  	[tilespmem:s12], [sflag:$0x5] =	stream.linear.gather [hbm4b:s19+s3], $0x10, $0x38;
	[tilespmem:$0x3D20] =	vst v63  }
0x12d: {  	s23 =	rddreg [dreg:$0x19];
	s19 =	simm.s32 $0x410  }
0x12e: {  	[tilespmem:s19], [sflag:$0x5] =	stream.linear.gather [hbm4b:s23+s3], $0x10, $0x38;
	[tilespmem:$0x3D20] =	vst v63  }
0x12f: {  	_ =	swait.ge [sflag:s21], $0x10  }
0x130: {  	[sflag:s21] =	ssyncset.done $0x0  }
0x131: {  	[sflag:s21] =	ssyncadd.s32 $0xFFFFFFF0  }
0x132: {  	_ =	swait.ge [sflag:s21], $0x10  }
0x133: {  	s6 =	simm.s32 $0x10;
	[sflag:s21] =	ssyncset.done $0x0  }
0x134: {  	s25 =	simm.s32 $0x6;
	s23 =	simm.s32 $0x1420;
	[sflag:s21] =	ssyncadd.s32 $0xFFFFFFF0  }
0x135: {  	[tilespmem:s23], [sflag:$0x6] =	stream.indirect.gather [hbm4b:s4+s6], $0x10, s12, s6, $0xb8;
	[tilespmem:$0x3D20] =	vst v63  }
0x136: {  	_ =	swait.ge [sflag:s25], $0x100  }
0x137: {  	[sflag:s25] =	ssyncset.done $0x0  }
0x138: {  	[sflag:s25] =	ssyncadd.s32 $0xFFFFFF00  }
0x139: {  	[spmem:s2] =	stream.indirect.scatter.add.f32 [tilespmem:s23], [sflag:$0x7], $0x10, s19, s6, $0xb8;
	[tilespmem:$0x3D20] =	vst v63  }
0x13a: {  	_ =	swait.ge [sflag:s17], $0x800  }
0x13b: {  	[sflag:s17] =	ssyncset.done $0x0  }
0x13c: {  	s19 =	simm.s32 $0x7;
	[sflag:s17] =	ssyncadd.s32 $0xFFFFF800  }
0x13d: {  	_ =	swait.ge [sflag:s19], $0x100  }
0x13e: {  	[sflag:s19] =	ssyncset.done $0x0  }
0x13f: {  	[sflag:s19] =	ssyncadd.s32 $0xFFFFFF00  }
0x140: {  	[bflag:$0x0] =	sbarrier.arrive $0xFFFF  }
0x141: {  	s23 =	rddreg [dreg:$0x1a]  }
0x142: {  	[hbm:s23], [sflag:s24] =	dma.local [spmem:s22], $0x500  }
0x143: {  	_ =	swait.ge [sflag:s30], $0x500  }
0x144: {  	s20 =	sadd.s32 $0x1, s20;
	s25 =	rddreg [dreg:$0x1b]  }
0x145: {  	p0 =	sne.s32 s20, s25  }
.Ltmp1:
0x146: {  	_ = 	snop;
	(pc) =	sbr.rel @p0 .LBB2_1-.Ltmp1, $3  }
0x147: {  	_ =	sdelay $0x1  }
0x148: {  	[sflag:s30] =	ssyncset.done $0x0  }
0x149: {  	s19 =	smov.u32 s24;
	[sflag:s30] =	ssyncadd.s32 $0xFFFFFB00  }
0x14a: {  	_ =	sfence.sel $0x180000  }
0x14b: {  	[bflag:$0x0] =	sbarrier.arrive $0xFFFF  }
0x14c: {  	_ =	strace $0x9000004D  }
0x14d: {  	s0 =	stileid.u32;
	[bflag:$0x2] =	sbarrier.arrive $0xFFFF  }
0x14e: {  	p0 =	sne.s32 s0, $0x0;
	s0 =	rddreg [dreg:$0x2]  }
0x14f: {  	s0 =	sadd.s32 @!p0 $0x100000, s0  }
0x150: {  	[sflag:s0] =	ssyncadd.tile.s32 @!p0 $0x1;
	_ =	shalt  }
.Lfunc_end2:
_tile_overlayer_lowered:
.L_overlay_start_2:
0x151: {  	(tag) =	ssettag $0x2  }
0x152: {  	s0 =	rddreg [dreg:$0x0];
	s2 =	stileid.u32  }
0x153: {  	s1 =	rddreg [dreg:$0x1];
	p0 =	sne.s32 s2, $0x0  }
0x154: {  	s3 =	rddreg [dreg:$0x2];
	[bflag:$0x3] =	sbarrier.arrive $0xFFFF;
	s2 =	simm.s32 @!p0 $0x1C0C  }
0x155: {  	[timem:s3], [sflag:s2] =	dma.local @!p0 [hbm:s0], s1  }
0x156: {  	s0 =	simm.s32 @!p0 $0xC  }
0x157: {  	_ =	swait.ge @!p0 [sflag:s0], s1  }
0x158: {  	s1 =	ssub.s32 @!p0 $0x0, s1;
	[sflag:s0] =	ssyncset.done @!p0 $0x0  }
0x159: {  	[sflag:s0] =	ssyncadd.s32 @!p0 s1  }
0x15a: {  	[bflag:$0x3] =	sbarrier.arrive $0xFFFF  }
0x15b: {  	_ =	shalt  }

// kernel: kernel.8.cloned.1.call-start
scs
__scs_entry_jumppad:
0x0: {  	(pc) =	sbr.rel $0x88, $3  }
0x1: {  	(tag) =	ssettag $0x0;
	lr =	simm.s32 $0x1  }
0x2: {  	[smem:$0x3F9B] =	sst lr;
	_ =	strace $0xD0000000  }
0x3: {  	_ = 	snop  }
0x4: {  	_ = 	snop  }
0x5: {  	_ = 	snop  }
0x6: {  	_ = 	snop  }
0x7: {  	_ = 	snop  }
__scs_overlays_trampoline_lowered:
0x8: {  	[smem:$0x3FAA] =	sst s0  }
0x9: {  	[smem:$0x3FAB] =	sst s1  }
0xa: {  	[smem:$0x3FAC] =	sst s2  }
0xb: {  	[smem:$0x3FAD] =	sst s3  }
0xc: {  	[smem:$0x3FAE] =	sst s4  }
0xd: {  	[smem:$0x3FAF] =	sst s5  }
0xe: {  	[smem:$0x3FB0] =	sst s6  }
0xf: {  	[smem:$0x3FB1] =	sst s7  }
0x10: {  	[smem:$0x3FB2] =	sst s8  }
0x11: {  	[smem:$0x3FB3] =	sst s9;
	s0 =	simm.s32 @!p0 $0x0  }
0x12: {  	s1 =	sld [smem:$0x3F99];
	s0 =	simm.s32 @p0 $0x1  }
0x13: {  	[smem:$0x3FB4] =	sst s0;
	s0 =	simm.s32 @!p1 $0x0  }
0x14: {  	s2 =	sld [smem:$0x3F98];
	s0 =	simm.s32 @p1 $0x1  }
0x15: {  	[smem:$0x3FB5] =	sst s0;
	s0 =	simm.s32 @!p2 $0x0  }
0x16: {  	s3 =	sld [smem:$0x3FDB];
	s0 =	simm.s32 @p2 $0x1  }
0x17: {  	s4 =	simm.s32 $0x1BF5;
	[smem:$0x3FB7] =	sst s0  }
0x18: {  	s0 =	sld [smem:$0x3F9A];
	_ =	swait.ge [sflag:s4], $0x0  }
0x19: {  	s7 =	sld [smem:$0x3F9B]  }
0x1a: {  	s8 =	sadd.s32 $0xFFFFE003, lr  }
0x1b: {  	s9 =	sadd.s32 $0xFFFFFEF7, lr;
	s5 =	simm.s32 $0xFFFFFFFF;
	p2 =	slt.u32 s8, $0xFFFFF086  }
0x1c: {  	p1 =	slt.u32 s9, $0xF7A;
	s5 =	simm.s32 @!p2 $0x0  }
0x1d: {  	s5 =	simm.s32 @p1 $0x1;
	p0 =	seq.s32 s7, s2  }
0x1e: {  	s7 =	smul.u32 @!p0 $0xF7A, s2;
	p2 =	seq.s32 @!p0 s5, $0x0  }
0x1f: {  	s9 =	smul.u32 $0xF7A, s1;
	s8 =	simm.s32 @!p0 $0x1BF5;
	p2 =	por !p2, p0  }
0x20: {  	[sflag:s8] =	ssyncset.s32 @!p0 $0xFFFFF086;
	s6 =	sadd.s32 @!p0 s3, s7;
	s7 =	simm.s32 @!p0 $0x108  }
0x21: {  	s3 =	sadd.s32 s3, s9;
	s6 =	sadd.s32 @!p0 $0x88, s6;
	s7 =	simm.s32 @p2 $0x1082  }
0x22: {  	[simem:s7], [sflag:s8] =	dma.local @!p0 [hbm:s6], $0xF7A  }
0x23: {  	s9 =	sor.u32 $0xD0000000, s2;
	s6 =	simm.s32 $0x108;
	_ =	swait.ge @!p0 [sflag:s8], $0x0  }
0x24: {  	s3 =	sadd.s32 $0x88, s3;
	s6 =	simm.s32 @!p1 $0x1082;
	[sflag:s4] =	ssyncset.s32 $0xFFFFF086  }
0x25: {  	[simem:s6], [sflag:s4] =	dma.local [hbm:s3], $0xF7A  }
0x26: {  	[smem:$0x3F9B] =	sst s1;
	(tag) =	ssettag s2;
	_ =	strace s9  }
0x27: {  	s1 =	sld [smem:$0x3FAB]  }
0x28: {  	s2 =	sld [smem:$0x3FAC]  }
0x29: {  	s4 =	sld [smem:$0x3FAE]  }
0x2a: {  	p0 =	seq.s32 s5, $0x0;
	s5 =	sld [smem:$0x3FAF]  }
0x2b: {  	s6 =	sld [smem:$0x3FB0]  }
0x2c: {  	s7 =	sld [smem:$0x3FB1]  }
0x2d: {  	s3 =	simm.s32 $0x108;
	s8 =	sld [smem:$0x3FB2]  }
0x2e: {  	s3 =	simm.s32 @!p0 $0x1082;
	s9 =	sld [smem:$0x3FB3]  }
0x2f: {  	lr =	sadd.s32 s0, s3;
	s0 =	sld [smem:$0x3FAA]  }
0x30: {  	s3 =	sld [smem:$0x3FAD]  }
0x31: {  	[smem:$0x3FB6] =	sst s10  }
0x32: {  	s10 =	sld [smem:$0x3FB4];
	_ =	sdelay $0x3  }
0x33: {  	p0 =	seq.s32 s10, $0x1;
	s10 =	sld [smem:$0x3FB6];
	_ =	sdelay $0x3  }
0x34: {  	[smem:$0x3FB6] =	sst s10  }
0x35: {  	s10 =	sld [smem:$0x3FB5];
	_ =	sdelay $0x3  }
0x36: {  	p1 =	seq.s32 s10, $0x1;
	s10 =	sld [smem:$0x3FB6];
	_ =	sdelay $0x3  }
0x37: {  	[smem:$0x3FB6] =	sst s10  }
0x38: {  	s10 =	sld [smem:$0x3FB7]  }
0x39: {  	_ = 	snop;
	(pc) =	sbr.ind lr, $3  }
0x3a: {  	_ = 	snop  }
0x3b: {  	_ = 	snop  }
0x3c: {  	p2 =	seq.s32 s10, $0x1;
	s10 =	sld [smem:$0x3FB6]  }
0x3d: {  	_ =	shalt  }
0x3e: {  	_ =	shalt  }
0x3f: {  	_ =	shalt  }
0x40: {  	_ =	shalt  }
0x41: {  	_ =	shalt  }
0x42: {  	_ =	shalt  }
0x43: {  	_ =	shalt  }
0x44: {  	_ =	shalt  }
0x45: {  	_ =	shalt  }
0x46: {  	_ =	shalt  }
0x47: {  	_ =	shalt  }
0x48: {  	_ =	shalt  }
0x49: {  	_ =	shalt  }
0x4a: {  	_ =	shalt  }
0x4b: {  	_ =	shalt  }
0x4c: {  	_ =	shalt  }
0x4d: {  	_ =	shalt  }
0x4e: {  	_ =	shalt  }
0x4f: {  	_ =	shalt  }
0x50: {  	_ =	shalt  }
0x51: {  	_ =	shalt  }
0x52: {  	_ =	shalt  }
0x53: {  	_ =	shalt  }
0x54: {  	_ =	shalt  }
0x55: {  	_ =	shalt  }
0x56: {  	_ =	shalt  }
0x57: {  	_ =	shalt  }
0x58: {  	_ =	shalt  }
0x59: {  	_ =	shalt  }
0x5a: {  	_ =	shalt  }
0x5b: {  	_ =	shalt  }
0x5c: {  	_ =	shalt  }
0x5d: {  	_ =	shalt  }
0x5e: {  	_ =	shalt  }
0x5f: {  	_ =	shalt  }
0x60: {  	_ =	shalt  }
0x61: {  	_ =	shalt  }
0x62: {  	_ =	shalt  }
0x63: {  	_ =	shalt  }
0x64: {  	_ =	shalt  }
0x65: {  	_ =	shalt  }
0x66: {  	_ =	shalt  }
0x67: {  	_ =	shalt  }
0x68: {  	_ =	shalt  }
0x69: {  	_ =	shalt  }
0x6a: {  	_ =	shalt  }
0x6b: {  	_ =	shalt  }
0x6c: {  	_ =	shalt  }
0x6d: {  	_ =	shalt  }
0x6e: {  	_ =	shalt  }
0x6f: {  	_ =	shalt  }
0x70: {  	_ =	shalt  }
0x71: {  	_ =	shalt  }
0x72: {  	_ =	shalt  }
0x73: {  	_ =	shalt  }
0x74: {  	_ =	shalt  }
0x75: {  	_ =	shalt  }
0x76: {  	_ =	shalt  }
0x77: {  	_ =	shalt  }
0x78: {  	_ =	shalt  }
0x79: {  	_ =	shalt  }
0x7a: {  	_ =	shalt  }
0x7b: {  	_ =	shalt  }
0x7c: {  	_ =	shalt  }
0x7d: {  	_ =	shalt  }
0x7e: {  	_ =	shalt  }
0x7f: {  	_ =	shalt  }
0x80: {  	_ =	shalt  }
0x81: {  	_ =	shalt  }
0x82: {  	_ =	shalt  }
0x83: {  	_ =	shalt  }
0x84: {  	_ =	shalt  }
0x85: {  	_ =	shalt  }
0x86: {  	_ =	shalt  }
0x87: {  	_ =	shalt  }
.Lfunc_end0:
.L_simem_size_0:
called_computation_lowered:
.L_overlay_start_0:
0x88: {  	s2 =	sld [smem:$0x3FD9]  }
0x89: {  	s3 =	sld [smem:$0x3FFE];
	_ =	sdelay $0x1  }
0x8a: {  	s1 =	srdreg.scid  }
0x8b: {  	s0 =	sand.u32 $0x1, s1  }
0x8c: {  	s17 =	sshll.u32 s0, $0xA;
	s2 =	sadd.s32 s3, s2  }
0x8d: {  	s2 =	sadd.s32 s2, s17  }
0x8e: {  	[smem:$0x3FC2] =	sst s2  }
0x8f: {  	_ = 	snop  }
0x90: {  	s2 =	sld [smem:$0x3FD0];
	(tm) =	ssettm $0x1  }
0x91: {  	s18 =	sld [smem:$0x3FFB];
	_ =	sdelay $0x3  }
0x92: {  	_ =	strace s18  }
0x93: {  	s3 =	sld [smem:$0x3FFC];
	_ =	sdelay $0x3  }
0x94: {  	_ =	strace s3  }
0x95: {  	s3 =	sld [smem:$0x3FFD];
	_ =	sdelay $0x3  }
0x96: {  	_ =	strace s3  }
0x97: {  	_ =	strace $0x8FFFFFFF  }
0x98: {  	s19 =	sld [smem:$0x3FDB];
	_ =	sdelay $0x1  }
0x99: {  	s4 =	simm.s32 $_scs_section_size  }
0x9a: {  	s5 =	simm.s32 $_size__tile_overlayer_lowered;
	s6 =	simm.s32 $_tile_overlayer_lowered  }
0x9b: {  	s22 =	simm.s32 $0x1BFF;
	s21 =	sshll.u32 s6, $0x1;
	s3 =	sadd.s32 s4, s19  }
0x9c: {  	s7 =	simm.s32 $0x0;
	s20 =	sshll.u32 s5, $0x1;
	s5 =	sadd.s32 s21, s3  }
0x9d: {  	[timem:s7], [sflag:s22] =	dma.local [hbm:s5], s20  }
0x9e: {  	_ =	swait.ge [sflag:s22], s20  }
0x9f: {  	s4 =	ssub.s32 $0x0, s20;
	[sflag:s22] =	ssyncset.done $0x0  }
0xa0: {  	[sflag:s22] =	ssyncadd.s32 s4;
	_ =	sdelay $0x1  }
0xa1: {  	s23 =	simm.s32 $0x1B8B  }
0xa2: {  	_ =	swait.ge [sflag:s23], $0x1  }
0xa3: {  	[sflag:s23] =	ssyncset.done $0x0  }
0xa4: {  	s25 =	simm.s32 $0x1B8E;
	s24 =	sld [smem:$0x3FFE];
	[sflag:s23] =	ssyncadd.s32 $0xFFFFFFFF  }
0xa5: {  	s26 =	simm.s32 $execute0_lowered;
	[smem:$0x3FD2] =	sst s25  }
0xa6: {  	s5 =	sshll.u32 s26, $0x1;
	_ =	strace $0x80000046;
	[dreg:$0x1] =	wrdreg $0xFFFFFFFF  }
0xa7: {  	s28 =	simm.s32 $_size_execute0_lowered;
	s3 =	sadd.s32 s3, s5;
	[dreg:$0x0] =	wrdreg $0x0  }
0xa8: {  	s5 =	sshll.u32 s28, $0x1;
	[dreg:$0x2] =	wrdreg s3  }
0xa9: {  	[dreg:$0x3] =	wrdreg s5  }
0xaa: {  	[dreg:$0x4] =	wrdreg $0xC0  }
0xab: {  	_ =	task [dreg:s7], $0x5FFFF  }
0xac: {  	[dreg:$0x1] =	wrdreg $0xFFFFFFFF  }
0xad: {  	[dreg:$0x0] =	wrdreg $0x60  }
0xae: {  	[dreg:$0x2] =	wrdreg s24  }
0xaf: {  	[dreg:$0x3] =	wrdreg s2  }
0xb0: {  	[dreg:$0x4] =	wrdreg $0x3000  }
0xb1: {  	[dreg:$0x5] =	wrdreg $0x9  }
0xb2: {  	_ =	task.clear_ibuf [dreg:s7], $0x6FFFF;
	_ =	strace $0x90000046  }
0xb3: {  	s29 =	simm.s32 $0x9;
	_ =	strace $0x80000048  }
0xb4: {  	_ =	swait.ge [sflag:s29], $0x1  }
0xb5: {  	[sflag:s29] =	ssyncadd.s32 $0xFFFFFFFF  }
0xb6: {  	_ =	strace $0x90000048  }
0xb7: {  	_ =	sfence  }
0xb8: {  	s30 =	sld [smem:$0x0];
	_ =	sdelay $0x2  }
0xb9: {  	s31 =	sshll.u32 s1, $0xD;
	s1 =	sshrl.u32 s1, $0x2  }
0xba: {  	s3 =	sand.u32 $0x4000, s31;
	s1 =	sadd.s32 s1, s30  }
0xbb: {  	s0 =	sor.u32 s3, s0;
	s1 =	sshll.u32 s1, $0x11  }
0xbc: {  	s0 =	sor.u32 s1, s0  }
0xbd: {  	s0 =	sadd.s32 $0x8F2B, s0  }
0xbe: {  	[sflag:s0] =	ssyncadd.remote.s32 $0x1  }
0xbf: {  	_ =	sfence.sel $0xFFFF  }
0xc0: {  	[dreg:$0x0] =	wrdreg $0xFFFFFFFF;
	(pc) =	sbr.abs _section_cstart, $3  }
0xc1: {  	[dreg:$0x1] =	wrdreg $0xFFFFFFFF  }
0xc2: {  	_ =	task.clear_ibuf [dreg:s7], $0x2FFFF;
	_ =	strace $0x9FFFFFFF  }
0xc3: {  	(tm) =	ssettm $0x7FFFFFFF  }
tec
execute0_lowered:
.L_overlay_start_1:
0x0: {  	(tag) =	ssettag $0x1  }
0x1: {  	s0 =	rddreg [dreg:$0x0]  }
0x2: {  	s1 =	rddreg [dreg:$0x1]  }
0x3: {  	s2 =	rddreg [dreg:$0x2];
	s3 =	srdreg.scid  }
0x4: {  	s11 =	stileid.u32;
	s28 =	simm.s32 $0x3;
	s29 =	simm.s32 $0x7  }
0x5: {  	s30 =	simm.s32 $0x4;
	s31 =	simm.s32 $0x8;
	s5 =	smul.u32 $0x500, s11  }
0x6: {  	s4 =	sand.u32 $0x1, s3;
	s6 =	sshll.u32 s11, $0x1;
	s9 =	smul.u32 $0x280, s11  }
0x7: {  	s3 =	simm.s32 $0x0;
	s8 =	sadd.s32 $0x2200, s0;
	s10 =	smul.u32 $0x4E20, s11  }
0x8: {  	s21 =	sshll.u32 s11, $0x6;
	s7 =	sshll.u32 s4, $0x7;
	s6 =	sor.u32 s4, s6  }
0x9: {  	[smem:$0x7FF] =	sst s3;
	s16 =	ssub.s32 $0x2, s4;
	s4 =	smul.u32 $0x2710, s4  }
0xa: {  	s5 =	sor.u32 s7, s5;
	s6 =	smul.u32 $0x2710, s6;
	_ =	strace $0x80000047  }
0xb: {  	s17 =	sshrl.u32 s16, $0x1;
	s20 =	sshrl.u32 s9, $0x3;
	s9 =	sadd.s32 s9, s2  }
0xc: {  	s7 =	sor.u32 $0x1C09, s21;
	s21 =	simm.s32 $0x9;
	s5 =	sshrl.u32 s5, $0x3  }
0xd: {  	s1 =	sadd.s32 s1, s20;
	s23 =	sadd.s32 s4, s10;
	s20 =	sshrl.u32 s9, $0x3  }
0xe: {  	s0 =	sadd.s32 s5, s0;
	s6 =	sshrl.u32 s6, $0x3;
	s5 =	ssub.s32 s16, s17  }
0xf: {  	[dreg:$0x6] =	wrdreg s1;
	s25 =	sadd.s32 $0x4E680, s23;
	s26 =	sadd.s32 $0x4E600, s23  }
0x10: {  	s4 =	sadd.s32 $0x4E580, s23;
	s1 =	sadd.s32 $0x4E500, s23;
	s23 =	simm.s32 $0x280  }
0x11: {  	s6 =	sadd.s32 s8, s6;
	s0 =	sadd.s32 $0x15C00, s0;
	s24 =	smax.u32 s5, $0x1  }
0x12: {  	s4 =	sshrl.u32 s4, $0x3;
	s1 =	sshrl.u32 s1, $0x3;
	s5 =	simm.s32 $0x6  }
0x13: {  	s18 =	sadd.s32 $0x9C40, s6;
	s19 =	sadd.s32 $0x9C50, s6;
	[dreg:$0x8] =	wrdreg s0  }
0x14: {  	s22 =	sadd.s32 $0xA120, s6;
	[dreg:$0x9] =	wrdreg s24;
	s11 =	sadd.s32 $0x9C60, s6  }
0x15: {  	s12 =	sadd.s32 $0x9C70, s6;
	s0 =	sshrl.u32 s25, $0x3;
	s13 =	sadd.s32 $0x9C80, s6  }
0x16: {  	s14 =	sadd.s32 $0x9C90, s6;
	s17 =	sadd.s32 s4, s8;
	[dreg:$0x4] =	wrdreg s18  }
0x17: {  	s24 =	simm.s32 $0x100;
	s25 =	simm.s32 $0x2;
	[dreg:$0x5] =	wrdreg s19  }
0x18: {  	s4 =	simm.s32 $0x10;
	s6 =	simm.s32 $0x0;
	[dreg:$0x7] =	wrdreg s22  }
0x19: {  	s15 =	sadd.s32 s0, s8;
	s0 =	sshrl.u32 s26, $0x3;
	s18 =	sadd.s32 s1, s8  }
0x1a: {  	s19 =	simm.s32 $0x80;
	s22 =	simm.s32 $0x1;
	s26 =	simm.s32 $0x180  }
0x1b: {  	v0 =	vimm.f32 $1.000000000e+00;
	s1 =	simm.s32 $0x5;
	s16 =	sadd.s32 s0, s8;
	s0 =	simm.s32 $0x200  }
.LBB2_1:
0x1c: {  	[tilespmem:$0x280] =	vst v0  }
0x1d: {  	[tilespmem:$0x290] =	vst v0  }
0x1e: {  	[tilespmem:$0x2A0] =	vst v0  }
0x1f: {  	[tilespmem:$0x2B0] =	vst v0  }
0x20: {  	[tilespmem:$0x2C0] =	vst v0  }
0x21: {  	[tilespmem:$0x2D0] =	vst v0  }
0x22: {  	[tilespmem:$0x2E0] =	vst v0;
	s8 =	rddreg [dreg:$0x4]  }
0x23: {  	[tilespmem:$0x2F0] =	vst v0;
	s10 =	rddreg [dreg:$0x5]  }
0x24: {  	[tilespmem:s3], [sflag:$0x1] =	stream.linear.gather [hbm4b:s8+s3], $0x80, $0x38;
	[tilespmem:$0x580] =	vst v63  }
0x25: {  	s9 =	rddreg [dreg:$0x6]  }
0x26: {  	[tilespmem:s19], [sflag:$0x2] =	stream.linear.gather [hbm4b:s10+s3], $0x80, $0x38;
	[tilespmem:$0x580] =	vst v63  }
0x27: {  	[spmem:s20], [sflag:s7] =	dma.local [hbm:s9], $0x50  }
0x28: {  	_ =	swait.ge [sflag:s21], $0x50  }
0x29: {  	[sflag:s21] =	ssyncset.done $0x0  }
0x2a: {  	[sflag:s21] =	ssyncadd.s32 $0xFFFFFFB0  }
0x2b: {  	[bflag:$0x0] =	sbarrier.arrive $0xFFFF  }
0x2c: {  	_ =	swait.ge [sflag:s22], $0x80  }
0x2d: {  	[sflag:s22] =	ssyncset.done $0x0  }
0x2e: {  	[sflag:s22] =	ssyncadd.s32 $0xFFFFFF80  }
0x2f: {  	[spmem:s2] =	stream.indirect.scatter.add.f32 [tilespmem:s23], [sflag:$0x7], $0x1, s3, s19, $0xb8;
	[tilespmem:$0x580] =	vst v63  }
0x30: {  	_ = 	snop  }
0x31: {  	[tilespmem:s24], [sflag:$0x3] =	stream.linear.gather [hbm4b:s11+s3], $0x80, $0x38;
	[tilespmem:$0x580] =	vst v63  }
0x32: {  	_ =	swait.ge [sflag:s25], $0x80  }
0x33: {  	[sflag:s25] =	ssyncset.done $0x0  }
0x34: {  	[sflag:s25] =	ssyncadd.s32 $0xFFFFFF80  }
0x35: {  	[spmem:s2] =	stream.indirect.scatter.add.f32 [tilespmem:s23], [sflag:$0x8], $0x1, s19, s19, $0xb8;
	[tilespmem:$0x580] =	vst v63  }
0x36: {  	_ = 	snop  }
0x37: {  	[tilespmem:s26], [sflag:$0x4] =	stream.linear.gather [hbm4b:s12+s3], $0x80, $0x38;
	[tilespmem:$0x580] =	vst v63  }
0x38: {  	_ =	swait.ge [sflag:s28], $0x80  }
0x39: {  	[sflag:s28] =	ssyncset.done $0x0  }
0x3a: {  	[sflag:s28] =	ssyncadd.s32 $0xFFFFFF80  }
0x3b: {  	_ =	swait.ge [sflag:s29], $0x80  }
0x3c: {  	[sflag:s29] =	ssyncset.done $0x0  }
0x3d: {  	[sflag:s29] =	ssyncadd.s32 $0xFFFFFF80  }
0x3e: {  	[spmem:s2] =	stream.indirect.scatter.add.f32 [tilespmem:s23], [sflag:$0x7], $0x1, s24, s19, $0xb8;
	[tilespmem:$0x580] =	vst v63  }
0x3f: {  	_ = 	snop  }
0x40: {  	[tilespmem:s3], [sflag:$0x1] =	stream.linear.gather [hbm4b:s13+s3], $0x80, $0x38;
	[tilespmem:$0x580] =	vst v63  }
0x41: {  	_ =	swait.ge [sflag:s30], $0x80  }
0x42: {  	[sflag:s30] =	ssyncset.done $0x0  }
0x43: {  	[sflag:s30] =	ssyncadd.s32 $0xFFFFFF80  }
0x44: {  	_ =	swait.ge [sflag:s31], $0x80  }
0x45: {  	[sflag:s31] =	ssyncset.done $0x0  }
0x46: {  	[sflag:s31] =	ssyncadd.s32 $0xFFFFFF80  }
0x47: {  	[spmem:s2] =	stream.indirect.scatter.add.f32 [tilespmem:s23], [sflag:$0x8], $0x1, s26, s19, $0xb8;
	[tilespmem:$0x580] =	vst v63  }
0x48: {  	_ = 	snop  }
0x49: {  	[tilespmem:s19], [sflag:$0x2] =	stream.linear.gather [hbm4b:s14+s3], $0x80, $0x38;
	[tilespmem:$0x580] =	vst v63  }
0x4a: {  	_ =	swait.ge [sflag:s22], $0x80  }
0x4b: {  	[sflag:s22] =	ssyncset.done $0x0  }
0x4c: {  	[sflag:s22] =	ssyncadd.s32 $0xFFFFFF80  }
0x4d: {  	_ =	swait.ge [sflag:s29], $0x80  }
0x4e: {  	[sflag:s29] =	ssyncset.done $0x0  }
0x4f: {  	[sflag:s29] =	ssyncadd.s32 $0xFFFFFF80  }
0x50: {  	[spmem:s2] =	stream.indirect.scatter.add.f32 [tilespmem:s23], [sflag:$0x7], $0x1, s3, s19, $0xb8;
	[tilespmem:$0x580] =	vst v63  }
0x51: {  	s10 =	sadd.s32 $0x0, s18  }
0x52: {  	[tilespmem:s24], [sflag:$0x3] =	stream.linear.gather [hbm4b:s10+s3], $0x80, $0x38;
	[tilespmem:$0x580] =	vst v63  }
0x53: {  	_ =	swait.ge [sflag:s25], $0x80  }
0x54: {  	[sflag:s25] =	ssyncset.done $0x0  }
0x55: {  	[sflag:s25] =	ssyncadd.s32 $0xFFFFFF80  }
0x56: {  	_ =	swait.ge [sflag:s31], $0x80  }
0x57: {  	[sflag:s31] =	ssyncset.done $0x0  }
0x58: {  	[sflag:s31] =	ssyncadd.s32 $0xFFFFFF80  }
0x59: {  	[spmem:s2] =	stream.indirect.scatter.add.f32 [tilespmem:s23], [sflag:$0x8], $0x1, s19, s19, $0xb8;
	[tilespmem:$0x580] =	vst v63  }
0x5a: {  	s9 =	sadd.s32 $0x0, s17  }
0x5b: {  	[tilespmem:s26], [sflag:$0x4] =	stream.linear.gather [hbm4b:s9+s3], $0x80, $0x38;
	[tilespmem:$0x580] =	vst v63  }
0x5c: {  	_ =	swait.ge [sflag:s28], $0x80  }
0x5d: {  	[sflag:s28] =	ssyncset.done $0x0  }
0x5e: {  	[sflag:s28] =	ssyncadd.s32 $0xFFFFFF80  }
0x5f: {  	_ =	swait.ge [sflag:s29], $0x80  }
0x60: {  	[sflag:s29] =	ssyncset.done $0x0  }
0x61: {  	[sflag:s29] =	ssyncadd.s32 $0xFFFFFF80  }
0x62: {  	[spmem:s2] =	stream.indirect.scatter.add.f32 [tilespmem:s23], [sflag:$0x7], $0x1, s24, s19, $0xb8;
	[tilespmem:$0x580] =	vst v63  }
0x63: {  	s10 =	sadd.s32 $0x0, s16  }
0x64: {  	[tilespmem:s3], [sflag:$0x1] =	stream.linear.gather [hbm4b:s10+s3], $0x80, $0x38;
	[tilespmem:$0x580] =	vst v63  }
0x65: {  	_ =	swait.ge [sflag:s30], $0x80  }
0x66: {  	[sflag:s30] =	ssyncset.done $0x0  }
0x67: {  	[sflag:s30] =	ssyncadd.s32 $0xFFFFFF80  }
0x68: {  	_ =	swait.ge [sflag:s31], $0x80  }
0x69: {  	[sflag:s31] =	ssyncset.done $0x0  }
0x6a: {  	s8 =	simm.s32 $0x40;
	s9 =	sadd.s32 $0x0, s15;
	[sflag:s31] =	ssyncadd.s32 $0xFFFFFF80  }
0x6b: {  	[spmem:s2] =	stream.indirect.scatter.add.f32 [tilespmem:s23], [sflag:$0x8], $0x1, s26, s19, $0xb8;
	[tilespmem:$0x580] =	vst v63  }
.LBB2_2:
0x6c: {  	[tilespmem:s19], [sflag:$0x2] =	stream.linear.gather [hbm4b:s9+s3], $0x80, $0x38;
	[tilespmem:$0x580] =	vst v63  }
0x6d: {  	s9 =	smov.u32 s8  }
0x6e: {  	p0 =	sne.s32 s8, $0x440;
	s8 =	sadd.s32 $0x40, s8;
	_ =	swait.ge [sflag:s22], $0x80  }
0x6f: {  	[sflag:s22] =	ssyncset.done $0x0  }
0x70: {  	[sflag:s22] =	ssyncadd.s32 $0xFFFFFF80  }
0x71: {  	_ =	swait.ge [sflag:s29], $0x80  }
0x72: {  	[sflag:s29] =	ssyncset.done $0x0  }
0x73: {  	[sflag:s29] =	ssyncadd.s32 $0xFFFFFF80  }
0x74: {  	[spmem:s2] =	stream.indirect.scatter.add.f32 [tilespmem:s23], [sflag:$0x7], $0x1, s3, s19, $0xb8;
	[tilespmem:$0x580] =	vst v63  }
0x75: {  	s10 =	sadd.s32 s9, s18  }
0x76: {  	[tilespmem:s24], [sflag:$0x3] =	stream.linear.gather [hbm4b:s10+s3], $0x80, $0x38;
	[tilespmem:$0x580] =	vst v63  }
0x77: {  	_ =	swait.ge [sflag:s25], $0x80  }
0x78: {  	[sflag:s25] =	ssyncset.done $0x0  }
0x79: {  	[sflag:s25] =	ssyncadd.s32 $0xFFFFFF80  }
0x7a: {  	_ =	swait.ge [sflag:s31], $0x80  }
0x7b: {  	[sflag:s31] =	ssyncset.done $0x0  }
0x7c: {  	[sflag:s31] =	ssyncadd.s32 $0xFFFFFF80  }
0x7d: {  	[spmem:s2] =	stream.indirect.scatter.add.f32 [tilespmem:s23], [sflag:$0x8], $0x1, s19, s19, $0xb8;
	[tilespmem:$0x580] =	vst v63  }
0x7e: {  	s10 =	sadd.s32 s9, s17  }
0x7f: {  	[tilespmem:s26], [sflag:$0x4] =	stream.linear.gather [hbm4b:s10+s3], $0x80, $0x38;
	[tilespmem:$0x580] =	vst v63  }
0x80: {  	_ =	swait.ge [sflag:s28], $0x80  }
0x81: {  	[sflag:s28] =	ssyncset.done $0x0  }
0x82: {  	[sflag:s28] =	ssyncadd.s32 $0xFFFFFF80  }
0x83: {  	_ =	swait.ge [sflag:s29], $0x80  }
0x84: {  	[sflag:s29] =	ssyncset.done $0x0  }
0x85: {  	[sflag:s29] =	ssyncadd.s32 $0xFFFFFF80  }
0x86: {  	[spmem:s2] =	stream.indirect.scatter.add.f32 [tilespmem:s23], [sflag:$0x7], $0x1, s24, s19, $0xb8;
	[tilespmem:$0x580] =	vst v63  }
0x87: {  	s10 =	sadd.s32 s9, s16  }
0x88: {  	[tilespmem:s3], [sflag:$0x1] =	stream.linear.gather [hbm4b:s10+s3], $0x80, $0x38;
	[tilespmem:$0x580] =	vst v63  }
0x89: {  	_ =	swait.ge [sflag:s30], $0x80  }
0x8a: {  	[sflag:s30] =	ssyncset.done $0x0  }
0x8b: {  	[sflag:s30] =	ssyncadd.s32 $0xFFFFFF80  }
.Ltmp0:
0x8c: {  	_ =	swait.ge [sflag:s31], $0x80;
	(pc) =	sbr.rel @p0 .LBB2_2-.Ltmp0, $4  }
0x8d: {  	[sflag:s31] =	ssyncset.done $0x0  }
0x8e: {  	[sflag:s31] =	ssyncadd.s32 $0xFFFFFF80  }
0x8f: {  	[spmem:s2] =	stream.indirect.scatter.add.f32 [tilespmem:s23], [sflag:$0x8], $0x1, s26, s19, $0xb8;
	[tilespmem:$0x580] =	vst v63  }
0x90: {  	s9 =	sadd.s32 s9, s15  }
0x91: {  	[tilespmem:s19], [sflag:$0x2] =	stream.linear.gather [hbm4b:s9+s3], $0x80, $0x38;
	[tilespmem:$0x580] =	vst v63  }
0x92: {  	_ =	swait.ge [sflag:s22], $0x80  }
0x93: {  	[sflag:s22] =	ssyncset.done $0x0  }
0x94: {  	[sflag:s22] =	ssyncadd.s32 $0xFFFFFF80  }
0x95: {  	_ =	swait.ge [sflag:s29], $0x80  }
0x96: {  	[sflag:s29] =	ssyncset.done $0x0  }
0x97: {  	[sflag:s29] =	ssyncadd.s32 $0xFFFFFF80  }
0x98: {  	[spmem:s2] =	stream.indirect.scatter.add.f32 [tilespmem:s23], [sflag:$0x7], $0x1, s3, s19, $0xb8;
	[tilespmem:$0x580] =	vst v63  }
0x99: {  	_ =	swait.ge [sflag:s25], $0x80  }
0x9a: {  	[sflag:s25] =	ssyncset.done $0x0  }
0x9b: {  	[sflag:s25] =	ssyncadd.s32 $0xFFFFFF80  }
0x9c: {  	_ =	swait.ge [sflag:s31], $0x80  }
0x9d: {  	[sflag:s31] =	ssyncset.done $0x0  }
0x9e: {  	[sflag:s31] =	ssyncadd.s32 $0xFFFFFF80  }
0x9f: {  	[spmem:s2] =	stream.indirect.scatter.add.f32 [tilespmem:s23], [sflag:$0x8], $0x1, s19, s19, $0xb8;
	[tilespmem:$0x580] =	vst v63  }
0xa0: {  	s8 =	rddreg [dreg:$0x7]  }
0xa1: {  	[tilespmem:s0], [sflag:$0x5] =	stream.linear.gather [hbm4b:s8+s3], $0x10, $0x38;
	[tilespmem:$0x580] =	vst v63  }
0xa2: {  	_ =	swait.ge [sflag:s1], $0x10  }
0xa3: {  	[sflag:s1] =	ssyncset.done $0x0  }
0xa4: {  	[sflag:s1] =	ssyncadd.s32 $0xFFFFFFF0  }
0xa5: {  	_ =	swait.ge [sflag:s29], $0x80  }
0xa6: {  	[sflag:s29] =	ssyncset.done $0x0  }
0xa7: {  	[sflag:s29] =	ssyncadd.s32 $0xFFFFFF80  }
0xa8: {  	[spmem:s2] =	stream.indirect.scatter.add.f32 [tilespmem:s23], [sflag:$0x6], $0x1, s0, s4, $0xb8;
	[tilespmem:$0x580] =	vst v63  }
0xa9: {  	_ =	swait.ge [sflag:s31], $0x80  }
0xaa: {  	[sflag:s31] =	ssyncset.done $0x0  }
0xab: {  	[sflag:s31] =	ssyncadd.s32 $0xFFFFFF80  }
0xac: {  	_ =	swait.ge [sflag:s5], $0x10  }
0xad: {  	[sflag:s5] =	ssyncset.done $0x0  }
0xae: {  	[sflag:s5] =	ssyncadd.s32 $0xFFFFFFF0  }
0xaf: {  	[bflag:$0x0] =	sbarrier.arrive $0xFFFF  }
0xb0: {  	s10 =	simm.s32 $0x20;
	s9 =	rddreg [dreg:$0x8]  }
0xb1: {  	[hbm:s9@s10], [sflag:s7] =	dma.strided [spmem:s20@s4], $0x50, s22, $0x10   }
0xb2: {  	_ =	swait.ge [sflag:s21], $0x50  }
0xb3: {  	s6 =	sadd.s32 $0x1, s6;
	s10 =	rddreg [dreg:$0x9]  }
0xb4: {  	p0 =	sne.s32 s6, s10  }
.Ltmp1:
0xb5: {  	_ = 	snop;
	(pc) =	sbr.rel @p0 .LBB2_1-.Ltmp1, $3  }
0xb6: {  	_ =	sdelay $0x1  }
0xb7: {  	[sflag:s21] =	ssyncset.done $0x0  }
0xb8: {  	[sflag:s21] =	ssyncadd.s32 $0xFFFFFFB0  }
0xb9: {  	_ =	sfence.sel $0x180000  }
0xba: {  	[bflag:$0x0] =	sbarrier.arrive $0xFFFF  }
0xbb: {  	_ =	strace $0x90000047  }
0xbc: {  	s0 =	stileid.u32;
	[bflag:$0x2] =	sbarrier.arrive $0xFFFF  }
0xbd: {  	p0 =	sne.s32 s0, $0x0;
	s0 =	rddreg [dreg:$0x3]  }
0xbe: {  	s0 =	sadd.s32 @!p0 $0x100000, s0  }
0xbf: {  	[sflag:s0] =	ssyncadd.tile.s32 @!p0 $0x1;
	_ =	shalt  }
.Lfunc_end2:
_tile_overlayer_lowered:
.L_overlay_start_2:
0xc0: {  	(tag) =	ssettag $0x2  }
0xc1: {  	s0 =	rddreg [dreg:$0x0];
	s2 =	stileid.u32  }
0xc2: {  	s1 =	rddreg [dreg:$0x1];
	p0 =	sne.s32 s2, $0x0  }
0xc3: {  	s3 =	rddreg [dreg:$0x2];
	[bflag:$0x3] =	sbarrier.arrive $0xFFFF;
	s2 =	simm.s32 @!p0 $0x1C09  }
0xc4: {  	[timem:s3], [sflag:s2] =	dma.local @!p0 [hbm:s0], s1  }
0xc5: {  	s0 =	simm.s32 @!p0 $0x9  }
0xc6: {  	_ =	swait.ge @!p0 [sflag:s0], s1  }
0xc7: {  	s1 =	ssub.s32 @!p0 $0x0, s1;
	[sflag:s0] =	ssyncset.done @!p0 $0x0  }
0xc8: {  	[sflag:s0] =	ssyncadd.s32 @!p0 s1  }
0xc9: {  	[bflag:$0x3] =	sbarrier.arrive $0xFFFF  }
0xca: {  	_ =	shalt  }

</sc_bundles>
